<compile_context>
chip_gen: v7x
topology: tpu7x:2x2x1
jax: 0.10.2.dev20260603
libtpu: 0.0.44.dev20260713+nightly
codegen_flags: <defaults>
</compile_context>

<pallas_src>
import functools

import jax
import jax.numpy as jnp
from jax import lax
from jax.experimental import pallas as pl
from jax.experimental.pallas import tpu as pltpu
from jax.experimental.pallas import tpu_sc as plsc

N = 50000
E = 800000
H = 128
N_RESERVE = int(0.8 * E)

_NWORK = 32
_GB = 128
_PER_W = E // _NWORK
_NFULL = _PER_W // _GB
_TAIL = _PER_W - _NFULL * _GB

_sc_mesh = plsc.VectorSubcoreMesh(core_axis_name="c", subcore_axis_name="s")


@functools.partial(
    pl.kernel,
    mesh=_sc_mesh,
    out_type=[jax.ShapeDtypeStruct((E, H), jnp.float32),
              jax.ShapeDtypeStruct((E, H), jnp.float32)],
    scratch_types=[
        pltpu.VMEM((_GB,), jnp.int32),
        pltpu.VMEM((_GB,), jnp.int32),
        pltpu.VMEM((_GB, H), jnp.float32),
        pltpu.VMEM((_GB, H), jnp.float32),
        pltpu.SemaphoreType.DMA,
        pltpu.SemaphoreType.DMA,
    ],
)
def _sc_gather2(ta_hbm, tb_hbm, ia_hbm, ib_hbm, oa_hbm, ob_hbm,
                ia_v, ib_v, ra_v, rb_v, sem_a, sem_b):
    wid = lax.axis_index("s") * 2 + lax.axis_index("c")
    base = wid * _PER_W

    def batch(off, nrows):
        pltpu.sync_copy(ia_hbm.at[pl.ds(off, _GB)], ia_v)
        pltpu.sync_copy(ib_hbm.at[pl.ds(off, _GB)], ib_v)
        cpa = pltpu.async_copy(ta_hbm.at[ia_v], ra_v, sem_a)
        cpb = pltpu.async_copy(tb_hbm.at[ib_v], rb_v, sem_b)
        cpa.wait()
        cpb.wait()
        if nrows == _GB:
            pltpu.sync_copy(ra_v, oa_hbm.at[pl.ds(off, _GB)])
            pltpu.sync_copy(rb_v, ob_hbm.at[pl.ds(off, _GB)])
        else:
            pltpu.sync_copy(ra_v.at[pl.ds(0, nrows)], oa_hbm.at[pl.ds(off, nrows)])
            pltpu.sync_copy(rb_v.at[pl.ds(0, nrows)], ob_hbm.at[pl.ds(off, nrows)])

    def body(i, carry):
        batch(base + i * _GB, _GB)
        return carry

    lax.fori_loop(0, _NFULL, body, 0)
    if _TAIL:
        batch(base + _NFULL * _GB, _TAIL)


def _gather_rows2(table_a, table_b, idx_a, idx_b):
    zpad = jnp.zeros((_GB,), jnp.int32)
    idx_a = jnp.concatenate([idx_a, zpad])
    idx_b = jnp.concatenate([idx_b, zpad])
    oa, ob = _sc_gather2(table_a, table_b, idx_a, idx_b)
    return oa, ob

BM = 1000
BE = 2000


def _l1_kernel(x_ref, w1_ref, w2_ref, w3_ref, b3_ref, a_ref, b_ref, c_ref):
    x = x_ref[...]
    a_ref[...] = jnp.dot(x, w1_ref[...], preferred_element_type=jnp.float32)
    b_ref[...] = jnp.dot(x, w2_ref[...], preferred_element_type=jnp.float32)
    c_ref[...] = jnp.dot(x, w3_ref[...], preferred_element_type=jnp.float32) + b3_ref[...]


def _layer_mm(x, w1, w2, w3, b3):
    return pl.pallas_call(
        _l1_kernel,
        grid=(N // BM,),
        in_specs=[
            pl.BlockSpec((BM, H), lambda i: (i, 0)),
            pl.BlockSpec((H, H), lambda i: (0, 0)),
            pl.BlockSpec((H, H), lambda i: (0, 0)),
            pl.BlockSpec((H, H), lambda i: (0, 0)),
            pl.BlockSpec((H,), lambda i: (0,)),
        ],
        out_specs=[
            pl.BlockSpec((BM, H), lambda i: (i, 0)),
            pl.BlockSpec((BM, H), lambda i: (i, 0)),
            pl.BlockSpec((BM, H), lambda i: (i, 0)),
        ],
        out_shape=[jax.ShapeDtypeStruct((N, H), jnp.float32)] * 3,
    )(x, w1, w2, w3, b3)


def _l2_kernel(c_ref, g_ref, w1_ref, w2_ref, w3_ref, b3_ref, a_ref, b_ref, cc_ref):
    h1 = jax.nn.relu(c_ref[...] + g_ref[...])
    a_ref[...] = jnp.dot(h1, w1_ref[...], preferred_element_type=jnp.float32)
    b_ref[...] = jnp.dot(h1, w2_ref[...], preferred_element_type=jnp.float32)
    cc_ref[...] = jnp.dot(h1, w3_ref[...], preferred_element_type=jnp.float32) + b3_ref[...]


def _layer2_mm(c1, agg1, w1, w2, w3, b3):
    return pl.pallas_call(
        _l2_kernel,
        grid=(N // BM,),
        in_specs=[
            pl.BlockSpec((BM, H), lambda i: (i, 0)),
            pl.BlockSpec((BM, H), lambda i: (i, 0)),
            pl.BlockSpec((H, H), lambda i: (0, 0)),
            pl.BlockSpec((H, H), lambda i: (0, 0)),
            pl.BlockSpec((H, H), lambda i: (0, 0)),
            pl.BlockSpec((H,), lambda i: (0,)),
        ],
        out_specs=[
            pl.BlockSpec((BM, H), lambda i: (i, 0)),
            pl.BlockSpec((BM, H), lambda i: (i, 0)),
            pl.BlockSpec((BM, H), lambda i: (i, 0)),
        ],
        out_shape=[jax.ShapeDtypeStruct((N, H), jnp.float32)] * 3,
    )(c1, agg1, w1, w2, w3, b3)


def _mlp_kernel(hr_ref, hc_ref, W1_ref, b1_ref, w2_ref, o_ref):
    er = jnp.concatenate([hr_ref[...], hc_ref[...]], axis=1)
    hid = jax.nn.relu(jnp.dot(er, W1_ref[...], preferred_element_type=jnp.float32)
                      + b1_ref[...])
    o_ref[...] = jnp.dot(hid, w2_ref[...], preferred_element_type=jnp.float32)


def _mlp_score(hr, hc, W1, b1, w2):
    return pl.pallas_call(
        _mlp_kernel,
        grid=(E // BE,),
        in_specs=[
            pl.BlockSpec((BE, H), lambda i: (i, 0)),
            pl.BlockSpec((BE, H), lambda i: (i, 0)),
            pl.BlockSpec((2 * H, 4 * H), lambda i: (0, 0)),
            pl.BlockSpec((4 * H,), lambda i: (0,)),
            pl.BlockSpec((4 * H, 1), lambda i: (0, 0)),
        ],
        out_specs=pl.BlockSpec((BE, 1), lambda i: (i, 0)),
        out_shape=jax.ShapeDtypeStruct((E, 1), jnp.float32),
    )(hr, hc, W1, b1, w2)


def kernel(x, edge_index, edge_attr, batch_idx,
           c1_w1, c1_w2, c1_w3, c1_b3,
           c2_w1, c2_w2, c2_w3, c2_b3,
           mlp_w1, mlp_b1, mlp_w2, mlp_b2):
    ew = edge_attr.reshape(-1)
    row, col = edge_index[0], edge_index[1]

    a1, b1, c1 = _layer_mm(x, c1_w1, c1_w2, c1_w3, c1_b3)
    msg1 = ew[:, None] * (a1[row] - b1[col])
    agg1 = jnp.zeros_like(a1).at[col].add(msg1)

    a2, b2, c2 = _layer2_mm(c1, agg1, c2_w1, c2_w2, c2_w3, c2_b3)
    msg2 = ew[:, None] * (a2[row] - b2[col])
    agg2 = jnp.zeros_like(a2).at[col].add(msg2)
    h = c2 + agg2

    hr, hc = _gather_rows2(h, h, row, col)
    edge_score = (_mlp_score(hr, hc, mlp_w1, mlp_b1, mlp_w2) + mlp_b2).reshape(-1)

    order = jnp.argsort(-edge_score)
    idx_reserve = order[:N_RESERVE]
    idx_drop = order[N_RESERVE:]
    causal_edge_index = edge_index[:, idx_reserve]
    conf_edge_index = edge_index[:, idx_drop]
    causal_edge_weight = edge_score[idx_reserve]
    conf_edge_weight = -1.0 * edge_score[idx_drop]
    causal_edge_attr = edge_attr[idx_reserve]
    conf_edge_attr = edge_attr[idx_drop]

    def relabel(xx, ei, batch):
        used = jnp.zeros((N,), dtype=jnp.int32).at[ei.reshape(-1)].set(1)
        cum = jnp.cumsum(used) - 1
        new_idx = jnp.where(used == 1, cum, -1)
        ei_new = new_idx[ei]
        pos = jnp.where(used == 1, cum,
                        cum[-1] + (jnp.arange(N, dtype=jnp.int32) - cum))
        perm = jnp.zeros((N,), dtype=jnp.int32).at[pos].set(jnp.arange(N, dtype=jnp.int32))
        x_sub = xx[perm]
        batch_sub = batch[perm]
        return x_sub, ei_new, batch_sub

    causal_x, causal_ei, causal_batch = relabel(h, causal_edge_index, batch_idx)
    conf_x, conf_ei, conf_batch = relabel(h, conf_edge_index, batch_idx)
    return (causal_x, causal_ei, causal_edge_attr, causal_edge_weight, causal_batch,
            conf_x, conf_ei, conf_edge_attr, conf_edge_weight, conf_batch,
            edge_score)

# --- scband reference (transcript-rebuilt; emitter-appended) ---
"""Pipeline reference for scband-dir-56908316672265 (READ-ONLY COPY).

The authoritative reference and input builder live on the scoring server;
editing this copy changes nothing except your own understanding.
"""

import jax, jax.numpy as jnp
import numpy as np

N = 50000
E = 800000
IN_DIM = 128
HID = 128
RATIO = 0.8


def setup_inputs(seed: int = 0) -> dict:
    key = jax.random.key(seed)
    ks = jax.random.split(key, 12)
    x = jax.random.normal(ks[0], (N, IN_DIM), dtype=jnp.float32)
    edge_index = jax.random.randint(ks[1], (2, E), 0, N, dtype=jnp.int64 if jax.config.jax_enable_x64 else jnp.int32)
    edge_attr = jax.random.normal(ks[2], (E, 1), dtype=jnp.float32)
    batch_idx = jnp.zeros((N,), dtype=jnp.int32)
    # LEConv1 params: lin1 (in->out), lin2 (in->out), lin3 (in->out with bias)
    def lin(k, fin, fout):
        return jax.random.normal(k, (fin, fout), dtype=jnp.float32) / jnp.sqrt(fin)
    params = {
        'c1_w1': lin(ks[3], IN_DIM, HID), 'c1_w2': lin(ks[4], IN_DIM, HID),
        'c1_w3': lin(ks[5], IN_DIM, HID), 'c1_b3': jnp.zeros((HID,), jnp.float32),
        'c2_w1': lin(ks[6], HID, HID), 'c2_w2': lin(ks[7], HID, HID),
        'c2_w3': lin(ks[8], HID, HID), 'c2_b3': jnp.zeros((HID,), jnp.float32),
        'mlp_w1': lin(ks[9], HID * 2, HID * 4), 'mlp_b1': jnp.zeros((HID * 4,), jnp.float32),
        'mlp_w2': lin(ks[10], HID * 4, 1), 'mlp_b2': jnp.zeros((1,), jnp.float32),
    }
    out = {'x': x, 'edge_index': edge_index, 'edge_attr': edge_attr, 'batch_idx': batch_idx}
    out.update(params)
    return out


def le_conv(x, edge_index, edge_weight, w1, w2, w3, b3):
    # LEConv: out_i = x_i @ w3 + b3 + sum_j e_ji * (x_i @ w1 - x_j @ w2)
    row, col = edge_index[0], edge_index[1]
    a = x @ w1  # [N, H]
    b = x @ w2  # [N, H]
    # messages aggregated at dst (col) following PyG LEConv (flow source_to_target,
    # aggregation at target = row? PyG LEConv: propagate(edge_index, a=a, b=b);
    # message = a_j - b_i weighted; aggregated at i (dst). Use dst=col convention
    # of torch_geometric where edge_index = [src, dst] with aggregation at dst.
    msg = edge_weight[:, None] * (a[row] - b[col])
    agg = jnp.zeros_like(a).at[col].add(msg)
    return x @ w3 + b3 + agg


def reference(x, edge_index, edge_attr, batch_idx,
              c1_w1, c1_w2, c1_w3, c1_b3,
              c2_w1, c2_w2, c2_w3, c2_b3,
              mlp_w1, mlp_b1, mlp_w2, mlp_b2):
    ew = edge_attr.reshape(-1)
    h = jax.nn.relu(le_conv(x, edge_index, ew, c1_w1, c1_w2, c1_w3, c1_b3))
    h = le_conv(h, edge_index, ew, c2_w1, c2_w2, c2_w3, c2_b3)
    row, col = edge_index[0], edge_index[1]
    edge_rep = jnp.concatenate([h[row], h[col]], axis=-1)  # [E, 2H]
    hidden = jax.nn.relu(edge_rep @ mlp_w1 + mlp_b1)
    edge_score = (hidden @ mlp_w2 + mlp_b2).reshape(-1)  # [E]
    # split_graph with a single graph in the batch (batch_idx all zeros)
    n_reserve = int(RATIO * E)
    # argpartition equivalent via top_k on scores
    neg_scores = -edge_score
    order = jnp.argsort(neg_scores)  # descending by edge_score
    idx_reserve = order[:n_reserve]
    idx_drop = order[n_reserve:]
    causal_edge_index = edge_index[:, idx_reserve]
    conf_edge_index = edge_index[:, idx_drop]
    causal_edge_weight = edge_score[idx_reserve]
    conf_edge_weight = -1.0 * edge_score[idx_drop]
    causal_edge_attr = edge_attr[idx_reserve]
    conf_edge_attr = edge_attr[idx_drop]

    def relabel_jax(xx, ei, batch):
        # mark used nodes
        used = jnp.zeros((N,), dtype=jnp.int32).at[ei.reshape(-1)].set(1)
        # new index = cumsum - 1 for used nodes; keep dense arrays (fixed shape N)
        new_idx = jnp.cumsum(used) - 1
        new_idx = jnp.where(used == 1, new_idx, -1)
        ei_new = new_idx[ei]
        # gather sub-node features into a dense buffer of size N (padded),
        # positions = new_idx for used nodes
        perm = jnp.argsort(jnp.where(used == 1, new_idx, N))  # used nodes first in new order
        x_sub = xx[perm]
        batch_sub = batch[perm]
        return x_sub, ei_new, batch_sub

    causal_x, causal_ei, causal_batch = relabel_jax(h, causal_edge_index, batch_idx)
    conf_x, conf_ei, conf_batch = relabel_jax(h, conf_edge_index, batch_idx)
    return (causal_x, causal_ei, causal_edge_attr, causal_edge_weight, causal_batch,
            conf_x, conf_ei, conf_edge_attr, conf_edge_weight, conf_batch,
            edge_score)


if False:  # reference __main__ guard neutralized (emitter)
    inp = setup_inputs()
    out = reference(**inp)
    print([o.shape for o in out])

if __name__ == "__main__":
    import jax
    _d = setup_inputs()
    print(jax.jit(kernel)(*tuple(_d.values())))

</pallas_src>

<mosaic_0001>
#map = affine_map<(d0, d1) -> (0, 0)>
#map1 = affine_map<(d0, d1) -> (0)>
module attributes {stable_mosaic.version = 14 : i64} {
  func.func @_sc_gather2(%arg0: i32, %arg1: i32, %arg2: memref<50000x128xf32, #tpu.memory_space<hbm>>, %arg3: memref<50000x128xf32, #tpu.memory_space<hbm>>, %arg4: memref<800128xi32, #tpu.memory_space<hbm>>, %arg5: memref<800128xi32, #tpu.memory_space<hbm>>, %arg6: memref<800000x128xf32, #tpu.memory_space<hbm>>, %arg7: memref<800000x128xf32, #tpu.memory_space<hbm>>, %arg8: memref<128xi32, #tpu.memory_space<vmem>>, %arg9: memref<128xi32, #tpu.memory_space<vmem>>, %arg10: memref<128x128xf32, #tpu.memory_space<vmem>>, %arg11: memref<128x128xf32, #tpu.memory_space<vmem>>, %arg12: memref<!tpu.dma_semaphore, #tpu.memory_space<semaphore_mem>>, %arg13: memref<!tpu.dma_semaphore, #tpu.memory_space<semaphore_mem>>) attributes {dimension_semantics = [#tpu.dimension_semantics<core_parallel>, #tpu.dimension_semantics<subcore_parallel>], iteration_bounds = array<i64: 2, 16>, scalar_prefetch = 0 : i64, scratch_operands = 6 : i64, tpu.core_type = #tpu.core_type<sc_vector_subcore>, window_params = [{transform_indices = #map}, {transform_indices = #map}, {transform_indices = #map1}, {transform_indices = #map1}, {transform_indices = #map}, {transform_indices = #map}]} {
    %mul3A = arith.constant 2 : i32
    %mul3A_0 = arith.muli %arg1, %mul3A : i32
    %add3A = arith.addi %mul3A_0, %arg0 : i32
    %mul3A_1 = arith.constant 25000 : i32
    %mul3A_2 = arith.muli %add3A, %mul3A_1 : i32
    %scan3A = arith.constant 0 : i32
    %scan3A_3 = arith.constant 0 : i32
    %scan3A_4 = arith.constant 195 : i32
    %scan3A_5 = arith.addi %scan3A_3, %scan3A_4 : i32
    %scan3A_6 = arith.constant 1 : i32
    scf.for %scan3A_20 = %scan3A_3 to %scan3A_5 step %scan3A_6  : i32 {
      %mul3A_21 = arith.constant 128 : i32
      %mul3A_22 = arith.muli %scan3A_20, %mul3A_21 : i32
      %add3A_23 = arith.addi %mul3A_2, %mul3A_22 : i32
      "tpu.region"() ({
        %run_scoped3A = tpu.sem_alloc : memref<!tpu.dma_semaphore, #tpu.memory_space<semaphore_mem>>
        %dma_start3A_36 = tpu.memref_slice %arg4[%add3A_23] : memref<800128xi32, #tpu.memory_space<hbm>> -> memref<128xi32, #tpu.memory_space<hbm>>
        %dma_start3A_37 = tpu.memref_slice %arg4[%add3A_23] : memref<800128xi32, #tpu.memory_space<hbm>> -> memref<128xi32, #tpu.memory_space<hbm>>
        tpu.enqueue_dma source(%dma_start3A_37 : memref<128xi32, #tpu.memory_space<hbm>>) target(%arg8 : memref<128xi32, #tpu.memory_space<vmem>>) target_semaphore(%run_scoped3A : memref<!tpu.dma_semaphore, #tpu.memory_space<semaphore_mem>>)
        %dma_wait3A_38 = tpu.memref_slice %arg4[%add3A_23] : memref<800128xi32, #tpu.memory_space<hbm>> -> memref<128xi32, #tpu.memory_space<hbm>>
        %dma_wait3A_39 = tpu.memref_slice %arg4[%add3A_23] : memref<800128xi32, #tpu.memory_space<hbm>> -> memref<128xi32, #tpu.memory_space<hbm>>
        tpu.wait_dma2 semaphore(%run_scoped3A : memref<!tpu.dma_semaphore, #tpu.memory_space<semaphore_mem>>) src(%dma_wait3A_39 : memref<128xi32, #tpu.memory_space<hbm>>) dst(%arg8 : memref<128xi32, #tpu.memory_space<vmem>>)
        tpu.yield
      }) : () -> ()
      "tpu.region"() ({
        %run_scoped3A = tpu.sem_alloc : memref<!tpu.dma_semaphore, #tpu.memory_space<semaphore_mem>>
        %dma_start3A_36 = tpu.memref_slice %arg5[%add3A_23] : memref<800128xi32, #tpu.memory_space<hbm>> -> memref<128xi32, #tpu.memory_space<hbm>>
        %dma_start3A_37 = tpu.memref_slice %arg5[%add3A_23] : memref<800128xi32, #tpu.memory_space<hbm>> -> memref<128xi32, #tpu.memory_space<hbm>>
        tpu.enqueue_dma source(%dma_start3A_37 : memref<128xi32, #tpu.memory_space<hbm>>) target(%arg9 : memref<128xi32, #tpu.memory_space<vmem>>) target_semaphore(%run_scoped3A : memref<!tpu.dma_semaphore, #tpu.memory_space<semaphore_mem>>)
        %dma_wait3A_38 = tpu.memref_slice %arg5[%add3A_23] : memref<800128xi32, #tpu.memory_space<hbm>> -> memref<128xi32, #tpu.memory_space<hbm>>
        %dma_wait3A_39 = tpu.memref_slice %arg5[%add3A_23] : memref<800128xi32, #tpu.memory_space<hbm>> -> memref<128xi32, #tpu.memory_space<hbm>>
        tpu.wait_dma2 semaphore(%run_scoped3A : memref<!tpu.dma_semaphore, #tpu.memory_space<semaphore_mem>>) src(%dma_wait3A_39 : memref<128xi32, #tpu.memory_space<hbm>>) dst(%arg9 : memref<128xi32, #tpu.memory_space<vmem>>)
        tpu.yield
      }) : () -> ()
      %dma_start3A_24 = arith.constant 0 : i32
      %dma_start3A_25 = arith.constant 0 : i32
      %dma_start3A_26 = tpu.memref_slice %arg2[%dma_start3A_24, %dma_start3A_25] : memref<50000x128xf32, #tpu.memory_space<hbm>> -> memref<50000x128xf32, #tpu.memory_space<hbm>>
      tpu.enqueue_indirect_dma source(%dma_start3A_26 : memref<50000x128xf32, #tpu.memory_space<hbm>>) target(%arg10 : memref<128x128xf32, #tpu.memory_space<vmem>>) offsets(%arg8 : memref<128xi32, #tpu.memory_space<vmem>>) semaphore(%arg12 : memref<!tpu.dma_semaphore, #tpu.memory_space<semaphore_mem>>)
      %dma_start3A_27 = arith.constant 0 : i32
      %dma_start3A_28 = arith.constant 0 : i32
      %dma_start3A_29 = tpu.memref_slice %arg3[%dma_start3A_27, %dma_start3A_28] : memref<50000x128xf32, #tpu.memory_space<hbm>> -> memref<50000x128xf32, #tpu.memory_space<hbm>>
      tpu.enqueue_indirect_dma source(%dma_start3A_29 : memref<50000x128xf32, #tpu.memory_space<hbm>>) target(%arg11 : memref<128x128xf32, #tpu.memory_space<vmem>>) offsets(%arg9 : memref<128xi32, #tpu.memory_space<vmem>>) semaphore(%arg13 : memref<!tpu.dma_semaphore, #tpu.memory_space<semaphore_mem>>)
      %dma_wait3A_30 = arith.constant 0 : i32
      %dma_wait3A_31 = arith.constant 0 : i32
      %dma_wait3A_32 = tpu.memref_slice %arg2[%dma_wait3A_30, %dma_wait3A_31] : memref<50000x128xf32, #tpu.memory_space<hbm>> -> memref<50000x128xf32, #tpu.memory_space<hbm>>
      tpu.wait_indirect_dma semaphore(%arg12 : memref<!tpu.dma_semaphore, #tpu.memory_space<semaphore_mem>>) src(%dma_wait3A_32 : memref<50000x128xf32, #tpu.memory_space<hbm>>) dst(%arg10 : memref<128x128xf32, #tpu.memory_space<vmem>>)
      %dma_wait3A_33 = arith.constant 0 : i32
      %dma_wait3A_34 = arith.constant 0 : i32
      %dma_wait3A_35 = tpu.memref_slice %arg3[%dma_wait3A_33, %dma_wait3A_34] : memref<50000x128xf32, #tpu.memory_space<hbm>> -> memref<50000x128xf32, #tpu.memory_space<hbm>>
      tpu.wait_indirect_dma semaphore(%arg13 : memref<!tpu.dma_semaphore, #tpu.memory_space<semaphore_mem>>) src(%dma_wait3A_35 : memref<50000x128xf32, #tpu.memory_space<hbm>>) dst(%arg11 : memref<128x128xf32, #tpu.memory_space<vmem>>)
      "tpu.region"() ({
        %run_scoped3A = tpu.sem_alloc : memref<!tpu.dma_semaphore, #tpu.memory_space<semaphore_mem>>
        %dma_start3A_36 = arith.constant 0 : i32
        %dma_start3A_37 = tpu.memref_slice %arg6[%add3A_23, %dma_start3A_36] : memref<800000x128xf32, #tpu.memory_space<hbm>> -> memref<128x128xf32, #tpu.memory_space<hbm>>
        %dma_start3A_38 = arith.constant 0 : i32
        %dma_start3A_39 = tpu.memref_slice %arg6[%add3A_23, %dma_start3A_38] : memref<800000x128xf32, #tpu.memory_space<hbm>> -> memref<128x128xf32, #tpu.memory_space<hbm>>
        tpu.enqueue_dma source(%arg10 : memref<128x128xf32, #tpu.memory_space<vmem>>) target(%dma_start3A_39 : memref<128x128xf32, #tpu.memory_space<hbm>>) target_semaphore(%run_scoped3A : memref<!tpu.dma_semaphore, #tpu.memory_space<semaphore_mem>>)
        %dma_wait3A_40 = arith.constant 0 : i32
        %dma_wait3A_41 = tpu.memref_slice %arg6[%add3A_23, %dma_wait3A_40] : memref<800000x128xf32, #tpu.memory_space<hbm>> -> memref<128x128xf32, #tpu.memory_space<hbm>>
        %dma_wait3A_42 = arith.constant 0 : i32
        %dma_wait3A_43 = tpu.memref_slice %arg6[%add3A_23, %dma_wait3A_42] : memref<800000x128xf32, #tpu.memory_space<hbm>> -> memref<128x128xf32, #tpu.memory_space<hbm>>
        tpu.wait_dma2 semaphore(%run_scoped3A : memref<!tpu.dma_semaphore, #tpu.memory_space<semaphore_mem>>) src(%arg10 : memref<128x128xf32, #tpu.memory_space<vmem>>) dst(%dma_wait3A_43 : memref<128x128xf32, #tpu.memory_space<hbm>>)
        tpu.yield
      }) : () -> ()
      "tpu.region"() ({
        %run_scoped3A = tpu.sem_alloc : memref<!tpu.dma_semaphore, #tpu.memory_space<semaphore_mem>>
        %dma_start3A_36 = arith.constant 0 : i32
        %dma_start3A_37 = tpu.memref_slice %arg7[%add3A_23, %dma_start3A_36] : memref<800000x128xf32, #tpu.memory_space<hbm>> -> memref<128x128xf32, #tpu.memory_space<hbm>>
        %dma_start3A_38 = arith.constant 0 : i32
        %dma_start3A_39 = tpu.memref_slice %arg7[%add3A_23, %dma_start3A_38] : memref<800000x128xf32, #tpu.memory_space<hbm>> -> memref<128x128xf32, #tpu.memory_space<hbm>>
        tpu.enqueue_dma source(%arg11 : memref<128x128xf32, #tpu.memory_space<vmem>>) target(%dma_start3A_39 : memref<128x128xf32, #tpu.memory_space<hbm>>) target_semaphore(%run_scoped3A : memref<!tpu.dma_semaphore, #tpu.memory_space<semaphore_mem>>)
        %dma_wait3A_40 = arith.constant 0 : i32
        %dma_wait3A_41 = tpu.memref_slice %arg7[%add3A_23, %dma_wait3A_40] : memref<800000x128xf32, #tpu.memory_space<hbm>> -> memref<128x128xf32, #tpu.memory_space<hbm>>
        %dma_wait3A_42 = arith.constant 0 : i32
        %dma_wait3A_43 = tpu.memref_slice %arg7[%add3A_23, %dma_wait3A_42] : memref<800000x128xf32, #tpu.memory_space<hbm>> -> memref<128x128xf32, #tpu.memory_space<hbm>>
        tpu.wait_dma2 semaphore(%run_scoped3A : memref<!tpu.dma_semaphore, #tpu.memory_space<semaphore_mem>>) src(%arg11 : memref<128x128xf32, #tpu.memory_space<vmem>>) dst(%dma_wait3A_43 : memref<128x128xf32, #tpu.memory_space<hbm>>)
        tpu.yield
      }) : () -> ()
    }
    %scan3A_7 = arith.constant 195 : i32
    %add3A_8 = arith.constant 24960 : i32
    %add3A_9 = arith.addi %mul3A_2, %add3A_8 : i32
    "tpu.region"() ({
      %run_scoped3A = tpu.sem_alloc : memref<!tpu.dma_semaphore, #tpu.memory_space<semaphore_mem>>
      %dma_start3A_20 = tpu.memref_slice %arg4[%add3A_9] : memref<800128xi32, #tpu.memory_space<hbm>> -> memref<128xi32, #tpu.memory_space<hbm>>
      %dma_start3A_21 = tpu.memref_slice %arg4[%add3A_9] : memref<800128xi32, #tpu.memory_space<hbm>> -> memref<128xi32, #tpu.memory_space<hbm>>
      tpu.enqueue_dma source(%dma_start3A_21 : memref<128xi32, #tpu.memory_space<hbm>>) target(%arg8 : memref<128xi32, #tpu.memory_space<vmem>>) target_semaphore(%run_scoped3A : memref<!tpu.dma_semaphore, #tpu.memory_space<semaphore_mem>>)
      %dma_wait3A_22 = tpu.memref_slice %arg4[%add3A_9] : memref<800128xi32, #tpu.memory_space<hbm>> -> memref<128xi32, #tpu.memory_space<hbm>>
      %dma_wait3A_23 = tpu.memref_slice %arg4[%add3A_9] : memref<800128xi32, #tpu.memory_space<hbm>> -> memref<128xi32, #tpu.memory_space<hbm>>
      tpu.wait_dma2 semaphore(%run_scoped3A : memref<!tpu.dma_semaphore, #tpu.memory_space<semaphore_mem>>) src(%dma_wait3A_23 : memref<128xi32, #tpu.memory_space<hbm>>) dst(%arg8 : memref<128xi32, #tpu.memory_space<vmem>>)
      tpu.yield
    }) : () -> ()
    "tpu.region"() ({
      %run_scoped3A = tpu.sem_alloc : memref<!tpu.dma_semaphore, #tpu.memory_space<semaphore_mem>>
      %dma_start3A_20 = tpu.memref_slice %arg5[%add3A_9] : memref<800128xi32, #tpu.memory_space<hbm>> -> memref<128xi32, #tpu.memory_space<hbm>>
      %dma_start3A_21 = tpu.memref_slice %arg5[%add3A_9] : memref<800128xi32, #tpu.memory_space<hbm>> -> memref<128xi32, #tpu.memory_space<hbm>>
      tpu.enqueue_dma source(%dma_start3A_21 : memref<128xi32, #tpu.memory_space<hbm>>) target(%arg9 : memref<128xi32, #tpu.memory_space<vmem>>) target_semaphore(%run_scoped3A : memref<!tpu.dma_semaphore, #tpu.memory_space<semaphore_mem>>)
      %dma_wait3A_22 = tpu.memref_slice %arg5[%add3A_9] : memref<800128xi32, #tpu.memory_space<hbm>> -> memref<128xi32, #tpu.memory_space<hbm>>
      %dma_wait3A_23 = tpu.memref_slice %arg5[%add3A_9] : memref<800128xi32, #tpu.memory_space<hbm>> -> memref<128xi32, #tpu.memory_space<hbm>>
      tpu.wait_dma2 semaphore(%run_scoped3A : memref<!tpu.dma_semaphore, #tpu.memory_space<semaphore_mem>>) src(%dma_wait3A_23 : memref<128xi32, #tpu.memory_space<hbm>>) dst(%arg9 : memref<128xi32, #tpu.memory_space<vmem>>)
      tpu.yield
    }) : () -> ()
    %dma_start3A = arith.constant 0 : i32
    %dma_start3A_10 = arith.constant 0 : i32
    %dma_start3A_11 = tpu.memref_slice %arg2[%dma_start3A, %dma_start3A_10] : memref<50000x128xf32, #tpu.memory_space<hbm>> -> memref<50000x128xf32, #tpu.memory_space<hbm>>
    tpu.enqueue_indirect_dma source(%dma_start3A_11 : memref<50000x128xf32, #tpu.memory_space<hbm>>) target(%arg10 : memref<128x128xf32, #tpu.memory_space<vmem>>) offsets(%arg8 : memref<128xi32, #tpu.memory_space<vmem>>) semaphore(%arg12 : memref<!tpu.dma_semaphore, #tpu.memory_space<semaphore_mem>>)
    %dma_start3A_12 = arith.constant 0 : i32
    %dma_start3A_13 = arith.constant 0 : i32
    %dma_start3A_14 = tpu.memref_slice %arg3[%dma_start3A_12, %dma_start3A_13] : memref<50000x128xf32, #tpu.memory_space<hbm>> -> memref<50000x128xf32, #tpu.memory_space<hbm>>
    tpu.enqueue_indirect_dma source(%dma_start3A_14 : memref<50000x128xf32, #tpu.memory_space<hbm>>) target(%arg11 : memref<128x128xf32, #tpu.memory_space<vmem>>) offsets(%arg9 : memref<128xi32, #tpu.memory_space<vmem>>) semaphore(%arg13 : memref<!tpu.dma_semaphore, #tpu.memory_space<semaphore_mem>>)
    %dma_wait3A = arith.constant 0 : i32
    %dma_wait3A_15 = arith.constant 0 : i32
    %dma_wait3A_16 = tpu.memref_slice %arg2[%dma_wait3A, %dma_wait3A_15] : memref<50000x128xf32, #tpu.memory_space<hbm>> -> memref<50000x128xf32, #tpu.memory_space<hbm>>
    tpu.wait_indirect_dma semaphore(%arg12 : memref<!tpu.dma_semaphore, #tpu.memory_space<semaphore_mem>>) src(%dma_wait3A_16 : memref<50000x128xf32, #tpu.memory_space<hbm>>) dst(%arg10 : memref<128x128xf32, #tpu.memory_space<vmem>>)
    %dma_wait3A_17 = arith.constant 0 : i32
    %dma_wait3A_18 = arith.constant 0 : i32
    %dma_wait3A_19 = tpu.memref_slice %arg3[%dma_wait3A_17, %dma_wait3A_18] : memref<50000x128xf32, #tpu.memory_space<hbm>> -> memref<50000x128xf32, #tpu.memory_space<hbm>>
    tpu.wait_indirect_dma semaphore(%arg13 : memref<!tpu.dma_semaphore, #tpu.memory_space<semaphore_mem>>) src(%dma_wait3A_19 : memref<50000x128xf32, #tpu.memory_space<hbm>>) dst(%arg11 : memref<128x128xf32, #tpu.memory_space<vmem>>)
    "tpu.region"() ({
      %run_scoped3A = tpu.sem_alloc : memref<!tpu.dma_semaphore, #tpu.memory_space<semaphore_mem>>
      %dma_start3A_20 = arith.constant 0 : i32
      %dma_start3A_21 = arith.constant 0 : i32
      %dma_start3A_22 = tpu.memref_slice %arg10[%dma_start3A_20, %dma_start3A_21] : memref<128x128xf32, #tpu.memory_space<vmem>> -> memref<40x128xf32, #tpu.memory_space<vmem>>
      %dma_start3A_23 = arith.constant 0 : i32
      %dma_start3A_24 = tpu.memref_slice %arg6[%add3A_9, %dma_start3A_23] : memref<800000x128xf32, #tpu.memory_space<hbm>> -> memref<40x128xf32, #tpu.memory_space<hbm>>
      %dma_start3A_25 = arith.constant 0 : i32
      %dma_start3A_26 = tpu.memref_slice %arg6[%add3A_9, %dma_start3A_25] : memref<800000x128xf32, #tpu.memory_space<hbm>> -> memref<40x128xf32, #tpu.memory_space<hbm>>
      %dma_start3A_27 = arith.constant 0 : i32
      %dma_start3A_28 = arith.constant 0 : i32
      %dma_start3A_29 = tpu.memref_slice %arg10[%dma_start3A_27, %dma_start3A_28] : memref<128x128xf32, #tpu.memory_space<vmem>> -> memref<40x128xf32, #tpu.memory_space<vmem>>
      tpu.enqueue_dma source(%dma_start3A_29 : memref<40x128xf32, #tpu.memory_space<vmem>>) target(%dma_start3A_26 : memref<40x128xf32, #tpu.memory_space<hbm>>) target_semaphore(%run_scoped3A : memref<!tpu.dma_semaphore, #tpu.memory_space<semaphore_mem>>)
      %dma_wait3A_30 = arith.constant 0 : i32
      %dma_wait3A_31 = arith.constant 0 : i32
      %dma_wait3A_32 = tpu.memref_slice %arg10[%dma_wait3A_30, %dma_wait3A_31] : memref<128x128xf32, #tpu.memory_space<vmem>> -> memref<40x128xf32, #tpu.memory_space<vmem>>
      %dma_wait3A_33 = arith.constant 0 : i32
      %dma_wait3A_34 = tpu.memref_slice %arg6[%add3A_9, %dma_wait3A_33] : memref<800000x128xf32, #tpu.memory_space<hbm>> -> memref<40x128xf32, #tpu.memory_space<hbm>>
      %dma_wait3A_35 = arith.constant 0 : i32
      %dma_wait3A_36 = tpu.memref_slice %arg6[%add3A_9, %dma_wait3A_35] : memref<800000x128xf32, #tpu.memory_space<hbm>> -> memref<40x128xf32, #tpu.memory_space<hbm>>
      %dma_wait3A_37 = arith.constant 0 : i32
      %dma_wait3A_38 = arith.constant 0 : i32
      %dma_wait3A_39 = tpu.memref_slice %arg10[%dma_wait3A_37, %dma_wait3A_38] : memref<128x128xf32, #tpu.memory_space<vmem>> -> memref<40x128xf32, #tpu.memory_space<vmem>>
      tpu.wait_dma2 semaphore(%run_scoped3A : memref<!tpu.dma_semaphore, #tpu.memory_space<semaphore_mem>>) src(%dma_wait3A_39 : memref<40x128xf32, #tpu.memory_space<vmem>>) dst(%dma_wait3A_36 : memref<40x128xf32, #tpu.memory_space<hbm>>)
      tpu.yield
    }) : () -> ()
    "tpu.region"() ({
      %run_scoped3A = tpu.sem_alloc : memref<!tpu.dma_semaphore, #tpu.memory_space<semaphore_mem>>
      %dma_start3A_20 = arith.constant 0 : i32
      %dma_start3A_21 = arith.constant 0 : i32
      %dma_start3A_22 = tpu.memref_slice %arg11[%dma_start3A_20, %dma_start3A_21] : memref<128x128xf32, #tpu.memory_space<vmem>> -> memref<40x128xf32, #tpu.memory_space<vmem>>
      %dma_start3A_23 = arith.constant 0 : i32
      %dma_start3A_24 = tpu.memref_slice %arg7[%add3A_9, %dma_start3A_23] : memref<800000x128xf32, #tpu.memory_space<hbm>> -> memref<40x128xf32, #tpu.memory_space<hbm>>
      %dma_start3A_25 = arith.constant 0 : i32
      %dma_start3A_26 = tpu.memref_slice %arg7[%add3A_9, %dma_start3A_25] : memref<800000x128xf32, #tpu.memory_space<hbm>> -> memref<40x128xf32, #tpu.memory_space<hbm>>
      %dma_start3A_27 = arith.constant 0 : i32
      %dma_start3A_28 = arith.constant 0 : i32
      %dma_start3A_29 = tpu.memref_slice %arg11[%dma_start3A_27, %dma_start3A_28] : memref<128x128xf32, #tpu.memory_space<vmem>> -> memref<40x128xf32, #tpu.memory_space<vmem>>
      tpu.enqueue_dma source(%dma_start3A_29 : memref<40x128xf32, #tpu.memory_space<vmem>>) target(%dma_start3A_26 : memref<40x128xf32, #tpu.memory_space<hbm>>) target_semaphore(%run_scoped3A : memref<!tpu.dma_semaphore, #tpu.memory_space<semaphore_mem>>)
      %dma_wait3A_30 = arith.constant 0 : i32
      %dma_wait3A_31 = arith.constant 0 : i32
      %dma_wait3A_32 = tpu.memref_slice %arg11[%dma_wait3A_30, %dma_wait3A_31] : memref<128x128xf32, #tpu.memory_space<vmem>> -> memref<40x128xf32, #tpu.memory_space<vmem>>
      %dma_wait3A_33 = arith.constant 0 : i32
      %dma_wait3A_34 = tpu.memref_slice %arg7[%add3A_9, %dma_wait3A_33] : memref<800000x128xf32, #tpu.memory_space<hbm>> -> memref<40x128xf32, #tpu.memory_space<hbm>>
      %dma_wait3A_35 = arith.constant 0 : i32
      %dma_wait3A_36 = tpu.memref_slice %arg7[%add3A_9, %dma_wait3A_35] : memref<800000x128xf32, #tpu.memory_space<hbm>> -> memref<40x128xf32, #tpu.memory_space<hbm>>
      %dma_wait3A_37 = arith.constant 0 : i32
      %dma_wait3A_38 = arith.constant 0 : i32
      %dma_wait3A_39 = tpu.memref_slice %arg11[%dma_wait3A_37, %dma_wait3A_38] : memref<128x128xf32, #tpu.memory_space<vmem>> -> memref<40x128xf32, #tpu.memory_space<vmem>>
      tpu.wait_dma2 semaphore(%run_scoped3A : memref<!tpu.dma_semaphore, #tpu.memory_space<semaphore_mem>>) src(%dma_wait3A_39 : memref<40x128xf32, #tpu.memory_space<vmem>>) dst(%dma_wait3A_36 : memref<40x128xf32, #tpu.memory_space<hbm>>)
      tpu.yield
    }) : () -> ()
    return
  }
}

module attributes {stable_mosaic.version = 14 : i64} {
  func.func @_l1_kernel(%arg0: i32, %arg1: memref<1000x128xf32, #tpu.memory_space<vmem>>, %arg2: memref<128x128xf32, #tpu.memory_space<vmem>>, %arg3: memref<128x128xf32, #tpu.memory_space<vmem>>, %arg4: memref<128x128xf32, #tpu.memory_space<vmem>>, %arg5: memref<128xf32, #tpu.memory_space<vmem>>, %arg6: memref<1000x128xf32, #tpu.memory_space<vmem>>, %arg7: memref<1000x128xf32, #tpu.memory_space<vmem>>, %arg8: memref<1000x128xf32, #tpu.memory_space<vmem>>) attributes {dimension_semantics = [#tpu.dimension_semantics<arbitrary>], iteration_bounds = array<i64: 50>, scalar_prefetch = 0 : i64, scratch_operands = 0 : i64, tpu.core_type = #tpu.core_type<tc>, window_params = [{transform_indices = @transform_0, window_bounds = array<i64: 1000, 128>}, {pipeline_mode = #tpu.pipeline_mode<synchronous>, transform_indices = @transform_1, window_bounds = array<i64: 128, 128>}, {pipeline_mode = #tpu.pipeline_mode<synchronous>, transform_indices = @transform_2, window_bounds = array<i64: 128, 128>}, {pipeline_mode = #tpu.pipeline_mode<synchronous>, transform_indices = @transform_3, window_bounds = array<i64: 128, 128>}, {pipeline_mode = #tpu.pipeline_mode<synchronous>, transform_indices = @transform_4, window_bounds = array<i64: 128>}, {transform_indices = @transform_5, window_bounds = array<i64: 1000, 128>}, {transform_indices = @transform_6, window_bounds = array<i64: 1000, 128>}, {transform_indices = @transform_7, window_bounds = array<i64: 1000, 128>}]} {
    %get3A = arith.constant 0 : index
    %get3A_0 = arith.constant 0 : index
    %get3A_1 = vector.load %arg1[%get3A, %get3A_0] : memref<1000x128xf32, #tpu.memory_space<vmem>>, vector<1000x128xf32>
    %get3A_2 = arith.constant 0 : index
    %get3A_3 = arith.constant 0 : index
    %get3A_4 = vector.load %arg2[%get3A_2, %get3A_3] : memref<128x128xf32, #tpu.memory_space<vmem>>, vector<128x128xf32>
    %dot_general3A = arith.constant dense<0.000000e+00> : vector<1000x128xf32>
    %dot_general3A_5 = tpu.matmul %get3A_1, %get3A_4, %dot_general3A {dimension_numbers = #tpu.dot_dimension_numbers<[1], [0], [0], [1], [0, 0, 1, 1], [], []>, transpose_lhs_hint = false} : vector<1000x128xf32>, vector<128x128xf32>, vector<1000x128xf32> -> vector<1000x128xf32>
    %swap3A = arith.constant 0 : index
    %swap3A_6 = arith.constant 0 : index
    %swap3A_7 = vector.load %arg6[%swap3A, %swap3A_6] : memref<1000x128xf32, #tpu.memory_space<vmem>>, vector<1000x128xf32>
    tpu.vector_store %arg6[%swap3A, %swap3A_6], %dot_general3A_5 {strides = array<i32>} : memref<1000x128xf32, #tpu.memory_space<vmem>>, vector<1000x128xf32>,
    %get3A_8 = arith.constant 0 : index
    %get3A_9 = arith.constant 0 : index
    %get3A_10 = vector.load %arg3[%get3A_8, %get3A_9] : memref<128x128xf32, #tpu.memory_space<vmem>>, vector<128x128xf32>
    %dot_general3A_11 = arith.constant dense<0.000000e+00> : vector<1000x128xf32>
    %dot_general3A_12 = tpu.matmul %get3A_1, %get3A_10, %dot_general3A_11 {dimension_numbers = #tpu.dot_dimension_numbers<[1], [0], [0], [1], [0, 0, 1, 1], [], []>, transpose_lhs_hint = false} : vector<1000x128xf32>, vector<128x128xf32>, vector<1000x128xf32> -> vector<1000x128xf32>
    %swap3A_13 = arith.constant 0 : index
    %swap3A_14 = arith.constant 0 : index
    %swap3A_15 = vector.load %arg7[%swap3A_13, %swap3A_14] : memref<1000x128xf32, #tpu.memory_space<vmem>>, vector<1000x128xf32>
    tpu.vector_store %arg7[%swap3A_13, %swap3A_14], %dot_general3A_12 {strides = array<i32>} : memref<1000x128xf32, #tpu.memory_space<vmem>>, vector<1000x128xf32>,
    %get3A_16 = arith.constant 0 : index
    %get3A_17 = arith.constant 0 : index
    %get3A_18 = vector.load %arg4[%get3A_16, %get3A_17] : memref<128x128xf32, #tpu.memory_space<vmem>>, vector<128x128xf32>
    %dot_general3A_19 = arith.constant dense<0.000000e+00> : vector<1000x128xf32>
    %dot_general3A_20 = tpu.matmul %get3A_1, %get3A_18, %dot_general3A_19 {dimension_numbers = #tpu.dot_dimension_numbers<[1], [0], [0], [1], [0, 0, 1, 1], [], []>, transpose_lhs_hint = false} : vector<1000x128xf32>, vector<128x128xf32>, vector<1000x128xf32> -> vector<1000x128xf32>
    %get3A_21 = arith.constant 0 : index
    %get3A_22 = vector.load %arg5[%get3A_21] : memref<128xf32, #tpu.memory_space<vmem>>, vector<128xf32>
    %broadcast_in_dim3A = vector.shape_cast %get3A_22 : vector<128xf32> to vector<1x128xf32>
    %add3A = vector.broadcast %broadcast_in_dim3A : vector<1x128xf32> to vector<1000x128xf32>
    %add3A_23 = arith.addf %dot_general3A_20, %add3A : vector<1000x128xf32>
    %swap3A_24 = arith.constant 0 : index
    %swap3A_25 = arith.constant 0 : index
    %swap3A_26 = vector.load %arg8[%swap3A_24, %swap3A_25] : memref<1000x128xf32, #tpu.memory_space<vmem>>, vector<1000x128xf32>
    tpu.vector_store %arg8[%swap3A_24, %swap3A_25], %add3A_23 {strides = array<i32>} : memref<1000x128xf32, #tpu.memory_space<vmem>>, vector<1000x128xf32>,
    return
  }
  func.func @transform_0(%arg0: i32) -> (i32, i32) {
    %c0_i32 = arith.constant 0 : i32
    %c0_i32_0 = arith.constant 0 : i32
    return %arg0, %c0_i32 : i32, i32
  }
  func.func @transform_1(%arg0: i32) -> (i32, i32) {
    %c0_i32 = arith.constant 0 : i32
    %c0_i32_0 = arith.constant 0 : i32
    %c0_i32_1 = arith.constant 0 : i32
    return %c0_i32, %c0_i32_0 : i32, i32
  }
  func.func @transform_2(%arg0: i32) -> (i32, i32) {
    %c0_i32 = arith.constant 0 : i32
    %c0_i32_0 = arith.constant 0 : i32
    %c0_i32_1 = arith.constant 0 : i32
    return %c0_i32, %c0_i32_0 : i32, i32
  }
  func.func @transform_3(%arg0: i32) -> (i32, i32) {
    %c0_i32 = arith.constant 0 : i32
    %c0_i32_0 = arith.constant 0 : i32
    %c0_i32_1 = arith.constant 0 : i32
    return %c0_i32, %c0_i32_0 : i32, i32
  }
  func.func @transform_4(%arg0: i32) -> i32 {
    %c0_i32 = arith.constant 0 : i32
    %c0_i32_0 = arith.constant 0 : i32
    return %c0_i32 : i32
  }
  func.func @transform_5(%arg0: i32) -> (i32, i32) {
    %c0_i32 = arith.constant 0 : i32
    %c0_i32_0 = arith.constant 0 : i32
    return %arg0, %c0_i32 : i32, i32
  }
  func.func @transform_6(%arg0: i32) -> (i32, i32) {
    %c0_i32 = arith.constant 0 : i32
    %c0_i32_0 = arith.constant 0 : i32
    return %arg0, %c0_i32 : i32, i32
  }
  func.func @transform_7(%arg0: i32) -> (i32, i32) {
    %c0_i32 = arith.constant 0 : i32
    %c0_i32_0 = arith.constant 0 : i32
    return %arg0, %c0_i32 : i32, i32
  }
}

module attributes {stable_mosaic.version = 14 : i64} {
  func.func @_l2_kernel(%arg0: i32, %arg1: memref<1000x128xf32, #tpu.memory_space<vmem>>, %arg2: memref<1000x128xf32, #tpu.memory_space<vmem>>, %arg3: memref<128x128xf32, #tpu.memory_space<vmem>>, %arg4: memref<128x128xf32, #tpu.memory_space<vmem>>, %arg5: memref<128x128xf32, #tpu.memory_space<vmem>>, %arg6: memref<128xf32, #tpu.memory_space<vmem>>, %arg7: memref<1000x128xf32, #tpu.memory_space<vmem>>, %arg8: memref<1000x128xf32, #tpu.memory_space<vmem>>, %arg9: memref<1000x128xf32, #tpu.memory_space<vmem>>) attributes {dimension_semantics = [#tpu.dimension_semantics<arbitrary>], iteration_bounds = array<i64: 50>, scalar_prefetch = 0 : i64, scratch_operands = 0 : i64, tpu.core_type = #tpu.core_type<tc>, window_params = [{transform_indices = @transform_0, window_bounds = array<i64: 1000, 128>}, {transform_indices = @transform_1, window_bounds = array<i64: 1000, 128>}, {pipeline_mode = #tpu.pipeline_mode<synchronous>, transform_indices = @transform_2, window_bounds = array<i64: 128, 128>}, {pipeline_mode = #tpu.pipeline_mode<synchronous>, transform_indices = @transform_3, window_bounds = array<i64: 128, 128>}, {pipeline_mode = #tpu.pipeline_mode<synchronous>, transform_indices = @transform_4, window_bounds = array<i64: 128, 128>}, {pipeline_mode = #tpu.pipeline_mode<synchronous>, transform_indices = @transform_5, window_bounds = array<i64: 128>}, {transform_indices = @transform_6, window_bounds = array<i64: 1000, 128>}, {transform_indices = @transform_7, window_bounds = array<i64: 1000, 128>}, {transform_indices = @transform_8, window_bounds = array<i64: 1000, 128>}]} {
    %get3A = arith.constant 0 : index
    %get3A_0 = arith.constant 0 : index
    %get3A_1 = vector.load %arg1[%get3A, %get3A_0] : memref<1000x128xf32, #tpu.memory_space<vmem>>, vector<1000x128xf32>
    %get3A_2 = arith.constant 0 : index
    %get3A_3 = arith.constant 0 : index
    %get3A_4 = vector.load %arg2[%get3A_2, %get3A_3] : memref<1000x128xf32, #tpu.memory_space<vmem>>, vector<1000x128xf32>
    %add3A = arith.addf %get3A_1, %get3A_4 : vector<1000x128xf32>
    %max3A = arith.constant 0.000000e+00 : f32
    %max3A_5 = vector.broadcast %max3A : f32 to vector<1000x128xf32>
    %max3A_6 = arith.maximumf %add3A, %max3A_5 : vector<1000x128xf32>
    %get3A_7 = arith.constant 0 : index
    %get3A_8 = arith.constant 0 : index
    %get3A_9 = vector.load %arg3[%get3A_7, %get3A_8] : memref<128x128xf32, #tpu.memory_space<vmem>>, vector<128x128xf32>
    %dot_general3A = arith.constant dense<0.000000e+00> : vector<1000x128xf32>
    %dot_general3A_10 = tpu.matmul %max3A_6, %get3A_9, %dot_general3A {dimension_numbers = #tpu.dot_dimension_numbers<[1], [0], [0], [1], [0, 0, 1, 1], [], []>, transpose_lhs_hint = false} : vector<1000x128xf32>, vector<128x128xf32>, vector<1000x128xf32> -> vector<1000x128xf32>
    %swap3A = arith.constant 0 : index
    %swap3A_11 = arith.constant 0 : index
    %swap3A_12 = vector.load %arg7[%swap3A, %swap3A_11] : memref<1000x128xf32, #tpu.memory_space<vmem>>, vector<1000x128xf32>
    tpu.vector_store %arg7[%swap3A, %swap3A_11], %dot_general3A_10 {strides = array<i32>} : memref<1000x128xf32, #tpu.memory_space<vmem>>, vector<1000x128xf32>,
    %get3A_13 = arith.constant 0 : index
    %get3A_14 = arith.constant 0 : index
    %get3A_15 = vector.load %arg4[%get3A_13, %get3A_14] : memref<128x128xf32, #tpu.memory_space<vmem>>, vector<128x128xf32>
    %dot_general3A_16 = arith.constant dense<0.000000e+00> : vector<1000x128xf32>
    %dot_general3A_17 = tpu.matmul %max3A_6, %get3A_15, %dot_general3A_16 {dimension_numbers = #tpu.dot_dimension_numbers<[1], [0], [0], [1], [0, 0, 1, 1], [], []>, transpose_lhs_hint = false} : vector<1000x128xf32>, vector<128x128xf32>, vector<1000x128xf32> -> vector<1000x128xf32>
    %swap3A_18 = arith.constant 0 : index
    %swap3A_19 = arith.constant 0 : index
    %swap3A_20 = vector.load %arg8[%swap3A_18, %swap3A_19] : memref<1000x128xf32, #tpu.memory_space<vmem>>, vector<1000x128xf32>
    tpu.vector_store %arg8[%swap3A_18, %swap3A_19], %dot_general3A_17 {strides = array<i32>} : memref<1000x128xf32, #tpu.memory_space<vmem>>, vector<1000x128xf32>,
    %get3A_21 = arith.constant 0 : index
    %get3A_22 = arith.constant 0 : index
    %get3A_23 = vector.load %arg5[%get3A_21, %get3A_22] : memref<128x128xf32, #tpu.memory_space<vmem>>, vector<128x128xf32>
    %dot_general3A_24 = arith.constant dense<0.000000e+00> : vector<1000x128xf32>
    %dot_general3A_25 = tpu.matmul %max3A_6, %get3A_23, %dot_general3A_24 {dimension_numbers = #tpu.dot_dimension_numbers<[1], [0], [0], [1], [0, 0, 1, 1], [], []>, transpose_lhs_hint = false} : vector<1000x128xf32>, vector<128x128xf32>, vector<1000x128xf32> -> vector<1000x128xf32>
    %get3A_26 = arith.constant 0 : index
    %get3A_27 = vector.load %arg6[%get3A_26] : memref<128xf32, #tpu.memory_space<vmem>>, vector<128xf32>
    %broadcast_in_dim3A = vector.shape_cast %get3A_27 : vector<128xf32> to vector<1x128xf32>
    %add3A_28 = vector.broadcast %broadcast_in_dim3A : vector<1x128xf32> to vector<1000x128xf32>
    %add3A_29 = arith.addf %dot_general3A_25, %add3A_28 : vector<1000x128xf32>
    %swap3A_30 = arith.constant 0 : index
    %swap3A_31 = arith.constant 0 : index
    %swap3A_32 = vector.load %arg9[%swap3A_30, %swap3A_31] : memref<1000x128xf32, #tpu.memory_space<vmem>>, vector<1000x128xf32>
    tpu.vector_store %arg9[%swap3A_30, %swap3A_31], %add3A_29 {strides = array<i32>} : memref<1000x128xf32, #tpu.memory_space<vmem>>, vector<1000x128xf32>,
    return
  }
  func.func @transform_0(%arg0: i32) -> (i32, i32) {
    %c0_i32 = arith.constant 0 : i32
    %c0_i32_0 = arith.constant 0 : i32
    return %arg0, %c0_i32 : i32, i32
  }
  func.func @transform_1(%arg0: i32) -> (i32, i32) {
    %c0_i32 = arith.constant 0 : i32
    %c0_i32_0 = arith.constant 0 : i32
    return %arg0, %c0_i32 : i32, i32
  }
  func.func @transform_2(%arg0: i32) -> (i32, i32) {
    %c0_i32 = arith.constant 0 : i32
    %c0_i32_0 = arith.constant 0 : i32
    %c0_i32_1 = arith.constant 0 : i32
    return %c0_i32, %c0_i32_0 : i32, i32
  }
  func.func @transform_3(%arg0: i32) -> (i32, i32) {
    %c0_i32 = arith.constant 0 : i32
    %c0_i32_0 = arith.constant 0 : i32
    %c0_i32_1 = arith.constant 0 : i32
    return %c0_i32, %c0_i32_0 : i32, i32
  }
  func.func @transform_4(%arg0: i32) -> (i32, i32) {
    %c0_i32 = arith.constant 0 : i32
    %c0_i32_0 = arith.constant 0 : i32
    %c0_i32_1 = arith.constant 0 : i32
    return %c0_i32, %c0_i32_0 : i32, i32
  }
  func.func @transform_5(%arg0: i32) -> i32 {
    %c0_i32 = arith.constant 0 : i32
    %c0_i32_0 = arith.constant 0 : i32
    return %c0_i32 : i32
  }
  func.func @transform_6(%arg0: i32) -> (i32, i32) {
    %c0_i32 = arith.constant 0 : i32
    %c0_i32_0 = arith.constant 0 : i32
    return %arg0, %c0_i32 : i32, i32
  }
  func.func @transform_7(%arg0: i32) -> (i32, i32) {
    %c0_i32 = arith.constant 0 : i32
    %c0_i32_0 = arith.constant 0 : i32
    return %arg0, %c0_i32 : i32, i32
  }
  func.func @transform_8(%arg0: i32) -> (i32, i32) {
    %c0_i32 = arith.constant 0 : i32
    %c0_i32_0 = arith.constant 0 : i32
    return %arg0, %c0_i32 : i32, i32
  }
}

module attributes {stable_mosaic.version = 14 : i64} {
  func.func @_mlp_kernel(%arg0: i32, %arg1: memref<2000x128xf32, #tpu.memory_space<vmem>>, %arg2: memref<2000x128xf32, #tpu.memory_space<vmem>>, %arg3: memref<256x512xf32, #tpu.memory_space<vmem>>, %arg4: memref<512xf32, #tpu.memory_space<vmem>>, %arg5: memref<512x1xf32, #tpu.memory_space<vmem>>, %arg6: memref<2000x1xf32, #tpu.memory_space<vmem>>) attributes {dimension_semantics = [#tpu.dimension_semantics<arbitrary>], iteration_bounds = array<i64: 400>, scalar_prefetch = 0 : i64, scratch_operands = 0 : i64, tpu.core_type = #tpu.core_type<tc>, window_params = [{transform_indices = @transform_0, window_bounds = array<i64: 2000, 128>}, {transform_indices = @transform_1, window_bounds = array<i64: 2000, 128>}, {pipeline_mode = #tpu.pipeline_mode<synchronous>, transform_indices = @transform_2, window_bounds = array<i64: 256, 512>}, {pipeline_mode = #tpu.pipeline_mode<synchronous>, transform_indices = @transform_3, window_bounds = array<i64: 512>}, {pipeline_mode = #tpu.pipeline_mode<synchronous>, transform_indices = @transform_4, window_bounds = array<i64: 512, 1>}, {transform_indices = @transform_5, window_bounds = array<i64: 2000, 1>}]} {
    %get3A = arith.constant 0 : index
    %get3A_0 = arith.constant 0 : index
    %get3A_1 = vector.load %arg1[%get3A, %get3A_0] : memref<2000x128xf32, #tpu.memory_space<vmem>>, vector<2000x128xf32>
    %get3A_2 = arith.constant 0 : index
    %get3A_3 = arith.constant 0 : index
    %get3A_4 = vector.load %arg2[%get3A_2, %get3A_3] : memref<2000x128xf32, #tpu.memory_space<vmem>>, vector<2000x128xf32>
    %concatenate3A = tpu.concatenate %get3A_1, %get3A_4 in 1 : vector<2000x128xf32>, vector<2000x128xf32> -> vector<2000x256xf32>
    %get3A_5 = arith.constant 0 : index
    %get3A_6 = arith.constant 0 : index
    %get3A_7 = vector.load %arg3[%get3A_5, %get3A_6] : memref<256x512xf32, #tpu.memory_space<vmem>>, vector<256x512xf32>
    %dot_general3A = arith.constant dense<0.000000e+00> : vector<2000x512xf32>
    %dot_general3A_8 = tpu.matmul %concatenate3A, %get3A_7, %dot_general3A {dimension_numbers = #tpu.dot_dimension_numbers<[1], [0], [0], [1], [0, 0, 1, 1], [], []>, transpose_lhs_hint = false} : vector<2000x256xf32>, vector<256x512xf32>, vector<2000x512xf32> -> vector<2000x512xf32>
    %get3A_9 = arith.constant 0 : index
    %get3A_10 = vector.load %arg4[%get3A_9] : memref<512xf32, #tpu.memory_space<vmem>>, vector<512xf32>
    %broadcast_in_dim3A = vector.shape_cast %get3A_10 : vector<512xf32> to vector<1x512xf32>
    %add3A = vector.broadcast %broadcast_in_dim3A : vector<1x512xf32> to vector<2000x512xf32>
    %add3A_11 = arith.addf %dot_general3A_8, %add3A : vector<2000x512xf32>
    %max3A = arith.constant 0.000000e+00 : f32
    %max3A_12 = vector.broadcast %max3A : f32 to vector<2000x512xf32>
    %max3A_13 = arith.maximumf %add3A_11, %max3A_12 : vector<2000x512xf32>
    %get3A_14 = arith.constant 0 : index
    %get3A_15 = arith.constant 0 : index
    %get3A_16 = vector.load %arg5[%get3A_14, %get3A_15] : memref<512x1xf32, #tpu.memory_space<vmem>>, vector<512x1xf32>
    %dot_general3A_17 = arith.constant dense<0.000000e+00> : vector<2000x1xf32>
    %dot_general3A_18 = tpu.matmul %max3A_13, %get3A_16, %dot_general3A_17 {dimension_numbers = #tpu.dot_dimension_numbers<[1], [0], [0], [1], [0, 0, 1, 1], [], []>, transpose_lhs_hint = false} : vector<2000x512xf32>, vector<512x1xf32>, vector<2000x1xf32> -> vector<2000x1xf32>
    %swap3A = arith.constant 0 : index
    %swap3A_19 = arith.constant 0 : index
    %swap3A_20 = vector.load %arg6[%swap3A, %swap3A_19] : memref<2000x1xf32, #tpu.memory_space<vmem>>, vector<2000x1xf32>
    tpu.vector_store %arg6[%swap3A, %swap3A_19], %dot_general3A_18 {strides = array<i32>} : memref<2000x1xf32, #tpu.memory_space<vmem>>, vector<2000x1xf32>,
    return
  }
  func.func @transform_0(%arg0: i32) -> (i32, i32) {
    %c0_i32 = arith.constant 0 : i32
    %c0_i32_0 = arith.constant 0 : i32
    return %arg0, %c0_i32 : i32, i32
  }
  func.func @transform_1(%arg0: i32) -> (i32, i32) {
    %c0_i32 = arith.constant 0 : i32
    %c0_i32_0 = arith.constant 0 : i32
    return %arg0, %c0_i32 : i32, i32
  }
  func.func @transform_2(%arg0: i32) -> (i32, i32) {
    %c0_i32 = arith.constant 0 : i32
    %c0_i32_0 = arith.constant 0 : i32
    %c0_i32_1 = arith.constant 0 : i32
    return %c0_i32, %c0_i32_0 : i32, i32
  }
  func.func @transform_3(%arg0: i32) -> i32 {
    %c0_i32 = arith.constant 0 : i32
    %c0_i32_0 = arith.constant 0 : i32
    return %c0_i32 : i32
  }
  func.func @transform_4(%arg0: i32) -> (i32, i32) {
    %c0_i32 = arith.constant 0 : i32
    %c0_i32_0 = arith.constant 0 : i32
    %c0_i32_1 = arith.constant 0 : i32
    return %c0_i32, %c0_i32_0 : i32, i32
  }
  func.func @transform_5(%arg0: i32) -> (i32, i32) {
    %c0_i32 = arith.constant 0 : i32
    %c0_i32_0 = arith.constant 0 : i32
    return %arg0, %c0_i32 : i32, i32
  }
}

</mosaic_0001>

<sc_bundles>
// kernel: gather_offload_async_start.1
scs
__scs_entry_jumppad:
0x0: {  	(pc) =	sbr.rel $0x88, $3  }
0x1: {  	(tag) =	ssettag $0x0;
	lr =	simm.s32 $0x1  }
0x2: {  	[smem:$0x3F91] =	sst lr;
	_ =	strace $0xD0000000  }
0x3: {  	_ = 	snop  }
0x4: {  	_ = 	snop  }
0x5: {  	_ = 	snop  }
0x6: {  	_ = 	snop  }
0x7: {  	_ = 	snop  }
__scs_overlays_trampoline_lowered:
0x8: {  	[smem:$0x3FA0] =	sst s0  }
0x9: {  	[smem:$0x3FA1] =	sst s1  }
0xa: {  	[smem:$0x3FA2] =	sst s2  }
0xb: {  	[smem:$0x3FA3] =	sst s3  }
0xc: {  	[smem:$0x3FA4] =	sst s4  }
0xd: {  	[smem:$0x3FA5] =	sst s5  }
0xe: {  	[smem:$0x3FA6] =	sst s6  }
0xf: {  	[smem:$0x3FA7] =	sst s7  }
0x10: {  	[smem:$0x3FA8] =	sst s8  }
0x11: {  	[smem:$0x3FA9] =	sst s9;
	s0 =	simm.s32 @!p0 $0x0  }
0x12: {  	s1 =	sld [smem:$0x3F8F];
	s0 =	simm.s32 @p0 $0x1  }
0x13: {  	[smem:$0x3FAA] =	sst s0;
	s0 =	simm.s32 @!p1 $0x0  }
0x14: {  	s2 =	sld [smem:$0x3F8E];
	s0 =	simm.s32 @p1 $0x1  }
0x15: {  	[smem:$0x3FAB] =	sst s0;
	s0 =	simm.s32 @!p2 $0x0  }
0x16: {  	s3 =	sld [smem:$0x3FDB];
	s0 =	simm.s32 @p2 $0x1  }
0x17: {  	s4 =	simm.s32 $0x1BF5;
	[smem:$0x3FAD] =	sst s0  }
0x18: {  	s0 =	sld [smem:$0x3F90];
	_ =	swait.ge [sflag:s4], $0x0  }
0x19: {  	s7 =	sld [smem:$0x3F91]  }
0x1a: {  	s8 =	sadd.s32 $0xFFFFE003, lr  }
0x1b: {  	s9 =	sadd.s32 $0xFFFFFEF7, lr;
	s5 =	simm.s32 $0xFFFFFFFF;
	p2 =	slt.u32 s8, $0xFFFFF086  }
0x1c: {  	p1 =	slt.u32 s9, $0xF7A;
	s5 =	simm.s32 @!p2 $0x0  }
0x1d: {  	s5 =	simm.s32 @p1 $0x1;
	p0 =	seq.s32 s7, s2  }
0x1e: {  	s7 =	smul.u32 @!p0 $0xF7A, s2;
	p2 =	seq.s32 @!p0 s5, $0x0  }
0x1f: {  	s9 =	smul.u32 $0xF7A, s1;
	s8 =	simm.s32 @!p0 $0x1BF5;
	p2 =	por !p2, p0  }
0x20: {  	[sflag:s8] =	ssyncset.s32 @!p0 $0xFFFFF086;
	s6 =	sadd.s32 @!p0 s3, s7;
	s7 =	simm.s32 @!p0 $0x108  }
0x21: {  	s3 =	sadd.s32 s3, s9;
	s6 =	sadd.s32 @!p0 $0x88, s6;
	s7 =	simm.s32 @p2 $0x1082  }
0x22: {  	[simem:s7], [sflag:s8] =	dma.local @!p0 [hbm:s6], $0xF7A  }
0x23: {  	s9 =	sor.u32 $0xD0000000, s2;
	s6 =	simm.s32 $0x108;
	_ =	swait.ge @!p0 [sflag:s8], $0x0  }
0x24: {  	s3 =	sadd.s32 $0x88, s3;
	s6 =	simm.s32 @!p1 $0x1082;
	[sflag:s4] =	ssyncset.s32 $0xFFFFF086  }
0x25: {  	[simem:s6], [sflag:s4] =	dma.local [hbm:s3], $0xF7A  }
0x26: {  	[smem:$0x3F91] =	sst s1;
	(tag) =	ssettag s2;
	_ =	strace s9  }
0x27: {  	s1 =	sld [smem:$0x3FA1]  }
0x28: {  	s2 =	sld [smem:$0x3FA2]  }
0x29: {  	s4 =	sld [smem:$0x3FA4]  }
0x2a: {  	p0 =	seq.s32 s5, $0x0;
	s5 =	sld [smem:$0x3FA5]  }
0x2b: {  	s6 =	sld [smem:$0x3FA6]  }
0x2c: {  	s7 =	sld [smem:$0x3FA7]  }
0x2d: {  	s3 =	simm.s32 $0x108;
	s8 =	sld [smem:$0x3FA8]  }
0x2e: {  	s3 =	simm.s32 @!p0 $0x1082;
	s9 =	sld [smem:$0x3FA9]  }
0x2f: {  	lr =	sadd.s32 s0, s3;
	s0 =	sld [smem:$0x3FA0]  }
0x30: {  	s3 =	sld [smem:$0x3FA3]  }
0x31: {  	[smem:$0x3FAC] =	sst s10  }
0x32: {  	s10 =	sld [smem:$0x3FAA];
	_ =	sdelay $0x3  }
0x33: {  	p0 =	seq.s32 s10, $0x1;
	s10 =	sld [smem:$0x3FAC];
	_ =	sdelay $0x3  }
0x34: {  	[smem:$0x3FAC] =	sst s10  }
0x35: {  	s10 =	sld [smem:$0x3FAB];
	_ =	sdelay $0x3  }
0x36: {  	p1 =	seq.s32 s10, $0x1;
	s10 =	sld [smem:$0x3FAC];
	_ =	sdelay $0x3  }
0x37: {  	[smem:$0x3FAC] =	sst s10  }
0x38: {  	s10 =	sld [smem:$0x3FAD]  }
0x39: {  	_ = 	snop;
	(pc) =	sbr.ind lr, $3  }
0x3a: {  	_ = 	snop  }
0x3b: {  	_ = 	snop  }
0x3c: {  	p2 =	seq.s32 s10, $0x1;
	s10 =	sld [smem:$0x3FAC]  }
0x3d: {  	_ =	shalt  }
0x3e: {  	_ =	shalt  }
0x3f: {  	_ =	shalt  }
0x40: {  	_ =	shalt  }
0x41: {  	_ =	shalt  }
0x42: {  	_ =	shalt  }
0x43: {  	_ =	shalt  }
0x44: {  	_ =	shalt  }
0x45: {  	_ =	shalt  }
0x46: {  	_ =	shalt  }
0x47: {  	_ =	shalt  }
0x48: {  	_ =	shalt  }
0x49: {  	_ =	shalt  }
0x4a: {  	_ =	shalt  }
0x4b: {  	_ =	shalt  }
0x4c: {  	_ =	shalt  }
0x4d: {  	_ =	shalt  }
0x4e: {  	_ =	shalt  }
0x4f: {  	_ =	shalt  }
0x50: {  	_ =	shalt  }
0x51: {  	_ =	shalt  }
0x52: {  	_ =	shalt  }
0x53: {  	_ =	shalt  }
0x54: {  	_ =	shalt  }
0x55: {  	_ =	shalt  }
0x56: {  	_ =	shalt  }
0x57: {  	_ =	shalt  }
0x58: {  	_ =	shalt  }
0x59: {  	_ =	shalt  }
0x5a: {  	_ =	shalt  }
0x5b: {  	_ =	shalt  }
0x5c: {  	_ =	shalt  }
0x5d: {  	_ =	shalt  }
0x5e: {  	_ =	shalt  }
0x5f: {  	_ =	shalt  }
0x60: {  	_ =	shalt  }
0x61: {  	_ =	shalt  }
0x62: {  	_ =	shalt  }
0x63: {  	_ =	shalt  }
0x64: {  	_ =	shalt  }
0x65: {  	_ =	shalt  }
0x66: {  	_ =	shalt  }
0x67: {  	_ =	shalt  }
0x68: {  	_ =	shalt  }
0x69: {  	_ =	shalt  }
0x6a: {  	_ =	shalt  }
0x6b: {  	_ =	shalt  }
0x6c: {  	_ =	shalt  }
0x6d: {  	_ =	shalt  }
0x6e: {  	_ =	shalt  }
0x6f: {  	_ =	shalt  }
0x70: {  	_ =	shalt  }
0x71: {  	_ =	shalt  }
0x72: {  	_ =	shalt  }
0x73: {  	_ =	shalt  }
0x74: {  	_ =	shalt  }
0x75: {  	_ =	shalt  }
0x76: {  	_ =	shalt  }
0x77: {  	_ =	shalt  }
0x78: {  	_ =	shalt  }
0x79: {  	_ =	shalt  }
0x7a: {  	_ =	shalt  }
0x7b: {  	_ =	shalt  }
0x7c: {  	_ =	shalt  }
0x7d: {  	_ =	shalt  }
0x7e: {  	_ =	shalt  }
0x7f: {  	_ =	shalt  }
0x80: {  	_ =	shalt  }
0x81: {  	_ =	shalt  }
0x82: {  	_ =	shalt  }
0x83: {  	_ =	shalt  }
0x84: {  	_ =	shalt  }
0x85: {  	_ =	shalt  }
0x86: {  	_ =	shalt  }
0x87: {  	_ =	shalt  }
.Lfunc_end0:
.L_simem_size_0:
called_computation.3_lowered:
.L_overlay_start_0:
0x88: {  	s2 =	sld [smem:$0x3FD9]  }
0x89: {  	s3 =	sld [smem:$0x3FFE];
	_ =	sdelay $0x1  }
0x8a: {  	s1 =	srdreg.scid  }
0x8b: {  	s0 =	sand.u32 $0x1, s1  }
0x8c: {  	s16 =	sshll.u32 s0, $0xA;
	s2 =	sadd.s32 s3, s2  }
0x8d: {  	s2 =	sadd.s32 s2, s16  }
0x8e: {  	[smem:$0x3FB8] =	sst s2  }
0x8f: {  	_ = 	snop  }
0x90: {  	s17 =	sld [smem:$0x3FD0];
	_ =	sdelay $0x2  }
0x91: {  	s5 =	simm.s32 $0xF;
	s4 =	simm.s32 $0x10;
	s2 =	sld [smem:$0x3FC8]  }
0x92: {  	[smem:s4], [sflag:s5] =	dma.local [hbm:s17], $0x1  }
0x93: {  	_ =	swait.eq [sflag:s5], $0x1  }
0x94: {  	[sflag:s5] =	ssyncset.done $0x0  }
0x95: {  	s18 =	sld [smem:$0x13];
	[sflag:s5] =	ssyncadd.s32 $0xFFFFFFFF  }
0x96: {  	s19 =	sld [smem:$0x16];
	(tm) =	ssettm $0x1  }
0x97: {  	s20 =	sld [smem:$0x3FFB];
	_ =	sdelay $0x3  }
0x98: {  	_ =	strace s20  }
0x99: {  	s3 =	sld [smem:$0x3FFC];
	_ =	sdelay $0x3  }
0x9a: {  	_ =	strace s3  }
0x9b: {  	s3 =	sld [smem:$0x3FFD];
	_ =	sdelay $0x3  }
0x9c: {  	_ =	strace s3  }
0x9d: {  	_ =	strace $0x8FFFFFFF  }
0x9e: {  	s21 =	sld [smem:$0x3FDB];
	_ =	sdelay $0x1  }
0x9f: {  	s6 =	simm.s32 $_scs_section_size  }
0xa0: {  	s7 =	simm.s32 $_size__tile_overlayer_lowered;
	s8 =	simm.s32 $_tile_overlayer_lowered  }
0xa1: {  	s9 =	simm.s32 $0x1BFF;
	s22 =	sshll.u32 s8, $0x1;
	s6 =	sadd.s32 s6, s21  }
0xa2: {  	s23 =	simm.s32 $0x0;
	s7 =	sshll.u32 s7, $0x1;
	s8 =	sadd.s32 s22, s6  }
0xa3: {  	[timem:s23], [sflag:s9] =	dma.local [hbm:s8], s7  }
0xa4: {  	_ =	swait.ge [sflag:s9], s7  }
0xa5: {  	s7 =	ssub.s32 $0x0, s7;
	[sflag:s9] =	ssyncset.done $0x0  }
0xa6: {  	[sflag:s9] =	ssyncadd.s32 s7;
	_ =	sdelay $0x1  }
0xa7: {  	s24 =	simm.s32 $0x1B8B  }
0xa8: {  	_ =	swait.ge [sflag:s24], $0x1  }
0xa9: {  	[sflag:s24] =	ssyncset.done $0x0  }
0xaa: {  	[sflag:s24] =	ssyncadd.s32 $0xFFFFFFFF  }
0xab: {  	s7 =	sld [smem:$0x0]  }
0xac: {  	s8 =	sand.u32 $0xFFFFFFFE, s1  }
0xad: {  	p0 =	sne.s32 s1, s8  }
0xae: {  	s8 =	sshll.u32 @p0 s8, $0xE  }
0xaf: {  	s8 =	sadd.s32 @p0 $0x11B8D, s8;
	s9 =	sshll.u32 @p0 s7, $0x11  }
0xb0: {  	s8 =	sor.u32 @p0 s9, s8  }
0xb1: {  	[sflag:s8] =	ssyncadd.remote.s32 @p0 $0x1;
	_ =	sdelay $0x1  }
0xb2: {  	s8 =	simm.s32 @p0 $0x1B8D  }
0xb3: {  	_ =	swait.eq @p0 [sflag:s8], $0x1  }
0xb4: {  	[sflag:s8] =	ssyncadd.s32 @p0 $0xFFFFFFFF  }
0xb5: {  	s9 =	sshll.u32 @!p0 s1, $0xE  }
0xb6: {  	s9 =	sor.u32 @!p0 $0x4000, s9;
	s8 =	simm.s32 @!p0 $0x1B8D  }
0xb7: {  	s7 =	sshll.u32 @!p0 s7, $0x11;
	s9 =	sadd.s32 @!p0 $0x11B8D, s9;
	_ =	swait.eq @!p0 [sflag:s8], $0x1  }
0xb8: {  	s7 =	sor.u32 @!p0 s7, s9;
	[sflag:s8] =	ssyncadd.s32 @!p0 $0xFFFFFFFF  }
0xb9: {  	s25 =	simm.s32 $0x1B8E;
	[sflag:s7] =	ssyncadd.remote.s32 @!p0 $0x1  }
0xba: {  	s26 =	simm.s32 $execute0_lowered;
	[smem:$0x3FD2] =	sst s25  }
0xbb: {  	s7 =	sshll.u32 s26, $0x1;
	_ =	strace $0x80000055;
	[dreg:$0x1] =	wrdreg $0xFFFFFFFF  }
0xbc: {  	s28 =	simm.s32 $_size_execute0_lowered;
	s6 =	sadd.s32 s6, s7;
	[dreg:$0x0] =	wrdreg $0x0  }
0xbd: {  	s7 =	sshll.u32 s28, $0x1;
	[dreg:$0x2] =	wrdreg s6  }
0xbe: {  	[dreg:$0x3] =	wrdreg s7  }
0xbf: {  	[dreg:$0x4] =	wrdreg $0xC0  }
0xc0: {  	_ =	task [dreg:s23], $0x5FFFF  }
0xc1: {  	[dreg:$0x1] =	wrdreg $0xFFFFFFFF  }
0xc2: {  	[dreg:$0x0] =	wrdreg $0x60  }
0xc3: {  	[dreg:$0x2] =	wrdreg s2  }
0xc4: {  	[dreg:$0x3] =	wrdreg s18  }
0xc5: {  	[dreg:$0x4] =	wrdreg s19  }
0xc6: {  	[dreg:$0x5] =	wrdreg $0x9  }
0xc7: {  	_ =	task.clear_ibuf [dreg:s23], $0x6FFFF;
	_ =	strace $0x90000055  }
0xc8: {  	s29 =	simm.s32 $0x9;
	_ =	strace $0x80000057  }
0xc9: {  	_ =	swait.ge [sflag:s29], $0x1  }
0xca: {  	[sflag:s29] =	ssyncadd.s32 $0xFFFFFFFF  }
0xcb: {  	_ =	strace $0x90000057  }
0xcc: {  	_ =	sfence  }
0xcd: {  	s30 =	sld [smem:$0x0];
	_ =	sdelay $0x2  }
0xce: {  	s31 =	sshll.u32 s1, $0xD;
	s1 =	sshrl.u32 s1, $0x2  }
0xcf: {  	s4 =	sand.u32 $0x4000, s31;
	s1 =	sadd.s32 s1, s30  }
0xd0: {  	s0 =	sor.u32 s4, s0;
	s1 =	sshll.u32 s1, $0x11  }
0xd1: {  	s0 =	sor.u32 s1, s0  }
0xd2: {  	s0 =	sadd.s32 $0x8F2B, s0  }
0xd3: {  	[sflag:s0] =	ssyncadd.remote.s32 $0x1  }
0xd4: {  	_ =	sfence.sel $0xFFFF  }
0xd5: {  	[dreg:$0x0] =	wrdreg $0xFFFFFFFF;
	(pc) =	sbr.abs _section_cstart, $3  }
0xd6: {  	[dreg:$0x1] =	wrdreg $0xFFFFFFFF  }
0xd7: {  	_ =	task.clear_ibuf [dreg:s23], $0x2FFFF;
	_ =	strace $0x9FFFFFFF  }
0xd8: {  	(tm) =	ssettm $0x7FFFFFFF  }
0xd9: {  	_ =	shalt  }
tec
execute0_lowered:
.L_overlay_start_1:
0x0: {  	(tag) =	ssettag $0x1  }
0x1: {  	s2 =	rddreg [dreg:$0x0]  }
0x2: {  	s3 =	rddreg [dreg:$0x1]  }
0x3: {  	s4 =	rddreg [dreg:$0x2];
	s1 =	stileid.u32  }
0x4: {  	s5 =	srdreg.scid;
	s0 =	rddreg [dreg:$0x3];
	_ =	strace $0x80000056  }
0x5: {  	s8 =	simm.s32 $0x1;
	s9 =	simm.s32 $0x1;
	s10 =	simm.s32 $0x3  }
0x6: {  	s13 =	simm.s32 $0x0;
	s6 =	sand.u32 $0x1, s5;
	s7 =	sshll.u32 s1, $0x1  }
0x7: {  	s12 =	simm.s32 $0x0;
	s5 =	simm.s32 $0x1;
	s6 =	sor.u32 s7, s6  }
.Ltmp0:
0x8: {  	[sflag:s5] =	ssyncpa.u1 $0x0;
	p0 =	slt.u32 s6, $0x13;
	(pc) =	sbr.rel .LBB2_1-.Ltmp0, $4  }
0x9: {  	s7 =	simm.s32 $0x2;
	s8 =	simm.s32 @!p0 $0x0;
	p0 =	sne.s32 s6, $0x12  }
0xa: {  	[sflag:s7] =	ssyncpa.u1 $0x0;
	s6 =	smul.u32 $0xC80, s6;
	s9 =	simm.s32 @!p0 $0x0  }
0xb: {  	[sflag:s10] =	ssyncpa.u1 $0x0;
	s10 =	simm.s32 $0x0;
	s8 =	sadd.s32 s9, s8  }
0xc: {  	vm0 =	vmmov $0xffff;
	v0 =	vlaneseq.u32;
	p0 =	por $0x0, $0x0;
	s11 =	smov.u32 s6;
	s9 =	sadd.s32 $0x1, s8  }
.LBB2_4:
0xd: {  	vm1 =	vgt.s32 v1, $0x0;
	s15 =	sadd.s32 $0xFFFFFFF0, s15  }
0xe: {  	v1 =	vnsel vm1, $0x0, v1;
	p1 =	sgt.s32 s15, $0x0  }
0xf: {  	v1 =	vmin.u32 v1, $0xC34FF;
	s15 =	simm.s32 @!p1 $0x0  }
0x10: {  	v2 =	vshll.u32 v1, $0x1;
	s15 =	smin.u32 s15, $0x10  }
0x11: {  	v1 =	vand.u32 $0x7F, v1;
	v2 =	vand.u32 $0x1FFF00, v2;
	v3 =	vmov s15  }
0x12: {  	v1 =	vor.u32 v1, v2;
	vm1 =	vgt.u32 v3, v0  }
0x13: {  	v2 =	vnsel vm1, $0x7FFFFFFF, v1;
	_ =	sdelay $0x1  }
0x14: {  	s29 =	sand.u32 $0x1F00, s17;
	s16 =	sadd.s32 $0x10, s16;
	v1 =	vor.u32 $0x80, v1  }
0x15: {  	(ifvalue) =	ssetifvalue $0x7FFFFFFF;
	s16 =	sand.u32 $0x70, s16;
	s15 =	sadd.s32 s29, s14;
	v1 =	vnsel vm1, $0x7FFFFFFF, v1  }
0x16: {  	(ifvalue) =	ssetifvalue $0x7FFFFFFF;
	s15 =	sadd.s32 s16, s15  }
0x17: {  	[tilespmem:s15], [sflag:$0x1] =	stream.indirect_vreg.gather [hbm4b:s2+s10], $0x1, v2, vm0, $0x4038;
	[tilespmem:$0x4B00] =	vst v63  }
0x18: {  	(ifvalue) =	ssetifvalue $0x7FFFFFFF  }
0x19: {  	s30 =	sshll.u32 s13, $0x1;
	s15 =	sadd.s32 $0x80, s15;
	(ifvalue) =	ssetifvalue $0x7FFFFFFF  }
0x1a: {  	[tilespmem:s15], [sflag:$0x1] =	stream.indirect_vreg.gather [hbm4b:s2+s10], $0x1, v1, vm0, $0x4038;
	[tilespmem:$0x4B00] =	vst v63  }
0x1b: {  	s31 =	sand.u32 $0x78, s13;
	s15 =	sand.u32 $0xFFFFFF00, s30  }
0x1c: {  	_ =	swait.ge [sflag:s5], $0x1900;
	s13 =	sor.u32 s31, s15  }
0x1d: {  	[sflag:s5] =	ssyncset.done $0x0;
	s13 =	sshrl.u32 s13, $0x3  }
0x1e: {  	[sflag:s5] =	ssyncadd.s32 $0xFFFFE700;
	s13 =	sadd.s32 s4, s13  }
0x1f: {  	[hbm:s13] =	stream.linear.scatter [tilespmem:s14], [sflag:$0x3], $0x1900, $0x38;
	[tilespmem:$0x4B00] =	vst v63  }
.LBB2_5:
0x20: {  	s15 =	sadd.s32 $0x19000, s11  }
0x21: {  	p2 =	sgt.s32 s15, $0x270FF  }
0x22: {  	s15 =	smov.u32 @p2 s6;
	p2 =	sne.s32 s12, s9  }
.Ltmp1:
0x23: {  	p1 =	slt.u32 s12, $0x2;
	(pc) =	sbr.rel @!p2 .LBB2_6-.Ltmp1, $4  }
0x24: {  	s14 =	simm.s32 @!p1 $0x3  }
0x25: {  	s16 =	sadd.s32 $0x1, s12;
	_ =	swait.ge @!p1 [sflag:s14], $0x1900  }
0x26: {  	s13 =	smov.u32 s11;
	p0 =	por !p0, !p0;
	[sflag:s14] =	ssyncset.done @!p1 $0x0  }
0x27: {  	s12 =	smov.u32 s16;
	s11 =	smov.u32 s15;
	[sflag:s14] =	ssyncadd.s32 @!p1 $0xFFFFE700  }
.LBB2_1:
0x28: {  	p1 =	sge.u32 s12, s8  }
0x29: {  	s14 =	sxor.u32 @!p1 $0x1, s12  }
0x2a: {  	s14 =	smul.u32 @!p1 $0x3200, s14  }
0x2b: {  	s31 =	sadd.s32 $0xFFFFFFFF, s12;
	s15 =	sshrl.u32 @!p1 s11, $0x3  }
0x2c: {  	s16 =	sand.u32 @!p1 $0x7, s11;
	s15 =	sadd.s32 @!p1 s3, s15;
	s14 =	sshra.s32 @!p1 s14, $0x2  }
0x2d: {  	[tilespmem:s14], [sflag:$0x2] =	stream.linear.gather @!p1 [hbm4b:s15+s16], $0xC80, $0x38;
	[tilespmem:$0x4B00] =	vst v63  }
0x2e: {  	p1 =	sge.u32 s31, s8  }
.Ltmp2:
0x2f: {  	_ = 	snop;
	(pc) =	sbr.rel @p1 .LBB2_5-.Ltmp2, $1  }
0x30: {  	_ =	sdelay $0x3  }
0x31: {  	s14 =	simm.s32 $0x1  }
0x32: {  	s14 =	simm.s32 @!p0 $0x0  }
0x33: {  	_ =	swait.ge [sflag:s7], $0xC80;
	s14 =	smul.u32 $0x3200, s14  }
0x34: {  	[sflag:s7] =	ssyncset.done $0x0  }
0x35: {  	[sflag:s7] =	ssyncadd.s32 $0xFFFFF380;
	s17 =	sshrl.u32 s14, $0x2  }
0x36: {  	v1 =	vld.msk [tilespmem:s17+$0x0 ss:$0x1], $0xffff;
	_ =	sdelay $0x2  }
0x37: {  	s15 =	ssub.s32 $0x27100, s13  }
0x38: {  	p1 =	slt.s32 s15, $0xC80  }
0x39: {  	s15 =	simm.s32 @!p1 $0xC80;
	vm1 =	vgt.s32 v1, $0x0  }
0x3a: {  	p1 =	sgt.s32 s15, $0x0;
	s14 =	smov.u32 s15;
	v1 =	vnsel vm1, $0x0, v1  }
0x3b: {  	s14 =	simm.s32 @!p1 $0x0;
	v1 =	vmin.u32 v1, $0xC34FF  }
0x3c: {  	s14 =	smin.u32 s14, $0x10;
	v2 =	vshll.u32 v1, $0x1  }
0x3d: {  	s16 =	sand.u32 $0x1, s12;
	v3 =	vmov s14;
	v1 =	vand.u32 $0x7F, v1;
	v2 =	vand.u32 $0x1FFF00, v2  }
0x3e: {  	s31 =	smul.u32 $0x6400, s16;
	vm1 =	vgt.u32 v3, v0;
	v1 =	vor.u32 v1, v2  }
0x3f: {  	v2 =	vnsel vm1, $0x7FFFFFFF, v1  }
0x40: {  	s16 =	simm.s32 $0x0;
	s14 =	sshrl.u32 s31, $0x2  }
0x41: {  	s18 =	sand.u32 $0x1F00, s16;
	s14 =	sadd.s32 $0x1900, s14;
	v1 =	vor.u32 $0x80, v1  }
0x42: {  	s19 =	sand.u32 $0x70, s16;
	(ifvalue) =	ssetifvalue $0x7FFFFFFF;
	s18 =	sadd.s32 s18, s14;
	v1 =	vnsel vm1, $0x7FFFFFFF, v1  }
0x43: {  	(ifvalue) =	ssetifvalue $0x7FFFFFFF;
	s18 =	sadd.s32 s19, s18  }
0x44: {  	[tilespmem:s18], [sflag:$0x1] =	stream.indirect_vreg.gather [hbm4b:s2+s10], $0x1, v2, vm0, $0x4038;
	[tilespmem:$0x4B00] =	vst v63  }
0x45: {  	(ifvalue) =	ssetifvalue $0x7FFFFFFF  }
0x46: {  	s18 =	sadd.s32 $0x80, s18;
	(ifvalue) =	ssetifvalue $0x7FFFFFFF  }
0x47: {  	[tilespmem:s18], [sflag:$0x1] =	stream.indirect_vreg.gather [hbm4b:s2+s10], $0x1, v1, vm0, $0x4038;
	[tilespmem:$0x4B00] =	vst v63  }
0x48: {  	s18 =	sadd.s32 $0x10, s17  }
0x49: {  	v1 =	vld.msk [tilespmem:s18+$0x0 ss:$0x1], $0xffff  }
0x4a: {  	s19 =	simm.s32 $0x40;
	s17 =	simm.s32 $0x20  }
.LBB2_3:
0x4b: {  	p1 =	sne.s32 s19, $0x18E0;
	_ =	sdelay $0x2  }
0x4c: {  	vm1 =	vgt.s32 v1, $0x0;
	s15 =	sadd.s32 $0xFFFFFFF0, s15  }
0x4d: {  	v1 =	vnsel vm1, $0x0, v1;
	p2 =	sgt.s32 s15, $0x0;
	s20 =	smov.u32 s15  }
0x4e: {  	v1 =	vmin.u32 v1, $0xC34FF;
	s20 =	simm.s32 @!p2 $0x0  }
0x4f: {  	v2 =	vshll.u32 v1, $0x1;
	s20 =	smin.u32 s20, $0x10  }
0x50: {  	v1 =	vand.u32 $0x7F, v1;
	v2 =	vand.u32 $0x1FFF00, v2;
	v3 =	vmov s20  }
0x51: {  	v1 =	vor.u32 v1, v2;
	vm1 =	vgt.u32 v3, v0  }
0x52: {  	v2 =	vnsel vm1, $0x7FFFFFFF, v1;
	_ =	sdelay $0x1  }
0x53: {  	s16 =	sadd.s32 $0x10, s16;
	s20 =	sand.u32 $0x1F00, s17;
	s17 =	smov.u32 s19;
	v1 =	vor.u32 $0x80, v1  }
0x54: {  	s21 =	sand.u32 $0x70, s16;
	s20 =	sadd.s32 s20, s14;
	v1 =	vnsel vm1, $0x7FFFFFFF, v1;
	(ifvalue) =	ssetifvalue $0x7FFFFFFF  }
0x55: {  	s20 =	sadd.s32 s21, s20;
	(ifvalue) =	ssetifvalue $0x7FFFFFFF  }
0x56: {  	[tilespmem:s20], [sflag:$0x1] =	stream.indirect_vreg.gather [hbm4b:s2+s10], $0x1, v2, vm0, $0x4038;
	[tilespmem:$0x4B00] =	vst v63  }
0x57: {  	s18 =	sadd.s32 $0x10, s18;
	(ifvalue) =	ssetifvalue $0x7FFFFFFF  }
.Ltmp3:
0x58: {  	s20 =	sadd.s32 $0x80, s20;
	(ifvalue) =	ssetifvalue $0x7FFFFFFF;
	(pc) =	sbr.rel @p1 .LBB2_3-.Ltmp3, $3  }
0x59: {  	[tilespmem:s20], [sflag:$0x1] =	stream.indirect_vreg.gather [hbm4b:s2+s10], $0x1, v1, vm0, $0x4038;
	[tilespmem:$0x4B00] =	vst v63  }
0x5a: {  	v1 =	vld.msk [tilespmem:s18+$0x0 ss:$0x1], $0xffff;
	_ =	sdelay $0x1  }
0x5b: {  	s19 =	sadd.s32 $0x20, s19  }
.Ltmp4:
0x5c: {  	_ = 	snop;
	(pc) =	sbr.rel .LBB2_4-.Ltmp4, $1  }
0x5d: {  	_ =	sdelay $0x3  }
.LBB2_6:
0x5e: {  	_ =	sfence.sel $0x180000  }
0x5f: {  	s2 =	simm.s32 $0x2;
	[bflag:$0x0] =	sbarrier.arrive $0xFFFF  }
0x60: {  	s30 =	simm.s32 $0x3;
	[sflag:s2] =	ssyncpa.u1 $0x1  }
0x61: {  	s31 =	simm.s32 $0x1;
	[sflag:s30] =	ssyncpa.u1 $0x1  }
0x62: {  	[sflag:s31] =	ssyncpa.u1 $0x1  }
0x63: {  	p0 =	sne.s32 s1, $0x0;
	_ =	strace $0x90000056  }
0x64: {  	s0 =	sadd.s32 @!p0 $0x100000, s0;
	[bflag:$0x2] =	sbarrier.arrive $0xFFFF  }
0x65: {  	[sflag:s0] =	ssyncadd.tile.s32 @!p0 $0x1;
	_ =	shalt  }
.Lfunc_end2:
_tile_overlayer_lowered:
.L_overlay_start_2:
0x66: {  	(tag) =	ssettag $0x2  }
0x67: {  	s0 =	rddreg [dreg:$0x0];
	s2 =	stileid.u32  }
0x68: {  	s1 =	rddreg [dreg:$0x1];
	p0 =	sne.s32 s2, $0x0  }
0x69: {  	s3 =	rddreg [dreg:$0x2];
	[bflag:$0x3] =	sbarrier.arrive $0xFFFF;
	s2 =	simm.s32 @!p0 $0x1C01  }
0x6a: {  	[timem:s3], [sflag:s2] =	dma.local @!p0 [hbm:s0], s1  }
0x6b: {  	s0 =	simm.s32 @!p0 $0x1  }
0x6c: {  	_ =	swait.ge @!p0 [sflag:s0], s1  }
0x6d: {  	s1 =	ssub.s32 @!p0 $0x0, s1;
	[sflag:s0] =	ssyncset.done @!p0 $0x0  }
0x6e: {  	[sflag:s0] =	ssyncadd.s32 @!p0 s1  }
0x6f: {  	[bflag:$0x3] =	sbarrier.arrive $0xFFFF  }
0x70: {  	_ =	shalt  }

// kernel: gather_offload_async_start.2
scs
__scs_entry_jumppad:
0x0: {  	(pc) =	sbr.rel $0x88, $3  }
0x1: {  	(tag) =	ssettag $0x0;
	lr =	simm.s32 $0x1  }
0x2: {  	[smem:$0x3F91] =	sst lr;
	_ =	strace $0xD0000000  }
0x3: {  	_ = 	snop  }
0x4: {  	_ = 	snop  }
0x5: {  	_ = 	snop  }
0x6: {  	_ = 	snop  }
0x7: {  	_ = 	snop  }
__scs_overlays_trampoline_lowered:
0x8: {  	[smem:$0x3FA0] =	sst s0  }
0x9: {  	[smem:$0x3FA1] =	sst s1  }
0xa: {  	[smem:$0x3FA2] =	sst s2  }
0xb: {  	[smem:$0x3FA3] =	sst s3  }
0xc: {  	[smem:$0x3FA4] =	sst s4  }
0xd: {  	[smem:$0x3FA5] =	sst s5  }
0xe: {  	[smem:$0x3FA6] =	sst s6  }
0xf: {  	[smem:$0x3FA7] =	sst s7  }
0x10: {  	[smem:$0x3FA8] =	sst s8  }
0x11: {  	[smem:$0x3FA9] =	sst s9;
	s0 =	simm.s32 @!p0 $0x0  }
0x12: {  	s1 =	sld [smem:$0x3F8F];
	s0 =	simm.s32 @p0 $0x1  }
0x13: {  	[smem:$0x3FAA] =	sst s0;
	s0 =	simm.s32 @!p1 $0x0  }
0x14: {  	s2 =	sld [smem:$0x3F8E];
	s0 =	simm.s32 @p1 $0x1  }
0x15: {  	[smem:$0x3FAB] =	sst s0;
	s0 =	simm.s32 @!p2 $0x0  }
0x16: {  	s3 =	sld [smem:$0x3FDB];
	s0 =	simm.s32 @p2 $0x1  }
0x17: {  	s4 =	simm.s32 $0x1BF5;
	[smem:$0x3FAD] =	sst s0  }
0x18: {  	s0 =	sld [smem:$0x3F90];
	_ =	swait.ge [sflag:s4], $0x0  }
0x19: {  	s7 =	sld [smem:$0x3F91]  }
0x1a: {  	s8 =	sadd.s32 $0xFFFFE003, lr  }
0x1b: {  	s9 =	sadd.s32 $0xFFFFFEF7, lr;
	s5 =	simm.s32 $0xFFFFFFFF;
	p2 =	slt.u32 s8, $0xFFFFF086  }
0x1c: {  	p1 =	slt.u32 s9, $0xF7A;
	s5 =	simm.s32 @!p2 $0x0  }
0x1d: {  	s5 =	simm.s32 @p1 $0x1;
	p0 =	seq.s32 s7, s2  }
0x1e: {  	s7 =	smul.u32 @!p0 $0xF7A, s2;
	p2 =	seq.s32 @!p0 s5, $0x0  }
0x1f: {  	s9 =	smul.u32 $0xF7A, s1;
	s8 =	simm.s32 @!p0 $0x1BF5;
	p2 =	por !p2, p0  }
0x20: {  	[sflag:s8] =	ssyncset.s32 @!p0 $0xFFFFF086;
	s6 =	sadd.s32 @!p0 s3, s7;
	s7 =	simm.s32 @!p0 $0x108  }
0x21: {  	s3 =	sadd.s32 s3, s9;
	s6 =	sadd.s32 @!p0 $0x88, s6;
	s7 =	simm.s32 @p2 $0x1082  }
0x22: {  	[simem:s7], [sflag:s8] =	dma.local @!p0 [hbm:s6], $0xF7A  }
0x23: {  	s9 =	sor.u32 $0xD0000000, s2;
	s6 =	simm.s32 $0x108;
	_ =	swait.ge @!p0 [sflag:s8], $0x0  }
0x24: {  	s3 =	sadd.s32 $0x88, s3;
	s6 =	simm.s32 @!p1 $0x1082;
	[sflag:s4] =	ssyncset.s32 $0xFFFFF086  }
0x25: {  	[simem:s6], [sflag:s4] =	dma.local [hbm:s3], $0xF7A  }
0x26: {  	[smem:$0x3F91] =	sst s1;
	(tag) =	ssettag s2;
	_ =	strace s9  }
0x27: {  	s1 =	sld [smem:$0x3FA1]  }
0x28: {  	s2 =	sld [smem:$0x3FA2]  }
0x29: {  	s4 =	sld [smem:$0x3FA4]  }
0x2a: {  	p0 =	seq.s32 s5, $0x0;
	s5 =	sld [smem:$0x3FA5]  }
0x2b: {  	s6 =	sld [smem:$0x3FA6]  }
0x2c: {  	s7 =	sld [smem:$0x3FA7]  }
0x2d: {  	s3 =	simm.s32 $0x108;
	s8 =	sld [smem:$0x3FA8]  }
0x2e: {  	s3 =	simm.s32 @!p0 $0x1082;
	s9 =	sld [smem:$0x3FA9]  }
0x2f: {  	lr =	sadd.s32 s0, s3;
	s0 =	sld [smem:$0x3FA0]  }
0x30: {  	s3 =	sld [smem:$0x3FA3]  }
0x31: {  	[smem:$0x3FAC] =	sst s10  }
0x32: {  	s10 =	sld [smem:$0x3FAA];
	_ =	sdelay $0x3  }
0x33: {  	p0 =	seq.s32 s10, $0x1;
	s10 =	sld [smem:$0x3FAC];
	_ =	sdelay $0x3  }
0x34: {  	[smem:$0x3FAC] =	sst s10  }
0x35: {  	s10 =	sld [smem:$0x3FAB];
	_ =	sdelay $0x3  }
0x36: {  	p1 =	seq.s32 s10, $0x1;
	s10 =	sld [smem:$0x3FAC];
	_ =	sdelay $0x3  }
0x37: {  	[smem:$0x3FAC] =	sst s10  }
0x38: {  	s10 =	sld [smem:$0x3FAD]  }
0x39: {  	_ = 	snop;
	(pc) =	sbr.ind lr, $3  }
0x3a: {  	_ = 	snop  }
0x3b: {  	_ = 	snop  }
0x3c: {  	p2 =	seq.s32 s10, $0x1;
	s10 =	sld [smem:$0x3FAC]  }
0x3d: {  	_ =	shalt  }
0x3e: {  	_ =	shalt  }
0x3f: {  	_ =	shalt  }
0x40: {  	_ =	shalt  }
0x41: {  	_ =	shalt  }
0x42: {  	_ =	shalt  }
0x43: {  	_ =	shalt  }
0x44: {  	_ =	shalt  }
0x45: {  	_ =	shalt  }
0x46: {  	_ =	shalt  }
0x47: {  	_ =	shalt  }
0x48: {  	_ =	shalt  }
0x49: {  	_ =	shalt  }
0x4a: {  	_ =	shalt  }
0x4b: {  	_ =	shalt  }
0x4c: {  	_ =	shalt  }
0x4d: {  	_ =	shalt  }
0x4e: {  	_ =	shalt  }
0x4f: {  	_ =	shalt  }
0x50: {  	_ =	shalt  }
0x51: {  	_ =	shalt  }
0x52: {  	_ =	shalt  }
0x53: {  	_ =	shalt  }
0x54: {  	_ =	shalt  }
0x55: {  	_ =	shalt  }
0x56: {  	_ =	shalt  }
0x57: {  	_ =	shalt  }
0x58: {  	_ =	shalt  }
0x59: {  	_ =	shalt  }
0x5a: {  	_ =	shalt  }
0x5b: {  	_ =	shalt  }
0x5c: {  	_ =	shalt  }
0x5d: {  	_ =	shalt  }
0x5e: {  	_ =	shalt  }
0x5f: {  	_ =	shalt  }
0x60: {  	_ =	shalt  }
0x61: {  	_ =	shalt  }
0x62: {  	_ =	shalt  }
0x63: {  	_ =	shalt  }
0x64: {  	_ =	shalt  }
0x65: {  	_ =	shalt  }
0x66: {  	_ =	shalt  }
0x67: {  	_ =	shalt  }
0x68: {  	_ =	shalt  }
0x69: {  	_ =	shalt  }
0x6a: {  	_ =	shalt  }
0x6b: {  	_ =	shalt  }
0x6c: {  	_ =	shalt  }
0x6d: {  	_ =	shalt  }
0x6e: {  	_ =	shalt  }
0x6f: {  	_ =	shalt  }
0x70: {  	_ =	shalt  }
0x71: {  	_ =	shalt  }
0x72: {  	_ =	shalt  }
0x73: {  	_ =	shalt  }
0x74: {  	_ =	shalt  }
0x75: {  	_ =	shalt  }
0x76: {  	_ =	shalt  }
0x77: {  	_ =	shalt  }
0x78: {  	_ =	shalt  }
0x79: {  	_ =	shalt  }
0x7a: {  	_ =	shalt  }
0x7b: {  	_ =	shalt  }
0x7c: {  	_ =	shalt  }
0x7d: {  	_ =	shalt  }
0x7e: {  	_ =	shalt  }
0x7f: {  	_ =	shalt  }
0x80: {  	_ =	shalt  }
0x81: {  	_ =	shalt  }
0x82: {  	_ =	shalt  }
0x83: {  	_ =	shalt  }
0x84: {  	_ =	shalt  }
0x85: {  	_ =	shalt  }
0x86: {  	_ =	shalt  }
0x87: {  	_ =	shalt  }
.Lfunc_end0:
.L_simem_size_0:
called_computation.4_lowered:
.L_overlay_start_0:
0x88: {  	s2 =	sld [smem:$0x3FD9]  }
0x89: {  	s3 =	sld [smem:$0x3FFE];
	_ =	sdelay $0x1  }
0x8a: {  	s1 =	srdreg.scid  }
0x8b: {  	s0 =	sand.u32 $0x1, s1  }
0x8c: {  	s13 =	sshll.u32 s0, $0xA;
	s2 =	sadd.s32 s3, s2  }
0x8d: {  	s2 =	sadd.s32 s2, s13  }
0x8e: {  	[smem:$0x3FB8] =	sst s2  }
0x8f: {  	_ = 	snop  }
0x90: {  	s2 =	sld [smem:$0x3FD0];
	_ =	sdelay $0x3  }
0x91: {  	s4 =	simm.s32 $0xF;
	s5 =	simm.s32 $0x10;
	s14 =	sadd.s32 $0x1, s2  }
0x92: {  	[smem:s5], [sflag:s4] =	dma.local [hbm:s14], $0x1  }
0x93: {  	_ =	swait.eq [sflag:s4], $0x1  }
0x94: {  	[sflag:s4] =	ssyncset.done $0x0  }
0x95: {  	[sflag:s4] =	ssyncadd.s32 $0xFFFFFFFF  }
0x96: {  	s15 =	sld [smem:$0x12]  }
0x97: {  	[smem:s5], [sflag:s4] =	dma.local [hbm:s2], $0x1  }
0x98: {  	_ =	swait.eq [sflag:s4], $0x1  }
0x99: {  	[sflag:s4] =	ssyncset.done $0x0  }
0x9a: {  	[sflag:s4] =	ssyncadd.s32 $0xFFFFFFFF  }
0x9b: {  	s16 =	sld [smem:$0x13];
	(tm) =	ssettm $0x1  }
0x9c: {  	s17 =	sld [smem:$0x3FFB];
	_ =	sdelay $0x3  }
0x9d: {  	_ =	strace s17  }
0x9e: {  	s4 =	sld [smem:$0x3FFC];
	_ =	sdelay $0x3  }
0x9f: {  	_ =	strace s4  }
0xa0: {  	s4 =	sld [smem:$0x3FFD];
	_ =	sdelay $0x3  }
0xa1: {  	_ =	strace s4  }
0xa2: {  	_ =	strace $0x8FFFFFFF  }
0xa3: {  	s18 =	sld [smem:$0x3FDB];
	_ =	sdelay $0x1  }
0xa4: {  	s19 =	simm.s32 $_scs_section_size  }
0xa5: {  	s6 =	simm.s32 $_size__tile_overlayer_lowered;
	s7 =	simm.s32 $_tile_overlayer_lowered  }
0xa6: {  	s22 =	simm.s32 $0x1BFF;
	s21 =	sshll.u32 s7, $0x1;
	s4 =	sadd.s32 s19, s18  }
0xa7: {  	s8 =	simm.s32 $0x0;
	s20 =	sshll.u32 s6, $0x1;
	s6 =	sadd.s32 s21, s4  }
0xa8: {  	[timem:s8], [sflag:s22] =	dma.local [hbm:s6], s20  }
0xa9: {  	_ =	swait.ge [sflag:s22], s20  }
0xaa: {  	s5 =	ssub.s32 $0x0, s20;
	[sflag:s22] =	ssyncset.done $0x0  }
0xab: {  	[sflag:s22] =	ssyncadd.s32 s5;
	_ =	sdelay $0x1  }
0xac: {  	s23 =	simm.s32 $0x1B8B  }
0xad: {  	_ =	swait.ge [sflag:s23], $0x1  }
0xae: {  	[sflag:s23] =	ssyncset.done $0x0  }
0xaf: {  	s25 =	simm.s32 $0x1B8E;
	s24 =	sld [smem:$0x3FFE];
	[sflag:s23] =	ssyncadd.s32 $0xFFFFFFFF  }
0xb0: {  	s26 =	simm.s32 $execute0_lowered;
	[smem:$0x3FD2] =	sst s25  }
0xb1: {  	s6 =	sshll.u32 s26, $0x1;
	_ =	strace $0x8000005B;
	[dreg:$0x1] =	wrdreg $0xFFFFFFFF  }
0xb2: {  	s28 =	simm.s32 $_size_execute0_lowered;
	s4 =	sadd.s32 s4, s6;
	[dreg:$0x0] =	wrdreg $0x0  }
0xb3: {  	s6 =	sshll.u32 s28, $0x1;
	[dreg:$0x2] =	wrdreg s4  }
0xb4: {  	[dreg:$0x3] =	wrdreg s6  }
0xb5: {  	[dreg:$0x4] =	wrdreg $0xC0  }
0xb6: {  	_ =	task [dreg:s8], $0x5FFFF  }
0xb7: {  	[dreg:$0x1] =	wrdreg $0xFFFFFFFF  }
0xb8: {  	[dreg:$0x0] =	wrdreg $0x60  }
0xb9: {  	[dreg:$0x2] =	wrdreg s15  }
0xba: {  	[dreg:$0x3] =	wrdreg s24  }
0xbb: {  	[dreg:$0x4] =	wrdreg s16  }
0xbc: {  	[dreg:$0x5] =	wrdreg $0x9  }
0xbd: {  	_ =	task.clear_ibuf [dreg:s8], $0x6FFFF;
	_ =	strace $0x9000005B  }
0xbe: {  	s29 =	simm.s32 $0x9;
	_ =	strace $0x8000005D  }
0xbf: {  	_ =	swait.ge [sflag:s29], $0x1  }
0xc0: {  	[sflag:s29] =	ssyncadd.s32 $0xFFFFFFFF  }
0xc1: {  	_ =	strace $0x9000005D  }
0xc2: {  	_ =	sfence  }
0xc3: {  	s30 =	sld [smem:$0x0];
	_ =	sdelay $0x2  }
0xc4: {  	s31 =	sshll.u32 s1, $0xD;
	s1 =	sshrl.u32 s1, $0x2  }
0xc5: {  	s3 =	sand.u32 $0x4000, s31;
	s1 =	sadd.s32 s1, s30  }
0xc6: {  	s0 =	sor.u32 s3, s0;
	s1 =	sshll.u32 s1, $0x11  }
0xc7: {  	s0 =	sor.u32 s1, s0  }
0xc8: {  	s0 =	sadd.s32 $0x8F2B, s0  }
0xc9: {  	[sflag:s0] =	ssyncadd.remote.s32 $0x1  }
0xca: {  	_ =	sfence.sel $0xFFFF  }
0xcb: {  	[dreg:$0x0] =	wrdreg $0xFFFFFFFF;
	(pc) =	sbr.abs _section_cstart, $3  }
0xcc: {  	[dreg:$0x1] =	wrdreg $0xFFFFFFFF  }
0xcd: {  	_ =	task.clear_ibuf [dreg:s8], $0x2FFFF;
	_ =	strace $0x9FFFFFFF  }
0xce: {  	(tm) =	ssettm $0x7FFFFFFF  }
0xcf: {  	_ =	shalt  }
tec
execute0_lowered:
.L_overlay_start_1:
0x0: {  	(tag) =	ssettag $0x1  }
0x1: {  	s2 =	rddreg [dreg:$0x0]  }
0x2: {  	s3 =	rddreg [dreg:$0x1]  }
0x3: {  	s4 =	rddreg [dreg:$0x2];
	s1 =	stileid.u32  }
0x4: {  	s5 =	srdreg.scid;
	s0 =	rddreg [dreg:$0x3]  }
0x5: {  	_ =	strace $0x8000005C;
	s8 =	simm.s32 $0x1;
	s9 =	simm.s32 $0x1  }
0x6: {  	s10 =	simm.s32 $0x3;
	s6 =	sand.u32 $0x1, s5;
	s7 =	sshll.u32 s1, $0x1  }
0x7: {  	s13 =	simm.s32 $0x0;
	s5 =	simm.s32 $0x1;
	s6 =	sor.u32 s7, s6  }
.Ltmp0:
0x8: {  	[sflag:s5] =	ssyncpa.u1 $0x0;
	p0 =	slt.u32 s6, $0x9;
	(pc) =	sbr.rel .LBB2_1-.Ltmp0, $4  }
0x9: {  	s7 =	simm.s32 $0x2;
	s8 =	simm.s32 @!p0 $0x0;
	p0 =	sne.s32 s6, $0x8  }
0xa: {  	[sflag:s7] =	ssyncpa.u1 $0x0;
	s6 =	smul.u32 $0x3E80, s6;
	s9 =	simm.s32 @!p0 $0x0  }
0xb: {  	s12 =	simm.s32 $0x0;
	[sflag:s10] =	ssyncpa.u1 $0x0;
	s8 =	sadd.s32 s9, s8  }
0xc: {  	vm0 =	vmmov $0xffff;
	s10 =	simm.s32 $0x0;
	s11 =	smov.u32 s6;
	s9 =	sadd.s32 $0x1, s8  }
.LBB2_4:
0xd: {  	v2 =	vnsel vm1, $0x0, v2  }
0xe: {  	vm1 =	vgt.s32 v0, $0x0;
	v2 =	vmin.u32 v2, $0xC34FF  }
0xf: {  	v0 =	vnsel vm1, $0x0, v0  }
0x10: {  	v0 =	vmin.u32 v0, $0xC34FF  }
0x11: {  	[tilespmem:s18], [sflag:$0x1] =	stream.indirect_vreg.gather [hbm4b:s2+s10], $0x1, v1, vm0, $0x4038;
	[tilespmem:$0xFA00] =	vst v63  }
0x12: {  	(ifvalue) =	ssetifvalue $0x7FFFFFFF  }
0x13: {  	[tilespmem:s15], [sflag:$0x1] =	stream.indirect_vreg.gather [hbm4b:s2+s10], $0x1, v2, vm0, $0x4038;
	[tilespmem:$0xFA00] =	vst v63  }
0x14: {  	s29 =	sadd.s32 $0x10, s15;
	(ifvalue) =	ssetifvalue $0x7FFFFFFF  }
0x15: {  	[tilespmem:s29], [sflag:$0x1] =	stream.indirect_vreg.gather [hbm4b:s2+s10], $0x1, v0, vm0, $0x4038;
	[tilespmem:$0xFA00] =	vst v63  }
0x16: {  	_ =	swait.ge [sflag:s5], $0x3E80  }
0x17: {  	s30 =	sshrl.u32 s13, $0x3;
	[sflag:s5] =	ssyncset.done $0x0  }
0x18: {  	s31 =	sand.u32 $0x7, s13;
	s15 =	sadd.s32 s4, s30;
	[sflag:s5] =	ssyncadd.s32 $0xFFFFC180  }
0x19: {  	[hbm4b:s15+s31] =	stream.linear.scatter [tilespmem:s14], [sflag:$0x3], $0x3E80, $0x38;
	[tilespmem:$0xFA00] =	vst v63  }
.LBB2_5:
0x1a: {  	s15 =	sadd.s32 $0x7D000, s11  }
0x1b: {  	p1 =	sgt.s32 s15, $0x9C3FF  }
0x1c: {  	s15 =	smov.u32 @p1 s6;
	p1 =	sne.s32 s12, s9  }
.Ltmp1:
0x1d: {  	p0 =	slt.u32 s12, $0x2;
	(pc) =	sbr.rel @!p1 .LBB2_6-.Ltmp1, $4  }
0x1e: {  	s14 =	simm.s32 @!p0 $0x3  }
0x1f: {  	_ =	swait.ge @!p0 [sflag:s14], $0x3E80  }
0x20: {  	s16 =	sadd.s32 $0x1, s12;
	s13 =	smov.u32 s11;
	[sflag:s14] =	ssyncset.done @!p0 $0x0  }
0x21: {  	s12 =	smov.u32 s16;
	s11 =	smov.u32 s15;
	[sflag:s14] =	ssyncadd.s32 @!p0 $0xFFFFC180  }
.LBB2_1:
0x22: {  	p0 =	sge.u32 s12, s8  }
0x23: {  	s14 =	sxor.u32 @!p0 $0x1, s12  }
0x24: {  	s14 =	smul.u32 @!p0 $0xFA00, s14  }
0x25: {  	s31 =	sadd.s32 $0xFFFFFFFF, s12;
	s15 =	sshrl.u32 @!p0 s11, $0x3  }
0x26: {  	s16 =	sand.u32 @!p0 $0x7, s11;
	s15 =	sadd.s32 @!p0 s3, s15;
	s14 =	sshra.s32 @!p0 s14, $0x2  }
0x27: {  	[tilespmem:s14], [sflag:$0x2] =	stream.linear.gather @!p0 [hbm4b:s15+s16], $0x3E80, $0x38;
	[tilespmem:$0xFA00] =	vst v63  }
0x28: {  	p0 =	sge.u32 s31, s8  }
.Ltmp2:
0x29: {  	_ = 	snop;
	(pc) =	sbr.rel @p0 .LBB2_5-.Ltmp2, $1  }
0x2a: {  	_ =	sdelay $0x3  }
0x2b: {  	s14 =	sand.u32 $0x1, s12  }
0x2c: {  	_ =	swait.ge [sflag:s7], $0x3E80;
	p0 =	seq.s32 s14, $0x1;
	s14 =	simm.s32 $0x3E80  }
0x2d: {  	[sflag:s7] =	ssyncset.done $0x0;
	s14 =	simm.s32 @!p0 $0x0  }
0x2e: {  	[sflag:s7] =	ssyncadd.s32 $0xFFFFC180;
	(ifvalue) =	ssetifvalue $0x7FFFFFFF;
	v0 =	vld.msk [tilespmem:s14+$0x0 ss:$0x1], $0xffff;
	_ =	sdelay $0x4  }
0x2f: {  	s15 =	sadd.s32 $0x10, s14;
	vm1 =	vgt.s32 v0, $0x0  }
0x30: {  	v2 =	vld.msk [tilespmem:s15+$0x0 ss:$0x1], $0xffff;
	v1 =	vnsel vm1, $0x0, v0  }
0x31: {  	v1 =	vmin.u32 v1, $0xC34FF;
	_ =	sdelay $0x2  }
0x32: {  	s17 =	simm.s32 $0x20;
	s14 =	sadd.s32 $0x7D00, s14;
	s16 =	sadd.s32 $0x10, s15  }
0x33: {  	s15 =	sadd.s32 $0x10, s14;
	s18 =	smov.u32 s14;
	v0 =	vld.msk [tilespmem:s16+$0x0 ss:$0x1], $0xffff;
	vm1 =	vgt.s32 v2, $0x0;
	(ifvalue) =	ssetifvalue $0x7FFFFFFF  }
.LBB2_3:
0x34: {  	[tilespmem:s18], [sflag:$0x1] =	stream.indirect_vreg.gather [hbm4b:s2+s10], $0x1, v1, vm0, $0x4038;
	[tilespmem:$0xFA00] =	vst v63  }
0x35: {  	s17 =	sadd.s32 $0x10, s17  }
0x36: {  	v2 =	vnsel vm1, $0x0, v2;
	p0 =	slt.u32 s17, $0x3E70  }
.Ltmp3:
0x37: {  	s18 =	smov.u32 s15;
	v1 =	vmin.u32 v2, $0xC34FF;
	(pc) =	sbr.rel @p0 .LBB2_3-.Ltmp3, $3  }
0x38: {  	_ =	sdelay $0x1  }
0x39: {  	s16 =	sadd.s32 $0x10, s16  }
0x3a: {  	vm1 =	vgt.s32 v0, $0x0;
	s15 =	sadd.s32 $0x10, s15;
	v2 =	vmov v0;
	(ifvalue) =	ssetifvalue $0x7FFFFFFF;
	v0 =	vld.msk [tilespmem:s16+$0x0 ss:$0x1], $0xffff  }
.Ltmp4:
0x3b: {  	_ = 	snop;
	(pc) =	sbr.rel .LBB2_4-.Ltmp4, $1  }
0x3c: {  	_ =	sdelay $0x3  }
.LBB2_6:
0x3d: {  	_ =	sfence.sel $0x180000  }
0x3e: {  	s2 =	simm.s32 $0x2;
	[bflag:$0x0] =	sbarrier.arrive $0xFFFF  }
0x3f: {  	s30 =	simm.s32 $0x3;
	[sflag:s2] =	ssyncpa.u1 $0x1  }
0x40: {  	s31 =	simm.s32 $0x1;
	[sflag:s30] =	ssyncpa.u1 $0x1  }
0x41: {  	[sflag:s31] =	ssyncpa.u1 $0x1  }
0x42: {  	p0 =	sne.s32 s1, $0x0;
	_ =	strace $0x9000005C  }
0x43: {  	s0 =	sadd.s32 @!p0 $0x100000, s0;
	[bflag:$0x2] =	sbarrier.arrive $0xFFFF  }
0x44: {  	[sflag:s0] =	ssyncadd.tile.s32 @!p0 $0x1;
	_ =	shalt  }
.Lfunc_end2:
_tile_overlayer_lowered:
.L_overlay_start_2:
0x45: {  	(tag) =	ssettag $0x2  }
0x46: {  	s0 =	rddreg [dreg:$0x0];
	s2 =	stileid.u32  }
0x47: {  	s1 =	rddreg [dreg:$0x1];
	p0 =	sne.s32 s2, $0x0  }
0x48: {  	s3 =	rddreg [dreg:$0x2];
	[bflag:$0x3] =	sbarrier.arrive $0xFFFF;
	s2 =	simm.s32 @!p0 $0x1C01  }
0x49: {  	[timem:s3], [sflag:s2] =	dma.local @!p0 [hbm:s0], s1  }
0x4a: {  	s0 =	simm.s32 @!p0 $0x1  }
0x4b: {  	_ =	swait.ge @!p0 [sflag:s0], s1  }
0x4c: {  	s1 =	ssub.s32 @!p0 $0x0, s1;
	[sflag:s0] =	ssyncset.done @!p0 $0x0  }
0x4d: {  	[sflag:s0] =	ssyncadd.s32 @!p0 s1  }
0x4e: {  	[bflag:$0x3] =	sbarrier.arrive $0xFFFF  }
0x4f: {  	_ =	shalt  }

// kernel: gather_offload_async_start.3
scs
__scs_entry_jumppad:
0x0: {  	(pc) =	sbr.rel $0x88, $3  }
0x1: {  	(tag) =	ssettag $0x0;
	lr =	simm.s32 $0x1  }
0x2: {  	[smem:$0x3F91] =	sst lr;
	_ =	strace $0xD0000000  }
0x3: {  	_ = 	snop  }
0x4: {  	_ = 	snop  }
0x5: {  	_ = 	snop  }
0x6: {  	_ = 	snop  }
0x7: {  	_ = 	snop  }
__scs_overlays_trampoline_lowered:
0x8: {  	[smem:$0x3FA0] =	sst s0  }
0x9: {  	[smem:$0x3FA1] =	sst s1  }
0xa: {  	[smem:$0x3FA2] =	sst s2  }
0xb: {  	[smem:$0x3FA3] =	sst s3  }
0xc: {  	[smem:$0x3FA4] =	sst s4  }
0xd: {  	[smem:$0x3FA5] =	sst s5  }
0xe: {  	[smem:$0x3FA6] =	sst s6  }
0xf: {  	[smem:$0x3FA7] =	sst s7  }
0x10: {  	[smem:$0x3FA8] =	sst s8  }
0x11: {  	[smem:$0x3FA9] =	sst s9;
	s0 =	simm.s32 @!p0 $0x0  }
0x12: {  	s1 =	sld [smem:$0x3F8F];
	s0 =	simm.s32 @p0 $0x1  }
0x13: {  	[smem:$0x3FAA] =	sst s0;
	s0 =	simm.s32 @!p1 $0x0  }
0x14: {  	s2 =	sld [smem:$0x3F8E];
	s0 =	simm.s32 @p1 $0x1  }
0x15: {  	[smem:$0x3FAB] =	sst s0;
	s0 =	simm.s32 @!p2 $0x0  }
0x16: {  	s3 =	sld [smem:$0x3FDB];
	s0 =	simm.s32 @p2 $0x1  }
0x17: {  	s4 =	simm.s32 $0x1BF5;
	[smem:$0x3FAD] =	sst s0  }
0x18: {  	s0 =	sld [smem:$0x3F90];
	_ =	swait.ge [sflag:s4], $0x0  }
0x19: {  	s7 =	sld [smem:$0x3F91]  }
0x1a: {  	s8 =	sadd.s32 $0xFFFFE003, lr  }
0x1b: {  	s9 =	sadd.s32 $0xFFFFFEF7, lr;
	s5 =	simm.s32 $0xFFFFFFFF;
	p2 =	slt.u32 s8, $0xFFFFF086  }
0x1c: {  	p1 =	slt.u32 s9, $0xF7A;
	s5 =	simm.s32 @!p2 $0x0  }
0x1d: {  	s5 =	simm.s32 @p1 $0x1;
	p0 =	seq.s32 s7, s2  }
0x1e: {  	s7 =	smul.u32 @!p0 $0xF7A, s2;
	p2 =	seq.s32 @!p0 s5, $0x0  }
0x1f: {  	s9 =	smul.u32 $0xF7A, s1;
	s8 =	simm.s32 @!p0 $0x1BF5;
	p2 =	por !p2, p0  }
0x20: {  	[sflag:s8] =	ssyncset.s32 @!p0 $0xFFFFF086;
	s6 =	sadd.s32 @!p0 s3, s7;
	s7 =	simm.s32 @!p0 $0x108  }
0x21: {  	s3 =	sadd.s32 s3, s9;
	s6 =	sadd.s32 @!p0 $0x88, s6;
	s7 =	simm.s32 @p2 $0x1082  }
0x22: {  	[simem:s7], [sflag:s8] =	dma.local @!p0 [hbm:s6], $0xF7A  }
0x23: {  	s9 =	sor.u32 $0xD0000000, s2;
	s6 =	simm.s32 $0x108;
	_ =	swait.ge @!p0 [sflag:s8], $0x0  }
0x24: {  	s3 =	sadd.s32 $0x88, s3;
	s6 =	simm.s32 @!p1 $0x1082;
	[sflag:s4] =	ssyncset.s32 $0xFFFFF086  }
0x25: {  	[simem:s6], [sflag:s4] =	dma.local [hbm:s3], $0xF7A  }
0x26: {  	[smem:$0x3F91] =	sst s1;
	(tag) =	ssettag s2;
	_ =	strace s9  }
0x27: {  	s1 =	sld [smem:$0x3FA1]  }
0x28: {  	s2 =	sld [smem:$0x3FA2]  }
0x29: {  	s4 =	sld [smem:$0x3FA4]  }
0x2a: {  	p0 =	seq.s32 s5, $0x0;
	s5 =	sld [smem:$0x3FA5]  }
0x2b: {  	s6 =	sld [smem:$0x3FA6]  }
0x2c: {  	s7 =	sld [smem:$0x3FA7]  }
0x2d: {  	s3 =	simm.s32 $0x108;
	s8 =	sld [smem:$0x3FA8]  }
0x2e: {  	s3 =	simm.s32 @!p0 $0x1082;
	s9 =	sld [smem:$0x3FA9]  }
0x2f: {  	lr =	sadd.s32 s0, s3;
	s0 =	sld [smem:$0x3FA0]  }
0x30: {  	s3 =	sld [smem:$0x3FA3]  }
0x31: {  	[smem:$0x3FAC] =	sst s10  }
0x32: {  	s10 =	sld [smem:$0x3FAA];
	_ =	sdelay $0x3  }
0x33: {  	p0 =	seq.s32 s10, $0x1;
	s10 =	sld [smem:$0x3FAC];
	_ =	sdelay $0x3  }
0x34: {  	[smem:$0x3FAC] =	sst s10  }
0x35: {  	s10 =	sld [smem:$0x3FAB];
	_ =	sdelay $0x3  }
0x36: {  	p1 =	seq.s32 s10, $0x1;
	s10 =	sld [smem:$0x3FAC];
	_ =	sdelay $0x3  }
0x37: {  	[smem:$0x3FAC] =	sst s10  }
0x38: {  	s10 =	sld [smem:$0x3FAD]  }
0x39: {  	_ = 	snop;
	(pc) =	sbr.ind lr, $3  }
0x3a: {  	_ = 	snop  }
0x3b: {  	_ = 	snop  }
0x3c: {  	p2 =	seq.s32 s10, $0x1;
	s10 =	sld [smem:$0x3FAC]  }
0x3d: {  	_ =	shalt  }
0x3e: {  	_ =	shalt  }
0x3f: {  	_ =	shalt  }
0x40: {  	_ =	shalt  }
0x41: {  	_ =	shalt  }
0x42: {  	_ =	shalt  }
0x43: {  	_ =	shalt  }
0x44: {  	_ =	shalt  }
0x45: {  	_ =	shalt  }
0x46: {  	_ =	shalt  }
0x47: {  	_ =	shalt  }
0x48: {  	_ =	shalt  }
0x49: {  	_ =	shalt  }
0x4a: {  	_ =	shalt  }
0x4b: {  	_ =	shalt  }
0x4c: {  	_ =	shalt  }
0x4d: {  	_ =	shalt  }
0x4e: {  	_ =	shalt  }
0x4f: {  	_ =	shalt  }
0x50: {  	_ =	shalt  }
0x51: {  	_ =	shalt  }
0x52: {  	_ =	shalt  }
0x53: {  	_ =	shalt  }
0x54: {  	_ =	shalt  }
0x55: {  	_ =	shalt  }
0x56: {  	_ =	shalt  }
0x57: {  	_ =	shalt  }
0x58: {  	_ =	shalt  }
0x59: {  	_ =	shalt  }
0x5a: {  	_ =	shalt  }
0x5b: {  	_ =	shalt  }
0x5c: {  	_ =	shalt  }
0x5d: {  	_ =	shalt  }
0x5e: {  	_ =	shalt  }
0x5f: {  	_ =	shalt  }
0x60: {  	_ =	shalt  }
0x61: {  	_ =	shalt  }
0x62: {  	_ =	shalt  }
0x63: {  	_ =	shalt  }
0x64: {  	_ =	shalt  }
0x65: {  	_ =	shalt  }
0x66: {  	_ =	shalt  }
0x67: {  	_ =	shalt  }
0x68: {  	_ =	shalt  }
0x69: {  	_ =	shalt  }
0x6a: {  	_ =	shalt  }
0x6b: {  	_ =	shalt  }
0x6c: {  	_ =	shalt  }
0x6d: {  	_ =	shalt  }
0x6e: {  	_ =	shalt  }
0x6f: {  	_ =	shalt  }
0x70: {  	_ =	shalt  }
0x71: {  	_ =	shalt  }
0x72: {  	_ =	shalt  }
0x73: {  	_ =	shalt  }
0x74: {  	_ =	shalt  }
0x75: {  	_ =	shalt  }
0x76: {  	_ =	shalt  }
0x77: {  	_ =	shalt  }
0x78: {  	_ =	shalt  }
0x79: {  	_ =	shalt  }
0x7a: {  	_ =	shalt  }
0x7b: {  	_ =	shalt  }
0x7c: {  	_ =	shalt  }
0x7d: {  	_ =	shalt  }
0x7e: {  	_ =	shalt  }
0x7f: {  	_ =	shalt  }
0x80: {  	_ =	shalt  }
0x81: {  	_ =	shalt  }
0x82: {  	_ =	shalt  }
0x83: {  	_ =	shalt  }
0x84: {  	_ =	shalt  }
0x85: {  	_ =	shalt  }
0x86: {  	_ =	shalt  }
0x87: {  	_ =	shalt  }
.Lfunc_end0:
.L_simem_size_0:
called_computation.5_lowered:
.L_overlay_start_0:
0x88: {  	s2 =	sld [smem:$0x3FD9]  }
0x89: {  	s3 =	sld [smem:$0x3FFE];
	_ =	sdelay $0x1  }
0x8a: {  	s1 =	srdreg.scid  }
0x8b: {  	s0 =	sand.u32 $0x1, s1  }
0x8c: {  	s14 =	sshll.u32 s0, $0xA;
	s2 =	sadd.s32 s3, s2  }
0x8d: {  	s2 =	sadd.s32 s2, s14  }
0x8e: {  	[smem:$0x3FB8] =	sst s2  }
0x8f: {  	_ = 	snop  }
0x90: {  	s2 =	sld [smem:$0x3FD0];
	_ =	sdelay $0x3  }
0x91: {  	s4 =	simm.s32 $0xF;
	s5 =	simm.s32 $0x10;
	s15 =	sadd.s32 $0x1, s2  }
0x92: {  	[smem:s5], [sflag:s4] =	dma.local [hbm:s15], $0x1  }
0x93: {  	_ =	swait.eq [sflag:s4], $0x1  }
0x94: {  	[sflag:s4] =	ssyncset.done $0x0  }
0x95: {  	s16 =	sld [smem:$0x10];
	[sflag:s4] =	ssyncadd.s32 $0xFFFFFFFF  }
0x96: {  	s6 =	sld [smem:$0x12]  }
0x97: {  	[smem:s5], [sflag:s4] =	dma.local [hbm:s2], $0x1  }
0x98: {  	_ =	swait.eq [sflag:s4], $0x1  }
0x99: {  	[sflag:s4] =	ssyncset.done $0x0  }
0x9a: {  	[sflag:s4] =	ssyncadd.s32 $0xFFFFFFFF  }
0x9b: {  	s17 =	sld [smem:$0x13];
	(tm) =	ssettm $0x1  }
0x9c: {  	s18 =	sld [smem:$0x3FFB];
	_ =	sdelay $0x3  }
0x9d: {  	_ =	strace s18  }
0x9e: {  	s4 =	sld [smem:$0x3FFC];
	_ =	sdelay $0x3  }
0x9f: {  	_ =	strace s4  }
0xa0: {  	s4 =	sld [smem:$0x3FFD];
	_ =	sdelay $0x3  }
0xa1: {  	_ =	strace s4  }
0xa2: {  	_ =	strace $0x8FFFFFFF  }
0xa3: {  	s19 =	sld [smem:$0x3FDB];
	_ =	sdelay $0x1  }
0xa4: {  	s20 =	simm.s32 $_scs_section_size  }
0xa5: {  	s7 =	simm.s32 $_size__tile_overlayer_lowered;
	s8 =	simm.s32 $_tile_overlayer_lowered  }
0xa6: {  	s23 =	simm.s32 $0x1BFF;
	s22 =	sshll.u32 s8, $0x1;
	s4 =	sadd.s32 s20, s19  }
0xa7: {  	s9 =	simm.s32 $0x0;
	s21 =	sshll.u32 s7, $0x1;
	s7 =	sadd.s32 s22, s4  }
0xa8: {  	[timem:s9], [sflag:s23] =	dma.local [hbm:s7], s21  }
0xa9: {  	_ =	swait.ge [sflag:s23], s21  }
0xaa: {  	s5 =	ssub.s32 $0x0, s21;
	[sflag:s23] =	ssyncset.done $0x0  }
0xab: {  	[sflag:s23] =	ssyncadd.s32 s5;
	_ =	sdelay $0x1  }
0xac: {  	s24 =	simm.s32 $0x1B8B  }
0xad: {  	_ =	swait.ge [sflag:s24], $0x1  }
0xae: {  	[sflag:s24] =	ssyncset.done $0x0  }
0xaf: {  	s25 =	simm.s32 $0x1B8E;
	[sflag:s24] =	ssyncadd.s32 $0xFFFFFFFF  }
0xb0: {  	s26 =	simm.s32 $execute0_lowered;
	[smem:$0x3FD2] =	sst s25  }
0xb1: {  	s5 =	sshll.u32 s26, $0x1;
	_ =	strace $0x8000004F;
	[dreg:$0x1] =	wrdreg $0xFFFFFFFF  }
0xb2: {  	s28 =	simm.s32 $_size_execute0_lowered;
	s4 =	sadd.s32 s4, s5;
	[dreg:$0x0] =	wrdreg $0x0  }
0xb3: {  	s5 =	sshll.u32 s28, $0x1;
	[dreg:$0x2] =	wrdreg s4  }
0xb4: {  	[dreg:$0x3] =	wrdreg s5  }
0xb5: {  	[dreg:$0x4] =	wrdreg $0xC0  }
0xb6: {  	_ =	task [dreg:s9], $0x5FFFF  }
0xb7: {  	[dreg:$0x1] =	wrdreg $0xFFFFFFFF  }
0xb8: {  	[dreg:$0x0] =	wrdreg $0x60  }
0xb9: {  	[dreg:$0x2] =	wrdreg s6  }
0xba: {  	[dreg:$0x3] =	wrdreg s17  }
0xbb: {  	[dreg:$0x4] =	wrdreg s16  }
0xbc: {  	[dreg:$0x5] =	wrdreg $0xA  }
0xbd: {  	_ =	task.clear_ibuf [dreg:s9], $0x6FFFF;
	_ =	strace $0x9000004F  }
0xbe: {  	s29 =	simm.s32 $0xA;
	_ =	strace $0x80000051  }
0xbf: {  	_ =	swait.ge [sflag:s29], $0x1  }
0xc0: {  	[sflag:s29] =	ssyncadd.s32 $0xFFFFFFFF  }
0xc1: {  	_ =	strace $0x90000051  }
0xc2: {  	_ =	sfence  }
0xc3: {  	s30 =	sld [smem:$0x0];
	_ =	sdelay $0x2  }
0xc4: {  	s31 =	sshll.u32 s1, $0xD;
	s1 =	sshrl.u32 s1, $0x2  }
0xc5: {  	s3 =	sand.u32 $0x4000, s31;
	s1 =	sadd.s32 s1, s30  }
0xc6: {  	s0 =	sor.u32 s3, s0;
	s1 =	sshll.u32 s1, $0x11  }
0xc7: {  	s0 =	sor.u32 s1, s0  }
0xc8: {  	s0 =	sadd.s32 $0x8F2B, s0  }
0xc9: {  	[sflag:s0] =	ssyncadd.remote.s32 $0x1  }
0xca: {  	_ =	sfence.sel $0xFFFF  }
0xcb: {  	[dreg:$0x0] =	wrdreg $0xFFFFFFFF;
	(pc) =	sbr.abs _section_cstart, $3  }
0xcc: {  	[dreg:$0x1] =	wrdreg $0xFFFFFFFF  }
0xcd: {  	_ =	task.clear_ibuf [dreg:s9], $0x2FFFF;
	_ =	strace $0x9FFFFFFF  }
0xce: {  	(tm) =	ssettm $0x7FFFFFFF  }
0xcf: {  	_ =	shalt  }
tec
execute0_lowered:
.L_overlay_start_1:
0x0: {  	(tag) =	ssettag $0x1  }
0x1: {  	s2 =	rddreg [dreg:$0x0]  }
0x2: {  	s3 =	rddreg [dreg:$0x1]  }
0x3: {  	s4 =	rddreg [dreg:$0x2];
	s1 =	stileid.u32  }
0x4: {  	s5 =	srdreg.scid;
	s0 =	rddreg [dreg:$0x3]  }
0x5: {  	_ =	strace $0x80000050;
	s8 =	simm.s32 $0x1;
	s9 =	simm.s32 $0x1  }
0x6: {  	s10 =	simm.s32 $0x3;
	s6 =	sand.u32 $0x1, s5;
	s7 =	sshll.u32 s1, $0x1  }
0x7: {  	s13 =	simm.s32 $0x0;
	s5 =	simm.s32 $0x1;
	s6 =	sor.u32 s7, s6  }
.Ltmp0:
0x8: {  	[sflag:s5] =	ssyncpa.u1 $0x0;
	p0 =	slt.u32 s6, $0x9;
	(pc) =	sbr.rel .LBB2_1-.Ltmp0, $4  }
0x9: {  	s7 =	simm.s32 $0x2;
	s8 =	simm.s32 @!p0 $0x0;
	p0 =	sne.s32 s6, $0x8  }
0xa: {  	[sflag:s7] =	ssyncpa.u1 $0x0;
	s6 =	smul.u32 $0xFA0, s6;
	s9 =	simm.s32 @!p0 $0x0  }
0xb: {  	s12 =	simm.s32 $0x0;
	[sflag:s10] =	ssyncpa.u1 $0x0;
	s8 =	sadd.s32 s9, s8  }
0xc: {  	vm0 =	vmmov $0xffff;
	s10 =	simm.s32 $0x0;
	s11 =	smov.u32 s6;
	s9 =	sadd.s32 $0x1, s8  }
.LBB2_4:
0xd: {  	v2 =	vnsel vm1, $0x0, v2  }
0xe: {  	vm1 =	vgt.s32 v0, $0x0;
	v2 =	vmin.u32 v2, $0xC34FF  }
0xf: {  	v0 =	vnsel vm1, $0x0, v0  }
0x10: {  	v0 =	vmin.u32 v0, $0xC34FF  }
0x11: {  	[tilespmem:s18], [sflag:$0x1] =	stream.indirect_vreg.gather [hbm4b:s2+s10], $0x1, v1, vm0, $0x4038;
	[tilespmem:$0x3E80] =	vst v63  }
0x12: {  	(ifvalue) =	ssetifvalue $0x7FFFFFFF  }
0x13: {  	[tilespmem:s15], [sflag:$0x1] =	stream.indirect_vreg.gather [hbm4b:s2+s10], $0x1, v2, vm0, $0x4038;
	[tilespmem:$0x3E80] =	vst v63  }
0x14: {  	s29 =	sadd.s32 $0x10, s15;
	(ifvalue) =	ssetifvalue $0x7FFFFFFF  }
0x15: {  	[tilespmem:s29], [sflag:$0x1] =	stream.indirect_vreg.gather [hbm4b:s2+s10], $0x1, v0, vm0, $0x4038;
	[tilespmem:$0x3E80] =	vst v63  }
0x16: {  	_ =	swait.ge [sflag:s5], $0xFA0  }
0x17: {  	s30 =	sshrl.u32 s13, $0x3;
	[sflag:s5] =	ssyncset.done $0x0  }
0x18: {  	s31 =	sand.u32 $0x7, s13;
	s15 =	sadd.s32 s4, s30;
	[sflag:s5] =	ssyncadd.s32 $0xFFFFF060  }
0x19: {  	[hbm4b:s15+s31] =	stream.linear.scatter [tilespmem:s14], [sflag:$0x3], $0xFA0, $0x38;
	[tilespmem:$0x3E80] =	vst v63  }
.LBB2_5:
0x1a: {  	s15 =	sadd.s32 $0x1F400, s11  }
0x1b: {  	p1 =	sgt.s32 s15, $0x270FF  }
0x1c: {  	s15 =	smov.u32 @p1 s6;
	p1 =	sne.s32 s12, s9  }
.Ltmp1:
0x1d: {  	p0 =	slt.u32 s12, $0x2;
	(pc) =	sbr.rel @!p1 .LBB2_6-.Ltmp1, $4  }
0x1e: {  	s14 =	simm.s32 @!p0 $0x3  }
0x1f: {  	_ =	swait.ge @!p0 [sflag:s14], $0xFA0  }
0x20: {  	s16 =	sadd.s32 $0x1, s12;
	s13 =	smov.u32 s11;
	[sflag:s14] =	ssyncset.done @!p0 $0x0  }
0x21: {  	s12 =	smov.u32 s16;
	s11 =	smov.u32 s15;
	[sflag:s14] =	ssyncadd.s32 @!p0 $0xFFFFF060  }
.LBB2_1:
0x22: {  	p0 =	sge.u32 s12, s8  }
0x23: {  	s14 =	sxor.u32 @!p0 $0x1, s12  }
0x24: {  	s14 =	smul.u32 @!p0 $0x3E80, s14  }
0x25: {  	s31 =	sadd.s32 $0xFFFFFFFF, s12;
	s15 =	sshrl.u32 @!p0 s11, $0x3  }
0x26: {  	s16 =	sand.u32 @!p0 $0x7, s11;
	s15 =	sadd.s32 @!p0 s3, s15;
	s14 =	sshra.s32 @!p0 s14, $0x2  }
0x27: {  	[tilespmem:s14], [sflag:$0x2] =	stream.linear.gather @!p0 [hbm4b:s15+s16], $0xFA0, $0x38;
	[tilespmem:$0x3E80] =	vst v63  }
0x28: {  	p0 =	sge.u32 s31, s8  }
.Ltmp2:
0x29: {  	_ = 	snop;
	(pc) =	sbr.rel @p0 .LBB2_5-.Ltmp2, $1  }
0x2a: {  	_ =	sdelay $0x3  }
0x2b: {  	s14 =	sand.u32 $0x1, s12  }
0x2c: {  	_ =	swait.ge [sflag:s7], $0xFA0;
	p0 =	seq.s32 s14, $0x1;
	s14 =	simm.s32 $0xFA0  }
0x2d: {  	[sflag:s7] =	ssyncset.done $0x0;
	s14 =	simm.s32 @!p0 $0x0  }
0x2e: {  	[sflag:s7] =	ssyncadd.s32 $0xFFFFF060;
	(ifvalue) =	ssetifvalue $0x7FFFFFFF;
	v0 =	vld.msk [tilespmem:s14+$0x0 ss:$0x1], $0xffff;
	_ =	sdelay $0x4  }
0x2f: {  	s15 =	sadd.s32 $0x10, s14;
	vm1 =	vgt.s32 v0, $0x0  }
0x30: {  	v2 =	vld.msk [tilespmem:s15+$0x0 ss:$0x1], $0xffff;
	v1 =	vnsel vm1, $0x0, v0  }
0x31: {  	v1 =	vmin.u32 v1, $0xC34FF;
	_ =	sdelay $0x2  }
0x32: {  	s17 =	simm.s32 $0x20;
	s14 =	sadd.s32 $0x1F40, s14;
	s16 =	sadd.s32 $0x10, s15  }
0x33: {  	s15 =	sadd.s32 $0x10, s14;
	s18 =	smov.u32 s14;
	v0 =	vld.msk [tilespmem:s16+$0x0 ss:$0x1], $0xffff;
	vm1 =	vgt.s32 v2, $0x0;
	(ifvalue) =	ssetifvalue $0x7FFFFFFF  }
.LBB2_3:
0x34: {  	[tilespmem:s18], [sflag:$0x1] =	stream.indirect_vreg.gather [hbm4b:s2+s10], $0x1, v1, vm0, $0x4038;
	[tilespmem:$0x3E80] =	vst v63  }
0x35: {  	s17 =	sadd.s32 $0x10, s17  }
0x36: {  	v2 =	vnsel vm1, $0x0, v2;
	p0 =	slt.u32 s17, $0xF90  }
.Ltmp3:
0x37: {  	s18 =	smov.u32 s15;
	v1 =	vmin.u32 v2, $0xC34FF;
	(pc) =	sbr.rel @p0 .LBB2_3-.Ltmp3, $3  }
0x38: {  	_ =	sdelay $0x1  }
0x39: {  	s16 =	sadd.s32 $0x10, s16  }
0x3a: {  	vm1 =	vgt.s32 v0, $0x0;
	s15 =	sadd.s32 $0x10, s15;
	v2 =	vmov v0;
	(ifvalue) =	ssetifvalue $0x7FFFFFFF;
	v0 =	vld.msk [tilespmem:s16+$0x0 ss:$0x1], $0xffff  }
.Ltmp4:
0x3b: {  	_ = 	snop;
	(pc) =	sbr.rel .LBB2_4-.Ltmp4, $1  }
0x3c: {  	_ =	sdelay $0x3  }
.LBB2_6:
0x3d: {  	_ =	sfence.sel $0x180000  }
0x3e: {  	s2 =	simm.s32 $0x2;
	[bflag:$0x0] =	sbarrier.arrive $0xFFFF  }
0x3f: {  	s30 =	simm.s32 $0x3;
	[sflag:s2] =	ssyncpa.u1 $0x1  }
0x40: {  	s31 =	simm.s32 $0x1;
	[sflag:s30] =	ssyncpa.u1 $0x1  }
0x41: {  	[sflag:s31] =	ssyncpa.u1 $0x1  }
0x42: {  	p0 =	sne.s32 s1, $0x0;
	_ =	strace $0x90000050  }
0x43: {  	s0 =	sadd.s32 @!p0 $0x100000, s0;
	[bflag:$0x2] =	sbarrier.arrive $0xFFFF  }
0x44: {  	[sflag:s0] =	ssyncadd.tile.s32 @!p0 $0x1;
	_ =	shalt  }
.Lfunc_end2:
_tile_overlayer_lowered:
.L_overlay_start_2:
0x45: {  	(tag) =	ssettag $0x2  }
0x46: {  	s0 =	rddreg [dreg:$0x0];
	s2 =	stileid.u32  }
0x47: {  	s1 =	rddreg [dreg:$0x1];
	p0 =	sne.s32 s2, $0x0  }
0x48: {  	s3 =	rddreg [dreg:$0x2];
	[bflag:$0x3] =	sbarrier.arrive $0xFFFF;
	s2 =	simm.s32 @!p0 $0x1C01  }
0x49: {  	[timem:s3], [sflag:s2] =	dma.local @!p0 [hbm:s0], s1  }
0x4a: {  	s0 =	simm.s32 @!p0 $0x1  }
0x4b: {  	_ =	swait.ge @!p0 [sflag:s0], s1  }
0x4c: {  	s1 =	ssub.s32 @!p0 $0x0, s1;
	[sflag:s0] =	ssyncset.done @!p0 $0x0  }
0x4d: {  	[sflag:s0] =	ssyncadd.s32 @!p0 s1  }
0x4e: {  	[bflag:$0x3] =	sbarrier.arrive $0xFFFF  }
0x4f: {  	_ =	shalt  }

// kernel: gather_offload_async_start.4
scs
__scs_entry_jumppad:
0x0: {  	(pc) =	sbr.rel $0x88, $3  }
0x1: {  	(tag) =	ssettag $0x0;
	lr =	simm.s32 $0x1  }
0x2: {  	[smem:$0x3F91] =	sst lr;
	_ =	strace $0xD0000000  }
0x3: {  	_ = 	snop  }
0x4: {  	_ = 	snop  }
0x5: {  	_ = 	snop  }
0x6: {  	_ = 	snop  }
0x7: {  	_ = 	snop  }
__scs_overlays_trampoline_lowered:
0x8: {  	[smem:$0x3FA0] =	sst s0  }
0x9: {  	[smem:$0x3FA1] =	sst s1  }
0xa: {  	[smem:$0x3FA2] =	sst s2  }
0xb: {  	[smem:$0x3FA3] =	sst s3  }
0xc: {  	[smem:$0x3FA4] =	sst s4  }
0xd: {  	[smem:$0x3FA5] =	sst s5  }
0xe: {  	[smem:$0x3FA6] =	sst s6  }
0xf: {  	[smem:$0x3FA7] =	sst s7  }
0x10: {  	[smem:$0x3FA8] =	sst s8  }
0x11: {  	[smem:$0x3FA9] =	sst s9;
	s0 =	simm.s32 @!p0 $0x0  }
0x12: {  	s1 =	sld [smem:$0x3F8F];
	s0 =	simm.s32 @p0 $0x1  }
0x13: {  	[smem:$0x3FAA] =	sst s0;
	s0 =	simm.s32 @!p1 $0x0  }
0x14: {  	s2 =	sld [smem:$0x3F8E];
	s0 =	simm.s32 @p1 $0x1  }
0x15: {  	[smem:$0x3FAB] =	sst s0;
	s0 =	simm.s32 @!p2 $0x0  }
0x16: {  	s3 =	sld [smem:$0x3FDB];
	s0 =	simm.s32 @p2 $0x1  }
0x17: {  	s4 =	simm.s32 $0x1BF5;
	[smem:$0x3FAD] =	sst s0  }
0x18: {  	s0 =	sld [smem:$0x3F90];
	_ =	swait.ge [sflag:s4], $0x0  }
0x19: {  	s7 =	sld [smem:$0x3F91]  }
0x1a: {  	s8 =	sadd.s32 $0xFFFFE003, lr  }
0x1b: {  	s9 =	sadd.s32 $0xFFFFFEF7, lr;
	s5 =	simm.s32 $0xFFFFFFFF;
	p2 =	slt.u32 s8, $0xFFFFF086  }
0x1c: {  	p1 =	slt.u32 s9, $0xF7A;
	s5 =	simm.s32 @!p2 $0x0  }
0x1d: {  	s5 =	simm.s32 @p1 $0x1;
	p0 =	seq.s32 s7, s2  }
0x1e: {  	s7 =	smul.u32 @!p0 $0xF7A, s2;
	p2 =	seq.s32 @!p0 s5, $0x0  }
0x1f: {  	s9 =	smul.u32 $0xF7A, s1;
	s8 =	simm.s32 @!p0 $0x1BF5;
	p2 =	por !p2, p0  }
0x20: {  	[sflag:s8] =	ssyncset.s32 @!p0 $0xFFFFF086;
	s6 =	sadd.s32 @!p0 s3, s7;
	s7 =	simm.s32 @!p0 $0x108  }
0x21: {  	s3 =	sadd.s32 s3, s9;
	s6 =	sadd.s32 @!p0 $0x88, s6;
	s7 =	simm.s32 @p2 $0x1082  }
0x22: {  	[simem:s7], [sflag:s8] =	dma.local @!p0 [hbm:s6], $0xF7A  }
0x23: {  	s9 =	sor.u32 $0xD0000000, s2;
	s6 =	simm.s32 $0x108;
	_ =	swait.ge @!p0 [sflag:s8], $0x0  }
0x24: {  	s3 =	sadd.s32 $0x88, s3;
	s6 =	simm.s32 @!p1 $0x1082;
	[sflag:s4] =	ssyncset.s32 $0xFFFFF086  }
0x25: {  	[simem:s6], [sflag:s4] =	dma.local [hbm:s3], $0xF7A  }
0x26: {  	[smem:$0x3F91] =	sst s1;
	(tag) =	ssettag s2;
	_ =	strace s9  }
0x27: {  	s1 =	sld [smem:$0x3FA1]  }
0x28: {  	s2 =	sld [smem:$0x3FA2]  }
0x29: {  	s4 =	sld [smem:$0x3FA4]  }
0x2a: {  	p0 =	seq.s32 s5, $0x0;
	s5 =	sld [smem:$0x3FA5]  }
0x2b: {  	s6 =	sld [smem:$0x3FA6]  }
0x2c: {  	s7 =	sld [smem:$0x3FA7]  }
0x2d: {  	s3 =	simm.s32 $0x108;
	s8 =	sld [smem:$0x3FA8]  }
0x2e: {  	s3 =	simm.s32 @!p0 $0x1082;
	s9 =	sld [smem:$0x3FA9]  }
0x2f: {  	lr =	sadd.s32 s0, s3;
	s0 =	sld [smem:$0x3FA0]  }
0x30: {  	s3 =	sld [smem:$0x3FA3]  }
0x31: {  	[smem:$0x3FAC] =	sst s10  }
0x32: {  	s10 =	sld [smem:$0x3FAA];
	_ =	sdelay $0x3  }
0x33: {  	p0 =	seq.s32 s10, $0x1;
	s10 =	sld [smem:$0x3FAC];
	_ =	sdelay $0x3  }
0x34: {  	[smem:$0x3FAC] =	sst s10  }
0x35: {  	s10 =	sld [smem:$0x3FAB];
	_ =	sdelay $0x3  }
0x36: {  	p1 =	seq.s32 s10, $0x1;
	s10 =	sld [smem:$0x3FAC];
	_ =	sdelay $0x3  }
0x37: {  	[smem:$0x3FAC] =	sst s10  }
0x38: {  	s10 =	sld [smem:$0x3FAD]  }
0x39: {  	_ = 	snop;
	(pc) =	sbr.ind lr, $3  }
0x3a: {  	_ = 	snop  }
0x3b: {  	_ = 	snop  }
0x3c: {  	p2 =	seq.s32 s10, $0x1;
	s10 =	sld [smem:$0x3FAC]  }
0x3d: {  	_ =	shalt  }
0x3e: {  	_ =	shalt  }
0x3f: {  	_ =	shalt  }
0x40: {  	_ =	shalt  }
0x41: {  	_ =	shalt  }
0x42: {  	_ =	shalt  }
0x43: {  	_ =	shalt  }
0x44: {  	_ =	shalt  }
0x45: {  	_ =	shalt  }
0x46: {  	_ =	shalt  }
0x47: {  	_ =	shalt  }
0x48: {  	_ =	shalt  }
0x49: {  	_ =	shalt  }
0x4a: {  	_ =	shalt  }
0x4b: {  	_ =	shalt  }
0x4c: {  	_ =	shalt  }
0x4d: {  	_ =	shalt  }
0x4e: {  	_ =	shalt  }
0x4f: {  	_ =	shalt  }
0x50: {  	_ =	shalt  }
0x51: {  	_ =	shalt  }
0x52: {  	_ =	shalt  }
0x53: {  	_ =	shalt  }
0x54: {  	_ =	shalt  }
0x55: {  	_ =	shalt  }
0x56: {  	_ =	shalt  }
0x57: {  	_ =	shalt  }
0x58: {  	_ =	shalt  }
0x59: {  	_ =	shalt  }
0x5a: {  	_ =	shalt  }
0x5b: {  	_ =	shalt  }
0x5c: {  	_ =	shalt  }
0x5d: {  	_ =	shalt  }
0x5e: {  	_ =	shalt  }
0x5f: {  	_ =	shalt  }
0x60: {  	_ =	shalt  }
0x61: {  	_ =	shalt  }
0x62: {  	_ =	shalt  }
0x63: {  	_ =	shalt  }
0x64: {  	_ =	shalt  }
0x65: {  	_ =	shalt  }
0x66: {  	_ =	shalt  }
0x67: {  	_ =	shalt  }
0x68: {  	_ =	shalt  }
0x69: {  	_ =	shalt  }
0x6a: {  	_ =	shalt  }
0x6b: {  	_ =	shalt  }
0x6c: {  	_ =	shalt  }
0x6d: {  	_ =	shalt  }
0x6e: {  	_ =	shalt  }
0x6f: {  	_ =	shalt  }
0x70: {  	_ =	shalt  }
0x71: {  	_ =	shalt  }
0x72: {  	_ =	shalt  }
0x73: {  	_ =	shalt  }
0x74: {  	_ =	shalt  }
0x75: {  	_ =	shalt  }
0x76: {  	_ =	shalt  }
0x77: {  	_ =	shalt  }
0x78: {  	_ =	shalt  }
0x79: {  	_ =	shalt  }
0x7a: {  	_ =	shalt  }
0x7b: {  	_ =	shalt  }
0x7c: {  	_ =	shalt  }
0x7d: {  	_ =	shalt  }
0x7e: {  	_ =	shalt  }
0x7f: {  	_ =	shalt  }
0x80: {  	_ =	shalt  }
0x81: {  	_ =	shalt  }
0x82: {  	_ =	shalt  }
0x83: {  	_ =	shalt  }
0x84: {  	_ =	shalt  }
0x85: {  	_ =	shalt  }
0x86: {  	_ =	shalt  }
0x87: {  	_ =	shalt  }
.Lfunc_end0:
.L_simem_size_0:
called_computation.6_lowered:
.L_overlay_start_0:
0x88: {  	s2 =	sld [smem:$0x3FD9]  }
0x89: {  	s3 =	sld [smem:$0x3FFE];
	_ =	sdelay $0x1  }
0x8a: {  	s1 =	srdreg.scid  }
0x8b: {  	s0 =	sand.u32 $0x1, s1  }
0x8c: {  	s15 =	sshll.u32 s0, $0xA;
	s2 =	sadd.s32 s3, s2  }
0x8d: {  	s2 =	sadd.s32 s2, s15  }
0x8e: {  	[smem:$0x3FB8] =	sst s2  }
0x8f: {  	_ = 	snop  }
0x90: {  	s2 =	sld [smem:$0x3FD0];
	_ =	sdelay $0x2  }
0x91: {  	s16 =	simm.s32 $0xF;
	s4 =	simm.s32 $0x10  }
0x92: {  	[smem:s4], [sflag:s16] =	dma.local [hbm:s2], $0x1  }
0x93: {  	_ =	swait.eq [sflag:s16], $0x1  }
0x94: {  	[sflag:s16] =	ssyncset.done $0x0  }
0x95: {  	[sflag:s16] =	ssyncadd.s32 $0xFFFFFFFF  }
0x96: {  	s17 =	sld [smem:$0x12];
	(tm) =	ssettm $0x1  }
0x97: {  	s18 =	sld [smem:$0x3FFB];
	_ =	sdelay $0x3  }
0x98: {  	_ =	strace s18  }
0x99: {  	s2 =	sld [smem:$0x3FFC];
	_ =	sdelay $0x3  }
0x9a: {  	_ =	strace s2  }
0x9b: {  	s2 =	sld [smem:$0x3FFD];
	_ =	sdelay $0x3  }
0x9c: {  	_ =	strace s2  }
0x9d: {  	_ =	strace $0x8FFFFFFF  }
0x9e: {  	s19 =	sld [smem:$0x3FDB];
	_ =	sdelay $0x1  }
0x9f: {  	s20 =	simm.s32 $_scs_section_size  }
0xa0: {  	s5 =	simm.s32 $_size__tile_overlayer_lowered;
	s6 =	simm.s32 $_tile_overlayer_lowered  }
0xa1: {  	s7 =	simm.s32 $0x1BFF;
	s21 =	sshll.u32 s6, $0x1;
	s4 =	sadd.s32 s20, s19  }
0xa2: {  	s22 =	simm.s32 $0x0;
	s5 =	sshll.u32 s5, $0x1;
	s6 =	sadd.s32 s21, s4  }
0xa3: {  	[timem:s22], [sflag:s7] =	dma.local [hbm:s6], s5  }
0xa4: {  	_ =	swait.ge [sflag:s7], s5  }
0xa5: {  	s5 =	ssub.s32 $0x0, s5;
	[sflag:s7] =	ssyncset.done $0x0  }
0xa6: {  	[sflag:s7] =	ssyncadd.s32 s5;
	_ =	sdelay $0x1  }
0xa7: {  	s23 =	simm.s32 $0x1B8B  }
0xa8: {  	_ =	swait.ge [sflag:s23], $0x1  }
0xa9: {  	[sflag:s23] =	ssyncset.done $0x0  }
0xaa: {  	[sflag:s23] =	ssyncadd.s32 $0xFFFFFFFF  }
0xab: {  	s5 =	sld [smem:$0x0]  }
0xac: {  	s6 =	sand.u32 $0xFFFFFFFE, s1  }
0xad: {  	p0 =	sne.s32 s1, s6  }
0xae: {  	s6 =	sshll.u32 @p0 s6, $0xE  }
0xaf: {  	s6 =	sadd.s32 @p0 $0x11B8D, s6;
	s7 =	sshll.u32 @p0 s5, $0x11  }
0xb0: {  	s6 =	sor.u32 @p0 s7, s6  }
0xb1: {  	[sflag:s6] =	ssyncadd.remote.s32 @p0 $0x1;
	_ =	sdelay $0x1  }
0xb2: {  	s6 =	simm.s32 @p0 $0x1B8D  }
0xb3: {  	_ =	swait.eq @p0 [sflag:s6], $0x1  }
0xb4: {  	[sflag:s6] =	ssyncadd.s32 @p0 $0xFFFFFFFF  }
0xb5: {  	s7 =	sshll.u32 @!p0 s1, $0xE  }
0xb6: {  	s7 =	sor.u32 @!p0 $0x4000, s7;
	s6 =	simm.s32 @!p0 $0x1B8D  }
0xb7: {  	s5 =	sshll.u32 @!p0 s5, $0x11;
	s7 =	sadd.s32 @!p0 $0x11B8D, s7;
	_ =	swait.eq @!p0 [sflag:s6], $0x1  }
0xb8: {  	s5 =	sor.u32 @!p0 s5, s7;
	[sflag:s6] =	ssyncadd.s32 @!p0 $0xFFFFFFFF  }
0xb9: {  	s25 =	simm.s32 $0x1B8E;
	s24 =	sld [smem:$0x3FFE];
	[sflag:s5] =	ssyncadd.remote.s32 @!p0 $0x1  }
0xba: {  	s26 =	simm.s32 $execute0_lowered;
	[smem:$0x3FD2] =	sst s25  }
0xbb: {  	s6 =	sshll.u32 s26, $0x1;
	_ =	strace $0x8000005E;
	[dreg:$0x1] =	wrdreg $0xFFFFFFFF  }
0xbc: {  	s28 =	simm.s32 $_size_execute0_lowered;
	s4 =	sadd.s32 s4, s6;
	[dreg:$0x0] =	wrdreg $0x0  }
0xbd: {  	s6 =	sshll.u32 s28, $0x1;
	[dreg:$0x2] =	wrdreg s4  }
0xbe: {  	[dreg:$0x3] =	wrdreg s6  }
0xbf: {  	[dreg:$0x4] =	wrdreg $0xC0  }
0xc0: {  	_ =	task [dreg:s22], $0x5FFFF  }
0xc1: {  	[dreg:$0x1] =	wrdreg $0xFFFFFFFF  }
0xc2: {  	[dreg:$0x0] =	wrdreg $0x60  }
0xc3: {  	[dreg:$0x2] =	wrdreg s24  }
0xc4: {  	[dreg:$0x3] =	wrdreg s17  }
0xc5: {  	[dreg:$0x4] =	wrdreg $0xA  }
0xc6: {  	_ =	task.clear_ibuf [dreg:s22], $0x5FFFF;
	_ =	strace $0x9000005E  }
0xc7: {  	s29 =	simm.s32 $0xA;
	_ =	strace $0x80000060  }
0xc8: {  	_ =	swait.ge [sflag:s29], $0x1  }
0xc9: {  	[sflag:s29] =	ssyncadd.s32 $0xFFFFFFFF  }
0xca: {  	_ =	strace $0x90000060  }
0xcb: {  	_ =	sfence  }
0xcc: {  	s30 =	sld [smem:$0x0];
	_ =	sdelay $0x2  }
0xcd: {  	s31 =	sshll.u32 s1, $0xD;
	s1 =	sshrl.u32 s1, $0x2  }
0xce: {  	s4 =	sand.u32 $0x4000, s31;
	s1 =	sadd.s32 s1, s30  }
0xcf: {  	s0 =	sor.u32 s4, s0;
	s1 =	sshll.u32 s1, $0x11  }
0xd0: {  	s0 =	sor.u32 s1, s0  }
0xd1: {  	s0 =	sadd.s32 $0x8F2B, s0  }
0xd2: {  	[sflag:s0] =	ssyncadd.remote.s32 $0x1  }
0xd3: {  	_ =	sfence.sel $0xFFFF  }
0xd4: {  	[dreg:$0x0] =	wrdreg $0xFFFFFFFF;
	(pc) =	sbr.abs _section_cstart, $3  }
0xd5: {  	[dreg:$0x1] =	wrdreg $0xFFFFFFFF  }
0xd6: {  	_ =	task.clear_ibuf [dreg:s22], $0x2FFFF;
	_ =	strace $0x9FFFFFFF  }
0xd7: {  	(tm) =	ssettm $0x7FFFFFFF  }
tec
execute0_lowered:
.L_overlay_start_1:
0x0: {  	(tag) =	ssettag $0x1  }
0x1: {  	s2 =	rddreg [dreg:$0x0]  }
0x2: {  	s3 =	rddreg [dreg:$0x1];
	s1 =	stileid.u32  }
0x3: {  	s4 =	srdreg.scid;
	s0 =	rddreg [dreg:$0x2];
	_ =	strace $0x8000005F  }
0x4: {  	s7 =	simm.s32 $0x1;
	s8 =	simm.s32 $0x1;
	s9 =	simm.s32 $0x3  }
0x5: {  	s10 =	simm.s32 $0x0;
	s5 =	sand.u32 $0x1, s4;
	s6 =	sshll.u32 s1, $0x1  }
0x6: {  	s13 =	simm.s32 $0x0;
	s4 =	simm.s32 $0x1;
	s5 =	sor.u32 s6, s5  }
.Ltmp0:
0x7: {  	[sflag:s4] =	ssyncpa.u1 $0x0;
	p0 =	slt.u32 s5, $0x9;
	(pc) =	sbr.rel .LBB2_1-.Ltmp0, $4  }
0x8: {  	s6 =	simm.s32 $0x2;
	s7 =	simm.s32 @!p0 $0x0;
	p0 =	sne.s32 s5, $0x8  }
0x9: {  	[sflag:s6] =	ssyncpa.u1 $0x0;
	s5 =	smul.u32 $0x3E80, s5;
	s8 =	simm.s32 @!p0 $0x0  }
0xa: {  	s12 =	simm.s32 $0x0;
	[sflag:s9] =	ssyncpa.u1 $0x0;
	s7 =	sadd.s32 s8, s7  }
0xb: {  	vm0 =	vmmov $0xffff;
	s8 =	sadd.s32 $0x195E600, s2;
	s11 =	smov.u32 s5;
	s9 =	sadd.s32 $0x1, s7  }
.LBB2_4:
0xc: {  	v2 =	vnsel vm1, $0x0, v2  }
0xd: {  	vm1 =	vgt.s32 v0, $0x0;
	v2 =	vmin.u32 v2, $0xC34FF  }
0xe: {  	v0 =	vnsel vm1, $0x0, v0  }
0xf: {  	v0 =	vmin.u32 v0, $0xC34FF  }
0x10: {  	[tilespmem:s18], [sflag:$0x1] =	stream.indirect_vreg.gather [hbm4b:s8+s10], $0x1, v1, vm0, $0x4038;
	[tilespmem:$0xFA00] =	vst v63  }
0x11: {  	(ifvalue) =	ssetifvalue $0x7FFFFFFF  }
0x12: {  	[tilespmem:s15], [sflag:$0x1] =	stream.indirect_vreg.gather [hbm4b:s8+s10], $0x1, v2, vm0, $0x4038;
	[tilespmem:$0xFA00] =	vst v63  }
0x13: {  	s29 =	sadd.s32 $0x10, s15;
	(ifvalue) =	ssetifvalue $0x7FFFFFFF  }
0x14: {  	[tilespmem:s29], [sflag:$0x1] =	stream.indirect_vreg.gather [hbm4b:s8+s10], $0x1, v0, vm0, $0x4038;
	[tilespmem:$0xFA00] =	vst v63  }
0x15: {  	_ =	swait.ge [sflag:s4], $0x3E80  }
0x16: {  	s30 =	sshrl.u32 s13, $0x3;
	[sflag:s4] =	ssyncset.done $0x0  }
0x17: {  	s31 =	sand.u32 $0x7, s13;
	s15 =	sadd.s32 s3, s30;
	[sflag:s4] =	ssyncadd.s32 $0xFFFFC180  }
0x18: {  	[hbm4b:s15+s31] =	stream.linear.scatter [tilespmem:s14], [sflag:$0x3], $0x3E80, $0x38;
	[tilespmem:$0xFA00] =	vst v63  }
.LBB2_5:
0x19: {  	s15 =	sadd.s32 $0x7D000, s11  }
0x1a: {  	p1 =	sgt.s32 s15, $0x9C3FF  }
0x1b: {  	s15 =	smov.u32 @p1 s5;
	p1 =	sne.s32 s12, s9  }
.Ltmp1:
0x1c: {  	p0 =	slt.u32 s12, $0x2;
	(pc) =	sbr.rel @!p1 .LBB2_6-.Ltmp1, $4  }
0x1d: {  	s14 =	simm.s32 @!p0 $0x3  }
0x1e: {  	_ =	swait.ge @!p0 [sflag:s14], $0x3E80  }
0x1f: {  	s16 =	sadd.s32 $0x1, s12;
	s13 =	smov.u32 s11;
	[sflag:s14] =	ssyncset.done @!p0 $0x0  }
0x20: {  	s12 =	smov.u32 s16;
	s11 =	smov.u32 s15;
	[sflag:s14] =	ssyncadd.s32 @!p0 $0xFFFFC180  }
.LBB2_1:
0x21: {  	p0 =	sge.u32 s12, s7  }
0x22: {  	s14 =	sxor.u32 @!p0 $0x1, s12  }
0x23: {  	s14 =	smul.u32 @!p0 $0xFA00, s14  }
0x24: {  	s31 =	sadd.s32 $0xFFFFFFFF, s12;
	s15 =	sshrl.u32 @!p0 s11, $0x3  }
0x25: {  	s16 =	sand.u32 @!p0 $0x7, s11;
	s15 =	sadd.s32 @!p0 s2, s15;
	s14 =	sshra.s32 @!p0 s14, $0x2  }
0x26: {  	[tilespmem:s14], [sflag:$0x2] =	stream.linear.gather @!p0 [hbm4b:s15+s16], $0x3E80, $0x38;
	[tilespmem:$0xFA00] =	vst v63  }
0x27: {  	p0 =	sge.u32 s31, s7  }
.Ltmp2:
0x28: {  	_ = 	snop;
	(pc) =	sbr.rel @p0 .LBB2_5-.Ltmp2, $1  }
0x29: {  	_ =	sdelay $0x3  }
0x2a: {  	s14 =	sand.u32 $0x1, s12  }
0x2b: {  	_ =	swait.ge [sflag:s6], $0x3E80;
	p0 =	seq.s32 s14, $0x1;
	s14 =	simm.s32 $0x3E80  }
0x2c: {  	[sflag:s6] =	ssyncset.done $0x0;
	s14 =	simm.s32 @!p0 $0x0  }
0x2d: {  	[sflag:s6] =	ssyncadd.s32 $0xFFFFC180;
	(ifvalue) =	ssetifvalue $0x7FFFFFFF;
	v0 =	vld.msk [tilespmem:s14+$0x0 ss:$0x1], $0xffff;
	_ =	sdelay $0x4  }
0x2e: {  	s15 =	sadd.s32 $0x10, s14;
	vm1 =	vgt.s32 v0, $0x0  }
0x2f: {  	v2 =	vld.msk [tilespmem:s15+$0x0 ss:$0x1], $0xffff;
	v1 =	vnsel vm1, $0x0, v0  }
0x30: {  	v1 =	vmin.u32 v1, $0xC34FF;
	_ =	sdelay $0x2  }
0x31: {  	s17 =	simm.s32 $0x20;
	s14 =	sadd.s32 $0x7D00, s14;
	s16 =	sadd.s32 $0x10, s15  }
0x32: {  	s15 =	sadd.s32 $0x10, s14;
	s18 =	smov.u32 s14;
	v0 =	vld.msk [tilespmem:s16+$0x0 ss:$0x1], $0xffff;
	vm1 =	vgt.s32 v2, $0x0;
	(ifvalue) =	ssetifvalue $0x7FFFFFFF  }
.LBB2_3:
0x33: {  	[tilespmem:s18], [sflag:$0x1] =	stream.indirect_vreg.gather [hbm4b:s8+s10], $0x1, v1, vm0, $0x4038;
	[tilespmem:$0xFA00] =	vst v63  }
0x34: {  	s17 =	sadd.s32 $0x10, s17  }
0x35: {  	v2 =	vnsel vm1, $0x0, v2;
	p0 =	slt.u32 s17, $0x3E70  }
.Ltmp3:
0x36: {  	s18 =	smov.u32 s15;
	v1 =	vmin.u32 v2, $0xC34FF;
	(pc) =	sbr.rel @p0 .LBB2_3-.Ltmp3, $3  }
0x37: {  	_ =	sdelay $0x1  }
0x38: {  	s16 =	sadd.s32 $0x10, s16  }
0x39: {  	vm1 =	vgt.s32 v0, $0x0;
	s15 =	sadd.s32 $0x10, s15;
	v2 =	vmov v0;
	(ifvalue) =	ssetifvalue $0x7FFFFFFF;
	v0 =	vld.msk [tilespmem:s16+$0x0 ss:$0x1], $0xffff  }
.Ltmp4:
0x3a: {  	_ = 	snop;
	(pc) =	sbr.rel .LBB2_4-.Ltmp4, $1  }
0x3b: {  	_ =	sdelay $0x3  }
.LBB2_6:
0x3c: {  	_ =	sfence.sel $0x180000  }
0x3d: {  	s2 =	simm.s32 $0x2;
	[bflag:$0x0] =	sbarrier.arrive $0xFFFF  }
0x3e: {  	s30 =	simm.s32 $0x3;
	[sflag:s2] =	ssyncpa.u1 $0x1  }
0x3f: {  	s31 =	simm.s32 $0x1;
	[sflag:s30] =	ssyncpa.u1 $0x1  }
0x40: {  	[sflag:s31] =	ssyncpa.u1 $0x1  }
0x41: {  	p0 =	sne.s32 s1, $0x0;
	_ =	strace $0x9000005F  }
0x42: {  	s0 =	sadd.s32 @!p0 $0x100000, s0;
	[bflag:$0x2] =	sbarrier.arrive $0xFFFF  }
0x43: {  	[sflag:s0] =	ssyncadd.tile.s32 @!p0 $0x1;
	_ =	shalt  }
.Lfunc_end2:
_tile_overlayer_lowered:
.L_overlay_start_2:
0x44: {  	(tag) =	ssettag $0x2  }
0x45: {  	s0 =	rddreg [dreg:$0x0];
	s2 =	stileid.u32  }
0x46: {  	s1 =	rddreg [dreg:$0x1];
	p0 =	sne.s32 s2, $0x0  }
0x47: {  	s3 =	rddreg [dreg:$0x2];
	[bflag:$0x3] =	sbarrier.arrive $0xFFFF;
	s2 =	simm.s32 @!p0 $0x1C01  }
0x48: {  	[timem:s3], [sflag:s2] =	dma.local @!p0 [hbm:s0], s1  }
0x49: {  	s0 =	simm.s32 @!p0 $0x1  }
0x4a: {  	_ =	swait.ge @!p0 [sflag:s0], s1  }
0x4b: {  	s1 =	ssub.s32 @!p0 $0x0, s1;
	[sflag:s0] =	ssyncset.done @!p0 $0x0  }
0x4c: {  	[sflag:s0] =	ssyncadd.s32 @!p0 s1  }
0x4d: {  	[bflag:$0x3] =	sbarrier.arrive $0xFFFF  }
0x4e: {  	_ =	shalt  }

// kernel: gather_offload_async_start.5
scs
__scs_entry_jumppad:
0x0: {  	(pc) =	sbr.rel $0x88, $3  }
0x1: {  	(tag) =	ssettag $0x0;
	lr =	simm.s32 $0x1  }
0x2: {  	[smem:$0x3F91] =	sst lr;
	_ =	strace $0xD0000000  }
0x3: {  	_ = 	snop  }
0x4: {  	_ = 	snop  }
0x5: {  	_ = 	snop  }
0x6: {  	_ = 	snop  }
0x7: {  	_ = 	snop  }
__scs_overlays_trampoline_lowered:
0x8: {  	[smem:$0x3FA0] =	sst s0  }
0x9: {  	[smem:$0x3FA1] =	sst s1  }
0xa: {  	[smem:$0x3FA2] =	sst s2  }
0xb: {  	[smem:$0x3FA3] =	sst s3  }
0xc: {  	[smem:$0x3FA4] =	sst s4  }
0xd: {  	[smem:$0x3FA5] =	sst s5  }
0xe: {  	[smem:$0x3FA6] =	sst s6  }
0xf: {  	[smem:$0x3FA7] =	sst s7  }
0x10: {  	[smem:$0x3FA8] =	sst s8  }
0x11: {  	[smem:$0x3FA9] =	sst s9;
	s0 =	simm.s32 @!p0 $0x0  }
0x12: {  	s1 =	sld [smem:$0x3F8F];
	s0 =	simm.s32 @p0 $0x1  }
0x13: {  	[smem:$0x3FAA] =	sst s0;
	s0 =	simm.s32 @!p1 $0x0  }
0x14: {  	s2 =	sld [smem:$0x3F8E];
	s0 =	simm.s32 @p1 $0x1  }
0x15: {  	[smem:$0x3FAB] =	sst s0;
	s0 =	simm.s32 @!p2 $0x0  }
0x16: {  	s3 =	sld [smem:$0x3FDB];
	s0 =	simm.s32 @p2 $0x1  }
0x17: {  	s4 =	simm.s32 $0x1BF5;
	[smem:$0x3FAD] =	sst s0  }
0x18: {  	s0 =	sld [smem:$0x3F90];
	_ =	swait.ge [sflag:s4], $0x0  }
0x19: {  	s7 =	sld [smem:$0x3F91]  }
0x1a: {  	s8 =	sadd.s32 $0xFFFFE003, lr  }
0x1b: {  	s9 =	sadd.s32 $0xFFFFFEF7, lr;
	s5 =	simm.s32 $0xFFFFFFFF;
	p2 =	slt.u32 s8, $0xFFFFF086  }
0x1c: {  	p1 =	slt.u32 s9, $0xF7A;
	s5 =	simm.s32 @!p2 $0x0  }
0x1d: {  	s5 =	simm.s32 @p1 $0x1;
	p0 =	seq.s32 s7, s2  }
0x1e: {  	s7 =	smul.u32 @!p0 $0xF7A, s2;
	p2 =	seq.s32 @!p0 s5, $0x0  }
0x1f: {  	s9 =	smul.u32 $0xF7A, s1;
	s8 =	simm.s32 @!p0 $0x1BF5;
	p2 =	por !p2, p0  }
0x20: {  	[sflag:s8] =	ssyncset.s32 @!p0 $0xFFFFF086;
	s6 =	sadd.s32 @!p0 s3, s7;
	s7 =	simm.s32 @!p0 $0x108  }
0x21: {  	s3 =	sadd.s32 s3, s9;
	s6 =	sadd.s32 @!p0 $0x88, s6;
	s7 =	simm.s32 @p2 $0x1082  }
0x22: {  	[simem:s7], [sflag:s8] =	dma.local @!p0 [hbm:s6], $0xF7A  }
0x23: {  	s9 =	sor.u32 $0xD0000000, s2;
	s6 =	simm.s32 $0x108;
	_ =	swait.ge @!p0 [sflag:s8], $0x0  }
0x24: {  	s3 =	sadd.s32 $0x88, s3;
	s6 =	simm.s32 @!p1 $0x1082;
	[sflag:s4] =	ssyncset.s32 $0xFFFFF086  }
0x25: {  	[simem:s6], [sflag:s4] =	dma.local [hbm:s3], $0xF7A  }
0x26: {  	[smem:$0x3F91] =	sst s1;
	(tag) =	ssettag s2;
	_ =	strace s9  }
0x27: {  	s1 =	sld [smem:$0x3FA1]  }
0x28: {  	s2 =	sld [smem:$0x3FA2]  }
0x29: {  	s4 =	sld [smem:$0x3FA4]  }
0x2a: {  	p0 =	seq.s32 s5, $0x0;
	s5 =	sld [smem:$0x3FA5]  }
0x2b: {  	s6 =	sld [smem:$0x3FA6]  }
0x2c: {  	s7 =	sld [smem:$0x3FA7]  }
0x2d: {  	s3 =	simm.s32 $0x108;
	s8 =	sld [smem:$0x3FA8]  }
0x2e: {  	s3 =	simm.s32 @!p0 $0x1082;
	s9 =	sld [smem:$0x3FA9]  }
0x2f: {  	lr =	sadd.s32 s0, s3;
	s0 =	sld [smem:$0x3FA0]  }
0x30: {  	s3 =	sld [smem:$0x3FA3]  }
0x31: {  	[smem:$0x3FAC] =	sst s10  }
0x32: {  	s10 =	sld [smem:$0x3FAA];
	_ =	sdelay $0x3  }
0x33: {  	p0 =	seq.s32 s10, $0x1;
	s10 =	sld [smem:$0x3FAC];
	_ =	sdelay $0x3  }
0x34: {  	[smem:$0x3FAC] =	sst s10  }
0x35: {  	s10 =	sld [smem:$0x3FAB];
	_ =	sdelay $0x3  }
0x36: {  	p1 =	seq.s32 s10, $0x1;
	s10 =	sld [smem:$0x3FAC];
	_ =	sdelay $0x3  }
0x37: {  	[smem:$0x3FAC] =	sst s10  }
0x38: {  	s10 =	sld [smem:$0x3FAD]  }
0x39: {  	_ = 	snop;
	(pc) =	sbr.ind lr, $3  }
0x3a: {  	_ = 	snop  }
0x3b: {  	_ = 	snop  }
0x3c: {  	p2 =	seq.s32 s10, $0x1;
	s10 =	sld [smem:$0x3FAC]  }
0x3d: {  	_ =	shalt  }
0x3e: {  	_ =	shalt  }
0x3f: {  	_ =	shalt  }
0x40: {  	_ =	shalt  }
0x41: {  	_ =	shalt  }
0x42: {  	_ =	shalt  }
0x43: {  	_ =	shalt  }
0x44: {  	_ =	shalt  }
0x45: {  	_ =	shalt  }
0x46: {  	_ =	shalt  }
0x47: {  	_ =	shalt  }
0x48: {  	_ =	shalt  }
0x49: {  	_ =	shalt  }
0x4a: {  	_ =	shalt  }
0x4b: {  	_ =	shalt  }
0x4c: {  	_ =	shalt  }
0x4d: {  	_ =	shalt  }
0x4e: {  	_ =	shalt  }
0x4f: {  	_ =	shalt  }
0x50: {  	_ =	shalt  }
0x51: {  	_ =	shalt  }
0x52: {  	_ =	shalt  }
0x53: {  	_ =	shalt  }
0x54: {  	_ =	shalt  }
0x55: {  	_ =	shalt  }
0x56: {  	_ =	shalt  }
0x57: {  	_ =	shalt  }
0x58: {  	_ =	shalt  }
0x59: {  	_ =	shalt  }
0x5a: {  	_ =	shalt  }
0x5b: {  	_ =	shalt  }
0x5c: {  	_ =	shalt  }
0x5d: {  	_ =	shalt  }
0x5e: {  	_ =	shalt  }
0x5f: {  	_ =	shalt  }
0x60: {  	_ =	shalt  }
0x61: {  	_ =	shalt  }
0x62: {  	_ =	shalt  }
0x63: {  	_ =	shalt  }
0x64: {  	_ =	shalt  }
0x65: {  	_ =	shalt  }
0x66: {  	_ =	shalt  }
0x67: {  	_ =	shalt  }
0x68: {  	_ =	shalt  }
0x69: {  	_ =	shalt  }
0x6a: {  	_ =	shalt  }
0x6b: {  	_ =	shalt  }
0x6c: {  	_ =	shalt  }
0x6d: {  	_ =	shalt  }
0x6e: {  	_ =	shalt  }
0x6f: {  	_ =	shalt  }
0x70: {  	_ =	shalt  }
0x71: {  	_ =	shalt  }
0x72: {  	_ =	shalt  }
0x73: {  	_ =	shalt  }
0x74: {  	_ =	shalt  }
0x75: {  	_ =	shalt  }
0x76: {  	_ =	shalt  }
0x77: {  	_ =	shalt  }
0x78: {  	_ =	shalt  }
0x79: {  	_ =	shalt  }
0x7a: {  	_ =	shalt  }
0x7b: {  	_ =	shalt  }
0x7c: {  	_ =	shalt  }
0x7d: {  	_ =	shalt  }
0x7e: {  	_ =	shalt  }
0x7f: {  	_ =	shalt  }
0x80: {  	_ =	shalt  }
0x81: {  	_ =	shalt  }
0x82: {  	_ =	shalt  }
0x83: {  	_ =	shalt  }
0x84: {  	_ =	shalt  }
0x85: {  	_ =	shalt  }
0x86: {  	_ =	shalt  }
0x87: {  	_ =	shalt  }
.Lfunc_end0:
.L_simem_size_0:
called_computation.7_lowered:
.L_overlay_start_0:
0x88: {  	s2 =	sld [smem:$0x3FD9]  }
0x89: {  	s3 =	sld [smem:$0x3FFE];
	_ =	sdelay $0x1  }
0x8a: {  	s1 =	srdreg.scid  }
0x8b: {  	s0 =	sand.u32 $0x1, s1  }
0x8c: {  	s15 =	sshll.u32 s0, $0xA;
	s2 =	sadd.s32 s3, s2  }
0x8d: {  	s2 =	sadd.s32 s2, s15  }
0x8e: {  	[smem:$0x3FB8] =	sst s2  }
0x8f: {  	_ = 	snop  }
0x90: {  	s2 =	sld [smem:$0x3FD0];
	_ =	sdelay $0x2  }
0x91: {  	s4 =	simm.s32 $0xF;
	s16 =	simm.s32 $0x10  }
0x92: {  	[smem:s16], [sflag:s4] =	dma.local [hbm:s2], $0x1  }
0x93: {  	_ =	swait.eq [sflag:s4], $0x1  }
0x94: {  	[sflag:s4] =	ssyncset.done $0x0  }
0x95: {  	s17 =	sld [smem:$0x12];
	[sflag:s4] =	ssyncadd.s32 $0xFFFFFFFF  }
0x96: {  	s18 =	sld [smem:$0x13];
	(tm) =	ssettm $0x1  }
0x97: {  	s19 =	sld [smem:$0x3FFB];
	_ =	sdelay $0x3  }
0x98: {  	_ =	strace s19  }
0x99: {  	s2 =	sld [smem:$0x3FFC];
	_ =	sdelay $0x3  }
0x9a: {  	_ =	strace s2  }
0x9b: {  	s2 =	sld [smem:$0x3FFD];
	_ =	sdelay $0x3  }
0x9c: {  	_ =	strace s2  }
0x9d: {  	_ =	strace $0x8FFFFFFF  }
0x9e: {  	s20 =	sld [smem:$0x3FDB];
	_ =	sdelay $0x1  }
0x9f: {  	s5 =	simm.s32 $_scs_section_size  }
0xa0: {  	s6 =	simm.s32 $_size__tile_overlayer_lowered;
	s7 =	simm.s32 $_tile_overlayer_lowered  }
0xa1: {  	s8 =	simm.s32 $0x1BFF;
	s21 =	sshll.u32 s7, $0x1;
	s5 =	sadd.s32 s5, s20  }
0xa2: {  	s22 =	simm.s32 $0x0;
	s6 =	sshll.u32 s6, $0x1;
	s7 =	sadd.s32 s21, s5  }
0xa3: {  	[timem:s22], [sflag:s8] =	dma.local [hbm:s7], s6  }
0xa4: {  	_ =	swait.ge [sflag:s8], s6  }
0xa5: {  	s6 =	ssub.s32 $0x0, s6;
	[sflag:s8] =	ssyncset.done $0x0  }
0xa6: {  	[sflag:s8] =	ssyncadd.s32 s6;
	_ =	sdelay $0x1  }
0xa7: {  	s23 =	simm.s32 $0x1B8B  }
0xa8: {  	_ =	swait.ge [sflag:s23], $0x1  }
0xa9: {  	[sflag:s23] =	ssyncset.done $0x0  }
0xaa: {  	[sflag:s23] =	ssyncadd.s32 $0xFFFFFFFF  }
0xab: {  	s6 =	sld [smem:$0x0]  }
0xac: {  	s7 =	sand.u32 $0xFFFFFFFE, s1  }
0xad: {  	p0 =	sne.s32 s1, s7  }
0xae: {  	s7 =	sshll.u32 @p0 s7, $0xE  }
0xaf: {  	s7 =	sadd.s32 @p0 $0x11B8D, s7;
	s8 =	sshll.u32 @p0 s6, $0x11  }
0xb0: {  	s7 =	sor.u32 @p0 s8, s7  }
0xb1: {  	[sflag:s7] =	ssyncadd.remote.s32 @p0 $0x1;
	_ =	sdelay $0x1  }
0xb2: {  	s7 =	simm.s32 @p0 $0x1B8D  }
0xb3: {  	_ =	swait.eq @p0 [sflag:s7], $0x1  }
0xb4: {  	[sflag:s7] =	ssyncadd.s32 @p0 $0xFFFFFFFF  }
0xb5: {  	s8 =	sshll.u32 @!p0 s1, $0xE  }
0xb6: {  	s8 =	sor.u32 @!p0 $0x4000, s8;
	s7 =	simm.s32 @!p0 $0x1B8D  }
0xb7: {  	s6 =	sshll.u32 @!p0 s6, $0x11;
	s8 =	sadd.s32 @!p0 $0x11B8D, s8;
	_ =	swait.eq @!p0 [sflag:s7], $0x1  }
0xb8: {  	s6 =	sor.u32 @!p0 s6, s8;
	[sflag:s7] =	ssyncadd.s32 @!p0 $0xFFFFFFFF  }
0xb9: {  	s25 =	simm.s32 $0x1B8E;
	s24 =	sld [smem:$0x3FFE];
	[sflag:s6] =	ssyncadd.remote.s32 @!p0 $0x1  }
0xba: {  	s26 =	simm.s32 $execute0_lowered;
	[smem:$0x3FD2] =	sst s25  }
0xbb: {  	s7 =	sshll.u32 s26, $0x1;
	_ =	strace $0x80000052;
	[dreg:$0x1] =	wrdreg $0xFFFFFFFF  }
0xbc: {  	s28 =	simm.s32 $_size_execute0_lowered;
	s5 =	sadd.s32 s5, s7;
	[dreg:$0x0] =	wrdreg $0x0  }
0xbd: {  	s7 =	sshll.u32 s28, $0x1;
	[dreg:$0x2] =	wrdreg s5  }
0xbe: {  	[dreg:$0x3] =	wrdreg s7  }
0xbf: {  	[dreg:$0x4] =	wrdreg $0xC0  }
0xc0: {  	_ =	task [dreg:s22], $0x5FFFF  }
0xc1: {  	[dreg:$0x1] =	wrdreg $0xFFFFFFFF  }
0xc2: {  	[dreg:$0x0] =	wrdreg $0x60  }
0xc3: {  	[dreg:$0x2] =	wrdreg s24  }
0xc4: {  	[dreg:$0x3] =	wrdreg s18  }
0xc5: {  	[dreg:$0x4] =	wrdreg s17  }
0xc6: {  	[dreg:$0x5] =	wrdreg $0xB  }
0xc7: {  	_ =	task.clear_ibuf [dreg:s22], $0x6FFFF;
	_ =	strace $0x90000052  }
0xc8: {  	s29 =	simm.s32 $0xB;
	_ =	strace $0x80000054  }
0xc9: {  	_ =	swait.ge [sflag:s29], $0x1  }
0xca: {  	[sflag:s29] =	ssyncadd.s32 $0xFFFFFFFF  }
0xcb: {  	_ =	strace $0x90000054  }
0xcc: {  	_ =	sfence  }
0xcd: {  	s30 =	sld [smem:$0x0];
	_ =	sdelay $0x2  }
0xce: {  	s31 =	sshll.u32 s1, $0xD;
	s1 =	sshrl.u32 s1, $0x2  }
0xcf: {  	s4 =	sand.u32 $0x4000, s31;
	s1 =	sadd.s32 s1, s30  }
0xd0: {  	s0 =	sor.u32 s4, s0;
	s1 =	sshll.u32 s1, $0x11  }
0xd1: {  	s0 =	sor.u32 s1, s0  }
0xd2: {  	s0 =	sadd.s32 $0x8F2B, s0  }
0xd3: {  	[sflag:s0] =	ssyncadd.remote.s32 $0x1  }
0xd4: {  	_ =	sfence.sel $0xFFFF  }
0xd5: {  	[dreg:$0x0] =	wrdreg $0xFFFFFFFF;
	(pc) =	sbr.abs _section_cstart, $3  }
0xd6: {  	[dreg:$0x1] =	wrdreg $0xFFFFFFFF  }
0xd7: {  	_ =	task.clear_ibuf [dreg:s22], $0x2FFFF;
	_ =	strace $0x9FFFFFFF  }
0xd8: {  	(tm) =	ssettm $0x7FFFFFFF  }
0xd9: {  	_ =	shalt  }
tec
execute0_lowered:
.L_overlay_start_1:
0x0: {  	(tag) =	ssettag $0x1  }
0x1: {  	s8 =	rddreg [dreg:$0x0]  }
0x2: {  	s2 =	rddreg [dreg:$0x1]  }
0x3: {  	s3 =	rddreg [dreg:$0x2];
	s1 =	stileid.u32  }
0x4: {  	s4 =	srdreg.scid;
	s0 =	rddreg [dreg:$0x3];
	_ =	strace $0x80000053  }
0x5: {  	s7 =	simm.s32 $0x1;
	s9 =	simm.s32 $0x1;
	s10 =	simm.s32 $0x3  }
0x6: {  	s13 =	simm.s32 $0x0;
	s5 =	sand.u32 $0x1, s4;
	s6 =	sshll.u32 s1, $0x1  }
0x7: {  	s12 =	simm.s32 $0x0;
	s4 =	simm.s32 $0x1;
	s5 =	sor.u32 s6, s5  }
.Ltmp0:
0x8: {  	[sflag:s4] =	ssyncpa.u1 $0x0;
	p0 =	slt.u32 s5, $0x9;
	(pc) =	sbr.rel .LBB2_1-.Ltmp0, $4  }
0x9: {  	s6 =	simm.s32 $0x2;
	s7 =	simm.s32 @!p0 $0x0;
	p0 =	sne.s32 s5, $0x8  }
0xa: {  	[sflag:s6] =	ssyncpa.u1 $0x0;
	s5 =	smul.u32 $0xFA0, s5;
	s9 =	simm.s32 @!p0 $0x0  }
0xb: {  	s8 =	sadd.s32 $0x195E600, s8;
	[sflag:s10] =	ssyncpa.u1 $0x0;
	s7 =	sadd.s32 s9, s7  }
0xc: {  	vm0 =	vmmov $0xffff;
	s10 =	simm.s32 $0x0;
	s11 =	smov.u32 s5;
	s9 =	sadd.s32 $0x1, s7  }
.LBB2_4:
0xd: {  	v2 =	vnsel vm1, $0x0, v2  }
0xe: {  	vm1 =	vgt.s32 v0, $0x0;
	v2 =	vmin.u32 v2, $0xC34FF  }
0xf: {  	v0 =	vnsel vm1, $0x0, v0  }
0x10: {  	v0 =	vmin.u32 v0, $0xC34FF  }
0x11: {  	[tilespmem:s18], [sflag:$0x1] =	stream.indirect_vreg.gather [hbm4b:s8+s10], $0x1, v1, vm0, $0x4038;
	[tilespmem:$0x3E80] =	vst v63  }
0x12: {  	(ifvalue) =	ssetifvalue $0x7FFFFFFF  }
0x13: {  	[tilespmem:s15], [sflag:$0x1] =	stream.indirect_vreg.gather [hbm4b:s8+s10], $0x1, v2, vm0, $0x4038;
	[tilespmem:$0x3E80] =	vst v63  }
0x14: {  	s29 =	sadd.s32 $0x10, s15;
	(ifvalue) =	ssetifvalue $0x7FFFFFFF  }
0x15: {  	[tilespmem:s29], [sflag:$0x1] =	stream.indirect_vreg.gather [hbm4b:s8+s10], $0x1, v0, vm0, $0x4038;
	[tilespmem:$0x3E80] =	vst v63  }
0x16: {  	_ =	swait.ge [sflag:s4], $0xFA0  }
0x17: {  	s30 =	sshrl.u32 s13, $0x3;
	[sflag:s4] =	ssyncset.done $0x0  }
0x18: {  	s31 =	sand.u32 $0x7, s13;
	s15 =	sadd.s32 s3, s30;
	[sflag:s4] =	ssyncadd.s32 $0xFFFFF060  }
0x19: {  	[hbm4b:s15+s31] =	stream.linear.scatter [tilespmem:s14], [sflag:$0x3], $0xFA0, $0x38;
	[tilespmem:$0x3E80] =	vst v63  }
.LBB2_5:
0x1a: {  	s15 =	sadd.s32 $0x1F400, s11  }
0x1b: {  	p1 =	sgt.s32 s15, $0x270FF  }
0x1c: {  	s15 =	smov.u32 @p1 s5;
	p1 =	sne.s32 s12, s9  }
.Ltmp1:
0x1d: {  	p0 =	slt.u32 s12, $0x2;
	(pc) =	sbr.rel @!p1 .LBB2_6-.Ltmp1, $4  }
0x1e: {  	s14 =	simm.s32 @!p0 $0x3  }
0x1f: {  	_ =	swait.ge @!p0 [sflag:s14], $0xFA0  }
0x20: {  	s16 =	sadd.s32 $0x1, s12;
	s13 =	smov.u32 s11;
	[sflag:s14] =	ssyncset.done @!p0 $0x0  }
0x21: {  	s12 =	smov.u32 s16;
	s11 =	smov.u32 s15;
	[sflag:s14] =	ssyncadd.s32 @!p0 $0xFFFFF060  }
.LBB2_1:
0x22: {  	p0 =	sge.u32 s12, s7  }
0x23: {  	s14 =	sxor.u32 @!p0 $0x1, s12  }
0x24: {  	s14 =	smul.u32 @!p0 $0x3E80, s14  }
0x25: {  	s31 =	sadd.s32 $0xFFFFFFFF, s12;
	s15 =	sshrl.u32 @!p0 s11, $0x3  }
0x26: {  	s16 =	sand.u32 @!p0 $0x7, s11;
	s15 =	sadd.s32 @!p0 s2, s15;
	s14 =	sshra.s32 @!p0 s14, $0x2  }
0x27: {  	[tilespmem:s14], [sflag:$0x2] =	stream.linear.gather @!p0 [hbm4b:s15+s16], $0xFA0, $0x38;
	[tilespmem:$0x3E80] =	vst v63  }
0x28: {  	p0 =	sge.u32 s31, s7  }
.Ltmp2:
0x29: {  	_ = 	snop;
	(pc) =	sbr.rel @p0 .LBB2_5-.Ltmp2, $1  }
0x2a: {  	_ =	sdelay $0x3  }
0x2b: {  	s14 =	sand.u32 $0x1, s12  }
0x2c: {  	_ =	swait.ge [sflag:s6], $0xFA0;
	p0 =	seq.s32 s14, $0x1;
	s14 =	simm.s32 $0xFA0  }
0x2d: {  	[sflag:s6] =	ssyncset.done $0x0;
	s14 =	simm.s32 @!p0 $0x0  }
0x2e: {  	[sflag:s6] =	ssyncadd.s32 $0xFFFFF060;
	(ifvalue) =	ssetifvalue $0x7FFFFFFF;
	v0 =	vld.msk [tilespmem:s14+$0x0 ss:$0x1], $0xffff;
	_ =	sdelay $0x4  }
0x2f: {  	s15 =	sadd.s32 $0x10, s14;
	vm1 =	vgt.s32 v0, $0x0  }
0x30: {  	v2 =	vld.msk [tilespmem:s15+$0x0 ss:$0x1], $0xffff;
	v1 =	vnsel vm1, $0x0, v0  }
0x31: {  	v1 =	vmin.u32 v1, $0xC34FF;
	_ =	sdelay $0x2  }
0x32: {  	s17 =	simm.s32 $0x20;
	s14 =	sadd.s32 $0x1F40, s14;
	s16 =	sadd.s32 $0x10, s15  }
0x33: {  	s15 =	sadd.s32 $0x10, s14;
	s18 =	smov.u32 s14;
	v0 =	vld.msk [tilespmem:s16+$0x0 ss:$0x1], $0xffff;
	vm1 =	vgt.s32 v2, $0x0;
	(ifvalue) =	ssetifvalue $0x7FFFFFFF  }
.LBB2_3:
0x34: {  	[tilespmem:s18], [sflag:$0x1] =	stream.indirect_vreg.gather [hbm4b:s8+s10], $0x1, v1, vm0, $0x4038;
	[tilespmem:$0x3E80] =	vst v63  }
0x35: {  	s17 =	sadd.s32 $0x10, s17  }
0x36: {  	v2 =	vnsel vm1, $0x0, v2;
	p0 =	slt.u32 s17, $0xF90  }
.Ltmp3:
0x37: {  	s18 =	smov.u32 s15;
	v1 =	vmin.u32 v2, $0xC34FF;
	(pc) =	sbr.rel @p0 .LBB2_3-.Ltmp3, $3  }
0x38: {  	_ =	sdelay $0x1  }
0x39: {  	s16 =	sadd.s32 $0x10, s16  }
0x3a: {  	vm1 =	vgt.s32 v0, $0x0;
	s15 =	sadd.s32 $0x10, s15;
	v2 =	vmov v0;
	(ifvalue) =	ssetifvalue $0x7FFFFFFF;
	v0 =	vld.msk [tilespmem:s16+$0x0 ss:$0x1], $0xffff  }
.Ltmp4:
0x3b: {  	_ = 	snop;
	(pc) =	sbr.rel .LBB2_4-.Ltmp4, $1  }
0x3c: {  	_ =	sdelay $0x3  }
.LBB2_6:
0x3d: {  	_ =	sfence.sel $0x180000  }
0x3e: {  	s2 =	simm.s32 $0x2;
	[bflag:$0x0] =	sbarrier.arrive $0xFFFF  }
0x3f: {  	s30 =	simm.s32 $0x3;
	[sflag:s2] =	ssyncpa.u1 $0x1  }
0x40: {  	s31 =	simm.s32 $0x1;
	[sflag:s30] =	ssyncpa.u1 $0x1  }
0x41: {  	[sflag:s31] =	ssyncpa.u1 $0x1  }
0x42: {  	p0 =	sne.s32 s1, $0x0;
	_ =	strace $0x90000053  }
0x43: {  	s0 =	sadd.s32 @!p0 $0x100000, s0;
	[bflag:$0x2] =	sbarrier.arrive $0xFFFF  }
0x44: {  	[sflag:s0] =	ssyncadd.tile.s32 @!p0 $0x1;
	_ =	shalt  }
.Lfunc_end2:
_tile_overlayer_lowered:
.L_overlay_start_2:
0x45: {  	(tag) =	ssettag $0x2  }
0x46: {  	s0 =	rddreg [dreg:$0x0];
	s2 =	stileid.u32  }
0x47: {  	s1 =	rddreg [dreg:$0x1];
	p0 =	sne.s32 s2, $0x0  }
0x48: {  	s3 =	rddreg [dreg:$0x2];
	[bflag:$0x3] =	sbarrier.arrive $0xFFFF;
	s2 =	simm.s32 @!p0 $0x1C01  }
0x49: {  	[timem:s3], [sflag:s2] =	dma.local @!p0 [hbm:s0], s1  }
0x4a: {  	s0 =	simm.s32 @!p0 $0x1  }
0x4b: {  	_ =	swait.ge @!p0 [sflag:s0], s1  }
0x4c: {  	s1 =	ssub.s32 @!p0 $0x0, s1;
	[sflag:s0] =	ssyncset.done @!p0 $0x0  }
0x4d: {  	[sflag:s0] =	ssyncadd.s32 @!p0 s1  }
0x4e: {  	[bflag:$0x3] =	sbarrier.arrive $0xFFFF  }
0x4f: {  	_ =	shalt  }

// kernel: gather_offload_async_start.6
scs
__scs_entry_jumppad:
0x0: {  	(pc) =	sbr.rel $0x88, $3  }
0x1: {  	(tag) =	ssettag $0x0;
	lr =	simm.s32 $0x1  }
0x2: {  	[smem:$0x3F91] =	sst lr;
	_ =	strace $0xD0000000  }
0x3: {  	_ = 	snop  }
0x4: {  	_ = 	snop  }
0x5: {  	_ = 	snop  }
0x6: {  	_ = 	snop  }
0x7: {  	_ = 	snop  }
__scs_overlays_trampoline_lowered:
0x8: {  	[smem:$0x3FA0] =	sst s0  }
0x9: {  	[smem:$0x3FA1] =	sst s1  }
0xa: {  	[smem:$0x3FA2] =	sst s2  }
0xb: {  	[smem:$0x3FA3] =	sst s3  }
0xc: {  	[smem:$0x3FA4] =	sst s4  }
0xd: {  	[smem:$0x3FA5] =	sst s5  }
0xe: {  	[smem:$0x3FA6] =	sst s6  }
0xf: {  	[smem:$0x3FA7] =	sst s7  }
0x10: {  	[smem:$0x3FA8] =	sst s8  }
0x11: {  	[smem:$0x3FA9] =	sst s9;
	s0 =	simm.s32 @!p0 $0x0  }
0x12: {  	s1 =	sld [smem:$0x3F8F];
	s0 =	simm.s32 @p0 $0x1  }
0x13: {  	[smem:$0x3FAA] =	sst s0;
	s0 =	simm.s32 @!p1 $0x0  }
0x14: {  	s2 =	sld [smem:$0x3F8E];
	s0 =	simm.s32 @p1 $0x1  }
0x15: {  	[smem:$0x3FAB] =	sst s0;
	s0 =	simm.s32 @!p2 $0x0  }
0x16: {  	s3 =	sld [smem:$0x3FDB];
	s0 =	simm.s32 @p2 $0x1  }
0x17: {  	s4 =	simm.s32 $0x1BF5;
	[smem:$0x3FAD] =	sst s0  }
0x18: {  	s0 =	sld [smem:$0x3F90];
	_ =	swait.ge [sflag:s4], $0x0  }
0x19: {  	s7 =	sld [smem:$0x3F91]  }
0x1a: {  	s8 =	sadd.s32 $0xFFFFE003, lr  }
0x1b: {  	s9 =	sadd.s32 $0xFFFFFEF7, lr;
	s5 =	simm.s32 $0xFFFFFFFF;
	p2 =	slt.u32 s8, $0xFFFFF086  }
0x1c: {  	p1 =	slt.u32 s9, $0xF7A;
	s5 =	simm.s32 @!p2 $0x0  }
0x1d: {  	s5 =	simm.s32 @p1 $0x1;
	p0 =	seq.s32 s7, s2  }
0x1e: {  	s7 =	smul.u32 @!p0 $0xF7A, s2;
	p2 =	seq.s32 @!p0 s5, $0x0  }
0x1f: {  	s9 =	smul.u32 $0xF7A, s1;
	s8 =	simm.s32 @!p0 $0x1BF5;
	p2 =	por !p2, p0  }
0x20: {  	[sflag:s8] =	ssyncset.s32 @!p0 $0xFFFFF086;
	s6 =	sadd.s32 @!p0 s3, s7;
	s7 =	simm.s32 @!p0 $0x108  }
0x21: {  	s3 =	sadd.s32 s3, s9;
	s6 =	sadd.s32 @!p0 $0x88, s6;
	s7 =	simm.s32 @p2 $0x1082  }
0x22: {  	[simem:s7], [sflag:s8] =	dma.local @!p0 [hbm:s6], $0xF7A  }
0x23: {  	s9 =	sor.u32 $0xD0000000, s2;
	s6 =	simm.s32 $0x108;
	_ =	swait.ge @!p0 [sflag:s8], $0x0  }
0x24: {  	s3 =	sadd.s32 $0x88, s3;
	s6 =	simm.s32 @!p1 $0x1082;
	[sflag:s4] =	ssyncset.s32 $0xFFFFF086  }
0x25: {  	[simem:s6], [sflag:s4] =	dma.local [hbm:s3], $0xF7A  }
0x26: {  	[smem:$0x3F91] =	sst s1;
	(tag) =	ssettag s2;
	_ =	strace s9  }
0x27: {  	s1 =	sld [smem:$0x3FA1]  }
0x28: {  	s2 =	sld [smem:$0x3FA2]  }
0x29: {  	s4 =	sld [smem:$0x3FA4]  }
0x2a: {  	p0 =	seq.s32 s5, $0x0;
	s5 =	sld [smem:$0x3FA5]  }
0x2b: {  	s6 =	sld [smem:$0x3FA6]  }
0x2c: {  	s7 =	sld [smem:$0x3FA7]  }
0x2d: {  	s3 =	simm.s32 $0x108;
	s8 =	sld [smem:$0x3FA8]  }
0x2e: {  	s3 =	simm.s32 @!p0 $0x1082;
	s9 =	sld [smem:$0x3FA9]  }
0x2f: {  	lr =	sadd.s32 s0, s3;
	s0 =	sld [smem:$0x3FA0]  }
0x30: {  	s3 =	sld [smem:$0x3FA3]  }
0x31: {  	[smem:$0x3FAC] =	sst s10  }
0x32: {  	s10 =	sld [smem:$0x3FAA];
	_ =	sdelay $0x3  }
0x33: {  	p0 =	seq.s32 s10, $0x1;
	s10 =	sld [smem:$0x3FAC];
	_ =	sdelay $0x3  }
0x34: {  	[smem:$0x3FAC] =	sst s10  }
0x35: {  	s10 =	sld [smem:$0x3FAB];
	_ =	sdelay $0x3  }
0x36: {  	p1 =	seq.s32 s10, $0x1;
	s10 =	sld [smem:$0x3FAC];
	_ =	sdelay $0x3  }
0x37: {  	[smem:$0x3FAC] =	sst s10  }
0x38: {  	s10 =	sld [smem:$0x3FAD]  }
0x39: {  	_ = 	snop;
	(pc) =	sbr.ind lr, $3  }
0x3a: {  	_ = 	snop  }
0x3b: {  	_ = 	snop  }
0x3c: {  	p2 =	seq.s32 s10, $0x1;
	s10 =	sld [smem:$0x3FAC]  }
0x3d: {  	_ =	shalt  }
0x3e: {  	_ =	shalt  }
0x3f: {  	_ =	shalt  }
0x40: {  	_ =	shalt  }
0x41: {  	_ =	shalt  }
0x42: {  	_ =	shalt  }
0x43: {  	_ =	shalt  }
0x44: {  	_ =	shalt  }
0x45: {  	_ =	shalt  }
0x46: {  	_ =	shalt  }
0x47: {  	_ =	shalt  }
0x48: {  	_ =	shalt  }
0x49: {  	_ =	shalt  }
0x4a: {  	_ =	shalt  }
0x4b: {  	_ =	shalt  }
0x4c: {  	_ =	shalt  }
0x4d: {  	_ =	shalt  }
0x4e: {  	_ =	shalt  }
0x4f: {  	_ =	shalt  }
0x50: {  	_ =	shalt  }
0x51: {  	_ =	shalt  }
0x52: {  	_ =	shalt  }
0x53: {  	_ =	shalt  }
0x54: {  	_ =	shalt  }
0x55: {  	_ =	shalt  }
0x56: {  	_ =	shalt  }
0x57: {  	_ =	shalt  }
0x58: {  	_ =	shalt  }
0x59: {  	_ =	shalt  }
0x5a: {  	_ =	shalt  }
0x5b: {  	_ =	shalt  }
0x5c: {  	_ =	shalt  }
0x5d: {  	_ =	shalt  }
0x5e: {  	_ =	shalt  }
0x5f: {  	_ =	shalt  }
0x60: {  	_ =	shalt  }
0x61: {  	_ =	shalt  }
0x62: {  	_ =	shalt  }
0x63: {  	_ =	shalt  }
0x64: {  	_ =	shalt  }
0x65: {  	_ =	shalt  }
0x66: {  	_ =	shalt  }
0x67: {  	_ =	shalt  }
0x68: {  	_ =	shalt  }
0x69: {  	_ =	shalt  }
0x6a: {  	_ =	shalt  }
0x6b: {  	_ =	shalt  }
0x6c: {  	_ =	shalt  }
0x6d: {  	_ =	shalt  }
0x6e: {  	_ =	shalt  }
0x6f: {  	_ =	shalt  }
0x70: {  	_ =	shalt  }
0x71: {  	_ =	shalt  }
0x72: {  	_ =	shalt  }
0x73: {  	_ =	shalt  }
0x74: {  	_ =	shalt  }
0x75: {  	_ =	shalt  }
0x76: {  	_ =	shalt  }
0x77: {  	_ =	shalt  }
0x78: {  	_ =	shalt  }
0x79: {  	_ =	shalt  }
0x7a: {  	_ =	shalt  }
0x7b: {  	_ =	shalt  }
0x7c: {  	_ =	shalt  }
0x7d: {  	_ =	shalt  }
0x7e: {  	_ =	shalt  }
0x7f: {  	_ =	shalt  }
0x80: {  	_ =	shalt  }
0x81: {  	_ =	shalt  }
0x82: {  	_ =	shalt  }
0x83: {  	_ =	shalt  }
0x84: {  	_ =	shalt  }
0x85: {  	_ =	shalt  }
0x86: {  	_ =	shalt  }
0x87: {  	_ =	shalt  }
.Lfunc_end0:
.L_simem_size_0:
called_computation.8_lowered:
.L_overlay_start_0:
0x88: {  	s0 =	sld [smem:$0x3FD9]  }
0x89: {  	s1 =	sld [smem:$0x3FFE];
	_ =	sdelay $0x3  }
0x8a: {  	s0 =	sadd.s32 s1, s0  }
0x8b: {  	[smem:$0x3FB8] =	sst s0  }
0x8c: {  	_ = 	snop  }
0x8d: {  	s0 =	sld [smem:$0x3FD0];
	_ =	sdelay $0x2  }
0x8e: {  	s13 =	simm.s32 $0xF;
	s2 =	simm.s32 $0x10  }
0x8f: {  	[smem:s2], [sflag:s13] =	dma.local [hbm:s0], $0x1  }
0x90: {  	_ =	swait.eq [sflag:s13], $0x1  }
0x91: {  	[sflag:s13] =	ssyncset.done $0x0  }
0x92: {  	[sflag:s13] =	ssyncadd.s32 $0xFFFFFFFF  }
0x93: {  	s14 =	sld [smem:$0x10];
	(tm) =	ssettm $0x1  }
0x94: {  	s15 =	sld [smem:$0x3FFB];
	_ =	sdelay $0x3  }
0x95: {  	_ =	strace s15  }
0x96: {  	s1 =	sld [smem:$0x3FFC];
	_ =	sdelay $0x3  }
0x97: {  	_ =	strace s1  }
0x98: {  	s1 =	sld [smem:$0x3FFD];
	_ =	sdelay $0x3  }
0x99: {  	_ =	strace s1  }
0x9a: {  	_ =	strace $0x8FFFFFFF  }
0x9b: {  	s16 =	sld [smem:$0x3FDB];
	_ =	sdelay $0x1  }
0x9c: {  	s17 =	simm.s32 $_scs_section_size  }
0x9d: {  	s3 =	simm.s32 $_size__tile_overlayer_lowered;
	s4 =	simm.s32 $_tile_overlayer_lowered  }
0x9e: {  	s20 =	simm.s32 $0x1BFF;
	s19 =	sshll.u32 s4, $0x1;
	s1 =	sadd.s32 s17, s16  }
0x9f: {  	s5 =	simm.s32 $0x0;
	s18 =	sshll.u32 s3, $0x1;
	s3 =	sadd.s32 s19, s1  }
0xa0: {  	[timem:s5], [sflag:s20] =	dma.local [hbm:s3], s18  }
0xa1: {  	_ =	swait.ge [sflag:s20], s18  }
0xa2: {  	s2 =	ssub.s32 $0x0, s18;
	[sflag:s20] =	ssyncset.done $0x0  }
0xa3: {  	[sflag:s20] =	ssyncadd.s32 s2;
	_ =	sdelay $0x1  }
0xa4: {  	s21 =	simm.s32 $0x1B8B  }
0xa5: {  	_ =	swait.ge [sflag:s21], $0x1  }
0xa6: {  	[sflag:s21] =	ssyncset.done $0x0  }
0xa7: {  	s23 =	simm.s32 $0x1B8E;
	s22 =	sld [smem:$0x3FFE];
	[sflag:s21] =	ssyncadd.s32 $0xFFFFFFFF  }
0xa8: {  	s24 =	simm.s32 $execute0_lowered;
	[smem:$0x3FD2] =	sst s23  }
0xa9: {  	s3 =	sshll.u32 s24, $0x1;
	_ =	strace $0x80000064;
	[dreg:$0x1] =	wrdreg $0xFFFFFFFF  }
0xaa: {  	s25 =	simm.s32 $_size_execute0_lowered;
	s1 =	sadd.s32 s1, s3;
	[dreg:$0x0] =	wrdreg $0x0  }
0xab: {  	s3 =	sshll.u32 s25, $0x1;
	[dreg:$0x2] =	wrdreg s1  }
0xac: {  	[dreg:$0x3] =	wrdreg s3  }
0xad: {  	[dreg:$0x4] =	wrdreg $0xC0  }
0xae: {  	_ =	task [dreg:s5], $0x5FFFF  }
0xaf: {  	[dreg:$0x1] =	wrdreg $0xFFFFFFFF  }
0xb0: {  	[dreg:$0x0] =	wrdreg $0x60  }
0xb1: {  	[dreg:$0x2] =	wrdreg s22  }
0xb2: {  	[dreg:$0x3] =	wrdreg s14  }
0xb3: {  	[dreg:$0x4] =	wrdreg $0xB  }
0xb4: {  	_ =	task.clear_ibuf [dreg:s5], $0x5FFFF;
	_ =	strace $0x90000064  }
0xb5: {  	s26 =	simm.s32 $0xB;
	_ =	strace $0x80000066  }
0xb6: {  	_ =	swait.ge [sflag:s26], $0x1  }
0xb7: {  	[sflag:s26] =	ssyncadd.s32 $0xFFFFFFFF  }
0xb8: {  	_ =	strace $0x90000066  }
0xb9: {  	_ =	sfence  }
0xba: {  	s28 =	sld [smem:$0x0];
	_ =	sdelay $0x1  }
0xbb: {  	s29 =	srdreg.scid  }
0xbc: {  	s30 =	sshll.u32 s29, $0xD;
	s31 =	sshrl.u32 s29, $0x2  }
0xbd: {  	s2 =	sand.u32 $0x4000, s30;
	s1 =	sand.u32 $0x1, s29;
	s0 =	sadd.s32 s31, s28  }
0xbe: {  	s1 =	sor.u32 s2, s1;
	s0 =	sshll.u32 s0, $0x11  }
0xbf: {  	s0 =	sor.u32 s0, s1  }
0xc0: {  	s0 =	sadd.s32 $0x8F2B, s0  }
0xc1: {  	[sflag:s0] =	ssyncadd.remote.s32 $0x1  }
0xc2: {  	_ =	sfence.sel $0xFFFF  }
0xc3: {  	[dreg:$0x0] =	wrdreg $0xFFFFFFFF;
	(pc) =	sbr.abs _section_cstart, $3  }
0xc4: {  	[dreg:$0x1] =	wrdreg $0xFFFFFFFF  }
0xc5: {  	_ =	task.clear_ibuf [dreg:s5], $0x2FFFF;
	_ =	strace $0x9FFFFFFF  }
0xc6: {  	(tm) =	ssettm $0x7FFFFFFF  }
0xc7: {  	_ =	shalt  }
tec
execute0_lowered:
.L_overlay_start_1:
0x0: {  	(tag) =	ssettag $0x1  }
0x1: {  	s0 =	stileid.u32  }
0x2: {  	s1 =	smul.u32 $0x7, s0  }
0x3: {  	s2 =	smin.u32 s0, $0xD  }
0x4: {  	s1 =	sadd.s32 s2, s1  }
0x5: {  	p0 =	slt.u32 s0, $0xD;
	s2 =	simm.s32 $0xC80;
	s1 =	smul.u32 $0x190, s1  }
0x6: {  	s2 =	simm.s32 @!p0 $0xAF0  }
0x7: {  	s2 =	sadd.s32 s2, s1  }
0x8: {  	s3 =	smin.u32 s2, $0xC350  }
0x9: {  	s7 =	ssub.s32 s3, s1  }
0xa: {  	p0 =	sgt.s32 s7, $0x0  }
0xb: {  	s7 =	simm.s32 @!p0 $0x0  }
0xc: {  	s31 =	sand.u32 $0xFFF0, s7  }
0xd: {  	s2 =	sshrl.u32 s31, $0x4  }
0xe: {  	s9 =	rddreg [dreg:$0x0];
	s2 =	smul.u32 $0xA3E, s2  }
0xf: {  	s4 =	rddreg [dreg:$0x1];
	s6 =	simm.s32 $0x1  }
0x10: {  	s11 =	simm.s32 $0x3;
	s13 =	simm.s32 $0x0;
	s8 =	sshrl.u32 s2, $0x10  }
0x11: {  	s12 =	simm.s32 $0x0;
	s5 =	sadd.s32 $0x1B7C00, s9;
	s10 =	smul.u32 $0x190, s8  }
.Ltmp0:
0x12: {  	s9 =	sadd.s32 $0x16E00, s9;
	s2 =	rddreg [dreg:$0x2];
	(pc) =	sbr.rel .LBB2_1-.Ltmp0, $4  }
0x13: {  	_ =	strace $0x80000065;
	p0 =	sne.s32 s7, s10;
	s10 =	simm.s32 $0x1  }
0x14: {  	[sflag:s6] =	ssyncpa.u1 $0x0;
	s7 =	simm.s32 $0x2;
	s10 =	simm.s32 @!p0 $0x0  }
0x15: {  	[sflag:s7] =	ssyncpa.u1 $0x0;
	p0 =	por $0x0, $0x0;
	s8 =	sadd.s32 s8, s10  }
0x16: {  	vm0 =	vmmov $0xff;
	vm1 =	vcmask $0x3F20;
	[sflag:s11] =	ssyncpa.u1 $0x0;
	s11 =	smov.u32 s1;
	s10 =	sadd.s32 $0x1, s8  }
.LBB2_6:
0x17: {  	[hbm:s17] =	stream.linear.scatter [tilespmem:s14], [sflag:$0x3], $0x400, $0x38;
	[tilespmem:$0x19320] =	vst v63  }
.LBB2_7:
0x18: {  	s13 =	sadd.s32 $0x190, s11  }
0x19: {  	s15 =	smov.u32 s1;
	p2 =	slt.s32 s13, s3  }
0x1a: {  	s15 =	smov.u32 @p2 s13;
	p2 =	sne.s32 s12, s10  }
.Ltmp1:
0x1b: {  	p1 =	slt.u32 s12, $0x2;
	(pc) =	sbr.rel @!p2 .LBB2_8-.Ltmp1, $4  }
0x1c: {  	s14 =	simm.s32 @!p1 $0x3  }
0x1d: {  	s16 =	sadd.s32 $0x1, s12;
	_ =	swait.ge @!p1 [sflag:s14], $0xC800  }
0x1e: {  	p0 =	por !p0, !p0;
	s13 =	smov.u32 s11;
	[sflag:s14] =	ssyncset.done @!p1 $0x0  }
0x1f: {  	s12 =	smov.u32 s16;
	s11 =	smov.u32 s15;
	[sflag:s14] =	ssyncadd.s32 @!p1 $0xFFFF3800  }
.LBB2_1:
0x20: {  	p1 =	sge.u32 s12, s8  }
0x21: {  	s14 =	sxor.u32 @!p1 $0xFFFFFFFF, s12  }
0x22: {  	s14 =	sand.u32 @!p1 $0x1, s14  }
0x23: {  	s14 =	smul.u32 @!p1 $0x640, s14  }
0x24: {  	s31 =	sadd.s32 $0xFFFFFFFF, s12;
	s15 =	sshrl.u32 @!p1 s11, $0x3  }
0x25: {  	s16 =	sand.u32 @!p1 $0x7, s11;
	s15 =	sadd.s32 @!p1 s9, s15;
	s14 =	sshrl.u32 @!p1 s14, $0x2  }
0x26: {  	[tilespmem:s14], [sflag:$0x2] =	stream.linear.gather @!p1 [hbm4b:s15+s16], $0x190, $0x38;
	[tilespmem:$0x19320] =	vst v63  }
0x27: {  	p1 =	sge.u32 s31, s8  }
.Ltmp2:
0x28: {  	_ = 	snop;
	(pc) =	sbr.rel @p1 .LBB2_7-.Ltmp2, $1  }
0x29: {  	_ =	sdelay $0x3  }
0x2a: {  	s14 =	simm.s32 $0x1  }
0x2b: {  	s14 =	simm.s32 @!p0 $0x0  }
0x2c: {  	s15 =	smul.u32 $0x640, s14  }
0x2d: {  	_ =	swait.ge [sflag:s7], $0x190  }
0x2e: {  	[sflag:s7] =	ssyncset.done $0x0;
	s16 =	sshrl.u32 s15, $0x2  }
0x2f: {  	[sflag:s7] =	ssyncadd.s32 $0xFFFFFE70;
	s15 =	sadd.s32 $0x0, s16  }
0x30: {  	v0 =	vld.msk [tilespmem:s15+$0x0 ss:$0x1], $0xffff;
	_ =	sdelay $0x4  }
0x31: {  	vm2 =	vgt.s32 v0, $0x0  }
0x32: {  	v0 =	vnsel vm2, $0x0, v0  }
0x33: {  	v0 =	vmin.u32 v0, $0xC34F  }
0x34: {  	v0 =	vshll.u32 v0, $0x4  }
0x35: {  	s14 =	smul.u32 $0x32000, s14;
	_ =	sdelay $0x1  }
0x36: {  	s14 =	sshrl.u32 s14, $0x2  }
0x37: {  	s14 =	sor.u32 $0x320, s14  }
0x38: {  	[tilespmem:s14], [sflag:$0x1] =	stream.indirect_vreg.gather [hbm:s5], $0x80, v0, vm0, $0x38;
	[tilespmem:$0x19320] =	vst v63  }
0x39: {  	s17 =	sadd.s32 $0x10, s16;
	s15 =	sadd.s32 $0x400, s14  }
0x3a: {  	[tilespmem:s15], [sflag:$0x1] =	stream.indirect_vreg.gather [hbm:s5], $0x80, v0, vm1, $0x38;
	[tilespmem:$0x19320] =	vst v63  }
0x3b: {  	s18 =	simm.s32 $0x80;
	v0 =	vld.msk [tilespmem:s17+$0x0 ss:$0x1], $0xffff;
	s17 =	smov.u32 s14  }
.LBB2_3:
0x3c: {  	p1 =	sne.s32 s18, $0x600;
	_ =	sdelay $0x4  }
0x3d: {  	vm2 =	vgt.s32 v0, $0x0  }
0x3e: {  	v0 =	vnsel vm2, $0x0, v0  }
0x3f: {  	v0 =	vmin.u32 v0, $0xC34F  }
0x40: {  	v0 =	vshll.u32 v0, $0x4;
	_ =	sdelay $0x3  }
.Ltmp3:
0x41: {  	s19 =	sshra.s32 s18, $0x2;
	s17 =	sadd.s32 $0x800, s17;
	(pc) =	sbr.rel @p1 .LBB2_3-.Ltmp3, $4  }
0x42: {  	[tilespmem:s17], [sflag:$0x1] =	stream.indirect_vreg.gather [hbm:s5], $0x80, v0, vm0, $0x38;
	[tilespmem:$0x19320] =	vst v63  }
0x43: {  	s19 =	sadd.s32 s19, s16;
	s20 =	sadd.s32 $0x400, s17  }
0x44: {  	[tilespmem:s20], [sflag:$0x1] =	stream.indirect_vreg.gather [hbm:s5], $0x80, v0, vm1, $0x38;
	[tilespmem:$0x19320] =	vst v63  }
0x45: {  	s18 =	sadd.s32 $0x40, s18;
	v0 =	vld.msk [tilespmem:s19+$0x0 ss:$0x1], $0xffff  }
0x46: {  	_ =	sdelay $0x3  }
0x47: {  	vm2 =	vgt.s32 v0, $0x0  }
0x48: {  	v0 =	vnsel vm2, $0x0, v0  }
0x49: {  	v0 =	vmin.u32 v0, $0xC34F  }
0x4a: {  	v0 =	vshll.u32 v0, $0x4;
	_ =	sdelay $0x3  }
0x4b: {  	s16 =	sadd.s32 $0x800, s17  }
0x4c: {  	[tilespmem:s16], [sflag:$0x1] =	stream.indirect_vreg.gather [hbm:s5], $0x80, v0, vm0, $0x38;
	[tilespmem:$0x19320] =	vst v63  }
0x4d: {  	s16 =	sadd.s32 $0x400, s16  }
0x4e: {  	[tilespmem:s16], [sflag:$0x1] =	stream.indirect_vreg.gather [hbm:s5], $0x80, v0, vm1, $0x38;
	[tilespmem:$0x19320] =	vst v63  }
0x4f: {  	s13 =	sshll.u32 s13, $0x4;
	_ =	swait.ge [sflag:s6], $0xC800  }
0x50: {  	s13 =	sadd.s32 s13, s4;
	[sflag:s6] =	ssyncset.done $0x0  }
0x51: {  	s17 =	sadd.s32 $0x0, s13;
	s16 =	simm.s32 $0x80;
	[sflag:s6] =	ssyncadd.s32 $0xFFFF3800  }
.LBB2_5:
0x52: {  	[hbm:s17] =	stream.linear.scatter [tilespmem:s14], [sflag:$0x3], $0x400, $0x38;
	[tilespmem:$0x19320] =	vst v63  }
0x53: {  	s17 =	smov.u32 s16;
	s14 =	smov.u32 s15;
	p1 =	sne.s32 s16, $0x1880  }
.Ltmp4:
0x54: {  	s16 =	sadd.s32 $0x80, s16;
	(pc) =	sbr.rel @p1 .LBB2_5-.Ltmp4, $2  }
0x55: {  	_ =	sdelay $0x2  }
0x56: {  	s15 =	sadd.s32 $0x400, s15;
	s17 =	sadd.s32 s17, s13  }
.Ltmp5:
0x57: {  	_ = 	snop;
	(pc) =	sbr.rel .LBB2_6-.Ltmp5, $1  }
0x58: {  	_ =	sdelay $0x3  }
.LBB2_8:
0x59: {  	_ =	sfence.sel $0x180000  }
0x5a: {  	s1 =	simm.s32 $0x2;
	[bflag:$0x0] =	sbarrier.arrive $0xFFFF  }
0x5b: {  	s30 =	simm.s32 $0x3;
	[sflag:s1] =	ssyncpa.u1 $0x1  }
0x5c: {  	s31 =	simm.s32 $0x1;
	[sflag:s30] =	ssyncpa.u1 $0x1  }
0x5d: {  	[sflag:s31] =	ssyncpa.u1 $0x1  }
0x5e: {  	p0 =	sne.s32 s0, $0x0;
	_ =	strace $0x90000065  }
0x5f: {  	s0 =	sadd.s32 @!p0 $0x100000, s2;
	[bflag:$0x2] =	sbarrier.arrive $0xFFFF  }
0x60: {  	[sflag:s0] =	ssyncadd.tile.s32 @!p0 $0x1;
	_ =	shalt  }
.Lfunc_end2:
_tile_overlayer_lowered:
.L_overlay_start_2:
0x61: {  	(tag) =	ssettag $0x2  }
0x62: {  	s0 =	rddreg [dreg:$0x0];
	s2 =	stileid.u32  }
0x63: {  	s1 =	rddreg [dreg:$0x1];
	p0 =	sne.s32 s2, $0x0  }
0x64: {  	s3 =	rddreg [dreg:$0x2];
	[bflag:$0x3] =	sbarrier.arrive $0xFFFF;
	s2 =	simm.s32 @!p0 $0x1C01  }
0x65: {  	[timem:s3], [sflag:s2] =	dma.local @!p0 [hbm:s0], s1  }
0x66: {  	s0 =	simm.s32 @!p0 $0x1  }
0x67: {  	_ =	swait.ge @!p0 [sflag:s0], s1  }
0x68: {  	s1 =	ssub.s32 @!p0 $0x0, s1;
	[sflag:s0] =	ssyncset.done @!p0 $0x0  }
0x69: {  	[sflag:s0] =	ssyncadd.s32 @!p0 s1  }
0x6a: {  	[bflag:$0x3] =	sbarrier.arrive $0xFFFF  }
0x6b: {  	_ =	shalt  }

// kernel: gather_offload_async_start.7
scs
__scs_entry_jumppad:
0x0: {  	(pc) =	sbr.rel $0x88, $3  }
0x1: {  	(tag) =	ssettag $0x0;
	lr =	simm.s32 $0x1  }
0x2: {  	[smem:$0x3F91] =	sst lr;
	_ =	strace $0xD0000000  }
0x3: {  	_ = 	snop  }
0x4: {  	_ = 	snop  }
0x5: {  	_ = 	snop  }
0x6: {  	_ = 	snop  }
0x7: {  	_ = 	snop  }
__scs_overlays_trampoline_lowered:
0x8: {  	[smem:$0x3FA0] =	sst s0  }
0x9: {  	[smem:$0x3FA1] =	sst s1  }
0xa: {  	[smem:$0x3FA2] =	sst s2  }
0xb: {  	[smem:$0x3FA3] =	sst s3  }
0xc: {  	[smem:$0x3FA4] =	sst s4  }
0xd: {  	[smem:$0x3FA5] =	sst s5  }
0xe: {  	[smem:$0x3FA6] =	sst s6  }
0xf: {  	[smem:$0x3FA7] =	sst s7  }
0x10: {  	[smem:$0x3FA8] =	sst s8  }
0x11: {  	[smem:$0x3FA9] =	sst s9;
	s0 =	simm.s32 @!p0 $0x0  }
0x12: {  	s1 =	sld [smem:$0x3F8F];
	s0 =	simm.s32 @p0 $0x1  }
0x13: {  	[smem:$0x3FAA] =	sst s0;
	s0 =	simm.s32 @!p1 $0x0  }
0x14: {  	s2 =	sld [smem:$0x3F8E];
	s0 =	simm.s32 @p1 $0x1  }
0x15: {  	[smem:$0x3FAB] =	sst s0;
	s0 =	simm.s32 @!p2 $0x0  }
0x16: {  	s3 =	sld [smem:$0x3FDB];
	s0 =	simm.s32 @p2 $0x1  }
0x17: {  	s4 =	simm.s32 $0x1BF5;
	[smem:$0x3FAD] =	sst s0  }
0x18: {  	s0 =	sld [smem:$0x3F90];
	_ =	swait.ge [sflag:s4], $0x0  }
0x19: {  	s7 =	sld [smem:$0x3F91]  }
0x1a: {  	s8 =	sadd.s32 $0xFFFFE003, lr  }
0x1b: {  	s9 =	sadd.s32 $0xFFFFFEF7, lr;
	s5 =	simm.s32 $0xFFFFFFFF;
	p2 =	slt.u32 s8, $0xFFFFF086  }
0x1c: {  	p1 =	slt.u32 s9, $0xF7A;
	s5 =	simm.s32 @!p2 $0x0  }
0x1d: {  	s5 =	simm.s32 @p1 $0x1;
	p0 =	seq.s32 s7, s2  }
0x1e: {  	s7 =	smul.u32 @!p0 $0xF7A, s2;
	p2 =	seq.s32 @!p0 s5, $0x0  }
0x1f: {  	s9 =	smul.u32 $0xF7A, s1;
	s8 =	simm.s32 @!p0 $0x1BF5;
	p2 =	por !p2, p0  }
0x20: {  	[sflag:s8] =	ssyncset.s32 @!p0 $0xFFFFF086;
	s6 =	sadd.s32 @!p0 s3, s7;
	s7 =	simm.s32 @!p0 $0x108  }
0x21: {  	s3 =	sadd.s32 s3, s9;
	s6 =	sadd.s32 @!p0 $0x88, s6;
	s7 =	simm.s32 @p2 $0x1082  }
0x22: {  	[simem:s7], [sflag:s8] =	dma.local @!p0 [hbm:s6], $0xF7A  }
0x23: {  	s9 =	sor.u32 $0xD0000000, s2;
	s6 =	simm.s32 $0x108;
	_ =	swait.ge @!p0 [sflag:s8], $0x0  }
0x24: {  	s3 =	sadd.s32 $0x88, s3;
	s6 =	simm.s32 @!p1 $0x1082;
	[sflag:s4] =	ssyncset.s32 $0xFFFFF086  }
0x25: {  	[simem:s6], [sflag:s4] =	dma.local [hbm:s3], $0xF7A  }
0x26: {  	[smem:$0x3F91] =	sst s1;
	(tag) =	ssettag s2;
	_ =	strace s9  }
0x27: {  	s1 =	sld [smem:$0x3FA1]  }
0x28: {  	s2 =	sld [smem:$0x3FA2]  }
0x29: {  	s4 =	sld [smem:$0x3FA4]  }
0x2a: {  	p0 =	seq.s32 s5, $0x0;
	s5 =	sld [smem:$0x3FA5]  }
0x2b: {  	s6 =	sld [smem:$0x3FA6]  }
0x2c: {  	s7 =	sld [smem:$0x3FA7]  }
0x2d: {  	s3 =	simm.s32 $0x108;
	s8 =	sld [smem:$0x3FA8]  }
0x2e: {  	s3 =	simm.s32 @!p0 $0x1082;
	s9 =	sld [smem:$0x3FA9]  }
0x2f: {  	lr =	sadd.s32 s0, s3;
	s0 =	sld [smem:$0x3FA0]  }
0x30: {  	s3 =	sld [smem:$0x3FA3]  }
0x31: {  	[smem:$0x3FAC] =	sst s10  }
0x32: {  	s10 =	sld [smem:$0x3FAA];
	_ =	sdelay $0x3  }
0x33: {  	p0 =	seq.s32 s10, $0x1;
	s10 =	sld [smem:$0x3FAC];
	_ =	sdelay $0x3  }
0x34: {  	[smem:$0x3FAC] =	sst s10  }
0x35: {  	s10 =	sld [smem:$0x3FAB];
	_ =	sdelay $0x3  }
0x36: {  	p1 =	seq.s32 s10, $0x1;
	s10 =	sld [smem:$0x3FAC];
	_ =	sdelay $0x3  }
0x37: {  	[smem:$0x3FAC] =	sst s10  }
0x38: {  	s10 =	sld [smem:$0x3FAD]  }
0x39: {  	_ = 	snop;
	(pc) =	sbr.ind lr, $3  }
0x3a: {  	_ = 	snop  }
0x3b: {  	_ = 	snop  }
0x3c: {  	p2 =	seq.s32 s10, $0x1;
	s10 =	sld [smem:$0x3FAC]  }
0x3d: {  	_ =	shalt  }
0x3e: {  	_ =	shalt  }
0x3f: {  	_ =	shalt  }
0x40: {  	_ =	shalt  }
0x41: {  	_ =	shalt  }
0x42: {  	_ =	shalt  }
0x43: {  	_ =	shalt  }
0x44: {  	_ =	shalt  }
0x45: {  	_ =	shalt  }
0x46: {  	_ =	shalt  }
0x47: {  	_ =	shalt  }
0x48: {  	_ =	shalt  }
0x49: {  	_ =	shalt  }
0x4a: {  	_ =	shalt  }
0x4b: {  	_ =	shalt  }
0x4c: {  	_ =	shalt  }
0x4d: {  	_ =	shalt  }
0x4e: {  	_ =	shalt  }
0x4f: {  	_ =	shalt  }
0x50: {  	_ =	shalt  }
0x51: {  	_ =	shalt  }
0x52: {  	_ =	shalt  }
0x53: {  	_ =	shalt  }
0x54: {  	_ =	shalt  }
0x55: {  	_ =	shalt  }
0x56: {  	_ =	shalt  }
0x57: {  	_ =	shalt  }
0x58: {  	_ =	shalt  }
0x59: {  	_ =	shalt  }
0x5a: {  	_ =	shalt  }
0x5b: {  	_ =	shalt  }
0x5c: {  	_ =	shalt  }
0x5d: {  	_ =	shalt  }
0x5e: {  	_ =	shalt  }
0x5f: {  	_ =	shalt  }
0x60: {  	_ =	shalt  }
0x61: {  	_ =	shalt  }
0x62: {  	_ =	shalt  }
0x63: {  	_ =	shalt  }
0x64: {  	_ =	shalt  }
0x65: {  	_ =	shalt  }
0x66: {  	_ =	shalt  }
0x67: {  	_ =	shalt  }
0x68: {  	_ =	shalt  }
0x69: {  	_ =	shalt  }
0x6a: {  	_ =	shalt  }
0x6b: {  	_ =	shalt  }
0x6c: {  	_ =	shalt  }
0x6d: {  	_ =	shalt  }
0x6e: {  	_ =	shalt  }
0x6f: {  	_ =	shalt  }
0x70: {  	_ =	shalt  }
0x71: {  	_ =	shalt  }
0x72: {  	_ =	shalt  }
0x73: {  	_ =	shalt  }
0x74: {  	_ =	shalt  }
0x75: {  	_ =	shalt  }
0x76: {  	_ =	shalt  }
0x77: {  	_ =	shalt  }
0x78: {  	_ =	shalt  }
0x79: {  	_ =	shalt  }
0x7a: {  	_ =	shalt  }
0x7b: {  	_ =	shalt  }
0x7c: {  	_ =	shalt  }
0x7d: {  	_ =	shalt  }
0x7e: {  	_ =	shalt  }
0x7f: {  	_ =	shalt  }
0x80: {  	_ =	shalt  }
0x81: {  	_ =	shalt  }
0x82: {  	_ =	shalt  }
0x83: {  	_ =	shalt  }
0x84: {  	_ =	shalt  }
0x85: {  	_ =	shalt  }
0x86: {  	_ =	shalt  }
0x87: {  	_ =	shalt  }
.Lfunc_end0:
.L_simem_size_0:
called_computation.9_lowered:
.L_overlay_start_0:
0x88: {  	s0 =	sld [smem:$0x3FD9]  }
0x89: {  	s1 =	sld [smem:$0x3FFE];
	_ =	sdelay $0x3  }
0x8a: {  	s0 =	sadd.s32 s1, s0  }
0x8b: {  	[smem:$0x3FB8] =	sst s0  }
0x8c: {  	_ = 	snop  }
0x8d: {  	s0 =	sld [smem:$0x3FD0];
	_ =	sdelay $0x2  }
0x8e: {  	s2 =	simm.s32 $0xF;
	s3 =	simm.s32 $0x10;
	s13 =	sld [smem:$0x3FC6]  }
0x8f: {  	[smem:s3], [sflag:s2] =	dma.local [hbm:s0], $0x1  }
0x90: {  	_ =	swait.eq [sflag:s2], $0x1  }
0x91: {  	[sflag:s2] =	ssyncset.done $0x0  }
0x92: {  	[sflag:s2] =	ssyncadd.s32 $0xFFFFFFFF  }
0x93: {  	s14 =	sld [smem:$0x14];
	(tm) =	ssettm $0x1  }
0x94: {  	s15 =	sld [smem:$0x3FFB];
	_ =	sdelay $0x3  }
0x95: {  	_ =	strace s15  }
0x96: {  	s2 =	sld [smem:$0x3FFC];
	_ =	sdelay $0x3  }
0x97: {  	_ =	strace s2  }
0x98: {  	s2 =	sld [smem:$0x3FFD];
	_ =	sdelay $0x3  }
0x99: {  	_ =	strace s2  }
0x9a: {  	_ =	strace $0x8FFFFFFF  }
0x9b: {  	s16 =	sld [smem:$0x3FDB];
	_ =	sdelay $0x1  }
0x9c: {  	s17 =	simm.s32 $_scs_section_size  }
0x9d: {  	s4 =	simm.s32 $_size__tile_overlayer_lowered;
	s5 =	simm.s32 $_tile_overlayer_lowered  }
0x9e: {  	s20 =	simm.s32 $0x1BFF;
	s19 =	sshll.u32 s5, $0x1;
	s2 =	sadd.s32 s17, s16  }
0x9f: {  	s6 =	simm.s32 $0x0;
	s18 =	sshll.u32 s4, $0x1;
	s4 =	sadd.s32 s19, s2  }
0xa0: {  	[timem:s6], [sflag:s20] =	dma.local [hbm:s4], s18  }
0xa1: {  	_ =	swait.ge [sflag:s20], s18  }
0xa2: {  	s3 =	ssub.s32 $0x0, s18;
	[sflag:s20] =	ssyncset.done $0x0  }
0xa3: {  	[sflag:s20] =	ssyncadd.s32 s3;
	_ =	sdelay $0x1  }
0xa4: {  	s21 =	simm.s32 $0x1B8B  }
0xa5: {  	_ =	swait.ge [sflag:s21], $0x1  }
0xa6: {  	[sflag:s21] =	ssyncset.done $0x0  }
0xa7: {  	s23 =	simm.s32 $0x1B8E;
	s22 =	sld [smem:$0x3FFE];
	[sflag:s21] =	ssyncadd.s32 $0xFFFFFFFF  }
0xa8: {  	s24 =	simm.s32 $execute0_lowered;
	[smem:$0x3FD2] =	sst s23  }
0xa9: {  	s4 =	sshll.u32 s24, $0x1;
	_ =	strace $0x80000061;
	[dreg:$0x1] =	wrdreg $0xFFFFFFFF  }
0xaa: {  	s25 =	simm.s32 $_size_execute0_lowered;
	s2 =	sadd.s32 s2, s4;
	[dreg:$0x0] =	wrdreg $0x0  }
0xab: {  	s4 =	sshll.u32 s25, $0x1;
	[dreg:$0x2] =	wrdreg s2  }
0xac: {  	[dreg:$0x3] =	wrdreg s4  }
0xad: {  	[dreg:$0x4] =	wrdreg $0xC0  }
0xae: {  	_ =	task [dreg:s6], $0x5FFFF  }
0xaf: {  	[dreg:$0x1] =	wrdreg $0xFFFFFFFF  }
0xb0: {  	[dreg:$0x0] =	wrdreg $0x60  }
0xb1: {  	[dreg:$0x2] =	wrdreg s13  }
0xb2: {  	[dreg:$0x3] =	wrdreg s22  }
0xb3: {  	[dreg:$0x4] =	wrdreg s14  }
0xb4: {  	[dreg:$0x5] =	wrdreg $0xC  }
0xb5: {  	_ =	task.clear_ibuf [dreg:s6], $0x6FFFF;
	_ =	strace $0x90000061  }
0xb6: {  	s26 =	simm.s32 $0xC;
	_ =	strace $0x80000063  }
0xb7: {  	_ =	swait.ge [sflag:s26], $0x1  }
0xb8: {  	[sflag:s26] =	ssyncadd.s32 $0xFFFFFFFF  }
0xb9: {  	_ =	strace $0x90000063  }
0xba: {  	_ =	sfence  }
0xbb: {  	s28 =	sld [smem:$0x0];
	_ =	sdelay $0x1  }
0xbc: {  	s29 =	srdreg.scid  }
0xbd: {  	s30 =	sshll.u32 s29, $0xD;
	s31 =	sshrl.u32 s29, $0x2  }
0xbe: {  	s1 =	sand.u32 $0x1, s29;
	s2 =	sand.u32 $0x4000, s30;
	s0 =	sadd.s32 s31, s28  }
0xbf: {  	s1 =	sor.u32 s2, s1;
	s0 =	sshll.u32 s0, $0x11  }
0xc0: {  	s0 =	sor.u32 s0, s1  }
0xc1: {  	s0 =	sadd.s32 $0x8F2B, s0  }
0xc2: {  	[sflag:s0] =	ssyncadd.remote.s32 $0x1  }
0xc3: {  	_ =	sfence.sel $0xFFFF  }
0xc4: {  	[dreg:$0x0] =	wrdreg $0xFFFFFFFF;
	(pc) =	sbr.abs _section_cstart, $3  }
0xc5: {  	[dreg:$0x1] =	wrdreg $0xFFFFFFFF  }
0xc6: {  	_ =	task.clear_ibuf [dreg:s6], $0x2FFFF;
	_ =	strace $0x9FFFFFFF  }
0xc7: {  	(tm) =	ssettm $0x7FFFFFFF  }
tec
execute0_lowered:
.L_overlay_start_1:
0x0: {  	(tag) =	ssettag $0x1  }
0x1: {  	s2 =	rddreg [dreg:$0x0]  }
0x2: {  	s8 =	rddreg [dreg:$0x1]  }
0x3: {  	s3 =	rddreg [dreg:$0x2]  }
0x4: {  	s0 =	rddreg [dreg:$0x3];
	_ =	strace $0x80000062;
	s4 =	simm.s32 $0x1  }
0x5: {  	s1 =	stileid.u32;
	s7 =	simm.s32 $0x1;
	s9 =	simm.s32 $0x1  }
0x6: {  	s6 =	simm.s32 $0x2;
	s10 =	simm.s32 $0x3;
	s13 =	simm.s32 $0x0  }
.Ltmp0:
0x7: {  	s12 =	simm.s32 $0x0;
	p0 =	slt.u32 s1, $0xA;
	(pc) =	sbr.rel .LBB2_1-.Ltmp0, $4  }
0x8: {  	[sflag:s4] =	ssyncpa.u1 $0x0;
	s7 =	simm.s32 @!p0 $0x0;
	p0 =	sne.s32 s1, $0x9  }
0x9: {  	s5 =	smul.u32 $0x7D0, s1;
	[sflag:s6] =	ssyncpa.u1 $0x0;
	s9 =	simm.s32 @!p0 $0x0  }
0xa: {  	s8 =	sadd.s32 $0x16E00, s8;
	[sflag:s10] =	ssyncpa.u1 $0x0;
	s7 =	sadd.s32 s9, s7  }
0xb: {  	vm0 =	vmmov $0xffff;
	s10 =	simm.s32 $0x0;
	s11 =	smov.u32 s5;
	s9 =	sadd.s32 $0x1, s7  }
.LBB2_4:
0xc: {  	v2 =	vnsel vm1, $0x0, v2  }
0xd: {  	vm1 =	vgt.s32 v0, $0x0;
	v2 =	vmin.u32 v2, $0xC34F  }
0xe: {  	v0 =	vnsel vm1, $0x0, v0  }
0xf: {  	v0 =	vmin.u32 v0, $0xC34F  }
0x10: {  	[tilespmem:s18], [sflag:$0x1] =	stream.indirect_vreg.gather [hbm4b:s2+s10], $0x1, v1, vm0, $0x4038;
	[tilespmem:$0x1F40] =	vst v63  }
0x11: {  	(ifvalue) =	ssetifvalue $0x7FFFFFFF  }
0x12: {  	[tilespmem:s15], [sflag:$0x1] =	stream.indirect_vreg.gather [hbm4b:s2+s10], $0x1, v2, vm0, $0x4038;
	[tilespmem:$0x1F40] =	vst v63  }
0x13: {  	s29 =	sadd.s32 $0x10, s15;
	(ifvalue) =	ssetifvalue $0x7FFFFFFF  }
0x14: {  	[tilespmem:s29], [sflag:$0x1] =	stream.indirect_vreg.gather [hbm4b:s2+s10], $0x1, v0, vm0, $0x4038;
	[tilespmem:$0x1F40] =	vst v63  }
0x15: {  	_ =	swait.ge [sflag:s4], $0x7D0  }
0x16: {  	s30 =	sshrl.u32 s13, $0x3;
	[sflag:s4] =	ssyncset.done $0x0  }
0x17: {  	s31 =	sand.u32 $0x7, s13;
	s15 =	sadd.s32 s3, s30;
	[sflag:s4] =	ssyncadd.s32 $0xFFFFF830  }
0x18: {  	[hbm4b:s15+s31] =	stream.linear.scatter [tilespmem:s14], [sflag:$0x3], $0x7D0, $0x38;
	[tilespmem:$0x1F40] =	vst v63  }
.LBB2_5:
0x19: {  	s15 =	sadd.s32 $0x7D00, s11  }
0x1a: {  	p1 =	sgt.s32 s15, $0xC34F  }
0x1b: {  	s15 =	smov.u32 @p1 s5;
	p1 =	sne.s32 s12, s9  }
.Ltmp1:
0x1c: {  	p0 =	slt.u32 s12, $0x2;
	(pc) =	sbr.rel @!p1 .LBB2_6-.Ltmp1, $4  }
0x1d: {  	s14 =	simm.s32 @!p0 $0x3  }
0x1e: {  	_ =	swait.ge @!p0 [sflag:s14], $0x7D0  }
0x1f: {  	s16 =	sadd.s32 $0x1, s12;
	s13 =	smov.u32 s11;
	[sflag:s14] =	ssyncset.done @!p0 $0x0  }
0x20: {  	s12 =	smov.u32 s16;
	s11 =	smov.u32 s15;
	[sflag:s14] =	ssyncadd.s32 @!p0 $0xFFFFF830  }
.LBB2_1:
0x21: {  	p0 =	sge.u32 s12, s7  }
0x22: {  	s14 =	sxor.u32 @!p0 $0x1, s12  }
0x23: {  	s14 =	smul.u32 @!p0 $0x1F40, s14  }
0x24: {  	s31 =	sadd.s32 $0xFFFFFFFF, s12;
	s15 =	sshrl.u32 @!p0 s11, $0x3  }
0x25: {  	s16 =	sand.u32 @!p0 $0x7, s11;
	s15 =	sadd.s32 @!p0 s8, s15;
	s14 =	sshra.s32 @!p0 s14, $0x2  }
0x26: {  	[tilespmem:s14], [sflag:$0x2] =	stream.linear.gather @!p0 [hbm4b:s15+s16], $0x7D0, $0x38;
	[tilespmem:$0x1F40] =	vst v63  }
0x27: {  	p0 =	sge.u32 s31, s7  }
.Ltmp2:
0x28: {  	_ = 	snop;
	(pc) =	sbr.rel @p0 .LBB2_5-.Ltmp2, $1  }
0x29: {  	_ =	sdelay $0x3  }
0x2a: {  	s14 =	sand.u32 $0x1, s12  }
0x2b: {  	_ =	swait.ge [sflag:s6], $0x7D0;
	p0 =	seq.s32 s14, $0x1;
	s14 =	simm.s32 $0x7D0  }
0x2c: {  	[sflag:s6] =	ssyncset.done $0x0;
	s14 =	simm.s32 @!p0 $0x0  }
0x2d: {  	[sflag:s6] =	ssyncadd.s32 $0xFFFFF830;
	(ifvalue) =	ssetifvalue $0x7FFFFFFF;
	v0 =	vld.msk [tilespmem:s14+$0x0 ss:$0x1], $0xffff;
	_ =	sdelay $0x4  }
0x2e: {  	s15 =	sadd.s32 $0x10, s14;
	vm1 =	vgt.s32 v0, $0x0  }
0x2f: {  	v2 =	vld.msk [tilespmem:s15+$0x0 ss:$0x1], $0xffff;
	v1 =	vnsel vm1, $0x0, v0  }
0x30: {  	v1 =	vmin.u32 v1, $0xC34F;
	_ =	sdelay $0x2  }
0x31: {  	s17 =	simm.s32 $0x20;
	s14 =	sadd.s32 $0xFA0, s14;
	s16 =	sadd.s32 $0x10, s15  }
0x32: {  	s15 =	sadd.s32 $0x10, s14;
	s18 =	smov.u32 s14;
	v0 =	vld.msk [tilespmem:s16+$0x0 ss:$0x1], $0xffff;
	vm1 =	vgt.s32 v2, $0x0;
	(ifvalue) =	ssetifvalue $0x7FFFFFFF  }
.LBB2_3:
0x33: {  	[tilespmem:s18], [sflag:$0x1] =	stream.indirect_vreg.gather [hbm4b:s2+s10], $0x1, v1, vm0, $0x4038;
	[tilespmem:$0x1F40] =	vst v63  }
0x34: {  	s17 =	sadd.s32 $0x10, s17  }
0x35: {  	v2 =	vnsel vm1, $0x0, v2;
	p0 =	slt.u32 s17, $0x7C0  }
.Ltmp3:
0x36: {  	s18 =	smov.u32 s15;
	v1 =	vmin.u32 v2, $0xC34F;
	(pc) =	sbr.rel @p0 .LBB2_3-.Ltmp3, $3  }
0x37: {  	_ =	sdelay $0x1  }
0x38: {  	s16 =	sadd.s32 $0x10, s16  }
0x39: {  	vm1 =	vgt.s32 v0, $0x0;
	s15 =	sadd.s32 $0x10, s15;
	v2 =	vmov v0;
	(ifvalue) =	ssetifvalue $0x7FFFFFFF;
	v0 =	vld.msk [tilespmem:s16+$0x0 ss:$0x1], $0xffff  }
.Ltmp4:
0x3a: {  	_ = 	snop;
	(pc) =	sbr.rel .LBB2_4-.Ltmp4, $1  }
0x3b: {  	_ =	sdelay $0x3  }
.LBB2_6:
0x3c: {  	_ =	sfence.sel $0x180000  }
0x3d: {  	s2 =	simm.s32 $0x2;
	[bflag:$0x0] =	sbarrier.arrive $0xFFFF  }
0x3e: {  	s30 =	simm.s32 $0x3;
	[sflag:s2] =	ssyncpa.u1 $0x1  }
0x3f: {  	s31 =	simm.s32 $0x1;
	[sflag:s30] =	ssyncpa.u1 $0x1  }
0x40: {  	[sflag:s31] =	ssyncpa.u1 $0x1  }
0x41: {  	p0 =	sne.s32 s1, $0x0;
	_ =	strace $0x90000062  }
0x42: {  	s0 =	sadd.s32 @!p0 $0x100000, s0;
	[bflag:$0x2] =	sbarrier.arrive $0xFFFF  }
0x43: {  	[sflag:s0] =	ssyncadd.tile.s32 @!p0 $0x1;
	_ =	shalt  }
.Lfunc_end2:
_tile_overlayer_lowered:
.L_overlay_start_2:
0x44: {  	(tag) =	ssettag $0x2  }
0x45: {  	s0 =	rddreg [dreg:$0x0];
	s2 =	stileid.u32  }
0x46: {  	s1 =	rddreg [dreg:$0x1];
	p0 =	sne.s32 s2, $0x0  }
0x47: {  	s3 =	rddreg [dreg:$0x2];
	[bflag:$0x3] =	sbarrier.arrive $0xFFFF;
	s2 =	simm.s32 @!p0 $0x1C01  }
0x48: {  	[timem:s3], [sflag:s2] =	dma.local @!p0 [hbm:s0], s1  }
0x49: {  	s0 =	simm.s32 @!p0 $0x1  }
0x4a: {  	_ =	swait.ge @!p0 [sflag:s0], s1  }
0x4b: {  	s1 =	ssub.s32 @!p0 $0x0, s1;
	[sflag:s0] =	ssyncset.done @!p0 $0x0  }
0x4c: {  	[sflag:s0] =	ssyncadd.s32 @!p0 s1  }
0x4d: {  	[bflag:$0x3] =	sbarrier.arrive $0xFFFF  }
0x4e: {  	_ =	shalt  }

// kernel: gather_offload_async_start.8
scs
__scs_entry_jumppad:
0x0: {  	(pc) =	sbr.rel $0x88, $3  }
0x1: {  	(tag) =	ssettag $0x0;
	lr =	simm.s32 $0x1  }
0x2: {  	[smem:$0x3F91] =	sst lr;
	_ =	strace $0xD0000000  }
0x3: {  	_ = 	snop  }
0x4: {  	_ = 	snop  }
0x5: {  	_ = 	snop  }
0x6: {  	_ = 	snop  }
0x7: {  	_ = 	snop  }
__scs_overlays_trampoline_lowered:
0x8: {  	[smem:$0x3FA0] =	sst s0  }
0x9: {  	[smem:$0x3FA1] =	sst s1  }
0xa: {  	[smem:$0x3FA2] =	sst s2  }
0xb: {  	[smem:$0x3FA3] =	sst s3  }
0xc: {  	[smem:$0x3FA4] =	sst s4  }
0xd: {  	[smem:$0x3FA5] =	sst s5  }
0xe: {  	[smem:$0x3FA6] =	sst s6  }
0xf: {  	[smem:$0x3FA7] =	sst s7  }
0x10: {  	[smem:$0x3FA8] =	sst s8  }
0x11: {  	[smem:$0x3FA9] =	sst s9;
	s0 =	simm.s32 @!p0 $0x0  }
0x12: {  	s1 =	sld [smem:$0x3F8F];
	s0 =	simm.s32 @p0 $0x1  }
0x13: {  	[smem:$0x3FAA] =	sst s0;
	s0 =	simm.s32 @!p1 $0x0  }
0x14: {  	s2 =	sld [smem:$0x3F8E];
	s0 =	simm.s32 @p1 $0x1  }
0x15: {  	[smem:$0x3FAB] =	sst s0;
	s0 =	simm.s32 @!p2 $0x0  }
0x16: {  	s3 =	sld [smem:$0x3FDB];
	s0 =	simm.s32 @p2 $0x1  }
0x17: {  	s4 =	simm.s32 $0x1BF5;
	[smem:$0x3FAD] =	sst s0  }
0x18: {  	s0 =	sld [smem:$0x3F90];
	_ =	swait.ge [sflag:s4], $0x0  }
0x19: {  	s7 =	sld [smem:$0x3F91]  }
0x1a: {  	s8 =	sadd.s32 $0xFFFFE003, lr  }
0x1b: {  	s9 =	sadd.s32 $0xFFFFFEF7, lr;
	s5 =	simm.s32 $0xFFFFFFFF;
	p2 =	slt.u32 s8, $0xFFFFF086  }
0x1c: {  	p1 =	slt.u32 s9, $0xF7A;
	s5 =	simm.s32 @!p2 $0x0  }
0x1d: {  	s5 =	simm.s32 @p1 $0x1;
	p0 =	seq.s32 s7, s2  }
0x1e: {  	s7 =	smul.u32 @!p0 $0xF7A, s2;
	p2 =	seq.s32 @!p0 s5, $0x0  }
0x1f: {  	s9 =	smul.u32 $0xF7A, s1;
	s8 =	simm.s32 @!p0 $0x1BF5;
	p2 =	por !p2, p0  }
0x20: {  	[sflag:s8] =	ssyncset.s32 @!p0 $0xFFFFF086;
	s6 =	sadd.s32 @!p0 s3, s7;
	s7 =	simm.s32 @!p0 $0x108  }
0x21: {  	s3 =	sadd.s32 s3, s9;
	s6 =	sadd.s32 @!p0 $0x88, s6;
	s7 =	simm.s32 @p2 $0x1082  }
0x22: {  	[simem:s7], [sflag:s8] =	dma.local @!p0 [hbm:s6], $0xF7A  }
0x23: {  	s9 =	sor.u32 $0xD0000000, s2;
	s6 =	simm.s32 $0x108;
	_ =	swait.ge @!p0 [sflag:s8], $0x0  }
0x24: {  	s3 =	sadd.s32 $0x88, s3;
	s6 =	simm.s32 @!p1 $0x1082;
	[sflag:s4] =	ssyncset.s32 $0xFFFFF086  }
0x25: {  	[simem:s6], [sflag:s4] =	dma.local [hbm:s3], $0xF7A  }
0x26: {  	[smem:$0x3F91] =	sst s1;
	(tag) =	ssettag s2;
	_ =	strace s9  }
0x27: {  	s1 =	sld [smem:$0x3FA1]  }
0x28: {  	s2 =	sld [smem:$0x3FA2]  }
0x29: {  	s4 =	sld [smem:$0x3FA4]  }
0x2a: {  	p0 =	seq.s32 s5, $0x0;
	s5 =	sld [smem:$0x3FA5]  }
0x2b: {  	s6 =	sld [smem:$0x3FA6]  }
0x2c: {  	s7 =	sld [smem:$0x3FA7]  }
0x2d: {  	s3 =	simm.s32 $0x108;
	s8 =	sld [smem:$0x3FA8]  }
0x2e: {  	s3 =	simm.s32 @!p0 $0x1082;
	s9 =	sld [smem:$0x3FA9]  }
0x2f: {  	lr =	sadd.s32 s0, s3;
	s0 =	sld [smem:$0x3FA0]  }
0x30: {  	s3 =	sld [smem:$0x3FA3]  }
0x31: {  	[smem:$0x3FAC] =	sst s10  }
0x32: {  	s10 =	sld [smem:$0x3FAA];
	_ =	sdelay $0x3  }
0x33: {  	p0 =	seq.s32 s10, $0x1;
	s10 =	sld [smem:$0x3FAC];
	_ =	sdelay $0x3  }
0x34: {  	[smem:$0x3FAC] =	sst s10  }
0x35: {  	s10 =	sld [smem:$0x3FAB];
	_ =	sdelay $0x3  }
0x36: {  	p1 =	seq.s32 s10, $0x1;
	s10 =	sld [smem:$0x3FAC];
	_ =	sdelay $0x3  }
0x37: {  	[smem:$0x3FAC] =	sst s10  }
0x38: {  	s10 =	sld [smem:$0x3FAD]  }
0x39: {  	_ = 	snop;
	(pc) =	sbr.ind lr, $3  }
0x3a: {  	_ = 	snop  }
0x3b: {  	_ = 	snop  }
0x3c: {  	p2 =	seq.s32 s10, $0x1;
	s10 =	sld [smem:$0x3FAC]  }
0x3d: {  	_ =	shalt  }
0x3e: {  	_ =	shalt  }
0x3f: {  	_ =	shalt  }
0x40: {  	_ =	shalt  }
0x41: {  	_ =	shalt  }
0x42: {  	_ =	shalt  }
0x43: {  	_ =	shalt  }
0x44: {  	_ =	shalt  }
0x45: {  	_ =	shalt  }
0x46: {  	_ =	shalt  }
0x47: {  	_ =	shalt  }
0x48: {  	_ =	shalt  }
0x49: {  	_ =	shalt  }
0x4a: {  	_ =	shalt  }
0x4b: {  	_ =	shalt  }
0x4c: {  	_ =	shalt  }
0x4d: {  	_ =	shalt  }
0x4e: {  	_ =	shalt  }
0x4f: {  	_ =	shalt  }
0x50: {  	_ =	shalt  }
0x51: {  	_ =	shalt  }
0x52: {  	_ =	shalt  }
0x53: {  	_ =	shalt  }
0x54: {  	_ =	shalt  }
0x55: {  	_ =	shalt  }
0x56: {  	_ =	shalt  }
0x57: {  	_ =	shalt  }
0x58: {  	_ =	shalt  }
0x59: {  	_ =	shalt  }
0x5a: {  	_ =	shalt  }
0x5b: {  	_ =	shalt  }
0x5c: {  	_ =	shalt  }
0x5d: {  	_ =	shalt  }
0x5e: {  	_ =	shalt  }
0x5f: {  	_ =	shalt  }
0x60: {  	_ =	shalt  }
0x61: {  	_ =	shalt  }
0x62: {  	_ =	shalt  }
0x63: {  	_ =	shalt  }
0x64: {  	_ =	shalt  }
0x65: {  	_ =	shalt  }
0x66: {  	_ =	shalt  }
0x67: {  	_ =	shalt  }
0x68: {  	_ =	shalt  }
0x69: {  	_ =	shalt  }
0x6a: {  	_ =	shalt  }
0x6b: {  	_ =	shalt  }
0x6c: {  	_ =	shalt  }
0x6d: {  	_ =	shalt  }
0x6e: {  	_ =	shalt  }
0x6f: {  	_ =	shalt  }
0x70: {  	_ =	shalt  }
0x71: {  	_ =	shalt  }
0x72: {  	_ =	shalt  }
0x73: {  	_ =	shalt  }
0x74: {  	_ =	shalt  }
0x75: {  	_ =	shalt  }
0x76: {  	_ =	shalt  }
0x77: {  	_ =	shalt  }
0x78: {  	_ =	shalt  }
0x79: {  	_ =	shalt  }
0x7a: {  	_ =	shalt  }
0x7b: {  	_ =	shalt  }
0x7c: {  	_ =	shalt  }
0x7d: {  	_ =	shalt  }
0x7e: {  	_ =	shalt  }
0x7f: {  	_ =	shalt  }
0x80: {  	_ =	shalt  }
0x81: {  	_ =	shalt  }
0x82: {  	_ =	shalt  }
0x83: {  	_ =	shalt  }
0x84: {  	_ =	shalt  }
0x85: {  	_ =	shalt  }
0x86: {  	_ =	shalt  }
0x87: {  	_ =	shalt  }
.Lfunc_end0:
.L_simem_size_0:
called_computation.10_lowered:
.L_overlay_start_0:
0x88: {  	s0 =	sld [smem:$0x3FD9]  }
0x89: {  	s1 =	sld [smem:$0x3FFE];
	_ =	sdelay $0x3  }
0x8a: {  	s0 =	sadd.s32 s1, s0  }
0x8b: {  	[smem:$0x3FB8] =	sst s0  }
0x8c: {  	_ = 	snop  }
0x8d: {  	s0 =	sld [smem:$0x3FD0];
	_ =	sdelay $0x2  }
0x8e: {  	s13 =	simm.s32 $0xF;
	s2 =	simm.s32 $0x10  }
0x8f: {  	[smem:s2], [sflag:s13] =	dma.local [hbm:s0], $0x1  }
0x90: {  	_ =	swait.eq [sflag:s13], $0x1  }
0x91: {  	[sflag:s13] =	ssyncset.done $0x0  }
0x92: {  	[sflag:s13] =	ssyncadd.s32 $0xFFFFFFFF  }
0x93: {  	s14 =	sld [smem:$0x15];
	(tm) =	ssettm $0x1  }
0x94: {  	s15 =	sld [smem:$0x3FFB];
	_ =	sdelay $0x3  }
0x95: {  	_ =	strace s15  }
0x96: {  	s1 =	sld [smem:$0x3FFC];
	_ =	sdelay $0x3  }
0x97: {  	_ =	strace s1  }
0x98: {  	s1 =	sld [smem:$0x3FFD];
	_ =	sdelay $0x3  }
0x99: {  	_ =	strace s1  }
0x9a: {  	_ =	strace $0x8FFFFFFF  }
0x9b: {  	s16 =	sld [smem:$0x3FDB];
	_ =	sdelay $0x1  }
0x9c: {  	s17 =	simm.s32 $_scs_section_size  }
0x9d: {  	s3 =	simm.s32 $_size__tile_overlayer_lowered;
	s4 =	simm.s32 $_tile_overlayer_lowered  }
0x9e: {  	s20 =	simm.s32 $0x1BFF;
	s19 =	sshll.u32 s4, $0x1;
	s1 =	sadd.s32 s17, s16  }
0x9f: {  	s5 =	simm.s32 $0x0;
	s18 =	sshll.u32 s3, $0x1;
	s3 =	sadd.s32 s19, s1  }
0xa0: {  	[timem:s5], [sflag:s20] =	dma.local [hbm:s3], s18  }
0xa1: {  	_ =	swait.ge [sflag:s20], s18  }
0xa2: {  	s2 =	ssub.s32 $0x0, s18;
	[sflag:s20] =	ssyncset.done $0x0  }
0xa3: {  	[sflag:s20] =	ssyncadd.s32 s2;
	_ =	sdelay $0x1  }
0xa4: {  	s21 =	simm.s32 $0x1B8B  }
0xa5: {  	_ =	swait.ge [sflag:s21], $0x1  }
0xa6: {  	[sflag:s21] =	ssyncset.done $0x0  }
0xa7: {  	s23 =	simm.s32 $0x1B8E;
	s22 =	sld [smem:$0x3FFE];
	[sflag:s21] =	ssyncadd.s32 $0xFFFFFFFF  }
0xa8: {  	s24 =	simm.s32 $execute0_lowered;
	[smem:$0x3FD2] =	sst s23  }
0xa9: {  	s3 =	sshll.u32 s24, $0x1;
	_ =	strace $0x8000006A;
	[dreg:$0x1] =	wrdreg $0xFFFFFFFF  }
0xaa: {  	s25 =	simm.s32 $_size_execute0_lowered;
	s1 =	sadd.s32 s1, s3;
	[dreg:$0x0] =	wrdreg $0x0  }
0xab: {  	s3 =	sshll.u32 s25, $0x1;
	[dreg:$0x2] =	wrdreg s1  }
0xac: {  	[dreg:$0x3] =	wrdreg s3  }
0xad: {  	[dreg:$0x4] =	wrdreg $0xC0  }
0xae: {  	_ =	task [dreg:s5], $0x5FFFF  }
0xaf: {  	[dreg:$0x1] =	wrdreg $0xFFFFFFFF  }
0xb0: {  	[dreg:$0x0] =	wrdreg $0x60  }
0xb1: {  	[dreg:$0x2] =	wrdreg s22  }
0xb2: {  	[dreg:$0x3] =	wrdreg s14  }
0xb3: {  	[dreg:$0x4] =	wrdreg $0xD  }
0xb4: {  	_ =	task.clear_ibuf [dreg:s5], $0x5FFFF;
	_ =	strace $0x9000006A  }
0xb5: {  	s26 =	simm.s32 $0xD;
	_ =	strace $0x8000006C  }
0xb6: {  	_ =	swait.ge [sflag:s26], $0x1  }
0xb7: {  	[sflag:s26] =	ssyncadd.s32 $0xFFFFFFFF  }
0xb8: {  	_ =	strace $0x9000006C  }
0xb9: {  	_ =	sfence  }
0xba: {  	s28 =	sld [smem:$0x0];
	_ =	sdelay $0x1  }
0xbb: {  	s29 =	srdreg.scid  }
0xbc: {  	s30 =	sshll.u32 s29, $0xD;
	s31 =	sshrl.u32 s29, $0x2  }
0xbd: {  	s2 =	sand.u32 $0x4000, s30;
	s1 =	sand.u32 $0x1, s29;
	s0 =	sadd.s32 s31, s28  }
0xbe: {  	s1 =	sor.u32 s2, s1;
	s0 =	sshll.u32 s0, $0x11  }
0xbf: {  	s0 =	sor.u32 s0, s1  }
0xc0: {  	s0 =	sadd.s32 $0x8F2B, s0  }
0xc1: {  	[sflag:s0] =	ssyncadd.remote.s32 $0x1  }
0xc2: {  	_ =	sfence.sel $0xFFFF  }
0xc3: {  	[dreg:$0x0] =	wrdreg $0xFFFFFFFF;
	(pc) =	sbr.abs _section_cstart, $3  }
0xc4: {  	[dreg:$0x1] =	wrdreg $0xFFFFFFFF  }
0xc5: {  	_ =	task.clear_ibuf [dreg:s5], $0x2FFFF;
	_ =	strace $0x9FFFFFFF  }
0xc6: {  	(tm) =	ssettm $0x7FFFFFFF  }
0xc7: {  	_ =	shalt  }
tec
execute0_lowered:
.L_overlay_start_1:
0x0: {  	(tag) =	ssettag $0x1  }
0x1: {  	s0 =	stileid.u32  }
0x2: {  	s1 =	smul.u32 $0x7, s0  }
0x3: {  	s2 =	smin.u32 s0, $0xD  }
0x4: {  	s1 =	sadd.s32 s2, s1  }
0x5: {  	p0 =	slt.u32 s0, $0xD;
	s2 =	simm.s32 $0xC80;
	s1 =	smul.u32 $0x190, s1  }
0x6: {  	s2 =	simm.s32 @!p0 $0xAF0  }
0x7: {  	s2 =	sadd.s32 s2, s1  }
0x8: {  	s3 =	smin.u32 s2, $0xC350  }
0x9: {  	s7 =	ssub.s32 s3, s1  }
0xa: {  	p0 =	sgt.s32 s7, $0x0  }
0xb: {  	s7 =	simm.s32 @!p0 $0x0  }
0xc: {  	s31 =	sand.u32 $0xFFF0, s7  }
0xd: {  	s2 =	sshrl.u32 s31, $0x4  }
0xe: {  	s9 =	rddreg [dreg:$0x0];
	s2 =	smul.u32 $0xA3E, s2  }
0xf: {  	s4 =	rddreg [dreg:$0x1];
	s6 =	simm.s32 $0x1  }
0x10: {  	s11 =	simm.s32 $0x3;
	s13 =	simm.s32 $0x0;
	s8 =	sshrl.u32 s2, $0x10  }
0x11: {  	s12 =	simm.s32 $0x0;
	s5 =	sadd.s32 $0x1B7C00, s9;
	s10 =	smul.u32 $0x190, s8  }
.Ltmp0:
0x12: {  	s9 =	sadd.s32 $0x13A00, s9;
	s2 =	rddreg [dreg:$0x2];
	(pc) =	sbr.rel .LBB2_1-.Ltmp0, $4  }
0x13: {  	_ =	strace $0x8000006B;
	p0 =	sne.s32 s7, s10;
	s10 =	simm.s32 $0x1  }
0x14: {  	[sflag:s6] =	ssyncpa.u1 $0x0;
	s7 =	simm.s32 $0x2;
	s10 =	simm.s32 @!p0 $0x0  }
0x15: {  	[sflag:s7] =	ssyncpa.u1 $0x0;
	p0 =	por $0x0, $0x0;
	s8 =	sadd.s32 s8, s10  }
0x16: {  	vm0 =	vmmov $0xff;
	vm1 =	vcmask $0x3F20;
	[sflag:s11] =	ssyncpa.u1 $0x0;
	s11 =	smov.u32 s1;
	s10 =	sadd.s32 $0x1, s8  }
.LBB2_6:
0x17: {  	[hbm:s17] =	stream.linear.scatter [tilespmem:s14], [sflag:$0x3], $0x400, $0x38;
	[tilespmem:$0x19320] =	vst v63  }
.LBB2_7:
0x18: {  	s13 =	sadd.s32 $0x190, s11  }
0x19: {  	s15 =	smov.u32 s1;
	p2 =	slt.s32 s13, s3  }
0x1a: {  	s15 =	smov.u32 @p2 s13;
	p2 =	sne.s32 s12, s10  }
.Ltmp1:
0x1b: {  	p1 =	slt.u32 s12, $0x2;
	(pc) =	sbr.rel @!p2 .LBB2_8-.Ltmp1, $4  }
0x1c: {  	s14 =	simm.s32 @!p1 $0x3  }
0x1d: {  	s16 =	sadd.s32 $0x1, s12;
	_ =	swait.ge @!p1 [sflag:s14], $0xC800  }
0x1e: {  	p0 =	por !p0, !p0;
	s13 =	smov.u32 s11;
	[sflag:s14] =	ssyncset.done @!p1 $0x0  }
0x1f: {  	s12 =	smov.u32 s16;
	s11 =	smov.u32 s15;
	[sflag:s14] =	ssyncadd.s32 @!p1 $0xFFFF3800  }
.LBB2_1:
0x20: {  	p1 =	sge.u32 s12, s8  }
0x21: {  	s14 =	sxor.u32 @!p1 $0xFFFFFFFF, s12  }
0x22: {  	s14 =	sand.u32 @!p1 $0x1, s14  }
0x23: {  	s14 =	smul.u32 @!p1 $0x640, s14  }
0x24: {  	s31 =	sadd.s32 $0xFFFFFFFF, s12;
	s15 =	sshrl.u32 @!p1 s11, $0x3  }
0x25: {  	s16 =	sand.u32 @!p1 $0x7, s11;
	s15 =	sadd.s32 @!p1 s9, s15;
	s14 =	sshrl.u32 @!p1 s14, $0x2  }
0x26: {  	[tilespmem:s14], [sflag:$0x2] =	stream.linear.gather @!p1 [hbm4b:s15+s16], $0x190, $0x38;
	[tilespmem:$0x19320] =	vst v63  }
0x27: {  	p1 =	sge.u32 s31, s8  }
.Ltmp2:
0x28: {  	_ = 	snop;
	(pc) =	sbr.rel @p1 .LBB2_7-.Ltmp2, $1  }
0x29: {  	_ =	sdelay $0x3  }
0x2a: {  	s14 =	simm.s32 $0x1  }
0x2b: {  	s14 =	simm.s32 @!p0 $0x0  }
0x2c: {  	s15 =	smul.u32 $0x640, s14  }
0x2d: {  	_ =	swait.ge [sflag:s7], $0x190  }
0x2e: {  	[sflag:s7] =	ssyncset.done $0x0;
	s16 =	sshrl.u32 s15, $0x2  }
0x2f: {  	[sflag:s7] =	ssyncadd.s32 $0xFFFFFE70;
	s15 =	sadd.s32 $0x0, s16  }
0x30: {  	v0 =	vld.msk [tilespmem:s15+$0x0 ss:$0x1], $0xffff;
	_ =	sdelay $0x4  }
0x31: {  	vm2 =	vgt.s32 v0, $0x0  }
0x32: {  	v0 =	vnsel vm2, $0x0, v0  }
0x33: {  	v0 =	vmin.u32 v0, $0xC34F  }
0x34: {  	v0 =	vshll.u32 v0, $0x4  }
0x35: {  	s14 =	smul.u32 $0x32000, s14;
	_ =	sdelay $0x1  }
0x36: {  	s14 =	sshrl.u32 s14, $0x2  }
0x37: {  	s14 =	sor.u32 $0x320, s14  }
0x38: {  	[tilespmem:s14], [sflag:$0x1] =	stream.indirect_vreg.gather [hbm:s5], $0x80, v0, vm0, $0x38;
	[tilespmem:$0x19320] =	vst v63  }
0x39: {  	s17 =	sadd.s32 $0x10, s16;
	s15 =	sadd.s32 $0x400, s14  }
0x3a: {  	[tilespmem:s15], [sflag:$0x1] =	stream.indirect_vreg.gather [hbm:s5], $0x80, v0, vm1, $0x38;
	[tilespmem:$0x19320] =	vst v63  }
0x3b: {  	s18 =	simm.s32 $0x80;
	v0 =	vld.msk [tilespmem:s17+$0x0 ss:$0x1], $0xffff;
	s17 =	smov.u32 s14  }
.LBB2_3:
0x3c: {  	p1 =	sne.s32 s18, $0x600;
	_ =	sdelay $0x4  }
0x3d: {  	vm2 =	vgt.s32 v0, $0x0  }
0x3e: {  	v0 =	vnsel vm2, $0x0, v0  }
0x3f: {  	v0 =	vmin.u32 v0, $0xC34F  }
0x40: {  	v0 =	vshll.u32 v0, $0x4;
	_ =	sdelay $0x3  }
.Ltmp3:
0x41: {  	s19 =	sshra.s32 s18, $0x2;
	s17 =	sadd.s32 $0x800, s17;
	(pc) =	sbr.rel @p1 .LBB2_3-.Ltmp3, $4  }
0x42: {  	[tilespmem:s17], [sflag:$0x1] =	stream.indirect_vreg.gather [hbm:s5], $0x80, v0, vm0, $0x38;
	[tilespmem:$0x19320] =	vst v63  }
0x43: {  	s19 =	sadd.s32 s19, s16;
	s20 =	sadd.s32 $0x400, s17  }
0x44: {  	[tilespmem:s20], [sflag:$0x1] =	stream.indirect_vreg.gather [hbm:s5], $0x80, v0, vm1, $0x38;
	[tilespmem:$0x19320] =	vst v63  }
0x45: {  	s18 =	sadd.s32 $0x40, s18;
	v0 =	vld.msk [tilespmem:s19+$0x0 ss:$0x1], $0xffff  }
0x46: {  	_ =	sdelay $0x3  }
0x47: {  	vm2 =	vgt.s32 v0, $0x0  }
0x48: {  	v0 =	vnsel vm2, $0x0, v0  }
0x49: {  	v0 =	vmin.u32 v0, $0xC34F  }
0x4a: {  	v0 =	vshll.u32 v0, $0x4;
	_ =	sdelay $0x3  }
0x4b: {  	s16 =	sadd.s32 $0x800, s17  }
0x4c: {  	[tilespmem:s16], [sflag:$0x1] =	stream.indirect_vreg.gather [hbm:s5], $0x80, v0, vm0, $0x38;
	[tilespmem:$0x19320] =	vst v63  }
0x4d: {  	s16 =	sadd.s32 $0x400, s16  }
0x4e: {  	[tilespmem:s16], [sflag:$0x1] =	stream.indirect_vreg.gather [hbm:s5], $0x80, v0, vm1, $0x38;
	[tilespmem:$0x19320] =	vst v63  }
0x4f: {  	s13 =	sshll.u32 s13, $0x4;
	_ =	swait.ge [sflag:s6], $0xC800  }
0x50: {  	s13 =	sadd.s32 s13, s4;
	[sflag:s6] =	ssyncset.done $0x0  }
0x51: {  	s17 =	sadd.s32 $0x0, s13;
	s16 =	simm.s32 $0x80;
	[sflag:s6] =	ssyncadd.s32 $0xFFFF3800  }
.LBB2_5:
0x52: {  	[hbm:s17] =	stream.linear.scatter [tilespmem:s14], [sflag:$0x3], $0x400, $0x38;
	[tilespmem:$0x19320] =	vst v63  }
0x53: {  	s17 =	smov.u32 s16;
	s14 =	smov.u32 s15;
	p1 =	sne.s32 s16, $0x1880  }
.Ltmp4:
0x54: {  	s16 =	sadd.s32 $0x80, s16;
	(pc) =	sbr.rel @p1 .LBB2_5-.Ltmp4, $2  }
0x55: {  	_ =	sdelay $0x2  }
0x56: {  	s15 =	sadd.s32 $0x400, s15;
	s17 =	sadd.s32 s17, s13  }
.Ltmp5:
0x57: {  	_ = 	snop;
	(pc) =	sbr.rel .LBB2_6-.Ltmp5, $1  }
0x58: {  	_ =	sdelay $0x3  }
.LBB2_8:
0x59: {  	_ =	sfence.sel $0x180000  }
0x5a: {  	s1 =	simm.s32 $0x2;
	[bflag:$0x0] =	sbarrier.arrive $0xFFFF  }
0x5b: {  	s30 =	simm.s32 $0x3;
	[sflag:s1] =	ssyncpa.u1 $0x1  }
0x5c: {  	s31 =	simm.s32 $0x1;
	[sflag:s30] =	ssyncpa.u1 $0x1  }
0x5d: {  	[sflag:s31] =	ssyncpa.u1 $0x1  }
0x5e: {  	p0 =	sne.s32 s0, $0x0;
	_ =	strace $0x9000006B  }
0x5f: {  	s0 =	sadd.s32 @!p0 $0x100000, s2;
	[bflag:$0x2] =	sbarrier.arrive $0xFFFF  }
0x60: {  	[sflag:s0] =	ssyncadd.tile.s32 @!p0 $0x1;
	_ =	shalt  }
.Lfunc_end2:
_tile_overlayer_lowered:
.L_overlay_start_2:
0x61: {  	(tag) =	ssettag $0x2  }
0x62: {  	s0 =	rddreg [dreg:$0x0];
	s2 =	stileid.u32  }
0x63: {  	s1 =	rddreg [dreg:$0x1];
	p0 =	sne.s32 s2, $0x0  }
0x64: {  	s3 =	rddreg [dreg:$0x2];
	[bflag:$0x3] =	sbarrier.arrive $0xFFFF;
	s2 =	simm.s32 @!p0 $0x1C01  }
0x65: {  	[timem:s3], [sflag:s2] =	dma.local @!p0 [hbm:s0], s1  }
0x66: {  	s0 =	simm.s32 @!p0 $0x1  }
0x67: {  	_ =	swait.ge @!p0 [sflag:s0], s1  }
0x68: {  	s1 =	ssub.s32 @!p0 $0x0, s1;
	[sflag:s0] =	ssyncset.done @!p0 $0x0  }
0x69: {  	[sflag:s0] =	ssyncadd.s32 @!p0 s1  }
0x6a: {  	[bflag:$0x3] =	sbarrier.arrive $0xFFFF  }
0x6b: {  	_ =	shalt  }

// kernel: gather_offload_async_start.9
scs
__scs_entry_jumppad:
0x0: {  	(pc) =	sbr.rel $0x88, $3  }
0x1: {  	(tag) =	ssettag $0x0;
	lr =	simm.s32 $0x1  }
0x2: {  	[smem:$0x3F91] =	sst lr;
	_ =	strace $0xD0000000  }
0x3: {  	_ = 	snop  }
0x4: {  	_ = 	snop  }
0x5: {  	_ = 	snop  }
0x6: {  	_ = 	snop  }
0x7: {  	_ = 	snop  }
__scs_overlays_trampoline_lowered:
0x8: {  	[smem:$0x3FA0] =	sst s0  }
0x9: {  	[smem:$0x3FA1] =	sst s1  }
0xa: {  	[smem:$0x3FA2] =	sst s2  }
0xb: {  	[smem:$0x3FA3] =	sst s3  }
0xc: {  	[smem:$0x3FA4] =	sst s4  }
0xd: {  	[smem:$0x3FA5] =	sst s5  }
0xe: {  	[smem:$0x3FA6] =	sst s6  }
0xf: {  	[smem:$0x3FA7] =	sst s7  }
0x10: {  	[smem:$0x3FA8] =	sst s8  }
0x11: {  	[smem:$0x3FA9] =	sst s9;
	s0 =	simm.s32 @!p0 $0x0  }
0x12: {  	s1 =	sld [smem:$0x3F8F];
	s0 =	simm.s32 @p0 $0x1  }
0x13: {  	[smem:$0x3FAA] =	sst s0;
	s0 =	simm.s32 @!p1 $0x0  }
0x14: {  	s2 =	sld [smem:$0x3F8E];
	s0 =	simm.s32 @p1 $0x1  }
0x15: {  	[smem:$0x3FAB] =	sst s0;
	s0 =	simm.s32 @!p2 $0x0  }
0x16: {  	s3 =	sld [smem:$0x3FDB];
	s0 =	simm.s32 @p2 $0x1  }
0x17: {  	s4 =	simm.s32 $0x1BF5;
	[smem:$0x3FAD] =	sst s0  }
0x18: {  	s0 =	sld [smem:$0x3F90];
	_ =	swait.ge [sflag:s4], $0x0  }
0x19: {  	s7 =	sld [smem:$0x3F91]  }
0x1a: {  	s8 =	sadd.s32 $0xFFFFE003, lr  }
0x1b: {  	s9 =	sadd.s32 $0xFFFFFEF7, lr;
	s5 =	simm.s32 $0xFFFFFFFF;
	p2 =	slt.u32 s8, $0xFFFFF086  }
0x1c: {  	p1 =	slt.u32 s9, $0xF7A;
	s5 =	simm.s32 @!p2 $0x0  }
0x1d: {  	s5 =	simm.s32 @p1 $0x1;
	p0 =	seq.s32 s7, s2  }
0x1e: {  	s7 =	smul.u32 @!p0 $0xF7A, s2;
	p2 =	seq.s32 @!p0 s5, $0x0  }
0x1f: {  	s9 =	smul.u32 $0xF7A, s1;
	s8 =	simm.s32 @!p0 $0x1BF5;
	p2 =	por !p2, p0  }
0x20: {  	[sflag:s8] =	ssyncset.s32 @!p0 $0xFFFFF086;
	s6 =	sadd.s32 @!p0 s3, s7;
	s7 =	simm.s32 @!p0 $0x108  }
0x21: {  	s3 =	sadd.s32 s3, s9;
	s6 =	sadd.s32 @!p0 $0x88, s6;
	s7 =	simm.s32 @p2 $0x1082  }
0x22: {  	[simem:s7], [sflag:s8] =	dma.local @!p0 [hbm:s6], $0xF7A  }
0x23: {  	s9 =	sor.u32 $0xD0000000, s2;
	s6 =	simm.s32 $0x108;
	_ =	swait.ge @!p0 [sflag:s8], $0x0  }
0x24: {  	s3 =	sadd.s32 $0x88, s3;
	s6 =	simm.s32 @!p1 $0x1082;
	[sflag:s4] =	ssyncset.s32 $0xFFFFF086  }
0x25: {  	[simem:s6], [sflag:s4] =	dma.local [hbm:s3], $0xF7A  }
0x26: {  	[smem:$0x3F91] =	sst s1;
	(tag) =	ssettag s2;
	_ =	strace s9  }
0x27: {  	s1 =	sld [smem:$0x3FA1]  }
0x28: {  	s2 =	sld [smem:$0x3FA2]  }
0x29: {  	s4 =	sld [smem:$0x3FA4]  }
0x2a: {  	p0 =	seq.s32 s5, $0x0;
	s5 =	sld [smem:$0x3FA5]  }
0x2b: {  	s6 =	sld [smem:$0x3FA6]  }
0x2c: {  	s7 =	sld [smem:$0x3FA7]  }
0x2d: {  	s3 =	simm.s32 $0x108;
	s8 =	sld [smem:$0x3FA8]  }
0x2e: {  	s3 =	simm.s32 @!p0 $0x1082;
	s9 =	sld [smem:$0x3FA9]  }
0x2f: {  	lr =	sadd.s32 s0, s3;
	s0 =	sld [smem:$0x3FA0]  }
0x30: {  	s3 =	sld [smem:$0x3FA3]  }
0x31: {  	[smem:$0x3FAC] =	sst s10  }
0x32: {  	s10 =	sld [smem:$0x3FAA];
	_ =	sdelay $0x3  }
0x33: {  	p0 =	seq.s32 s10, $0x1;
	s10 =	sld [smem:$0x3FAC];
	_ =	sdelay $0x3  }
0x34: {  	[smem:$0x3FAC] =	sst s10  }
0x35: {  	s10 =	sld [smem:$0x3FAB];
	_ =	sdelay $0x3  }
0x36: {  	p1 =	seq.s32 s10, $0x1;
	s10 =	sld [smem:$0x3FAC];
	_ =	sdelay $0x3  }
0x37: {  	[smem:$0x3FAC] =	sst s10  }
0x38: {  	s10 =	sld [smem:$0x3FAD]  }
0x39: {  	_ = 	snop;
	(pc) =	sbr.ind lr, $3  }
0x3a: {  	_ = 	snop  }
0x3b: {  	_ = 	snop  }
0x3c: {  	p2 =	seq.s32 s10, $0x1;
	s10 =	sld [smem:$0x3FAC]  }
0x3d: {  	_ =	shalt  }
0x3e: {  	_ =	shalt  }
0x3f: {  	_ =	shalt  }
0x40: {  	_ =	shalt  }
0x41: {  	_ =	shalt  }
0x42: {  	_ =	shalt  }
0x43: {  	_ =	shalt  }
0x44: {  	_ =	shalt  }
0x45: {  	_ =	shalt  }
0x46: {  	_ =	shalt  }
0x47: {  	_ =	shalt  }
0x48: {  	_ =	shalt  }
0x49: {  	_ =	shalt  }
0x4a: {  	_ =	shalt  }
0x4b: {  	_ =	shalt  }
0x4c: {  	_ =	shalt  }
0x4d: {  	_ =	shalt  }
0x4e: {  	_ =	shalt  }
0x4f: {  	_ =	shalt  }
0x50: {  	_ =	shalt  }
0x51: {  	_ =	shalt  }
0x52: {  	_ =	shalt  }
0x53: {  	_ =	shalt  }
0x54: {  	_ =	shalt  }
0x55: {  	_ =	shalt  }
0x56: {  	_ =	shalt  }
0x57: {  	_ =	shalt  }
0x58: {  	_ =	shalt  }
0x59: {  	_ =	shalt  }
0x5a: {  	_ =	shalt  }
0x5b: {  	_ =	shalt  }
0x5c: {  	_ =	shalt  }
0x5d: {  	_ =	shalt  }
0x5e: {  	_ =	shalt  }
0x5f: {  	_ =	shalt  }
0x60: {  	_ =	shalt  }
0x61: {  	_ =	shalt  }
0x62: {  	_ =	shalt  }
0x63: {  	_ =	shalt  }
0x64: {  	_ =	shalt  }
0x65: {  	_ =	shalt  }
0x66: {  	_ =	shalt  }
0x67: {  	_ =	shalt  }
0x68: {  	_ =	shalt  }
0x69: {  	_ =	shalt  }
0x6a: {  	_ =	shalt  }
0x6b: {  	_ =	shalt  }
0x6c: {  	_ =	shalt  }
0x6d: {  	_ =	shalt  }
0x6e: {  	_ =	shalt  }
0x6f: {  	_ =	shalt  }
0x70: {  	_ =	shalt  }
0x71: {  	_ =	shalt  }
0x72: {  	_ =	shalt  }
0x73: {  	_ =	shalt  }
0x74: {  	_ =	shalt  }
0x75: {  	_ =	shalt  }
0x76: {  	_ =	shalt  }
0x77: {  	_ =	shalt  }
0x78: {  	_ =	shalt  }
0x79: {  	_ =	shalt  }
0x7a: {  	_ =	shalt  }
0x7b: {  	_ =	shalt  }
0x7c: {  	_ =	shalt  }
0x7d: {  	_ =	shalt  }
0x7e: {  	_ =	shalt  }
0x7f: {  	_ =	shalt  }
0x80: {  	_ =	shalt  }
0x81: {  	_ =	shalt  }
0x82: {  	_ =	shalt  }
0x83: {  	_ =	shalt  }
0x84: {  	_ =	shalt  }
0x85: {  	_ =	shalt  }
0x86: {  	_ =	shalt  }
0x87: {  	_ =	shalt  }
.Lfunc_end0:
.L_simem_size_0:
called_computation.11_lowered:
.L_overlay_start_0:
0x88: {  	s0 =	sld [smem:$0x3FD9]  }
0x89: {  	s1 =	sld [smem:$0x3FFE];
	_ =	sdelay $0x3  }
0x8a: {  	s0 =	sadd.s32 s1, s0  }
0x8b: {  	[smem:$0x3FB8] =	sst s0  }
0x8c: {  	_ = 	snop  }
0x8d: {  	s0 =	sld [smem:$0x3FD0];
	_ =	sdelay $0x2  }
0x8e: {  	s2 =	simm.s32 $0xF  }
0x8f: {  	s3 =	simm.s32 $0x10;
	s13 =	sld [smem:$0x3FC6];
	s0 =	sadd.s32 $0x1, s0  }
0x90: {  	[smem:s3], [sflag:s2] =	dma.local [hbm:s0], $0x1  }
0x91: {  	_ =	swait.eq [sflag:s2], $0x1  }
0x92: {  	[sflag:s2] =	ssyncset.done $0x0  }
0x93: {  	[sflag:s2] =	ssyncadd.s32 $0xFFFFFFFF  }
0x94: {  	s14 =	sld [smem:$0x11];
	(tm) =	ssettm $0x1  }
0x95: {  	s15 =	sld [smem:$0x3FFB];
	_ =	sdelay $0x3  }
0x96: {  	_ =	strace s15  }
0x97: {  	s2 =	sld [smem:$0x3FFC];
	_ =	sdelay $0x3  }
0x98: {  	_ =	strace s2  }
0x99: {  	s2 =	sld [smem:$0x3FFD];
	_ =	sdelay $0x3  }
0x9a: {  	_ =	strace s2  }
0x9b: {  	_ =	strace $0x8FFFFFFF  }
0x9c: {  	s16 =	sld [smem:$0x3FDB];
	_ =	sdelay $0x1  }
0x9d: {  	s17 =	simm.s32 $_scs_section_size  }
0x9e: {  	s4 =	simm.s32 $_size__tile_overlayer_lowered;
	s5 =	simm.s32 $_tile_overlayer_lowered  }
0x9f: {  	s20 =	simm.s32 $0x1BFF;
	s19 =	sshll.u32 s5, $0x1;
	s2 =	sadd.s32 s17, s16  }
0xa0: {  	s6 =	simm.s32 $0x0;
	s18 =	sshll.u32 s4, $0x1;
	s4 =	sadd.s32 s19, s2  }
0xa1: {  	[timem:s6], [sflag:s20] =	dma.local [hbm:s4], s18  }
0xa2: {  	_ =	swait.ge [sflag:s20], s18  }
0xa3: {  	s3 =	ssub.s32 $0x0, s18;
	[sflag:s20] =	ssyncset.done $0x0  }
0xa4: {  	[sflag:s20] =	ssyncadd.s32 s3;
	_ =	sdelay $0x1  }
0xa5: {  	s21 =	simm.s32 $0x1B8B  }
0xa6: {  	_ =	swait.ge [sflag:s21], $0x1  }
0xa7: {  	[sflag:s21] =	ssyncset.done $0x0  }
0xa8: {  	s23 =	simm.s32 $0x1B8E;
	s22 =	sld [smem:$0x3FFE];
	[sflag:s21] =	ssyncadd.s32 $0xFFFFFFFF  }
0xa9: {  	s24 =	simm.s32 $execute0_lowered;
	[smem:$0x3FD2] =	sst s23  }
0xaa: {  	s4 =	sshll.u32 s24, $0x1;
	_ =	strace $0x80000067;
	[dreg:$0x1] =	wrdreg $0xFFFFFFFF  }
0xab: {  	s25 =	simm.s32 $_size_execute0_lowered;
	s2 =	sadd.s32 s2, s4;
	[dreg:$0x0] =	wrdreg $0x0  }
0xac: {  	s4 =	sshll.u32 s25, $0x1;
	[dreg:$0x2] =	wrdreg s2  }
0xad: {  	[dreg:$0x3] =	wrdreg s4  }
0xae: {  	[dreg:$0x4] =	wrdreg $0xC0  }
0xaf: {  	_ =	task [dreg:s6], $0x5FFFF  }
0xb0: {  	[dreg:$0x1] =	wrdreg $0xFFFFFFFF  }
0xb1: {  	[dreg:$0x0] =	wrdreg $0x60  }
0xb2: {  	[dreg:$0x2] =	wrdreg s13  }
0xb3: {  	[dreg:$0x3] =	wrdreg s22  }
0xb4: {  	[dreg:$0x4] =	wrdreg s14  }
0xb5: {  	[dreg:$0x5] =	wrdreg $0xE  }
0xb6: {  	_ =	task.clear_ibuf [dreg:s6], $0x6FFFF;
	_ =	strace $0x90000067  }
0xb7: {  	s26 =	simm.s32 $0xE;
	_ =	strace $0x80000069  }
0xb8: {  	_ =	swait.ge [sflag:s26], $0x1  }
0xb9: {  	[sflag:s26] =	ssyncadd.s32 $0xFFFFFFFF  }
0xba: {  	_ =	strace $0x90000069  }
0xbb: {  	_ =	sfence  }
0xbc: {  	s28 =	sld [smem:$0x0];
	_ =	sdelay $0x1  }
0xbd: {  	s29 =	srdreg.scid  }
0xbe: {  	s30 =	sshll.u32 s29, $0xD;
	s31 =	sshrl.u32 s29, $0x2  }
0xbf: {  	s1 =	sand.u32 $0x1, s29;
	s2 =	sand.u32 $0x4000, s30;
	s0 =	sadd.s32 s31, s28  }
0xc0: {  	s1 =	sor.u32 s2, s1;
	s0 =	sshll.u32 s0, $0x11  }
0xc1: {  	s0 =	sor.u32 s0, s1  }
0xc2: {  	s0 =	sadd.s32 $0x8F2B, s0  }
0xc3: {  	[sflag:s0] =	ssyncadd.remote.s32 $0x1  }
0xc4: {  	_ =	sfence.sel $0xFFFF  }
0xc5: {  	[dreg:$0x0] =	wrdreg $0xFFFFFFFF;
	(pc) =	sbr.abs _section_cstart, $3  }
0xc6: {  	[dreg:$0x1] =	wrdreg $0xFFFFFFFF  }
0xc7: {  	_ =	task.clear_ibuf [dreg:s6], $0x2FFFF;
	_ =	strace $0x9FFFFFFF  }
0xc8: {  	(tm) =	ssettm $0x7FFFFFFF  }
0xc9: {  	_ =	shalt  }
tec
execute0_lowered:
.L_overlay_start_1:
0x0: {  	(tag) =	ssettag $0x1  }
0x1: {  	s2 =	rddreg [dreg:$0x0]  }
0x2: {  	s8 =	rddreg [dreg:$0x1]  }
0x3: {  	s3 =	rddreg [dreg:$0x2]  }
0x4: {  	s0 =	rddreg [dreg:$0x3];
	_ =	strace $0x80000068;
	s4 =	simm.s32 $0x1  }
0x5: {  	s1 =	stileid.u32;
	s7 =	simm.s32 $0x1;
	s9 =	simm.s32 $0x1  }
0x6: {  	s6 =	simm.s32 $0x2;
	s10 =	simm.s32 $0x3;
	s13 =	simm.s32 $0x0  }
.Ltmp0:
0x7: {  	s12 =	simm.s32 $0x0;
	p0 =	slt.u32 s1, $0xA;
	(pc) =	sbr.rel .LBB2_1-.Ltmp0, $4  }
0x8: {  	[sflag:s4] =	ssyncpa.u1 $0x0;
	s7 =	simm.s32 @!p0 $0x0;
	p0 =	sne.s32 s1, $0x9  }
0x9: {  	s5 =	smul.u32 $0x7D0, s1;
	[sflag:s6] =	ssyncpa.u1 $0x0;
	s9 =	simm.s32 @!p0 $0x0  }
0xa: {  	s8 =	sadd.s32 $0x13A00, s8;
	[sflag:s10] =	ssyncpa.u1 $0x0;
	s7 =	sadd.s32 s9, s7  }
0xb: {  	vm0 =	vmmov $0xffff;
	s10 =	simm.s32 $0x0;
	s11 =	smov.u32 s5;
	s9 =	sadd.s32 $0x1, s7  }
.LBB2_4:
0xc: {  	v2 =	vnsel vm1, $0x0, v2  }
0xd: {  	vm1 =	vgt.s32 v0, $0x0;
	v2 =	vmin.u32 v2, $0xC34F  }
0xe: {  	v0 =	vnsel vm1, $0x0, v0  }
0xf: {  	v0 =	vmin.u32 v0, $0xC34F  }
0x10: {  	[tilespmem:s18], [sflag:$0x1] =	stream.indirect_vreg.gather [hbm4b:s2+s10], $0x1, v1, vm0, $0x4038;
	[tilespmem:$0x1F40] =	vst v63  }
0x11: {  	(ifvalue) =	ssetifvalue $0x7FFFFFFF  }
0x12: {  	[tilespmem:s15], [sflag:$0x1] =	stream.indirect_vreg.gather [hbm4b:s2+s10], $0x1, v2, vm0, $0x4038;
	[tilespmem:$0x1F40] =	vst v63  }
0x13: {  	s29 =	sadd.s32 $0x10, s15;
	(ifvalue) =	ssetifvalue $0x7FFFFFFF  }
0x14: {  	[tilespmem:s29], [sflag:$0x1] =	stream.indirect_vreg.gather [hbm4b:s2+s10], $0x1, v0, vm0, $0x4038;
	[tilespmem:$0x1F40] =	vst v63  }
0x15: {  	_ =	swait.ge [sflag:s4], $0x7D0  }
0x16: {  	s30 =	sshrl.u32 s13, $0x3;
	[sflag:s4] =	ssyncset.done $0x0  }
0x17: {  	s31 =	sand.u32 $0x7, s13;
	s15 =	sadd.s32 s3, s30;
	[sflag:s4] =	ssyncadd.s32 $0xFFFFF830  }
0x18: {  	[hbm4b:s15+s31] =	stream.linear.scatter [tilespmem:s14], [sflag:$0x3], $0x7D0, $0x38;
	[tilespmem:$0x1F40] =	vst v63  }
.LBB2_5:
0x19: {  	s15 =	sadd.s32 $0x7D00, s11  }
0x1a: {  	p1 =	sgt.s32 s15, $0xC34F  }
0x1b: {  	s15 =	smov.u32 @p1 s5;
	p1 =	sne.s32 s12, s9  }
.Ltmp1:
0x1c: {  	p0 =	slt.u32 s12, $0x2;
	(pc) =	sbr.rel @!p1 .LBB2_6-.Ltmp1, $4  }
0x1d: {  	s14 =	simm.s32 @!p0 $0x3  }
0x1e: {  	_ =	swait.ge @!p0 [sflag:s14], $0x7D0  }
0x1f: {  	s16 =	sadd.s32 $0x1, s12;
	s13 =	smov.u32 s11;
	[sflag:s14] =	ssyncset.done @!p0 $0x0  }
0x20: {  	s12 =	smov.u32 s16;
	s11 =	smov.u32 s15;
	[sflag:s14] =	ssyncadd.s32 @!p0 $0xFFFFF830  }
.LBB2_1:
0x21: {  	p0 =	sge.u32 s12, s7  }
0x22: {  	s14 =	sxor.u32 @!p0 $0x1, s12  }
0x23: {  	s14 =	smul.u32 @!p0 $0x1F40, s14  }
0x24: {  	s31 =	sadd.s32 $0xFFFFFFFF, s12;
	s15 =	sshrl.u32 @!p0 s11, $0x3  }
0x25: {  	s16 =	sand.u32 @!p0 $0x7, s11;
	s15 =	sadd.s32 @!p0 s8, s15;
	s14 =	sshra.s32 @!p0 s14, $0x2  }
0x26: {  	[tilespmem:s14], [sflag:$0x2] =	stream.linear.gather @!p0 [hbm4b:s15+s16], $0x7D0, $0x38;
	[tilespmem:$0x1F40] =	vst v63  }
0x27: {  	p0 =	sge.u32 s31, s7  }
.Ltmp2:
0x28: {  	_ = 	snop;
	(pc) =	sbr.rel @p0 .LBB2_5-.Ltmp2, $1  }
0x29: {  	_ =	sdelay $0x3  }
0x2a: {  	s14 =	sand.u32 $0x1, s12  }
0x2b: {  	_ =	swait.ge [sflag:s6], $0x7D0;
	p0 =	seq.s32 s14, $0x1;
	s14 =	simm.s32 $0x7D0  }
0x2c: {  	[sflag:s6] =	ssyncset.done $0x0;
	s14 =	simm.s32 @!p0 $0x0  }
0x2d: {  	[sflag:s6] =	ssyncadd.s32 $0xFFFFF830;
	(ifvalue) =	ssetifvalue $0x7FFFFFFF;
	v0 =	vld.msk [tilespmem:s14+$0x0 ss:$0x1], $0xffff;
	_ =	sdelay $0x4  }
0x2e: {  	s15 =	sadd.s32 $0x10, s14;
	vm1 =	vgt.s32 v0, $0x0  }
0x2f: {  	v2 =	vld.msk [tilespmem:s15+$0x0 ss:$0x1], $0xffff;
	v1 =	vnsel vm1, $0x0, v0  }
0x30: {  	v1 =	vmin.u32 v1, $0xC34F;
	_ =	sdelay $0x2  }
0x31: {  	s17 =	simm.s32 $0x20;
	s14 =	sadd.s32 $0xFA0, s14;
	s16 =	sadd.s32 $0x10, s15  }
0x32: {  	s15 =	sadd.s32 $0x10, s14;
	s18 =	smov.u32 s14;
	v0 =	vld.msk [tilespmem:s16+$0x0 ss:$0x1], $0xffff;
	vm1 =	vgt.s32 v2, $0x0;
	(ifvalue) =	ssetifvalue $0x7FFFFFFF  }
.LBB2_3:
0x33: {  	[tilespmem:s18], [sflag:$0x1] =	stream.indirect_vreg.gather [hbm4b:s2+s10], $0x1, v1, vm0, $0x4038;
	[tilespmem:$0x1F40] =	vst v63  }
0x34: {  	s17 =	sadd.s32 $0x10, s17  }
0x35: {  	v2 =	vnsel vm1, $0x0, v2;
	p0 =	slt.u32 s17, $0x7C0  }
.Ltmp3:
0x36: {  	s18 =	smov.u32 s15;
	v1 =	vmin.u32 v2, $0xC34F;
	(pc) =	sbr.rel @p0 .LBB2_3-.Ltmp3, $3  }
0x37: {  	_ =	sdelay $0x1  }
0x38: {  	s16 =	sadd.s32 $0x10, s16  }
0x39: {  	vm1 =	vgt.s32 v0, $0x0;
	s15 =	sadd.s32 $0x10, s15;
	v2 =	vmov v0;
	(ifvalue) =	ssetifvalue $0x7FFFFFFF;
	v0 =	vld.msk [tilespmem:s16+$0x0 ss:$0x1], $0xffff  }
.Ltmp4:
0x3a: {  	_ = 	snop;
	(pc) =	sbr.rel .LBB2_4-.Ltmp4, $1  }
0x3b: {  	_ =	sdelay $0x3  }
.LBB2_6:
0x3c: {  	_ =	sfence.sel $0x180000  }
0x3d: {  	s2 =	simm.s32 $0x2;
	[bflag:$0x0] =	sbarrier.arrive $0xFFFF  }
0x3e: {  	s30 =	simm.s32 $0x3;
	[sflag:s2] =	ssyncpa.u1 $0x1  }
0x3f: {  	s31 =	simm.s32 $0x1;
	[sflag:s30] =	ssyncpa.u1 $0x1  }
0x40: {  	[sflag:s31] =	ssyncpa.u1 $0x1  }
0x41: {  	p0 =	sne.s32 s1, $0x0;
	_ =	strace $0x90000068  }
0x42: {  	s0 =	sadd.s32 @!p0 $0x100000, s0;
	[bflag:$0x2] =	sbarrier.arrive $0xFFFF  }
0x43: {  	[sflag:s0] =	ssyncadd.tile.s32 @!p0 $0x1;
	_ =	shalt  }
.Lfunc_end2:
_tile_overlayer_lowered:
.L_overlay_start_2:
0x44: {  	(tag) =	ssettag $0x2  }
0x45: {  	s0 =	rddreg [dreg:$0x0];
	s2 =	stileid.u32  }
0x46: {  	s1 =	rddreg [dreg:$0x1];
	p0 =	sne.s32 s2, $0x0  }
0x47: {  	s3 =	rddreg [dreg:$0x2];
	[bflag:$0x3] =	sbarrier.arrive $0xFFFF;
	s2 =	simm.s32 @!p0 $0x1C01  }
0x48: {  	[timem:s3], [sflag:s2] =	dma.local @!p0 [hbm:s0], s1  }
0x49: {  	s0 =	simm.s32 @!p0 $0x1  }
0x4a: {  	_ =	swait.ge @!p0 [sflag:s0], s1  }
0x4b: {  	s1 =	ssub.s32 @!p0 $0x0, s1;
	[sflag:s0] =	ssyncset.done @!p0 $0x0  }
0x4c: {  	[sflag:s0] =	ssyncadd.s32 @!p0 s1  }
0x4d: {  	[bflag:$0x3] =	sbarrier.arrive $0xFFFF  }
0x4e: {  	_ =	shalt  }

// kernel: gather_offload_async_start
scs
__scs_entry_jumppad:
0x0: {  	(pc) =	sbr.rel $0x88, $3  }
0x1: {  	(tag) =	ssettag $0x0;
	lr =	simm.s32 $0x1  }
0x2: {  	[smem:$0x3F91] =	sst lr;
	_ =	strace $0xD0000000  }
0x3: {  	_ = 	snop  }
0x4: {  	_ = 	snop  }
0x5: {  	_ = 	snop  }
0x6: {  	_ = 	snop  }
0x7: {  	_ = 	snop  }
__scs_overlays_trampoline_lowered:
0x8: {  	[smem:$0x3FA0] =	sst s0  }
0x9: {  	[smem:$0x3FA1] =	sst s1  }
0xa: {  	[smem:$0x3FA2] =	sst s2  }
0xb: {  	[smem:$0x3FA3] =	sst s3  }
0xc: {  	[smem:$0x3FA4] =	sst s4  }
0xd: {  	[smem:$0x3FA5] =	sst s5  }
0xe: {  	[smem:$0x3FA6] =	sst s6  }
0xf: {  	[smem:$0x3FA7] =	sst s7  }
0x10: {  	[smem:$0x3FA8] =	sst s8  }
0x11: {  	[smem:$0x3FA9] =	sst s9;
	s0 =	simm.s32 @!p0 $0x0  }
0x12: {  	s1 =	sld [smem:$0x3F8F];
	s0 =	simm.s32 @p0 $0x1  }
0x13: {  	[smem:$0x3FAA] =	sst s0;
	s0 =	simm.s32 @!p1 $0x0  }
0x14: {  	s2 =	sld [smem:$0x3F8E];
	s0 =	simm.s32 @p1 $0x1  }
0x15: {  	[smem:$0x3FAB] =	sst s0;
	s0 =	simm.s32 @!p2 $0x0  }
0x16: {  	s3 =	sld [smem:$0x3FDB];
	s0 =	simm.s32 @p2 $0x1  }
0x17: {  	s4 =	simm.s32 $0x1BF5;
	[smem:$0x3FAD] =	sst s0  }
0x18: {  	s0 =	sld [smem:$0x3F90];
	_ =	swait.ge [sflag:s4], $0x0  }
0x19: {  	s7 =	sld [smem:$0x3F91]  }
0x1a: {  	s8 =	sadd.s32 $0xFFFFE003, lr  }
0x1b: {  	s9 =	sadd.s32 $0xFFFFFEF7, lr;
	s5 =	simm.s32 $0xFFFFFFFF;
	p2 =	slt.u32 s8, $0xFFFFF086  }
0x1c: {  	p1 =	slt.u32 s9, $0xF7A;
	s5 =	simm.s32 @!p2 $0x0  }
0x1d: {  	s5 =	simm.s32 @p1 $0x1;
	p0 =	seq.s32 s7, s2  }
0x1e: {  	s7 =	smul.u32 @!p0 $0xF7A, s2;
	p2 =	seq.s32 @!p0 s5, $0x0  }
0x1f: {  	s9 =	smul.u32 $0xF7A, s1;
	s8 =	simm.s32 @!p0 $0x1BF5;
	p2 =	por !p2, p0  }
0x20: {  	[sflag:s8] =	ssyncset.s32 @!p0 $0xFFFFF086;
	s6 =	sadd.s32 @!p0 s3, s7;
	s7 =	simm.s32 @!p0 $0x108  }
0x21: {  	s3 =	sadd.s32 s3, s9;
	s6 =	sadd.s32 @!p0 $0x88, s6;
	s7 =	simm.s32 @p2 $0x1082  }
0x22: {  	[simem:s7], [sflag:s8] =	dma.local @!p0 [hbm:s6], $0xF7A  }
0x23: {  	s9 =	sor.u32 $0xD0000000, s2;
	s6 =	simm.s32 $0x108;
	_ =	swait.ge @!p0 [sflag:s8], $0x0  }
0x24: {  	s3 =	sadd.s32 $0x88, s3;
	s6 =	simm.s32 @!p1 $0x1082;
	[sflag:s4] =	ssyncset.s32 $0xFFFFF086  }
0x25: {  	[simem:s6], [sflag:s4] =	dma.local [hbm:s3], $0xF7A  }
0x26: {  	[smem:$0x3F91] =	sst s1;
	(tag) =	ssettag s2;
	_ =	strace s9  }
0x27: {  	s1 =	sld [smem:$0x3FA1]  }
0x28: {  	s2 =	sld [smem:$0x3FA2]  }
0x29: {  	s4 =	sld [smem:$0x3FA4]  }
0x2a: {  	p0 =	seq.s32 s5, $0x0;
	s5 =	sld [smem:$0x3FA5]  }
0x2b: {  	s6 =	sld [smem:$0x3FA6]  }
0x2c: {  	s7 =	sld [smem:$0x3FA7]  }
0x2d: {  	s3 =	simm.s32 $0x108;
	s8 =	sld [smem:$0x3FA8]  }
0x2e: {  	s3 =	simm.s32 @!p0 $0x1082;
	s9 =	sld [smem:$0x3FA9]  }
0x2f: {  	lr =	sadd.s32 s0, s3;
	s0 =	sld [smem:$0x3FA0]  }
0x30: {  	s3 =	sld [smem:$0x3FA3]  }
0x31: {  	[smem:$0x3FAC] =	sst s10  }
0x32: {  	s10 =	sld [smem:$0x3FAA];
	_ =	sdelay $0x3  }
0x33: {  	p0 =	seq.s32 s10, $0x1;
	s10 =	sld [smem:$0x3FAC];
	_ =	sdelay $0x3  }
0x34: {  	[smem:$0x3FAC] =	sst s10  }
0x35: {  	s10 =	sld [smem:$0x3FAB];
	_ =	sdelay $0x3  }
0x36: {  	p1 =	seq.s32 s10, $0x1;
	s10 =	sld [smem:$0x3FAC];
	_ =	sdelay $0x3  }
0x37: {  	[smem:$0x3FAC] =	sst s10  }
0x38: {  	s10 =	sld [smem:$0x3FAD]  }
0x39: {  	_ = 	snop;
	(pc) =	sbr.ind lr, $3  }
0x3a: {  	_ = 	snop  }
0x3b: {  	_ = 	snop  }
0x3c: {  	p2 =	seq.s32 s10, $0x1;
	s10 =	sld [smem:$0x3FAC]  }
0x3d: {  	_ =	shalt  }
0x3e: {  	_ =	shalt  }
0x3f: {  	_ =	shalt  }
0x40: {  	_ =	shalt  }
0x41: {  	_ =	shalt  }
0x42: {  	_ =	shalt  }
0x43: {  	_ =	shalt  }
0x44: {  	_ =	shalt  }
0x45: {  	_ =	shalt  }
0x46: {  	_ =	shalt  }
0x47: {  	_ =	shalt  }
0x48: {  	_ =	shalt  }
0x49: {  	_ =	shalt  }
0x4a: {  	_ =	shalt  }
0x4b: {  	_ =	shalt  }
0x4c: {  	_ =	shalt  }
0x4d: {  	_ =	shalt  }
0x4e: {  	_ =	shalt  }
0x4f: {  	_ =	shalt  }
0x50: {  	_ =	shalt  }
0x51: {  	_ =	shalt  }
0x52: {  	_ =	shalt  }
0x53: {  	_ =	shalt  }
0x54: {  	_ =	shalt  }
0x55: {  	_ =	shalt  }
0x56: {  	_ =	shalt  }
0x57: {  	_ =	shalt  }
0x58: {  	_ =	shalt  }
0x59: {  	_ =	shalt  }
0x5a: {  	_ =	shalt  }
0x5b: {  	_ =	shalt  }
0x5c: {  	_ =	shalt  }
0x5d: {  	_ =	shalt  }
0x5e: {  	_ =	shalt  }
0x5f: {  	_ =	shalt  }
0x60: {  	_ =	shalt  }
0x61: {  	_ =	shalt  }
0x62: {  	_ =	shalt  }
0x63: {  	_ =	shalt  }
0x64: {  	_ =	shalt  }
0x65: {  	_ =	shalt  }
0x66: {  	_ =	shalt  }
0x67: {  	_ =	shalt  }
0x68: {  	_ =	shalt  }
0x69: {  	_ =	shalt  }
0x6a: {  	_ =	shalt  }
0x6b: {  	_ =	shalt  }
0x6c: {  	_ =	shalt  }
0x6d: {  	_ =	shalt  }
0x6e: {  	_ =	shalt  }
0x6f: {  	_ =	shalt  }
0x70: {  	_ =	shalt  }
0x71: {  	_ =	shalt  }
0x72: {  	_ =	shalt  }
0x73: {  	_ =	shalt  }
0x74: {  	_ =	shalt  }
0x75: {  	_ =	shalt  }
0x76: {  	_ =	shalt  }
0x77: {  	_ =	shalt  }
0x78: {  	_ =	shalt  }
0x79: {  	_ =	shalt  }
0x7a: {  	_ =	shalt  }
0x7b: {  	_ =	shalt  }
0x7c: {  	_ =	shalt  }
0x7d: {  	_ =	shalt  }
0x7e: {  	_ =	shalt  }
0x7f: {  	_ =	shalt  }
0x80: {  	_ =	shalt  }
0x81: {  	_ =	shalt  }
0x82: {  	_ =	shalt  }
0x83: {  	_ =	shalt  }
0x84: {  	_ =	shalt  }
0x85: {  	_ =	shalt  }
0x86: {  	_ =	shalt  }
0x87: {  	_ =	shalt  }
.Lfunc_end0:
.L_simem_size_0:
called_computation.2_lowered:
.L_overlay_start_0:
0x88: {  	s2 =	sld [smem:$0x3FD9]  }
0x89: {  	s3 =	sld [smem:$0x3FFE];
	_ =	sdelay $0x1  }
0x8a: {  	s1 =	srdreg.scid  }
0x8b: {  	s0 =	sand.u32 $0x1, s1  }
0x8c: {  	s14 =	sshll.u32 s0, $0xA;
	s2 =	sadd.s32 s3, s2  }
0x8d: {  	s2 =	sadd.s32 s2, s14  }
0x8e: {  	[smem:$0x3FB8] =	sst s2  }
0x8f: {  	_ = 	snop  }
0x90: {  	s2 =	sld [smem:$0x3FD0];
	_ =	sdelay $0x2  }
0x91: {  	s4 =	simm.s32 $0xF;
	s5 =	simm.s32 $0x10;
	s15 =	sld [smem:$0x3FC8]  }
0x92: {  	[smem:s5], [sflag:s4] =	dma.local [hbm:s2], $0x1  }
0x93: {  	_ =	swait.eq [sflag:s4], $0x1  }
0x94: {  	[sflag:s4] =	ssyncset.done $0x0  }
0x95: {  	[sflag:s4] =	ssyncadd.s32 $0xFFFFFFFF  }
0x96: {  	s16 =	sld [smem:$0x11];
	(tm) =	ssettm $0x1  }
0x97: {  	s17 =	sld [smem:$0x3FFB];
	_ =	sdelay $0x3  }
0x98: {  	_ =	strace s17  }
0x99: {  	s4 =	sld [smem:$0x3FFC];
	_ =	sdelay $0x3  }
0x9a: {  	_ =	strace s4  }
0x9b: {  	s4 =	sld [smem:$0x3FFD];
	_ =	sdelay $0x3  }
0x9c: {  	_ =	strace s4  }
0x9d: {  	_ =	strace $0x8FFFFFFF  }
0x9e: {  	s18 =	sld [smem:$0x3FDB];
	_ =	sdelay $0x1  }
0x9f: {  	s19 =	simm.s32 $_scs_section_size  }
0xa0: {  	s6 =	simm.s32 $_size__tile_overlayer_lowered;
	s7 =	simm.s32 $_tile_overlayer_lowered  }
0xa1: {  	s22 =	simm.s32 $0x1BFF;
	s21 =	sshll.u32 s7, $0x1;
	s4 =	sadd.s32 s19, s18  }
0xa2: {  	s8 =	simm.s32 $0x0;
	s20 =	sshll.u32 s6, $0x1;
	s6 =	sadd.s32 s21, s4  }
0xa3: {  	[timem:s8], [sflag:s22] =	dma.local [hbm:s6], s20  }
0xa4: {  	_ =	swait.ge [sflag:s22], s20  }
0xa5: {  	s5 =	ssub.s32 $0x0, s20;
	[sflag:s22] =	ssyncset.done $0x0  }
0xa6: {  	[sflag:s22] =	ssyncadd.s32 s5;
	_ =	sdelay $0x1  }
0xa7: {  	s23 =	simm.s32 $0x1B8B  }
0xa8: {  	_ =	swait.ge [sflag:s23], $0x1  }
0xa9: {  	[sflag:s23] =	ssyncset.done $0x0  }
0xaa: {  	s25 =	simm.s32 $0x1B8E;
	s24 =	sld [smem:$0x3FFE];
	[sflag:s23] =	ssyncadd.s32 $0xFFFFFFFF  }
0xab: {  	s26 =	simm.s32 $execute0_lowered;
	[smem:$0x3FD2] =	sst s25  }
0xac: {  	s6 =	sshll.u32 s26, $0x1;
	_ =	strace $0x80000058;
	[dreg:$0x1] =	wrdreg $0xFFFFFFFF  }
0xad: {  	s28 =	simm.s32 $_size_execute0_lowered;
	s4 =	sadd.s32 s4, s6;
	[dreg:$0x0] =	wrdreg $0x0  }
0xae: {  	s6 =	sshll.u32 s28, $0x1;
	[dreg:$0x2] =	wrdreg s4  }
0xaf: {  	[dreg:$0x3] =	wrdreg s6  }
0xb0: {  	[dreg:$0x4] =	wrdreg $0xC0  }
0xb1: {  	_ =	task [dreg:s8], $0x5FFFF  }
0xb2: {  	[dreg:$0x1] =	wrdreg $0xFFFFFFFF  }
0xb3: {  	[dreg:$0x0] =	wrdreg $0x60  }
0xb4: {  	[dreg:$0x2] =	wrdreg s15  }
0xb5: {  	[dreg:$0x3] =	wrdreg s24  }
0xb6: {  	[dreg:$0x4] =	wrdreg s16  }
0xb7: {  	[dreg:$0x5] =	wrdreg $0x9  }
0xb8: {  	_ =	task.clear_ibuf [dreg:s8], $0x6FFFF;
	_ =	strace $0x90000058  }
0xb9: {  	s29 =	simm.s32 $0x9;
	_ =	strace $0x8000005A  }
0xba: {  	_ =	swait.ge [sflag:s29], $0x1  }
0xbb: {  	[sflag:s29] =	ssyncadd.s32 $0xFFFFFFFF  }
0xbc: {  	_ =	strace $0x9000005A  }
0xbd: {  	_ =	sfence  }
0xbe: {  	s30 =	sld [smem:$0x0];
	_ =	sdelay $0x2  }
0xbf: {  	s31 =	sshll.u32 s1, $0xD;
	s1 =	sshrl.u32 s1, $0x2  }
0xc0: {  	s3 =	sand.u32 $0x4000, s31;
	s1 =	sadd.s32 s1, s30  }
0xc1: {  	s0 =	sor.u32 s3, s0;
	s1 =	sshll.u32 s1, $0x11  }
0xc2: {  	s0 =	sor.u32 s1, s0  }
0xc3: {  	s0 =	sadd.s32 $0x8F2B, s0  }
0xc4: {  	[sflag:s0] =	ssyncadd.remote.s32 $0x1  }
0xc5: {  	_ =	sfence.sel $0xFFFF  }
0xc6: {  	[dreg:$0x0] =	wrdreg $0xFFFFFFFF;
	(pc) =	sbr.abs _section_cstart, $3  }
0xc7: {  	[dreg:$0x1] =	wrdreg $0xFFFFFFFF  }
0xc8: {  	_ =	task.clear_ibuf [dreg:s8], $0x2FFFF;
	_ =	strace $0x9FFFFFFF  }
0xc9: {  	(tm) =	ssettm $0x7FFFFFFF  }
tec
execute0_lowered:
.L_overlay_start_1:
0x0: {  	(tag) =	ssettag $0x1  }
0x1: {  	s2 =	rddreg [dreg:$0x0]  }
0x2: {  	s3 =	rddreg [dreg:$0x1]  }
0x3: {  	s4 =	rddreg [dreg:$0x2];
	s1 =	stileid.u32  }
0x4: {  	s5 =	srdreg.scid;
	s0 =	rddreg [dreg:$0x3];
	_ =	strace $0x80000059  }
0x5: {  	s8 =	simm.s32 $0x1;
	s9 =	simm.s32 $0x1;
	s10 =	simm.s32 $0x3  }
0x6: {  	s13 =	simm.s32 $0x0;
	s6 =	sand.u32 $0x1, s5;
	s7 =	sshll.u32 s1, $0x1  }
0x7: {  	s12 =	simm.s32 $0x0;
	s5 =	simm.s32 $0x1;
	s6 =	sor.u32 s7, s6  }
.Ltmp0:
0x8: {  	[sflag:s5] =	ssyncpa.u1 $0x0;
	p0 =	slt.u32 s6, $0x9;
	(pc) =	sbr.rel .LBB2_1-.Ltmp0, $4  }
0x9: {  	s7 =	simm.s32 $0x2;
	s8 =	simm.s32 @!p0 $0x0;
	p0 =	sne.s32 s6, $0x8  }
0xa: {  	[sflag:s7] =	ssyncpa.u1 $0x0;
	s6 =	smul.u32 $0x3E80, s6;
	s9 =	simm.s32 @!p0 $0x0  }
0xb: {  	[sflag:s10] =	ssyncpa.u1 $0x0;
	s10 =	simm.s32 $0x0;
	s8 =	sadd.s32 s9, s8  }
0xc: {  	vm0 =	vmmov $0xffff;
	v0 =	vlaneseq.u32;
	p0 =	por $0x0, $0x0;
	s11 =	smov.u32 s6;
	s9 =	sadd.s32 $0x1, s8  }
.LBB2_4:
0xd: {  	vm1 =	vgt.s32 v1, $0x0;
	s15 =	sadd.s32 $0xFFFFFFF0, s15  }
0xe: {  	v1 =	vnsel vm1, $0x0, v1;
	p1 =	sgt.s32 s15, $0x0  }
0xf: {  	v1 =	vmin.u32 v1, $0xC34FF;
	s15 =	simm.s32 @!p1 $0x0  }
0x10: {  	v2 =	vshll.u32 v1, $0x1;
	s15 =	smin.u32 s15, $0x10  }
0x11: {  	v1 =	vand.u32 $0x7F, v1;
	v2 =	vand.u32 $0x1FFF00, v2;
	v3 =	vmov s15  }
0x12: {  	v1 =	vor.u32 v1, v2;
	vm1 =	vgt.u32 v3, v0  }
0x13: {  	v2 =	vnsel vm1, $0x7FFFFFFF, v1;
	_ =	sdelay $0x1  }
0x14: {  	s29 =	sand.u32 $0x7F00, s17;
	s16 =	sadd.s32 $0x10, s16;
	v1 =	vor.u32 $0x80, v1  }
0x15: {  	(ifvalue) =	ssetifvalue $0x7FFFFFFF;
	s16 =	sand.u32 $0x70, s16;
	s15 =	sadd.s32 s29, s14;
	v1 =	vnsel vm1, $0x7FFFFFFF, v1  }
0x16: {  	(ifvalue) =	ssetifvalue $0x7FFFFFFF;
	s15 =	sadd.s32 s16, s15  }
0x17: {  	[tilespmem:s15], [sflag:$0x1] =	stream.indirect_vreg.gather [hbm4b:s2+s10], $0x1, v2, vm0, $0x4038;
	[tilespmem:$0x17700] =	vst v63  }
0x18: {  	(ifvalue) =	ssetifvalue $0x7FFFFFFF  }
0x19: {  	s30 =	sshll.u32 s13, $0x1;
	s15 =	sadd.s32 $0x80, s15;
	(ifvalue) =	ssetifvalue $0x7FFFFFFF  }
0x1a: {  	[tilespmem:s15], [sflag:$0x1] =	stream.indirect_vreg.gather [hbm4b:s2+s10], $0x1, v1, vm0, $0x4038;
	[tilespmem:$0x17700] =	vst v63  }
0x1b: {  	s31 =	sand.u32 $0x78, s13;
	s15 =	sand.u32 $0xFFFFFF00, s30  }
0x1c: {  	_ =	swait.ge [sflag:s5], $0x7D00;
	s13 =	sor.u32 s31, s15  }
0x1d: {  	[sflag:s5] =	ssyncset.done $0x0;
	s13 =	sshrl.u32 s13, $0x3  }
0x1e: {  	[sflag:s5] =	ssyncadd.s32 $0xFFFF8300;
	s13 =	sadd.s32 s4, s13  }
0x1f: {  	[hbm:s13] =	stream.linear.scatter [tilespmem:s14], [sflag:$0x3], $0x7D00, $0x38;
	[tilespmem:$0x17700] =	vst v63  }
.LBB2_5:
0x20: {  	s15 =	sadd.s32 $0x7D000, s11  }
0x21: {  	p2 =	sgt.s32 s15, $0x9C3FF  }
0x22: {  	s15 =	smov.u32 @p2 s6;
	p2 =	sne.s32 s12, s9  }
.Ltmp1:
0x23: {  	p1 =	slt.u32 s12, $0x2;
	(pc) =	sbr.rel @!p2 .LBB2_6-.Ltmp1, $4  }
0x24: {  	s14 =	simm.s32 @!p1 $0x3  }
0x25: {  	s16 =	sadd.s32 $0x1, s12;
	_ =	swait.ge @!p1 [sflag:s14], $0x7D00  }
0x26: {  	s13 =	smov.u32 s11;
	p0 =	por !p0, !p0;
	[sflag:s14] =	ssyncset.done @!p1 $0x0  }
0x27: {  	s12 =	smov.u32 s16;
	s11 =	smov.u32 s15;
	[sflag:s14] =	ssyncadd.s32 @!p1 $0xFFFF8300  }
.LBB2_1:
0x28: {  	p1 =	sge.u32 s12, s8  }
0x29: {  	s14 =	sxor.u32 @!p1 $0x1, s12  }
0x2a: {  	s14 =	smul.u32 @!p1 $0xFA00, s14  }
0x2b: {  	s31 =	sadd.s32 $0xFFFFFFFF, s12;
	s15 =	sshrl.u32 @!p1 s11, $0x3  }
0x2c: {  	s16 =	sand.u32 @!p1 $0x7, s11;
	s15 =	sadd.s32 @!p1 s3, s15;
	s14 =	sshra.s32 @!p1 s14, $0x2  }
0x2d: {  	[tilespmem:s14], [sflag:$0x2] =	stream.linear.gather @!p1 [hbm4b:s15+s16], $0x3E80, $0x38;
	[tilespmem:$0x17700] =	vst v63  }
0x2e: {  	p1 =	sge.u32 s31, s8  }
.Ltmp2:
0x2f: {  	_ = 	snop;
	(pc) =	sbr.rel @p1 .LBB2_5-.Ltmp2, $1  }
0x30: {  	_ =	sdelay $0x3  }
0x31: {  	s14 =	simm.s32 $0x1  }
0x32: {  	s14 =	simm.s32 @!p0 $0x0  }
0x33: {  	_ =	swait.ge [sflag:s7], $0x3E80;
	s14 =	smul.u32 $0xFA00, s14  }
0x34: {  	[sflag:s7] =	ssyncset.done $0x0  }
0x35: {  	[sflag:s7] =	ssyncadd.s32 $0xFFFFC180;
	s17 =	sshrl.u32 s14, $0x2  }
0x36: {  	v1 =	vld.msk [tilespmem:s17+$0x0 ss:$0x1], $0xffff;
	_ =	sdelay $0x2  }
0x37: {  	s15 =	ssub.s32 $0x9C400, s13  }
0x38: {  	p1 =	slt.s32 s15, $0x3E80  }
0x39: {  	s15 =	simm.s32 @!p1 $0x3E80;
	vm1 =	vgt.s32 v1, $0x0  }
0x3a: {  	p1 =	sgt.s32 s15, $0x0;
	s14 =	smov.u32 s15;
	v1 =	vnsel vm1, $0x0, v1  }
0x3b: {  	s14 =	simm.s32 @!p1 $0x0;
	v1 =	vmin.u32 v1, $0xC34FF  }
0x3c: {  	s14 =	smin.u32 s14, $0x10;
	v2 =	vshll.u32 v1, $0x1  }
0x3d: {  	s16 =	sand.u32 $0x1, s12;
	v3 =	vmov s14;
	v1 =	vand.u32 $0x7F, v1;
	v2 =	vand.u32 $0x1FFF00, v2  }
0x3e: {  	s31 =	smul.u32 $0x1F400, s16;
	vm1 =	vgt.u32 v3, v0;
	v1 =	vor.u32 v1, v2  }
0x3f: {  	v2 =	vnsel vm1, $0x7FFFFFFF, v1  }
0x40: {  	s16 =	simm.s32 $0x0;
	s14 =	sshrl.u32 s31, $0x2  }
0x41: {  	s18 =	sand.u32 $0x7F00, s16;
	s14 =	sadd.s32 $0x7D00, s14;
	v1 =	vor.u32 $0x80, v1  }
0x42: {  	s19 =	sand.u32 $0x70, s16;
	(ifvalue) =	ssetifvalue $0x7FFFFFFF;
	s18 =	sadd.s32 s18, s14;
	v1 =	vnsel vm1, $0x7FFFFFFF, v1  }
0x43: {  	(ifvalue) =	ssetifvalue $0x7FFFFFFF;
	s18 =	sadd.s32 s19, s18  }
0x44: {  	[tilespmem:s18], [sflag:$0x1] =	stream.indirect_vreg.gather [hbm4b:s2+s10], $0x1, v2, vm0, $0x4038;
	[tilespmem:$0x17700] =	vst v63  }
0x45: {  	(ifvalue) =	ssetifvalue $0x7FFFFFFF  }
0x46: {  	s18 =	sadd.s32 $0x80, s18;
	(ifvalue) =	ssetifvalue $0x7FFFFFFF  }
0x47: {  	[tilespmem:s18], [sflag:$0x1] =	stream.indirect_vreg.gather [hbm4b:s2+s10], $0x1, v1, vm0, $0x4038;
	[tilespmem:$0x17700] =	vst v63  }
0x48: {  	s18 =	sadd.s32 $0x10, s17  }
0x49: {  	v1 =	vld.msk [tilespmem:s18+$0x0 ss:$0x1], $0xffff  }
0x4a: {  	s19 =	simm.s32 $0x40;
	s17 =	simm.s32 $0x20  }
.LBB2_3:
0x4b: {  	p1 =	sne.s32 s19, $0x7CE0;
	_ =	sdelay $0x2  }
0x4c: {  	vm1 =	vgt.s32 v1, $0x0;
	s15 =	sadd.s32 $0xFFFFFFF0, s15  }
0x4d: {  	v1 =	vnsel vm1, $0x0, v1;
	p2 =	sgt.s32 s15, $0x0;
	s20 =	smov.u32 s15  }
0x4e: {  	v1 =	vmin.u32 v1, $0xC34FF;
	s20 =	simm.s32 @!p2 $0x0  }
0x4f: {  	v2 =	vshll.u32 v1, $0x1;
	s20 =	smin.u32 s20, $0x10  }
0x50: {  	v1 =	vand.u32 $0x7F, v1;
	v2 =	vand.u32 $0x1FFF00, v2;
	v3 =	vmov s20  }
0x51: {  	v1 =	vor.u32 v1, v2;
	vm1 =	vgt.u32 v3, v0  }
0x52: {  	v2 =	vnsel vm1, $0x7FFFFFFF, v1;
	_ =	sdelay $0x1  }
0x53: {  	s16 =	sadd.s32 $0x10, s16;
	s20 =	sand.u32 $0x7F00, s17;
	s17 =	smov.u32 s19;
	v1 =	vor.u32 $0x80, v1  }
0x54: {  	s21 =	sand.u32 $0x70, s16;
	s20 =	sadd.s32 s20, s14;
	v1 =	vnsel vm1, $0x7FFFFFFF, v1;
	(ifvalue) =	ssetifvalue $0x7FFFFFFF  }
0x55: {  	s20 =	sadd.s32 s21, s20;
	(ifvalue) =	ssetifvalue $0x7FFFFFFF  }
0x56: {  	[tilespmem:s20], [sflag:$0x1] =	stream.indirect_vreg.gather [hbm4b:s2+s10], $0x1, v2, vm0, $0x4038;
	[tilespmem:$0x17700] =	vst v63  }
0x57: {  	s18 =	sadd.s32 $0x10, s18;
	(ifvalue) =	ssetifvalue $0x7FFFFFFF  }
.Ltmp3:
0x58: {  	s20 =	sadd.s32 $0x80, s20;
	(ifvalue) =	ssetifvalue $0x7FFFFFFF;
	(pc) =	sbr.rel @p1 .LBB2_3-.Ltmp3, $3  }
0x59: {  	[tilespmem:s20], [sflag:$0x1] =	stream.indirect_vreg.gather [hbm4b:s2+s10], $0x1, v1, vm0, $0x4038;
	[tilespmem:$0x17700] =	vst v63  }
0x5a: {  	v1 =	vld.msk [tilespmem:s18+$0x0 ss:$0x1], $0xffff;
	_ =	sdelay $0x1  }
0x5b: {  	s19 =	sadd.s32 $0x20, s19  }
.Ltmp4:
0x5c: {  	_ = 	snop;
	(pc) =	sbr.rel .LBB2_4-.Ltmp4, $1  }
0x5d: {  	_ =	sdelay $0x3  }
.LBB2_6:
0x5e: {  	_ =	sfence.sel $0x180000  }
0x5f: {  	s2 =	simm.s32 $0x2;
	[bflag:$0x0] =	sbarrier.arrive $0xFFFF  }
0x60: {  	s30 =	simm.s32 $0x3;
	[sflag:s2] =	ssyncpa.u1 $0x1  }
0x61: {  	s31 =	simm.s32 $0x1;
	[sflag:s30] =	ssyncpa.u1 $0x1  }
0x62: {  	[sflag:s31] =	ssyncpa.u1 $0x1  }
0x63: {  	p0 =	sne.s32 s1, $0x0;
	_ =	strace $0x90000059  }
0x64: {  	s0 =	sadd.s32 @!p0 $0x100000, s0;
	[bflag:$0x2] =	sbarrier.arrive $0xFFFF  }
0x65: {  	[sflag:s0] =	ssyncadd.tile.s32 @!p0 $0x1;
	_ =	shalt  }
.Lfunc_end2:
_tile_overlayer_lowered:
.L_overlay_start_2:
0x66: {  	(tag) =	ssettag $0x2  }
0x67: {  	s0 =	rddreg [dreg:$0x0];
	s2 =	stileid.u32  }
0x68: {  	s1 =	rddreg [dreg:$0x1];
	p0 =	sne.s32 s2, $0x0  }
0x69: {  	s3 =	rddreg [dreg:$0x2];
	[bflag:$0x3] =	sbarrier.arrive $0xFFFF;
	s2 =	simm.s32 @!p0 $0x1C01  }
0x6a: {  	[timem:s3], [sflag:s2] =	dma.local @!p0 [hbm:s0], s1  }
0x6b: {  	s0 =	simm.s32 @!p0 $0x1  }
0x6c: {  	_ =	swait.ge @!p0 [sflag:s0], s1  }
0x6d: {  	s1 =	ssub.s32 @!p0 $0x0, s1;
	[sflag:s0] =	ssyncset.done @!p0 $0x0  }
0x6e: {  	[sflag:s0] =	ssyncadd.s32 @!p0 s1  }
0x6f: {  	[bflag:$0x3] =	sbarrier.arrive $0xFFFF  }
0x70: {  	_ =	shalt  }

// kernel: kernel.6.cloned.1.call-start
scs
__scs_entry_jumppad:
0x0: {  	(pc) =	sbr.rel $0x88, $3  }
0x1: {  	(tag) =	ssettag $0x0;
	lr =	simm.s32 $0x1  }
0x2: {  	[smem:$0x3F91] =	sst lr;
	_ =	strace $0xD0000000  }
0x3: {  	_ = 	snop  }
0x4: {  	_ = 	snop  }
0x5: {  	_ = 	snop  }
0x6: {  	_ = 	snop  }
0x7: {  	_ = 	snop  }
__scs_overlays_trampoline_lowered:
0x8: {  	[smem:$0x3FA0] =	sst s0  }
0x9: {  	[smem:$0x3FA1] =	sst s1  }
0xa: {  	[smem:$0x3FA2] =	sst s2  }
0xb: {  	[smem:$0x3FA3] =	sst s3  }
0xc: {  	[smem:$0x3FA4] =	sst s4  }
0xd: {  	[smem:$0x3FA5] =	sst s5  }
0xe: {  	[smem:$0x3FA6] =	sst s6  }
0xf: {  	[smem:$0x3FA7] =	sst s7  }
0x10: {  	[smem:$0x3FA8] =	sst s8  }
0x11: {  	[smem:$0x3FA9] =	sst s9;
	s0 =	simm.s32 @!p0 $0x0  }
0x12: {  	s1 =	sld [smem:$0x3F8F];
	s0 =	simm.s32 @p0 $0x1  }
0x13: {  	[smem:$0x3FAA] =	sst s0;
	s0 =	simm.s32 @!p1 $0x0  }
0x14: {  	s2 =	sld [smem:$0x3F8E];
	s0 =	simm.s32 @p1 $0x1  }
0x15: {  	[smem:$0x3FAB] =	sst s0;
	s0 =	simm.s32 @!p2 $0x0  }
0x16: {  	s3 =	sld [smem:$0x3FDB];
	s0 =	simm.s32 @p2 $0x1  }
0x17: {  	s4 =	simm.s32 $0x1BF5;
	[smem:$0x3FAD] =	sst s0  }
0x18: {  	s0 =	sld [smem:$0x3F90];
	_ =	swait.ge [sflag:s4], $0x0  }
0x19: {  	s7 =	sld [smem:$0x3F91]  }
0x1a: {  	s8 =	sadd.s32 $0xFFFFE003, lr  }
0x1b: {  	s9 =	sadd.s32 $0xFFFFFEF7, lr;
	s5 =	simm.s32 $0xFFFFFFFF;
	p2 =	slt.u32 s8, $0xFFFFF086  }
0x1c: {  	p1 =	slt.u32 s9, $0xF7A;
	s5 =	simm.s32 @!p2 $0x0  }
0x1d: {  	s5 =	simm.s32 @p1 $0x1;
	p0 =	seq.s32 s7, s2  }
0x1e: {  	s7 =	smul.u32 @!p0 $0xF7A, s2;
	p2 =	seq.s32 @!p0 s5, $0x0  }
0x1f: {  	s9 =	smul.u32 $0xF7A, s1;
	s8 =	simm.s32 @!p0 $0x1BF5;
	p2 =	por !p2, p0  }
0x20: {  	[sflag:s8] =	ssyncset.s32 @!p0 $0xFFFFF086;
	s6 =	sadd.s32 @!p0 s3, s7;
	s7 =	simm.s32 @!p0 $0x108  }
0x21: {  	s3 =	sadd.s32 s3, s9;
	s6 =	sadd.s32 @!p0 $0x88, s6;
	s7 =	simm.s32 @p2 $0x1082  }
0x22: {  	[simem:s7], [sflag:s8] =	dma.local @!p0 [hbm:s6], $0xF7A  }
0x23: {  	s9 =	sor.u32 $0xD0000000, s2;
	s6 =	simm.s32 $0x108;
	_ =	swait.ge @!p0 [sflag:s8], $0x0  }
0x24: {  	s3 =	sadd.s32 $0x88, s3;
	s6 =	simm.s32 @!p1 $0x1082;
	[sflag:s4] =	ssyncset.s32 $0xFFFFF086  }
0x25: {  	[simem:s6], [sflag:s4] =	dma.local [hbm:s3], $0xF7A  }
0x26: {  	[smem:$0x3F91] =	sst s1;
	(tag) =	ssettag s2;
	_ =	strace s9  }
0x27: {  	s1 =	sld [smem:$0x3FA1]  }
0x28: {  	s2 =	sld [smem:$0x3FA2]  }
0x29: {  	s4 =	sld [smem:$0x3FA4]  }
0x2a: {  	p0 =	seq.s32 s5, $0x0;
	s5 =	sld [smem:$0x3FA5]  }
0x2b: {  	s6 =	sld [smem:$0x3FA6]  }
0x2c: {  	s7 =	sld [smem:$0x3FA7]  }
0x2d: {  	s3 =	simm.s32 $0x108;
	s8 =	sld [smem:$0x3FA8]  }
0x2e: {  	s3 =	simm.s32 @!p0 $0x1082;
	s9 =	sld [smem:$0x3FA9]  }
0x2f: {  	lr =	sadd.s32 s0, s3;
	s0 =	sld [smem:$0x3FA0]  }
0x30: {  	s3 =	sld [smem:$0x3FA3]  }
0x31: {  	[smem:$0x3FAC] =	sst s10  }
0x32: {  	s10 =	sld [smem:$0x3FAA];
	_ =	sdelay $0x3  }
0x33: {  	p0 =	seq.s32 s10, $0x1;
	s10 =	sld [smem:$0x3FAC];
	_ =	sdelay $0x3  }
0x34: {  	[smem:$0x3FAC] =	sst s10  }
0x35: {  	s10 =	sld [smem:$0x3FAB];
	_ =	sdelay $0x3  }
0x36: {  	p1 =	seq.s32 s10, $0x1;
	s10 =	sld [smem:$0x3FAC];
	_ =	sdelay $0x3  }
0x37: {  	[smem:$0x3FAC] =	sst s10  }
0x38: {  	s10 =	sld [smem:$0x3FAD]  }
0x39: {  	_ = 	snop;
	(pc) =	sbr.ind lr, $3  }
0x3a: {  	_ = 	snop  }
0x3b: {  	_ = 	snop  }
0x3c: {  	p2 =	seq.s32 s10, $0x1;
	s10 =	sld [smem:$0x3FAC]  }
0x3d: {  	_ =	shalt  }
0x3e: {  	_ =	shalt  }
0x3f: {  	_ =	shalt  }
0x40: {  	_ =	shalt  }
0x41: {  	_ =	shalt  }
0x42: {  	_ =	shalt  }
0x43: {  	_ =	shalt  }
0x44: {  	_ =	shalt  }
0x45: {  	_ =	shalt  }
0x46: {  	_ =	shalt  }
0x47: {  	_ =	shalt  }
0x48: {  	_ =	shalt  }
0x49: {  	_ =	shalt  }
0x4a: {  	_ =	shalt  }
0x4b: {  	_ =	shalt  }
0x4c: {  	_ =	shalt  }
0x4d: {  	_ =	shalt  }
0x4e: {  	_ =	shalt  }
0x4f: {  	_ =	shalt  }
0x50: {  	_ =	shalt  }
0x51: {  	_ =	shalt  }
0x52: {  	_ =	shalt  }
0x53: {  	_ =	shalt  }
0x54: {  	_ =	shalt  }
0x55: {  	_ =	shalt  }
0x56: {  	_ =	shalt  }
0x57: {  	_ =	shalt  }
0x58: {  	_ =	shalt  }
0x59: {  	_ =	shalt  }
0x5a: {  	_ =	shalt  }
0x5b: {  	_ =	shalt  }
0x5c: {  	_ =	shalt  }
0x5d: {  	_ =	shalt  }
0x5e: {  	_ =	shalt  }
0x5f: {  	_ =	shalt  }
0x60: {  	_ =	shalt  }
0x61: {  	_ =	shalt  }
0x62: {  	_ =	shalt  }
0x63: {  	_ =	shalt  }
0x64: {  	_ =	shalt  }
0x65: {  	_ =	shalt  }
0x66: {  	_ =	shalt  }
0x67: {  	_ =	shalt  }
0x68: {  	_ =	shalt  }
0x69: {  	_ =	shalt  }
0x6a: {  	_ =	shalt  }
0x6b: {  	_ =	shalt  }
0x6c: {  	_ =	shalt  }
0x6d: {  	_ =	shalt  }
0x6e: {  	_ =	shalt  }
0x6f: {  	_ =	shalt  }
0x70: {  	_ =	shalt  }
0x71: {  	_ =	shalt  }
0x72: {  	_ =	shalt  }
0x73: {  	_ =	shalt  }
0x74: {  	_ =	shalt  }
0x75: {  	_ =	shalt  }
0x76: {  	_ =	shalt  }
0x77: {  	_ =	shalt  }
0x78: {  	_ =	shalt  }
0x79: {  	_ =	shalt  }
0x7a: {  	_ =	shalt  }
0x7b: {  	_ =	shalt  }
0x7c: {  	_ =	shalt  }
0x7d: {  	_ =	shalt  }
0x7e: {  	_ =	shalt  }
0x7f: {  	_ =	shalt  }
0x80: {  	_ =	shalt  }
0x81: {  	_ =	shalt  }
0x82: {  	_ =	shalt  }
0x83: {  	_ =	shalt  }
0x84: {  	_ =	shalt  }
0x85: {  	_ =	shalt  }
0x86: {  	_ =	shalt  }
0x87: {  	_ =	shalt  }
.Lfunc_end0:
.L_simem_size_0:
called_computation.12_lowered:
.L_overlay_start_0:
0x88: {  	s2 =	sld [smem:$0x3FD9]  }
0x89: {  	s3 =	sld [smem:$0x3FFE];
	_ =	sdelay $0x1  }
0x8a: {  	s1 =	srdreg.scid  }
0x8b: {  	s0 =	sand.u32 $0x1, s1  }
0x8c: {  	s14 =	sshll.u32 s0, $0xA;
	s2 =	sadd.s32 s3, s2  }
0x8d: {  	s2 =	sadd.s32 s2, s14  }
0x8e: {  	[smem:$0x3FB8] =	sst s2  }
0x8f: {  	_ = 	snop  }
0x90: {  	s2 =	sld [smem:$0x3FD0];
	_ =	sdelay $0x2  }
0x91: {  	s15 =	simm.s32 $0xF;
	s4 =	simm.s32 $0x10  }
0x92: {  	[smem:s4], [sflag:s15] =	dma.local [hbm:s2], $0x1  }
0x93: {  	_ =	swait.eq [sflag:s15], $0x1  }
0x94: {  	[sflag:s15] =	ssyncset.done $0x0  }
0x95: {  	s16 =	sld [smem:$0x10];
	[sflag:s15] =	ssyncadd.s32 $0xFFFFFFFF  }
0x96: {  	s17 =	sld [smem:$0x15];
	(tm) =	ssettm $0x1  }
0x97: {  	s18 =	sld [smem:$0x3FFB];
	_ =	sdelay $0x3  }
0x98: {  	_ =	strace s18  }
0x99: {  	s4 =	sld [smem:$0x3FFC];
	_ =	sdelay $0x3  }
0x9a: {  	_ =	strace s4  }
0x9b: {  	s4 =	sld [smem:$0x3FFD];
	_ =	sdelay $0x3  }
0x9c: {  	_ =	strace s4  }
0x9d: {  	_ =	strace $0x8FFFFFFF  }
0x9e: {  	s19 =	sld [smem:$0x3FDB];
	_ =	sdelay $0x1  }
0x9f: {  	s5 =	simm.s32 $_scs_section_size  }
0xa0: {  	s6 =	simm.s32 $_size__tile_overlayer_lowered;
	s7 =	simm.s32 $_tile_overlayer_lowered  }
0xa1: {  	s22 =	simm.s32 $0x1BFF;
	s21 =	sshll.u32 s7, $0x1;
	s4 =	sadd.s32 s5, s19  }
0xa2: {  	s8 =	simm.s32 $0x0;
	s20 =	sshll.u32 s6, $0x1;
	s6 =	sadd.s32 s21, s4  }
0xa3: {  	[timem:s8], [sflag:s22] =	dma.local [hbm:s6], s20  }
0xa4: {  	_ =	swait.ge [sflag:s22], s20  }
0xa5: {  	s5 =	ssub.s32 $0x0, s20;
	[sflag:s22] =	ssyncset.done $0x0  }
0xa6: {  	[sflag:s22] =	ssyncadd.s32 s5;
	_ =	sdelay $0x1  }
0xa7: {  	s23 =	simm.s32 $0x1B8B  }
0xa8: {  	_ =	swait.ge [sflag:s23], $0x1  }
0xa9: {  	[sflag:s23] =	ssyncset.done $0x0  }
0xaa: {  	s25 =	simm.s32 $0x1B8E;
	s24 =	sld [smem:$0x3FFE];
	[sflag:s23] =	ssyncadd.s32 $0xFFFFFFFF  }
0xab: {  	s26 =	simm.s32 $execute0_lowered;
	[smem:$0x3FD2] =	sst s25  }
0xac: {  	s6 =	sshll.u32 s26, $0x1;
	_ =	strace $0x8000004C;
	[dreg:$0x1] =	wrdreg $0xFFFFFFFF  }
0xad: {  	s28 =	simm.s32 $_size_execute0_lowered;
	s4 =	sadd.s32 s4, s6;
	[dreg:$0x0] =	wrdreg $0x0  }
0xae: {  	s6 =	sshll.u32 s28, $0x1;
	[dreg:$0x2] =	wrdreg s4  }
0xaf: {  	[dreg:$0x3] =	wrdreg s6  }
0xb0: {  	[dreg:$0x4] =	wrdreg $0xC0  }
0xb1: {  	_ =	task [dreg:s8], $0x5FFFF  }
0xb2: {  	[dreg:$0x1] =	wrdreg $0xFFFFFFFF  }
0xb3: {  	[dreg:$0x0] =	wrdreg $0x60  }
0xb4: {  	[dreg:$0x2] =	wrdreg s24  }
0xb5: {  	[dreg:$0x3] =	wrdreg s16  }
0xb6: {  	[dreg:$0x4] =	wrdreg s17  }
0xb7: {  	[dreg:$0x5] =	wrdreg $0x9  }
0xb8: {  	_ =	task.clear_ibuf [dreg:s8], $0x6FFFF;
	_ =	strace $0x9000004C  }
0xb9: {  	s29 =	simm.s32 $0x9;
	_ =	strace $0x8000004E  }
0xba: {  	_ =	swait.ge [sflag:s29], $0x1  }
0xbb: {  	[sflag:s29] =	ssyncadd.s32 $0xFFFFFFFF  }
0xbc: {  	_ =	strace $0x9000004E  }
0xbd: {  	_ =	sfence  }
0xbe: {  	s30 =	sld [smem:$0x0];
	_ =	sdelay $0x2  }
0xbf: {  	s31 =	sshll.u32 s1, $0xD;
	s1 =	sshrl.u32 s1, $0x2  }
0xc0: {  	s3 =	sand.u32 $0x4000, s31;
	s1 =	sadd.s32 s1, s30  }
0xc1: {  	s0 =	sor.u32 s3, s0;
	s1 =	sshll.u32 s1, $0x11  }
0xc2: {  	s0 =	sor.u32 s1, s0  }
0xc3: {  	s0 =	sadd.s32 $0x8F2B, s0  }
0xc4: {  	[sflag:s0] =	ssyncadd.remote.s32 $0x1  }
0xc5: {  	_ =	sfence.sel $0xFFFF  }
0xc6: {  	[dreg:$0x0] =	wrdreg $0xFFFFFFFF;
	(pc) =	sbr.abs _section_cstart, $3  }
0xc7: {  	[dreg:$0x1] =	wrdreg $0xFFFFFFFF  }
0xc8: {  	_ =	task.clear_ibuf [dreg:s8], $0x2FFFF;
	_ =	strace $0x9FFFFFFF  }
0xc9: {  	(tm) =	ssettm $0x7FFFFFFF  }
tec
execute0_lowered:
.L_overlay_start_1:
0x0: {  	(tag) =	ssettag $0x1  }
0x1: {  	s4 =	rddreg [dreg:$0x0]  }
0x2: {  	s12 =	rddreg [dreg:$0x1]  }
0x3: {  	s11 =	rddreg [dreg:$0x2]  }
0x4: {  	s0 =	rddreg [dreg:$0x3]  }
0x5: {  	s3 =	srdreg.scid;
	s1 =	stileid.u32;
	s2 =	simm.s32 $0x0  }
0x6: {  	s18 =	simm.s32 $0x2;
	s19 =	simm.s32 $0x0;
	s14 =	smul.u32 $0xC3500, s1  }
0x7: {  	s9 =	sand.u32 $0x1, s3;
	s25 =	sshll.u32 s1, $0x1;
	s15 =	smul.u32 $0xC350, s1  }
0x8: {  	[smem:$0x7FF] =	sst s2;
	s10 =	sadd.s32 $0x27B200, s4;
	s16 =	smul.u32 $0x61A8, s9  }
0x9: {  	s13 =	sadd.s32 $0x1976E00, s4;
	s3 =	sor.u32 s9, s25;
	s17 =	smul.u32 $0x61A80, s9  }
0xa: {  	_ =	strace $0x8000004D;
	s6 =	ssub.s32 $0x2, s9;
	s5 =	smul.u32 $0x61A8, s3  }
0xb: {  	s3 =	sadd.s32 $0x1B7C00, s4;
	s26 =	sshrl.u32 s6, $0x1;
	s29 =	sadd.s32 s14, s10  }
0xc: {  	s30 =	sadd.s32 s14, s13;
	s14 =	simm.s32 $0x80;
	s8 =	ssub.s32 s6, s26  }
0xd: {  	s31 =	sadd.s32 s16, s15;
	s9 =	sadd.s32 s17, s29;
	s5 =	sadd.s32 $0x6180, s5  }
0xe: {  	s15 =	simm.s32 $0x100;
	s16 =	simm.s32 $0x4100;
	s28 =	sshrl.u32 s5, $0x3  }
0xf: {  	s8 =	smax.u32 s8, $0x1;
	s7 =	sshll.u32 s5, $0x4;
	s4 =	sadd.s32 s12, s28  }
0x10: {  	s5 =	sadd.s32 s11, s28;
	s6 =	sadd.s32 s10, s7;
	s7 =	sadd.s32 s13, s7  }
0x11: {  	s10 =	sadd.s32 s17, s30;
	s13 =	sshrl.u32 s31, $0x3;
	s17 =	simm.s32 $0x1  }
0x12: {  	s11 =	sadd.s32 s13, s11;
	s12 =	sadd.s32 s13, s12;
	s13 =	simm.s32 $0x3  }
.LBB2_1:
0x13: {  	s20 =	sadd.s32 $0x0, s12  }
0x14: {  	[tilespmem:s2], [sflag:$0x3] =	stream.linear.gather [hbm4b:s20+s2], $0x80, $0x38;
	[tilespmem:$0x8100] =	vst v63  }
0x15: {  	_ =	swait.ge [sflag:s13], $0x80  }
0x16: {  	[sflag:s13] =	ssyncset.done $0x0  }
0x17: {  	s31 =	sadd.s32 $0x0, s11;
	[sflag:s13] =	ssyncadd.s32 $0xFFFFFF80  }
0x18: {  	[tilespmem:s14], [sflag:$0x3] =	stream.linear.gather [hbm4b:s31+s2], $0x80, $0x38;
	[tilespmem:$0x8100] =	vst v63  }
0x19: {  	_ =	swait.ge [sflag:s13], $0x80  }
0x1a: {  	[sflag:s13] =	ssyncset.done $0x0  }
0x1b: {  	[sflag:s13] =	ssyncadd.s32 $0xFFFFFF80  }
0x1c: {  	[tilespmem:s15], [sflag:$0x1] =	stream.indirect.gather [hbm4b:s3+s14], $0x80, s2, s14, $0xb8;
	[tilespmem:$0x8100] =	vst v63  }
0x1d: {  	_ = 	snop  }
0x1e: {  	[tilespmem:s16], [sflag:$0x2] =	stream.indirect.gather [hbm4b:s3+s14], $0x80, s14, s14, $0xb8;
	[tilespmem:$0x8100] =	vst v63  }
0x1f: {  	_ =	swait.ge [sflag:s17], $0x4000  }
0x20: {  	[sflag:s17] =	ssyncset.done $0x0  }
0x21: {  	[sflag:s17] =	ssyncadd.s32 $0xFFFFC000  }
0x22: {  	_ =	swait.ge [sflag:s18], $0x4000  }
0x23: {  	[sflag:s18] =	ssyncset.done $0x0  }
0x24: {  	[sflag:s18] =	ssyncadd.s32 $0xFFFFC000  }
0x25: {  	[hbm4b:s9+s2] =	stream.linear.scatter [tilespmem:s15], [sflag:$0x3], $0x4000, $0x38;
	[tilespmem:$0x8100] =	vst v63  }
0x26: {  	_ =	swait.ge [sflag:s13], $0x4000  }
0x27: {  	[sflag:s13] =	ssyncset.done $0x0  }
0x28: {  	[sflag:s13] =	ssyncadd.s32 $0xFFFFC000  }
0x29: {  	[hbm4b:s10+s2] =	stream.linear.scatter [tilespmem:s16], [sflag:$0x3], $0x4000, $0x38;
	[tilespmem:$0x8100] =	vst v63  }
0x2a: {  	s22 =	simm.s32 $0x10;
	s23 =	simm.s32 $0x20;
	_ =	swait.ge [sflag:s13], $0x4000  }
0x2b: {  	s21 =	sadd.s32 $0x800, s9;
	s20 =	sadd.s32 $0x800, s10;
	[sflag:s13] =	ssyncset.done $0x0  }
.LBB2_2:
0x2c: {  	s24 =	sadd.s32 s22, s12  }
0x2d: {  	[sflag:s13] =	ssyncadd.s32 $0xFFFFC000;
	s25 =	smov.u32 s23;
	s26 =	sadd.s32 $0x10, s23  }
0x2e: {  	[tilespmem:s2], [sflag:$0x3] =	stream.linear.gather [hbm4b:s24+s2], $0x80, $0x38;
	[tilespmem:$0x8100] =	vst v63  }
0x2f: {  	p0 =	sne.s32 s23, $0xC20;
	_ =	swait.ge [sflag:s13], $0x80  }
0x30: {  	[sflag:s13] =	ssyncset.done $0x0  }
0x31: {  	s23 =	sadd.s32 s22, s11;
	s22 =	smov.u32 s25;
	[sflag:s13] =	ssyncadd.s32 $0xFFFFFF80  }
0x32: {  	[tilespmem:s14], [sflag:$0x3] =	stream.linear.gather [hbm4b:s23+s2], $0x80, $0x38;
	[tilespmem:$0x8100] =	vst v63  }
0x33: {  	_ =	swait.ge [sflag:s13], $0x80  }
0x34: {  	[sflag:s13] =	ssyncset.done $0x0  }
0x35: {  	[sflag:s13] =	ssyncadd.s32 $0xFFFFFF80  }
0x36: {  	[tilespmem:s15], [sflag:$0x1] =	stream.indirect.gather [hbm4b:s3+s14], $0x80, s2, s14, $0xb8;
	[tilespmem:$0x8100] =	vst v63  }
0x37: {  	_ = 	snop  }
0x38: {  	[tilespmem:s16], [sflag:$0x2] =	stream.indirect.gather [hbm4b:s3+s14], $0x80, s14, s14, $0xb8;
	[tilespmem:$0x8100] =	vst v63  }
0x39: {  	_ =	swait.ge [sflag:s17], $0x4000  }
0x3a: {  	[sflag:s17] =	ssyncset.done $0x0  }
0x3b: {  	[sflag:s17] =	ssyncadd.s32 $0xFFFFC000  }
0x3c: {  	_ =	swait.ge [sflag:s18], $0x4000  }
0x3d: {  	[sflag:s18] =	ssyncset.done $0x0  }
0x3e: {  	[sflag:s18] =	ssyncadd.s32 $0xFFFFC000  }
0x3f: {  	[hbm4b:s21+s2] =	stream.linear.scatter [tilespmem:s15], [sflag:$0x3], $0x4000, $0x38;
	[tilespmem:$0x8100] =	vst v63  }
0x40: {  	_ =	swait.ge [sflag:s13], $0x4000  }
.Ltmp0:
0x41: {  	[sflag:s13] =	ssyncset.done $0x0;
	(pc) =	sbr.rel @p0 .LBB2_2-.Ltmp0, $4  }
0x42: {  	[sflag:s13] =	ssyncadd.s32 $0xFFFFC000  }
0x43: {  	[hbm4b:s20+s2] =	stream.linear.scatter [tilespmem:s16], [sflag:$0x3], $0x4000, $0x38;
	[tilespmem:$0x8100] =	vst v63  }
0x44: {  	s23 =	smov.u32 s26;
	_ =	swait.ge [sflag:s13], $0x4000  }
0x45: {  	s21 =	sadd.s32 $0x800, s21;
	s20 =	sadd.s32 $0x800, s20;
	[sflag:s13] =	ssyncset.done $0x0  }
0x46: {  	s23 =	sadd.s32 s22, s12;
	[sflag:s13] =	ssyncadd.s32 $0xFFFFC000  }
0x47: {  	[tilespmem:s2], [sflag:$0x3] =	stream.linear.gather [hbm4b:s23+s2], $0x80, $0x38;
	[tilespmem:$0x8100] =	vst v63  }
0x48: {  	_ =	swait.ge [sflag:s13], $0x80  }
0x49: {  	[sflag:s13] =	ssyncset.done $0x0  }
0x4a: {  	s31 =	sadd.s32 s22, s11;
	[sflag:s13] =	ssyncadd.s32 $0xFFFFFF80  }
0x4b: {  	[tilespmem:s14], [sflag:$0x3] =	stream.linear.gather [hbm4b:s31+s2], $0x80, $0x38;
	[tilespmem:$0x8100] =	vst v63  }
0x4c: {  	_ =	swait.ge [sflag:s13], $0x80  }
0x4d: {  	[sflag:s13] =	ssyncset.done $0x0  }
0x4e: {  	[sflag:s13] =	ssyncadd.s32 $0xFFFFFF80  }
0x4f: {  	[tilespmem:s15], [sflag:$0x1] =	stream.indirect.gather [hbm4b:s3+s14], $0x80, s2, s14, $0xb8;
	[tilespmem:$0x8100] =	vst v63  }
0x50: {  	_ = 	snop  }
0x51: {  	[tilespmem:s16], [sflag:$0x2] =	stream.indirect.gather [hbm4b:s3+s14], $0x80, s14, s14, $0xb8;
	[tilespmem:$0x8100] =	vst v63  }
0x52: {  	_ =	swait.ge [sflag:s17], $0x4000  }
0x53: {  	[sflag:s17] =	ssyncset.done $0x0  }
0x54: {  	[sflag:s17] =	ssyncadd.s32 $0xFFFFC000  }
0x55: {  	_ =	swait.ge [sflag:s18], $0x4000  }
0x56: {  	[sflag:s18] =	ssyncset.done $0x0  }
0x57: {  	[sflag:s18] =	ssyncadd.s32 $0xFFFFC000  }
0x58: {  	[hbm4b:s21+s2] =	stream.linear.scatter [tilespmem:s15], [sflag:$0x3], $0x4000, $0x38;
	[tilespmem:$0x8100] =	vst v63  }
0x59: {  	_ =	swait.ge [sflag:s13], $0x4000  }
0x5a: {  	[sflag:s13] =	ssyncset.done $0x0  }
0x5b: {  	[sflag:s13] =	ssyncadd.s32 $0xFFFFC000  }
0x5c: {  	[hbm4b:s20+s2] =	stream.linear.scatter [tilespmem:s16], [sflag:$0x3], $0x4000, $0x38;
	[tilespmem:$0x8100] =	vst v63  }
0x5d: {  	_ =	swait.ge [sflag:s13], $0x4000  }
0x5e: {  	[sflag:s13] =	ssyncset.done $0x0  }
0x5f: {  	[sflag:s13] =	ssyncadd.s32 $0xFFFFC000  }
0x60: {  	[tilespmem:s2], [sflag:$0x3] =	stream.linear.gather [hbm4b:s4+s2], $0x80, $0x38;
	[tilespmem:$0x8100] =	vst v63  }
0x61: {  	_ =	swait.ge [sflag:s13], $0x80  }
0x62: {  	[sflag:s13] =	ssyncset.done $0x0  }
0x63: {  	[sflag:s13] =	ssyncadd.s32 $0xFFFFFF80  }
0x64: {  	[tilespmem:s14], [sflag:$0x3] =	stream.linear.gather [hbm4b:s5+s2], $0x80, $0x38;
	[tilespmem:$0x8100] =	vst v63  }
0x65: {  	_ =	swait.ge [sflag:s13], $0x80  }
0x66: {  	[sflag:s13] =	ssyncset.done $0x0  }
0x67: {  	[sflag:s13] =	ssyncadd.s32 $0xFFFFFF80  }
0x68: {  	[tilespmem:s15], [sflag:$0x1] =	stream.indirect.gather [hbm4b:s3+s14], $0x80, s2, s14, $0xb8;
	[tilespmem:$0x8100] =	vst v63  }
0x69: {  	_ = 	snop  }
0x6a: {  	[tilespmem:s16], [sflag:$0x2] =	stream.indirect.gather [hbm4b:s3+s14], $0x80, s14, s14, $0xb8;
	[tilespmem:$0x8100] =	vst v63  }
0x6b: {  	_ =	swait.ge [sflag:s17], $0x4000  }
0x6c: {  	[sflag:s17] =	ssyncset.done $0x0  }
0x6d: {  	[sflag:s17] =	ssyncadd.s32 $0xFFFFC000  }
0x6e: {  	_ =	swait.ge [sflag:s18], $0x4000  }
0x6f: {  	[sflag:s18] =	ssyncset.done $0x0  }
0x70: {  	[sflag:s18] =	ssyncadd.s32 $0xFFFFC000  }
0x71: {  	[hbm4b:s6+s2] =	stream.linear.scatter [tilespmem:s15], [sflag:$0x3], $0x1400, $0x38;
	[tilespmem:$0x8100] =	vst v63  }
0x72: {  	s19 =	sadd.s32 $0x1, s19;
	_ =	swait.ge [sflag:s13], $0x1400  }
0x73: {  	p0 =	sne.s32 s19, s8;
	[sflag:s13] =	ssyncset.done $0x0  }
.Ltmp1:
0x74: {  	[sflag:s13] =	ssyncadd.s32 $0xFFFFEC00;
	(pc) =	sbr.rel @p0 .LBB2_1-.Ltmp1, $4  }
0x75: {  	[hbm4b:s7+s2] =	stream.linear.scatter [tilespmem:s16], [sflag:$0x3], $0x1400, $0x38;
	[tilespmem:$0x8100] =	vst v63  }
0x76: {  	_ =	swait.ge [sflag:s13], $0x1400  }
0x77: {  	[sflag:s13] =	ssyncset.done $0x0  }
0x78: {  	[sflag:s13] =	ssyncadd.s32 $0xFFFFEC00  }
0x79: {  	_ =	sfence.sel $0x180000  }
0x7a: {  	[bflag:$0x0] =	sbarrier.arrive $0xFFFF  }
0x7b: {  	p0 =	sne.s32 s1, $0x0;
	_ =	strace $0x9000004D  }
0x7c: {  	s0 =	sadd.s32 @!p0 $0x100000, s0;
	[bflag:$0x2] =	sbarrier.arrive $0xFFFF  }
0x7d: {  	[sflag:s0] =	ssyncadd.tile.s32 @!p0 $0x1;
	_ =	shalt  }
.Lfunc_end2:
_tile_overlayer_lowered:
.L_overlay_start_2:
0x7e: {  	(tag) =	ssettag $0x2  }
0x7f: {  	s0 =	rddreg [dreg:$0x0];
	s2 =	stileid.u32  }
0x80: {  	s1 =	rddreg [dreg:$0x1];
	p0 =	sne.s32 s2, $0x0  }
0x81: {  	s3 =	rddreg [dreg:$0x2];
	[bflag:$0x3] =	sbarrier.arrive $0xFFFF;
	s2 =	simm.s32 @!p0 $0x1C03  }
0x82: {  	[timem:s3], [sflag:s2] =	dma.local @!p0 [hbm:s0], s1  }
0x83: {  	s0 =	simm.s32 @!p0 $0x3  }
0x84: {  	_ =	swait.ge @!p0 [sflag:s0], s1  }
0x85: {  	s1 =	ssub.s32 @!p0 $0x0, s1;
	[sflag:s0] =	ssyncset.done @!p0 $0x0  }
0x86: {  	[sflag:s0] =	ssyncadd.s32 @!p0 s1  }
0x87: {  	[bflag:$0x3] =	sbarrier.arrive $0xFFFF  }
0x88: {  	_ =	shalt  }

// kernel: scatter_offload_async_start.1
scs
__scs_entry_jumppad:
0x0: {  	(pc) =	sbr.rel $0x88, $3  }
0x1: {  	(tag) =	ssettag $0x0;
	lr =	simm.s32 $0x1  }
0x2: {  	[smem:$0x3F91] =	sst lr;
	_ =	strace $0xD0000000  }
0x3: {  	_ = 	snop  }
0x4: {  	_ = 	snop  }
0x5: {  	_ = 	snop  }
0x6: {  	_ = 	snop  }
0x7: {  	_ = 	snop  }
__scs_overlays_trampoline_lowered:
0x8: {  	[smem:$0x3FA0] =	sst s0  }
0x9: {  	[smem:$0x3FA1] =	sst s1  }
0xa: {  	[smem:$0x3FA2] =	sst s2  }
0xb: {  	[smem:$0x3FA3] =	sst s3  }
0xc: {  	[smem:$0x3FA4] =	sst s4  }
0xd: {  	[smem:$0x3FA5] =	sst s5  }
0xe: {  	[smem:$0x3FA6] =	sst s6  }
0xf: {  	[smem:$0x3FA7] =	sst s7  }
0x10: {  	[smem:$0x3FA8] =	sst s8  }
0x11: {  	[smem:$0x3FA9] =	sst s9;
	s0 =	simm.s32 @!p0 $0x0  }
0x12: {  	s1 =	sld [smem:$0x3F8F];
	s0 =	simm.s32 @p0 $0x1  }
0x13: {  	[smem:$0x3FAA] =	sst s0;
	s0 =	simm.s32 @!p1 $0x0  }
0x14: {  	s2 =	sld [smem:$0x3F8E];
	s0 =	simm.s32 @p1 $0x1  }
0x15: {  	[smem:$0x3FAB] =	sst s0;
	s0 =	simm.s32 @!p2 $0x0  }
0x16: {  	s3 =	sld [smem:$0x3FDB];
	s0 =	simm.s32 @p2 $0x1  }
0x17: {  	s4 =	simm.s32 $0x1BF5;
	[smem:$0x3FAD] =	sst s0  }
0x18: {  	s0 =	sld [smem:$0x3F90];
	_ =	swait.ge [sflag:s4], $0x0  }
0x19: {  	s7 =	sld [smem:$0x3F91]  }
0x1a: {  	s8 =	sadd.s32 $0xFFFFE003, lr  }
0x1b: {  	s9 =	sadd.s32 $0xFFFFFEF7, lr;
	s5 =	simm.s32 $0xFFFFFFFF;
	p2 =	slt.u32 s8, $0xFFFFF086  }
0x1c: {  	p1 =	slt.u32 s9, $0xF7A;
	s5 =	simm.s32 @!p2 $0x0  }
0x1d: {  	s5 =	simm.s32 @p1 $0x1;
	p0 =	seq.s32 s7, s2  }
0x1e: {  	s7 =	smul.u32 @!p0 $0xF7A, s2;
	p2 =	seq.s32 @!p0 s5, $0x0  }
0x1f: {  	s9 =	smul.u32 $0xF7A, s1;
	s8 =	simm.s32 @!p0 $0x1BF5;
	p2 =	por !p2, p0  }
0x20: {  	[sflag:s8] =	ssyncset.s32 @!p0 $0xFFFFF086;
	s6 =	sadd.s32 @!p0 s3, s7;
	s7 =	simm.s32 @!p0 $0x108  }
0x21: {  	s3 =	sadd.s32 s3, s9;
	s6 =	sadd.s32 @!p0 $0x88, s6;
	s7 =	simm.s32 @p2 $0x1082  }
0x22: {  	[simem:s7], [sflag:s8] =	dma.local @!p0 [hbm:s6], $0xF7A  }
0x23: {  	s9 =	sor.u32 $0xD0000000, s2;
	s6 =	simm.s32 $0x108;
	_ =	swait.ge @!p0 [sflag:s8], $0x0  }
0x24: {  	s3 =	sadd.s32 $0x88, s3;
	s6 =	simm.s32 @!p1 $0x1082;
	[sflag:s4] =	ssyncset.s32 $0xFFFFF086  }
0x25: {  	[simem:s6], [sflag:s4] =	dma.local [hbm:s3], $0xF7A  }
0x26: {  	[smem:$0x3F91] =	sst s1;
	(tag) =	ssettag s2;
	_ =	strace s9  }
0x27: {  	s1 =	sld [smem:$0x3FA1]  }
0x28: {  	s2 =	sld [smem:$0x3FA2]  }
0x29: {  	s4 =	sld [smem:$0x3FA4]  }
0x2a: {  	p0 =	seq.s32 s5, $0x0;
	s5 =	sld [smem:$0x3FA5]  }
0x2b: {  	s6 =	sld [smem:$0x3FA6]  }
0x2c: {  	s7 =	sld [smem:$0x3FA7]  }
0x2d: {  	s3 =	simm.s32 $0x108;
	s8 =	sld [smem:$0x3FA8]  }
0x2e: {  	s3 =	simm.s32 @!p0 $0x1082;
	s9 =	sld [smem:$0x3FA9]  }
0x2f: {  	lr =	sadd.s32 s0, s3;
	s0 =	sld [smem:$0x3FA0]  }
0x30: {  	s3 =	sld [smem:$0x3FA3]  }
0x31: {  	[smem:$0x3FAC] =	sst s10  }
0x32: {  	s10 =	sld [smem:$0x3FAA];
	_ =	sdelay $0x3  }
0x33: {  	p0 =	seq.s32 s10, $0x1;
	s10 =	sld [smem:$0x3FAC];
	_ =	sdelay $0x3  }
0x34: {  	[smem:$0x3FAC] =	sst s10  }
0x35: {  	s10 =	sld [smem:$0x3FAB];
	_ =	sdelay $0x3  }
0x36: {  	p1 =	seq.s32 s10, $0x1;
	s10 =	sld [smem:$0x3FAC];
	_ =	sdelay $0x3  }
0x37: {  	[smem:$0x3FAC] =	sst s10  }
0x38: {  	s10 =	sld [smem:$0x3FAD]  }
0x39: {  	_ = 	snop;
	(pc) =	sbr.ind lr, $3  }
0x3a: {  	_ = 	snop  }
0x3b: {  	_ = 	snop  }
0x3c: {  	p2 =	seq.s32 s10, $0x1;
	s10 =	sld [smem:$0x3FAC]  }
0x3d: {  	_ =	shalt  }
0x3e: {  	_ =	shalt  }
0x3f: {  	_ =	shalt  }
0x40: {  	_ =	shalt  }
0x41: {  	_ =	shalt  }
0x42: {  	_ =	shalt  }
0x43: {  	_ =	shalt  }
0x44: {  	_ =	shalt  }
0x45: {  	_ =	shalt  }
0x46: {  	_ =	shalt  }
0x47: {  	_ =	shalt  }
0x48: {  	_ =	shalt  }
0x49: {  	_ =	shalt  }
0x4a: {  	_ =	shalt  }
0x4b: {  	_ =	shalt  }
0x4c: {  	_ =	shalt  }
0x4d: {  	_ =	shalt  }
0x4e: {  	_ =	shalt  }
0x4f: {  	_ =	shalt  }
0x50: {  	_ =	shalt  }
0x51: {  	_ =	shalt  }
0x52: {  	_ =	shalt  }
0x53: {  	_ =	shalt  }
0x54: {  	_ =	shalt  }
0x55: {  	_ =	shalt  }
0x56: {  	_ =	shalt  }
0x57: {  	_ =	shalt  }
0x58: {  	_ =	shalt  }
0x59: {  	_ =	shalt  }
0x5a: {  	_ =	shalt  }
0x5b: {  	_ =	shalt  }
0x5c: {  	_ =	shalt  }
0x5d: {  	_ =	shalt  }
0x5e: {  	_ =	shalt  }
0x5f: {  	_ =	shalt  }
0x60: {  	_ =	shalt  }
0x61: {  	_ =	shalt  }
0x62: {  	_ =	shalt  }
0x63: {  	_ =	shalt  }
0x64: {  	_ =	shalt  }
0x65: {  	_ =	shalt  }
0x66: {  	_ =	shalt  }
0x67: {  	_ =	shalt  }
0x68: {  	_ =	shalt  }
0x69: {  	_ =	shalt  }
0x6a: {  	_ =	shalt  }
0x6b: {  	_ =	shalt  }
0x6c: {  	_ =	shalt  }
0x6d: {  	_ =	shalt  }
0x6e: {  	_ =	shalt  }
0x6f: {  	_ =	shalt  }
0x70: {  	_ =	shalt  }
0x71: {  	_ =	shalt  }
0x72: {  	_ =	shalt  }
0x73: {  	_ =	shalt  }
0x74: {  	_ =	shalt  }
0x75: {  	_ =	shalt  }
0x76: {  	_ =	shalt  }
0x77: {  	_ =	shalt  }
0x78: {  	_ =	shalt  }
0x79: {  	_ =	shalt  }
0x7a: {  	_ =	shalt  }
0x7b: {  	_ =	shalt  }
0x7c: {  	_ =	shalt  }
0x7d: {  	_ =	shalt  }
0x7e: {  	_ =	shalt  }
0x7f: {  	_ =	shalt  }
0x80: {  	_ =	shalt  }
0x81: {  	_ =	shalt  }
0x82: {  	_ =	shalt  }
0x83: {  	_ =	shalt  }
0x84: {  	_ =	shalt  }
0x85: {  	_ =	shalt  }
0x86: {  	_ =	shalt  }
0x87: {  	_ =	shalt  }
.Lfunc_end0:
.L_simem_size_0:
called_computation.1_lowered:
.L_overlay_start_0:
0x88: {  	s2 =	sld [smem:$0x3FD9]  }
0x89: {  	s3 =	sld [smem:$0x3FFE];
	_ =	sdelay $0x1  }
0x8a: {  	s1 =	srdreg.scid  }
0x8b: {  	s0 =	sand.u32 $0x1, s1  }
0x8c: {  	s13 =	sshll.u32 s0, $0xA;
	s2 =	sadd.s32 s3, s2  }
0x8d: {  	s2 =	sadd.s32 s2, s13  }
0x8e: {  	[smem:$0x3FB8] =	sst s2  }
0x8f: {  	_ = 	snop  }
0x90: {  	s2 =	sld [smem:$0x3FD0];
	_ =	sdelay $0x2  }
0x91: {  	s14 =	simm.s32 $0xF;
	s4 =	simm.s32 $0x10  }
0x92: {  	[smem:s4], [sflag:s14] =	dma.local [hbm:s2], $0x1  }
0x93: {  	_ =	swait.eq [sflag:s14], $0x1  }
0x94: {  	[sflag:s14] =	ssyncset.done $0x0  }
0x95: {  	[sflag:s14] =	ssyncadd.s32 $0xFFFFFFFF  }
0x96: {  	s2 =	sadd.s32 $0x1, s2;
	s5 =	sld [smem:$0x11]  }
0x97: {  	[smem:s4], [sflag:s14] =	dma.local [hbm:s2], $0x1  }
0x98: {  	_ =	swait.eq [sflag:s14], $0x1  }
0x99: {  	[sflag:s14] =	ssyncset.done $0x0  }
0x9a: {  	[sflag:s14] =	ssyncadd.s32 $0xFFFFFFFF  }
0x9b: {  	s15 =	sld [smem:$0x12];
	(tm) =	ssettm $0x1  }
0x9c: {  	s16 =	sld [smem:$0x3FFB];
	_ =	sdelay $0x3  }
0x9d: {  	_ =	strace s16  }
0x9e: {  	s3 =	sld [smem:$0x3FFC];
	_ =	sdelay $0x3  }
0x9f: {  	_ =	strace s3  }
0xa0: {  	s3 =	sld [smem:$0x3FFD];
	_ =	sdelay $0x3  }
0xa1: {  	_ =	strace s3  }
0xa2: {  	_ =	strace $0x8FFFFFFF  }
0xa3: {  	s17 =	sld [smem:$0x3FDB];
	_ =	sdelay $0x1  }
0xa4: {  	s18 =	simm.s32 $_scs_section_size  }
0xa5: {  	s6 =	simm.s32 $_size__tile_overlayer_lowered;
	s7 =	simm.s32 $_tile_overlayer_lowered  }
0xa6: {  	s21 =	simm.s32 $0x1BFF;
	s20 =	sshll.u32 s7, $0x1;
	s3 =	sadd.s32 s18, s17  }
0xa7: {  	s8 =	simm.s32 $0x0;
	s19 =	sshll.u32 s6, $0x1;
	s6 =	sadd.s32 s20, s3  }
0xa8: {  	[timem:s8], [sflag:s21] =	dma.local [hbm:s6], s19  }
0xa9: {  	_ =	swait.ge [sflag:s21], s19  }
0xaa: {  	s4 =	ssub.s32 $0x0, s19;
	[sflag:s21] =	ssyncset.done $0x0  }
0xab: {  	[sflag:s21] =	ssyncadd.s32 s4;
	_ =	sdelay $0x1  }
0xac: {  	s22 =	simm.s32 $0x1B8B  }
0xad: {  	_ =	swait.ge [sflag:s22], $0x1  }
0xae: {  	[sflag:s22] =	ssyncset.done $0x0  }
0xaf: {  	s23 =	sld [smem:$0x3FFE];
	[sflag:s22] =	ssyncadd.s32 $0xFFFFFFFF  }
0xb0: {  	s25 =	simm.s32 $0x1B8E;
	s24 =	sld [smem:$0x0]  }
0xb1: {  	s26 =	simm.s32 $execute0_lowered;
	[smem:$0x3FD2] =	sst s25  }
0xb2: {  	s7 =	sshll.u32 s26, $0x1;
	_ =	strace $0x80000049;
	[dreg:$0x1] =	wrdreg $0xFFFFFFFF  }
0xb3: {  	s28 =	simm.s32 $_size_execute0_lowered;
	s3 =	sadd.s32 s3, s7;
	[dreg:$0x0] =	wrdreg $0x0  }
0xb4: {  	s7 =	sshll.u32 s28, $0x1;
	[dreg:$0x2] =	wrdreg s3  }
0xb5: {  	[dreg:$0x3] =	wrdreg s7  }
0xb6: {  	[dreg:$0x4] =	wrdreg $0xC0  }
0xb7: {  	_ =	task [dreg:s8], $0x5FFFF  }
0xb8: {  	[dreg:$0x1] =	wrdreg $0xFFFFFFFF  }
0xb9: {  	[dreg:$0x0] =	wrdreg $0x60  }
0xba: {  	[dreg:$0x2] =	wrdreg s23  }
0xbb: {  	[dreg:$0x3] =	wrdreg s15  }
0xbc: {  	[dreg:$0x4] =	wrdreg s5  }
0xbd: {  	[dreg:$0x5] =	wrdreg s1  }
0xbe: {  	[dreg:$0x6] =	wrdreg s24  }
0xbf: {  	[dreg:$0x7] =	wrdreg $0x9  }
0xc0: {  	_ =	task.clear_ibuf [dreg:s8], $0x8FFFF;
	_ =	strace $0x90000049  }
0xc1: {  	s29 =	simm.s32 $0x9;
	_ =	strace $0x8000004B  }
0xc2: {  	_ =	swait.ge [sflag:s29], $0x1  }
0xc3: {  	[sflag:s29] =	ssyncadd.s32 $0xFFFFFFFF  }
0xc4: {  	_ =	strace $0x9000004B  }
0xc5: {  	_ =	sfence  }
0xc6: {  	s30 =	sld [smem:$0x0];
	_ =	sdelay $0x2  }
0xc7: {  	s31 =	sshll.u32 s1, $0xD;
	s1 =	sshrl.u32 s1, $0x2  }
0xc8: {  	s3 =	sand.u32 $0x4000, s31;
	s1 =	sadd.s32 s1, s30  }
0xc9: {  	s0 =	sor.u32 s3, s0;
	s1 =	sshll.u32 s1, $0x11  }
0xca: {  	s0 =	sor.u32 s1, s0  }
0xcb: {  	s0 =	sadd.s32 $0x8F2B, s0  }
0xcc: {  	[sflag:s0] =	ssyncadd.remote.s32 $0x1  }
0xcd: {  	_ =	sfence.sel $0xFFFF  }
0xce: {  	[dreg:$0x0] =	wrdreg $0xFFFFFFFF;
	(pc) =	sbr.abs _section_cstart, $3  }
0xcf: {  	[dreg:$0x1] =	wrdreg $0xFFFFFFFF  }
0xd0: {  	_ =	task.clear_ibuf [dreg:s8], $0x2FFFF;
	_ =	strace $0x9FFFFFFF  }
0xd1: {  	(tm) =	ssettm $0x7FFFFFFF  }
tec
execute0_lowered:
.L_overlay_start_1:
0x0: {  	(tag) =	ssettag $0x1  }
0x1: {  	s2 =	rddreg [dreg:$0x0]  }
0x2: {  	s15 =	rddreg [dreg:$0x1]  }
0x3: {  	s14 =	rddreg [dreg:$0x2]  }
0x4: {  	s3 =	rddreg [dreg:$0x3];
	_ =	strace $0x8000004A;
	s0 =	simm.s32 $0x1  }
0x5: {  	v0 =	vimm.s32 $0x0;
	[sflag:s0] =	ssyncpa.u1 $0x0;
	s0 =	simm.s32 $0x108  }
0x6: {  	[tilespmem:s0+$0x70] =	vst v0  }
0x7: {  	[tilespmem:s0+$0x60] =	vst v0  }
0x8: {  	[tilespmem:s0+$0x50] =	vst v0  }
0x9: {  	[tilespmem:s0+$0x40] =	vst v0  }
0xa: {  	[tilespmem:s0+$0x30] =	vst v0  }
0xb: {  	s1 =	sadd.s32 $0x1B7C00, s2;
	[tilespmem:s0+$0x20] =	vst v0  }
0xc: {  	s6 =	sadd.s32 $0x1976E00, s2;
	s5 =	sand.u32 $0x1, s3;
	s3 =	simm.s32 $0x40;
	[tilespmem:s0+$0x10] =	vst v0  }
.LBB2_1:
0xd: {  	s3 =	sadd.s32 $0x40, s3;
	[tilespmem:s0+$0x0] =	vst v0;
	s0 =	sadd.s32 $0x80, s0  }
0xe: {  	p0 =	slt.u32 s3, $0x3C40;
	[tilespmem:s0+$0x70] =	vst v0  }
0xf: {  	[tilespmem:s0+$0x60] =	vst v0  }
.Ltmp0:
0x10: {  	[tilespmem:s0+$0x50] =	vst v0;
	(pc) =	sbr.rel @p0 .LBB2_1-.Ltmp0, $4  }
0x11: {  	[tilespmem:s0+$0x40] =	vst v0  }
0x12: {  	[tilespmem:s0+$0x30] =	vst v0  }
0x13: {  	[tilespmem:s0+$0x20] =	vst v0  }
0x14: {  	[tilespmem:s0+$0x10] =	vst v0  }
0x15: {  	s9 =	stileid.u32  }
0x16: {  	s2 =	smul.u32 $0x68, s9  }
0x17: {  	s3 =	smin.u32 s9, $0x3  }
0x18: {  	s2 =	sor.u32 s3, s2  }
0x19: {  	p0 =	slt.u32 s9, $0x3;
	s7 =	smul.u32 $0xF0, s2;
	s2 =	simm.s32 $0x6270  }
0x1a: {  	s2 =	simm.s32 @!p0 $0x6180  }
0x1b: {  	s2 =	sadd.s32 s2, s7  }
0x1c: {  	s8 =	smin.u32 s2, $0x61A80  }
0x1d: {  	s2 =	ssub.s32 s8, s7  }
0x1e: {  	p0 =	sgt.s32 s2, $0x0  }
0x1f: {  	s29 =	simm.s32 $0x2;
	s10 =	simm.s32 $0x9;
	s2 =	simm.s32 @!p0 $0x0  }
0x20: {  	s4 =	simm.s32 $0xA;
	s11 =	simm.s32 $0xB;
	s28 =	smulhi.u32 $0x88888889, s2  }
0x21: {  	[dreg:$0x6] =	wrdreg s5;
	s31 =	smul.u32 $0xC350, s5;
	s12 =	simm.s32 $0x1  }
0x22: {  	s22 =	simm.s32 $0x0;
	s18 =	simm.s32 $0xC;
	s30 =	sshrl.u32 s28, $0x7  }
0x23: {  	s20 =	simm.s32 $0x0;
	s21 =	simm.s32 $0x0;
	s3 =	smul.u32 $0xF0, s30  }
.Ltmp1:
0x24: {  	[tilespmem:s0+$0x0] =	vst v0;
	v0 =	vimm.s32 $0xFFFFFFFF;
	[sflag:s29] =	ssyncpa.u1 $0x0;
	s16 =	sshll.u32 s9, $0x8;
	(pc) =	sbr.rel .LBB2_3-.Ltmp1, $4  }
0x25: {  	[tilespmem:$0xF208] =	vst v0;
	[sflag:s10] =	ssyncpa.u1 $0x0;
	p0 =	sne.s32 s2, s3;
	s2 =	simm.s32 $0x1  }
0x26: {  	s14 =	sadd.s32 s31, s14;
	[sflag:s4] =	ssyncpa.u1 $0x0;
	s2 =	simm.s32 @!p0 $0x0  }
0x27: {  	s15 =	sadd.s32 s31, s15;
	[sflag:s11] =	ssyncpa.u1 $0x0;
	s13 =	sadd.s32 s2, s30  }
0x28: {  	v0 =	vlaneseq.u32;
	s19 =	smov.u32 s7;
	p0 =	por $0x0, $0x0;
	s17 =	sadd.s32 $0x1, s13  }
.LBB2_18:
0x29: {  	s0 =	sshrl.u32 s31, $0x2  }
.LBB2_20:
0x2a: {  	_ =	swait.ge [sflag:s18], s0  }
0x2b: {  	s31 =	ssub.s32 $0x0, s0;
	v1 =	vmov s24;
	vm0 =	veq.s32 v0, $0x0;
	[sflag:s18] =	ssyncset.done $0x0  }
0x2c: {  	vm15 =	veq.s32 v0, $0x2;
	v1 =	vsel vm0, s30, v1;
	[sflag:s18] =	ssyncadd.s32 s31  }
0x2d: {  	v1 =	vsel vm15, s22, v1;
	[sflag:s18] =	ssyncpa.u1 $0x1  }
0x2e: {  	[tilespmem:$0xF208] =	vst v1  }
.LBB2_21:
0x2f: {  	s0 =	sadd.s32 $0xF0, s19  }
0x30: {  	s2 =	smov.u32 s7;
	p1 =	slt.s32 s0, s8  }
0x31: {  	s2 =	smov.u32 @p1 s0;
	p1 =	sne.s32 s21, s17  }
.Ltmp2:
0x32: {  	_ = 	snop;
	(pc) =	sbr.rel @!p1 .LBB2_22-.Ltmp2, $3  }
0x33: {  	_ =	sdelay $0x1  }
0x34: {  	s22 =	smov.u32 s20;
	s31 =	sadd.s32 $0x1, s21;
	s20 =	smov.u32 s19  }
0x35: {  	p0 =	por !p0, !p0;
	s21 =	smov.u32 s31;
	s19 =	smov.u32 s2  }
.LBB2_3:
0x36: {  	p1 =	sge.u32 s21, s13  }
0x37: {  	s0 =	smulhi.u32 @!p1 $0xAAAAAAAB, s21  }
0x38: {  	s2 =	smov.u32 s19;
	p2 =	sgt.s32 @!p1 s19, $0x61990  }
0x39: {  	s3 =	sshra.s32 @!p1 s19, $0x1F;
	p2 =	por !p2, p1;
	s0 =	sshrl.u32 @!p1 s0, $0x1  }
0x3a: {  	s3 =	sand.u32 @!p1 s3, s19;
	s2 =	simm.s32 @p2 $0x61990;
	s0 =	smul.u32 @!p1 $0x3, s0  }
0x3b: {  	s2 =	ssub.s32 @!p1 s2, s3  }
0x3c: {  	s2 =	sadd.s32 @!p1 $0xFFF9E670, s2;
	s0 =	ssub.s32 @!p1 s21, s0  }
0x3d: {  	s3 =	sshll.u32 @!p1 s2, $0x2;
	p2 =	sgt.s32 @!p1 s2, $0xEF;
	s0 =	smul.u32 @!p1 $0x3C0, s0  }
0x3e: {  	s4 =	sand.u32 @!p1 $0x7, s19;
	s2 =	ssub.s32 @!p1 $0x3C0, s3;
	p2 =	por !p2, p1  }
0x3f: {  	s3 =	sshrl.u32 @!p1 s19, $0x3;
	s2 =	sshrl.u32 @!p1 s2, $0x2;
	s0 =	sshrl.u32 @!p1 s0, $0x2  }
0x40: {  	s3 =	sadd.s32 @!p1 s3, s14;
	s2 =	simm.s32 @!p2 $0x0;
	s0 =	sadd.s32 @!p1 $0x10248, s0  }
0x41: {  	[tilespmem:s0], [sflag:$0xA] =	stream.linear.gather @!p1 [hbm4b:s3+s4], s2, $0x38;
	[tilespmem:$0x1F6F8] =	vst v63  }
0x42: {  	s0 =	sadd.s32 $0xFFFFFFFF, s21  }
0x43: {  	p1 =	sge.u32 s0, s13  }
0x44: {  	p2 =	sgt.s32 @!p1 s20, $0x61990  }
0x45: {  	s2 =	smov.u32 s20;
	s3 =	sshra.s32 @!p1 s20, $0x1F;
	p2 =	por !p2, p1  }
0x46: {  	s3 =	sand.u32 @!p1 s3, s20;
	s2 =	simm.s32 @p2 $0x61990  }
0x47: {  	s2 =	ssub.s32 @!p1 s2, s3  }
0x48: {  	s2 =	sadd.s32 @!p1 $0xFFF9E670, s2  }
0x49: {  	s4 =	sand.u32 @!p1 $0x1, s0;
	s3 =	sshll.u32 @!p1 s2, $0x2  }
0x4a: {  	p2 =	sgt.s32 @!p1 s2, $0xEF;
	s2 =	ssub.s32 @!p1 $0x3C0, s3;
	s3 =	smulhi.u32 @!p1 $0xAAAAAAAB, s0  }
0x4b: {  	s23 =	smul.u32 @!p1 $0x3C0, s4;
	p2 =	por !p2, p1;
	s2 =	sshrl.u32 @!p1 s2, $0x2  }
0x4c: {  	s5 =	simm.s32 @!p1 $0xA;
	s2 =	simm.s32 @!p2 $0x0;
	s3 =	sshrl.u32 @!p1 s3, $0x1  }
0x4d: {  	s23 =	sshrl.u32 @!p1 s23, $0x2;
	_ =	swait.ge @!p1 [sflag:s5], s2;
	s3 =	smul.u32 @!p1 $0x3, s3  }
0x4e: {  	s23 =	sadd.s32 @!p1 $0x10518, s23;
	s24 =	ssub.s32 @!p1 $0x0, s2;
	[sflag:s5] =	ssyncset.done @!p1 $0x0  }
0x4f: {  	[sflag:s5] =	ssyncadd.s32 @!p1 s24;
	s5 =	sshrl.u32 @!p1 s20, $0x3;
	s0 =	ssub.s32 @!p1 s0, s3  }
0x50: {  	s24 =	sand.u32 @!p1 $0x7, s20;
	s5 =	sadd.s32 @!p1 s5, s15;
	s0 =	smul.u32 @!p1 $0x3C0, s0  }
0x51: {  	[tilespmem:s23], [sflag:$0xB] =	stream.linear.gather @!p1 [hbm4b:s5+s24], s2, $0x38;
	[tilespmem:$0x1F6F8] =	vst v63  }
0x52: {  	s3 =	ssub.s32 @!p1 $0x61A80, s20;
	s2 =	smul.u32 @!p1 $0x1E000, s4  }
0x53: {  	p2 =	slt.s32 @!p1 s3, $0xF0  }
0x54: {  	p2 =	por !p2, p1;
	s0 =	sshrl.u32 @!p1 s0, $0x2;
	s2 =	sshrl.u32 @!p1 s2, $0x2  }
0x55: {  	s3 =	simm.s32 @p2 $0xF0;
	s0 =	sadd.s32 @!p1 $0x10248, s0;
	s2 =	sor.u32 @!p1 $0x106F8, s2  }
0x56: {  	[tilespmem:s2], [sflag:$0x9] =	stream.indirect.gather @!p1 [hbm4b:s6+s3], $0x80, s0, s3, $0xb8;
	[tilespmem:$0x1F6F8] =	vst v63  }
0x57: {  	p1 =	slt.u32 s21, $0x2  }
.Ltmp3:
0x58: {  	_ = 	snop;
	(pc) =	sbr.rel @p1 .LBB2_21-.Ltmp3, $1  }
0x59: {  	_ =	sdelay $0x3  }
0x5a: {  	p1 =	sgt.s32 s22, $0x61990  }
0x5b: {  	s0 =	smov.u32 s22;
	s2 =	sshra.s32 s22, $0x1F;
	s3 =	ssub.s32 $0x61A80, s22  }
0x5c: {  	s0 =	simm.s32 @!p1 $0x61990;
	s2 =	sand.u32 s2, s22;
	p1 =	slt.s32 s3, $0xF0  }
0x5d: {  	s0 =	ssub.s32 s0, s2;
	s3 =	simm.s32 @!p1 $0xF0  }
0x5e: {  	s0 =	sadd.s32 $0xFFF9E670, s0;
	s25 =	sshll.u32 s3, $0x7  }
0x5f: {  	s26 =	sshll.u32 s0, $0x2;
	s2 =	sand.u32 $0x3FFFFF80, s25  }
0x60: {  	p1 =	sgt.s32 s0, $0xEF;
	s29 =	ssub.s32 $0x3C0, s26;
	_ =	swait.ge [sflag:s10], s2  }
0x61: {  	s2 =	ssub.s32 $0x0, s2;
	[sflag:s10] =	ssyncset.done $0x0;
	s0 =	sshrl.u32 s29, $0x2  }
0x62: {  	[sflag:s10] =	ssyncadd.s32 s2;
	s0 =	simm.s32 @p1 $0x0  }
0x63: {  	_ =	swait.ge [sflag:s11], s0  }
0x64: {  	s0 =	ssub.s32 $0x0, s0;
	[sflag:s11] =	ssyncset.done $0x0  }
0x65: {  	[sflag:s11] =	ssyncadd.s32 s0  }
0x66: {  	v1 =	vld [tilespmem:$0xF208];
	_ =	sdelay $0x4  }
0x67: {  	(v2sf) =	vpush v1, $0x0  }
0x68: {  	(v2sf) =	vpush v1, $0x1  }
0x69: {  	(v2sf) =	vpush v1, $0x2;
	_ =	sdelay $0x3  }
0x6a: {  	s0 =	sadd.s32 $0xF0, s22  }
0x6b: {  	s2 =	ssub.s32 $0xC3500, s22;
	p1 =	slt.s32 s8, s0  }
0x6c: {  	s0 =	smov.u32 @p1 s8;
	p1 =	sgt.s32 s2, $0x0  }
0x6d: {  	s26 =	ssub.s32 s0, s22;
	s2 =	simm.s32 @!p1 $0x0  }
0x6e: {  	p1 =	slt.s32 s2, s26  }
0x6f: {  	s26 =	smov.u32 @p1 s2  }
0x70: {  	s25 =	simm.s32 $0x1;
	p1 =	slt.s32 s26, $0x1  }
.Ltmp4:
0x71: {  	s25 =	simm.s32 @!p0 $0x0;
	(pc) =	sbr.rel @p1 .LBB2_8-.Ltmp4, $4  }
0x72: {  	s31 =	smul.u32 $0x3C0, s25  }
0x73: {  	s28 =	spop (v2sf)  }
0x74: {  	s0 =	sshrl.u32 s31, $0x2;
	s30 =	spop (v2sf)  }
0x75: {  	s23 =	sadd.s32 $0x10518, s0;
	s22 =	spop (v2sf)  }
0x76: {  	s0 =	smin.u32 s26, $0x10  }
0x77: {  	v1 =	vmov s0  }
0x78: {  	p2 =	sgt.s32 s26, $0x10;
	vm1 =	vgt.u32 v1, v0  }
.Ltmp5:
0x79: {  	_ = 	snop;
	(pc) =	sbr.rel @!p2 .LBB2_7-.Ltmp5, $2  }
0x7a: {  	_ =	sdelay $0x2  }
0x7b: {  	s4 =	simm.s32 $0x10;
	s24 =	sadd.s32 $0xFFFFFFF0, s26;
	s0 =	smov.u32 s23;
	vm0 =	vmmov vm1  }
.LBB2_6:
0x7c: {  	s2 =	smin.u32 s24, $0x10;
	s4 =	sadd.s32 $0x10, s4;
	v1 =	vld.msk [tilespmem:s0+$0x0 ss:$0x1], vm1  }
0x7d: {  	v2 =	vmov s2;
	p2 =	slt.s32 s4, s26  }
0x7e: {  	vm1 =	vgt.u32 v2, v0  }
.Ltmp6:
0x7f: {  	(pc) =	sbr.rel @p2 .LBB2_6-.Ltmp6, $3  }
0x80: {  	_ =	sdelay $0x1  }
0x81: {  	v1 =	vshll.u32 v1, $0x4  }
0x82: {  	s24 =	sadd.s32 $0xFFFFFFF0, s24;
	[tilespmem:s0+$0x0] =	vst.msk vm0, v1;
	s0 =	sadd.s32 $0x10, s0;
	vm0 =	vmmov vm1  }
.LBB2_7:
0x83: {  	_ =	sdelay $0x4  }
0x84: {  	v1 =	vld.msk [tilespmem:s0+$0x0 ss:$0x1], vm1;
	_ =	sdelay $0x4  }
0x85: {  	v1 =	vshll.u32 v1, $0x4  }
0x86: {  	[tilespmem:s0+$0x0] =	vst.msk vm0, v1  }
.LBB2_8:
0x87: {  	s0 =	sand.u32 $0x1, s21  }
0x88: {  	s0 =	smul.u32 $0xF0, s0  }
0x89: {  	p2 =	sne.s32 s30, $0xFFFFFFFF  }
0x8a: {  	v1 =	vld.msk @!p2 [tilespmem:s0+$0x10518], $0x1;
	_ =	sdelay $0x4  }
0x8b: {  	(v2sf) =	vpush @!p2 v1, $0x0;
	_ =	sdelay $0xc  }
.Ltmp7:
0x8c: {  	_ = 	snop;
	(pc) =	sbr.rel @p1 .LBB2_19-.Ltmp7, $4  }
0x8d: {  	_ = 	snop  }
0x8e: {  	s29 =	spop @!p2 (v2sf)  }
0x8f: {  	s22 =	simm.s32 @!p2 $0x0;
	s24 =	smov.u32 s29  }
0x90: {  	[sflag:s18] =	ssyncpa.u1 $0x0;
	s29 =	smov.u32 @p2 s28;
	s24 =	smov.u32 @p2 s30  }
0x91: {  	v1 =	vld.msk [tilespmem:s23+$0x0], $0x1;
	_ =	sdelay $0x4  }
0x92: {  	(v2sf) =	vpush v1, $0x0;
	_ =	sdelay $0xe  }
0x93: {  	s2 =	smul.u32 $0x1E000, s25;
	s0 =	spop (v2sf)  }
0x94: {  	s26 =	ssub.s32 $0x0, s26;
	p1 =	seq.s32 s29, s0  }
0x95: {  	s30 =	sadd.s32 $0x1, s26;
	s2 =	sshrl.u32 s2, $0x2;
	p2 =	sgt.s32 @!p1 s29, $0x0  }
0x96: {  	s25 =	sor.u32 $0x10738, s2;
	s2 =	smov.u32 s29;
	p2 =	por !p2, p1  }
0x97: {  	s2 =	simm.s32 @p2 $0x0;
	p2 =	seq.s32 s30, $0x0  }
.Ltmp8:
0x98: {  	_ = 	snop;
	(pc) =	sbr.rel @p2 .LBB2_11-.Ltmp8, $4  }
0x99: {  	_ = 	snop  }
0x9a: {  	s28 =	simm.s32 $0x0;
	s31 =	sadd.s32 $0x1, s23;
	s2 =	smin.u32 @!p1 s2, $0xC34F0  }
0x9b: {  	s4 =	simm.s32 @!p1 $0x1;
	s5 =	simm.s32 @!p1 $0x7988;
	s3 =	sand.u32 @!p1 $0xFFFF8, s2  }
0x9c: {  	s4 =	smov.u32 @p1 s28;
	s2 =	sand.u32 @!p1 $0x7, s2;
	s3 =	sadd.s32 @!p1 s1, s3  }
.LBB2_10:
0x9d: {  	s9 =	smov.u32 s4  }
0x9e: {  	[tilespmem:s5], [sflag:$0x2] =	stream.linear.gather @!p1 [hbm4b:s3+s2], $0x80, $0x38;
	[tilespmem:$0x1F6F8] =	vst v63  }
0x9f: {  	s30 =	sadd.s32 $0x1, s30;
	s2 =	smov.u32 s0;
	v1 =	vld.msk [tilespmem:s31+$0x0], $0x1  }
0xa0: {  	p2 =	seq.s32 s30, $0x0;
	_ =	sdelay $0x3  }
0xa1: {  	(v2sf) =	vpush v1, $0x0;
	_ =	sdelay $0xe  }
0xa2: {  	s0 =	spop (v2sf)  }
0xa3: {  	p1 =	seq.s32 s2, s0  }
0xa4: {  	p3 =	sgt.s32 @!p1 s2, $0x0;
	s3 =	sshll.u32 @!p1 s4, $0x9;
	s4 =	sadd.s32 @!p1 $0x1, s4  }
.Ltmp9:
0xa5: {  	p3 =	por !p3, p1;
	s3 =	sshra.s32 @!p1 s3, $0x2;
	(pc) =	sbr.rel @!p2 .LBB2_10-.Ltmp9, $4  }
0xa6: {  	s4 =	smov.u32 @p1 s9;
	s2 =	simm.s32 @p3 $0x0;
	s5 =	sadd.s32 @!p1 $0x7988, s3  }
0xa7: {  	s2 =	smin.u32 @!p1 s2, $0xC34F0  }
0xa8: {  	s3 =	sand.u32 @!p1 $0xFFFF8, s2;
	s2 =	sand.u32 @!p1 $0x7, s2  }
0xa9: {  	s31 =	sadd.s32 $0x1, s31;
	s3 =	sadd.s32 @!p1 s1, s3  }
.LBB2_11:
0xaa: {  	[tilespmem:s5], [sflag:$0x2] =	stream.linear.gather @!p1 [hbm4b:s3+s2], $0x80, $0x38;
	[tilespmem:$0x1F6F8] =	vst v63  }
.Ltmp10:
0xab: {  	s0 =	sshll.u32 s4, $0x7;
	(pc) =	sbr.rel .LBB2_12-.Ltmp10, $4  }
0xac: {  	s30 =	simm.s32 $0x2;
	s0 =	sand.u32 $0x3FFFFF80, s0  }
0xad: {  	_ =	swait.ge [sflag:s30], s0  }
0xae: {  	s0 =	ssub.s32 $0x0, s0;
	[sflag:s30] =	ssyncset.done $0x0  }
0xaf: {  	s31 =	simm.s32 $0x0;
	[sflag:s30] =	ssyncadd.s32 s0  }
.LBB2_13:
0xb0: {  	v1 =	vld [tilespmem:s25+$0xFFFFFFC0];
	_ =	sdelay $0x3  }
0xb1: {  	s0 =	sshra.s32 s0, $0x2  }
0xb2: {  	[tilespmem:s0+$0x108] =	vst.add.f32.msk $0xffff, v1  }
0xb3: {  	v1 =	vld [tilespmem:s25+$0xFFFFFFD0];
	_ =	sdelay $0x4  }
0xb4: {  	[tilespmem:s0+$0x118] =	vst.add.f32.msk $0xffff, v1  }
0xb5: {  	v1 =	vld [tilespmem:s25+$0xFFFFFFE0];
	_ =	sdelay $0x4  }
0xb6: {  	[tilespmem:s0+$0x128] =	vst.add.f32.msk $0xffff, v1  }
0xb7: {  	v1 =	vld [tilespmem:s25+$0xFFFFFFF0];
	_ =	sdelay $0x4  }
0xb8: {  	[tilespmem:s0+$0x138] =	vst.add.f32.msk $0xffff, v1  }
0xb9: {  	v1 =	vld [tilespmem:s25+$0x0];
	_ =	sdelay $0x4  }
0xba: {  	[tilespmem:s0+$0x148] =	vst.add.f32.msk $0xffff, v1  }
0xbb: {  	v1 =	vld [tilespmem:s25+$0x10];
	_ =	sdelay $0x4  }
0xbc: {  	[tilespmem:s0+$0x158] =	vst.add.f32.msk $0xffff, v1  }
0xbd: {  	v1 =	vld [tilespmem:s25+$0x20];
	_ =	sdelay $0x4  }
0xbe: {  	[tilespmem:s0+$0x168] =	vst.add.f32.msk $0xffff, v1  }
0xbf: {  	v1 =	vld [tilespmem:s25+$0x30];
	_ =	sdelay $0x4  }
0xc0: {  	[tilespmem:s0+$0x178] =	vst.add.f32.msk $0xffff, v1  }
.LBB2_17:
0xc1: {  	s26 =	sadd.s32 $0x1, s26  }
0xc2: {  	p1 =	seq.s32 s26, $0x0  }
.Ltmp11:
0xc3: {  	_ = 	snop;
	(pc) =	sbr.rel @p1 .LBB2_18-.Ltmp11, $2  }
0xc4: {  	_ =	sdelay $0x2  }
0xc5: {  	s23 =	sadd.s32 $0x1, s23;
	s25 =	sadd.s32 $0x80, s25;
	s29 =	smov.u32 s30  }
.LBB2_12:
0xc6: {  	v1 =	vld.msk [tilespmem:s23+$0x0], $0x1;
	_ =	sdelay $0x4  }
0xc7: {  	(v2sf) =	vpush v1, $0x0;
	_ =	sdelay $0xe  }
0xc8: {  	s30 =	spop (v2sf)  }
0xc9: {  	p1 =	sne.s32 s29, s30  }
.Ltmp12:
0xca: {  	_ = 	snop;
	(pc) =	sbr.rel @!p1 .LBB2_13-.Ltmp12, $2  }
0xcb: {  	_ =	sdelay $0x2  }
0xcc: {  	s0 =	sshll.u32 s22, $0x9  }
0xcd: {  	p1 =	seq.s32 s29, s24  }
.Ltmp13:
0xce: {  	_ = 	snop;
	(pc) =	sbr.rel @!p1 .LBB2_15-.Ltmp13, $1  }
0xcf: {  	_ =	sdelay $0x3  }
0xd0: {  	s0 =	sshra.s32 s0, $0x2  }
.Ltmp14:
0xd1: {  	s0 =	sadd.s32 $0x108, s0;
	(pc) =	sbr.rel .LBB2_16-.Ltmp14, $4  }
0xd2: {  	[spmem:s16] =	stream.linear.scatter [tilespmem:s0], [sflag:$0x1], $0x80, $0x38;
	[tilespmem:$0x1F6F8] =	vst v63  }
0xd3: {  	_ =	swait.ge [sflag:s12], $0x80  }
0xd4: {  	[sflag:s12] =	ssyncset.done $0x0  }
0xd5: {  	[sflag:s12] =	ssyncadd.s32 $0xFFFFFF80  }
.LBB2_15:
0xd6: {  	s2 =	sshll.u32 s28, $0x9  }
0xd7: {  	s2 =	sshra.s32 s2, $0x2  }
0xd8: {  	v1 =	vld [tilespmem:s2+$0x7988];
	_ =	sdelay $0x3  }
0xd9: {  	s0 =	sshra.s32 s0, $0x2  }
0xda: {  	[tilespmem:s0+$0x108] =	vst.add.f32.msk $0xffff, v1  }
0xdb: {  	v1 =	vld [tilespmem:s2+$0x7998];
	_ =	sdelay $0x4  }
0xdc: {  	[tilespmem:s0+$0x118] =	vst.add.f32.msk $0xffff, v1  }
0xdd: {  	v1 =	vld [tilespmem:s2+$0x79A8];
	_ =	sdelay $0x4  }
0xde: {  	[tilespmem:s0+$0x128] =	vst.add.f32.msk $0xffff, v1  }
0xdf: {  	v1 =	vld [tilespmem:s2+$0x79B8];
	_ =	sdelay $0x4  }
0xe0: {  	[tilespmem:s0+$0x138] =	vst.add.f32.msk $0xffff, v1  }
0xe1: {  	v1 =	vld [tilespmem:s2+$0x79C8];
	_ =	sdelay $0x4  }
0xe2: {  	[tilespmem:s0+$0x148] =	vst.add.f32.msk $0xffff, v1  }
0xe3: {  	v1 =	vld [tilespmem:s2+$0x79D8];
	_ =	sdelay $0x4  }
0xe4: {  	[tilespmem:s0+$0x158] =	vst.add.f32.msk $0xffff, v1  }
0xe5: {  	v1 =	vld [tilespmem:s2+$0x79E8];
	_ =	sdelay $0x4  }
0xe6: {  	[tilespmem:s0+$0x168] =	vst.add.f32.msk $0xffff, v1  }
0xe7: {  	v1 =	vld [tilespmem:s2+$0x79F8];
	_ =	sdelay $0x2  }
0xe8: {  	p1 =	sgt.u32 s29, $0xC34F0  }
0xe9: {  	s2 =	sand.u32 @!p1 $0xFFFF8, s29  }
0xea: {  	s3 =	sadd.s32 $0x108, s0;
	[tilespmem:s0+$0x178] =	vst.add.f32.msk $0xffff, v1;
	s0 =	sadd.s32 @!p1 s1, s2;
	s2 =	sand.u32 @!p1 $0x7, s29  }
0xeb: {  	[hbm4b:s0+s2] =	stream.linear.scatter @!p1 [tilespmem:s3], [sflag:$0xC], $0x80, $0x38;
	[tilespmem:$0x1F6F8] =	vst v63  }
0xec: {  	s0 =	simm.s32 $0x0  }
0xed: {  	s0 =	simm.s32 @!p1 $0x200  }
0xee: {  	s31 =	sadd.s32 s0, s31  }
.LBB2_16:
0xef: {  	s0 =	sadd.s32 $0x1, s22  }
0xf0: {  	s2 =	smulhi.u32 $0x88888889, s0;
	_ =	sdelay $0x1  }
0xf1: {  	v1 =	vld [tilespmem:s25+$0xFFFFFFC0];
	s2 =	sshrl.u32 s2, $0x7  }
0xf2: {  	s2 =	smul.u32 $0xF0, s2;
	_ =	sdelay $0x1  }
0xf3: {  	s22 =	ssub.s32 s0, s2  }
0xf4: {  	s0 =	sshll.u32 s22, $0x7  }
0xf5: {  	[tilespmem:s0+$0x108] =	vst v1  }
0xf6: {  	v1 =	vld [tilespmem:s25+$0xFFFFFFD0];
	_ =	sdelay $0x4  }
0xf7: {  	[tilespmem:s0+$0x118] =	vst v1  }
0xf8: {  	v1 =	vld [tilespmem:s25+$0xFFFFFFE0];
	_ =	sdelay $0x4  }
0xf9: {  	[tilespmem:s0+$0x128] =	vst v1  }
0xfa: {  	v1 =	vld [tilespmem:s25+$0xFFFFFFF0];
	_ =	sdelay $0x4  }
0xfb: {  	[tilespmem:s0+$0x138] =	vst v1  }
0xfc: {  	v1 =	vld [tilespmem:s25+$0x0];
	_ =	sdelay $0x4  }
0xfd: {  	[tilespmem:s0+$0x148] =	vst v1  }
0xfe: {  	v1 =	vld [tilespmem:s25+$0x10];
	_ =	sdelay $0x4  }
0xff: {  	[tilespmem:s0+$0x158] =	vst v1  }
0x100: {  	v1 =	vld [tilespmem:s25+$0x20];
	_ =	sdelay $0x4  }
0x101: {  	[tilespmem:s0+$0x168] =	vst v1  }
0x102: {  	v1 =	vld [tilespmem:s25+$0x30]  }
.Ltmp15:
0x103: {  	_ = 	snop;
	(pc) =	sbr.rel .LBB2_17-.Ltmp15, $2  }
0x104: {  	_ =	sdelay $0x2  }
0x105: {  	s28 =	sadd.s32 $0x1, s28;
	[tilespmem:s0+$0x178] =	vst v1  }
.LBB2_19:
.Ltmp16:
0x106: {  	(pc) =	sbr.rel .LBB2_20-.Ltmp16, $4  }
0x107: {  	_ = 	snop  }
0x108: {  	s0 =	simm.s32 $0x2  }
0x109: {  	_ =	swait.ge [sflag:s0], $0x0  }
0x10a: {  	s30 =	smov.u32 s29;
	[sflag:s0] =	ssyncset.done $0x0;
	s0 =	simm.s32 $0x0  }
.LBB2_22:
0x10b: {  	_ =	sfence.sel $0x180000  }
0x10c: {  	s0 =	simm.s32 $0x9;
	[bflag:$0x0] =	sbarrier.arrive $0xFFFF  }
0x10d: {  	s24 =	simm.s32 $0xA;
	[sflag:s0] =	ssyncpa.u1 $0x1  }
0x10e: {  	s25 =	simm.s32 $0xB;
	[sflag:s24] =	ssyncpa.u1 $0x1  }
0x10f: {  	s26 =	simm.s32 $0x2;
	[sflag:s25] =	ssyncpa.u1 $0x1  }
0x110: {  	[sflag:s26] =	ssyncpa.u1 $0x1  }
0x111: {  	v0 =	vld [tilespmem:$0xF208];
	_ =	sdelay $0x4  }
0x112: {  	(v2sf) =	vpush v0, $0x0  }
0x113: {  	(v2sf) =	vpush v0, $0x1;
	_ =	sdelay $0x1  }
0x114: {  	(v2sf) =	vpush v0, $0x2;
	_ =	sdelay $0xb  }
0x115: {  	s0 =	spop (v2sf)  }
0x116: {  	s2 =	spop (v2sf)  }
0x117: {  	s3 =	smov.u32 s0;
	p0 =	sne.s32 s0, s2  }
0x118: {  	s4 =	spop (v2sf);
	s3 =	simm.s32 @!p0 $0xFFFFFFFF  }
0x119: {  	v2 =	vimm.s32 $0x1;
	v3 =	vlaneseq.u32;
	p0 =	seq.s32 s4, $0xFFFFFFFF;
	v1 =	vmov s3  }
0x11a: {  	s16 =	stileid.u32;
	v0 =	vperm.xlane v0, v2;
	p1 =	sne.s32 @!p0 s0, s2;
	v1 =	vperm.xlane v1, v3  }
0x11b: {  	vm0 =	vcmask $0x3F04;
	s6 =	simm.s32 $0xF208;
	s0 =	simm.s32 @!p0 $0x1;
	p1 =	por !p1, p0  }
0x11c: {  	s3 =	sshll.u32 s16, $0x1;
	s2 =	sshll.u32 @!p0 s4, $0x9;
	s0 =	simm.s32 @p1 $0x0;
	v0 =	vsel vm0, v1, v0  }
0x11d: {  	s5 =	sor.u32 $0x1000, s3;
	s2 =	sshra.s32 @!p0 s2, $0x2;
	s0 =	sor.u32 @!p0 s0, s3;
	[tilespmem:$0xF208] =	vst v0  }
0x11e: {  	[spmem:s5] =	stream.linear.scatter [tilespmem:s6], [sflag:$0x1], $0x2, $0x38;
	[tilespmem:$0x1F6F8] =	vst v63  }
0x11f: {  	s2 =	sadd.s32 @!p0 $0x108, s2;
	s0 =	sshll.u32 @!p0 s0, $0x7  }
0x120: {  	[spmem:s0] =	stream.linear.scatter @!p0 [tilespmem:s2], [sflag:$0x1], $0x80, $0x38;
	[tilespmem:$0x1F6F8] =	vst v63  }
0x121: {  	s0 =	simm.s32 @!p0 $0x82  }
0x122: {  	s28 =	simm.s32 $0x1;
	s0 =	simm.s32 @p0 $0x2  }
0x123: {  	_ =	swait.ge [sflag:s28], s0  }
0x124: {  	s0 =	ssub.s32 $0x0, s0;
	[sflag:s28] =	ssyncset.done $0x0  }
0x125: {  	p0 =	sne.s32 s16, $0x0;
	[sflag:s28] =	ssyncadd.s32 s0  }
.Ltmp17:
0x126: {  	_ =	sfence.stream.spmem;
	(pc) =	sbr.rel @p0 .LBB2_39-.Ltmp17, $4  }
0x127: {  	s29 =	simm.s32 $0x3;
	[bflag:$0x0] =	sbarrier.arrive $0xFFFF  }
0x128: {  	s30 =	simm.s32 $0x4;
	[sflag:s29] =	ssyncpa.u1 $0x1  }
0x129: {  	s31 =	simm.s32 $0x3C;
	[sflag:s30] =	ssyncpa.u1 $0x1  }
0x12a: {  	s15 =	rddreg [dreg:$0x6];
	[sflag:s31] =	ssyncpa.u1 $0x1  }
0x12b: {  	_ =	sfence.stream.spmem;
	s0 =	simm.s32 $0x5  }
0x12c: {  	s2 =	simm.s32 $0x1000;
	s3 =	simm.s32 $0xF218;
	[sflag:s0] =	ssyncpa.u1 $0x0  }
0x12d: {  	[tilespmem:s3], [sflag:$0x5] =	stream.linear.gather [spmem:s2], $0x20, $0x38;
	[tilespmem:$0x1F6F8] =	vst v63  }
0x12e: {  	s26 =	simm.s32 $0x0;
	s28 =	simm.s32 $0xF238  }
0x12f: {  	[tilespmem:s28], [sflag:$0x5] =	stream.linear.gather [spmem:s26], $0x1000, $0x38;
	[tilespmem:$0x1F6F8] =	vst v63  }
0x130: {  	_ =	swait.ge [sflag:s0], $0x1020  }
0x131: {  	[sflag:s0] =	ssyncset.done $0x0  }
0x132: {  	s29 =	simm.s32 $0x0;
	[sflag:s0] =	ssyncadd.s32 $0xFFFFEFE0  }
0x133: {  	v0 =	vld.msk [tilespmem:s29+$0xF218], $0x1;
	_ =	sdelay $0x1  }
0x134: {  	s30 =	simm.s32 $0x1  }
0x135: {  	v1 =	vld.msk [tilespmem:s30+$0xF218], $0x1;
	_ =	sdelay $0x1  }
0x136: {  	(v2sf) =	vpush v0, $0x0;
	_ =	sdelay $0x2  }
0x137: {  	(v2sf) =	vpush v1, $0x0;
	_ =	sdelay $0x2  }
0x138: {  	s31 =	simm.s32 $0x2  }
0x139: {  	v0 =	vld.msk [tilespmem:s31+$0xF218], $0x1;
	_ =	sdelay $0x2  }
0x13a: {  	s4 =	simm.s32 $0xFFFFFFFF;
	s5 =	simm.s32 $0xFFFFFFFF;
	s0 =	simm.s32 $0xC  }
.LBB2_24:
0x13b: {  	s2 =	smov.u32 s5;
	s3 =	smov.u32 s4  }
0x13c: {  	s4 =	sshra.s32 s0, $0x2;
	p1 =	sne.s32 s0, $0x7C;
	s0 =	sadd.s32 $0x4, s0;
	(v2sf) =	vpush v0, $0x0  }
0x13d: {  	v0 =	vld.msk [tilespmem:s4+$0xF218], $0x1  }
.Ltmp18:
0x13e: {  	(pc) =	sbr.rel @p1 .LBB2_24-.Ltmp18, $4  }
0x13f: {  	s5 =	spop (v2sf)  }
0x140: {  	p2 =	sne.s32 s3, $0xFFFFFFFF;
	s4 =	smov.u32 s5  }
0x141: {  	p3 =	seq.s32 s5, $0xFFFFFFFF;
	s4 =	smov.u32 @p2 s3  }
0x142: {  	s5 =	smov.u32 @p3 s2;
	s4 =	smov.u32 @p3 s3  }
0x143: {  	(v2sf) =	vpush v0, $0x0;
	_ =	sdelay $0x8  }
0x144: {  	s0 =	spop (v2sf)  }
0x145: {  	p1 =	sne.s32 s4, $0xFFFFFFFF;
	s2 =	smov.u32 s0  }
0x146: {  	s9 =	simm.s32 $0x6;
	p2 =	seq.s32 s0, $0xFFFFFFFF;
	s2 =	smov.u32 @p1 s4  }
0x147: {  	s6 =	simm.s32 $0x0;
	s2 =	smov.u32 @p2 s4;
	s3 =	spop (v2sf)  }
0x148: {  	s0 =	smov.u32 @p2 s5;
	p1 =	sne.s32 s2, $0xFFFFFFFF;
	s4 =	smov.u32 s3  }
.Ltmp19:
0x149: {  	p2 =	seq.s32 s3, $0xFFFFFFFF;
	s4 =	smov.u32 @p1 s2;
	(pc) =	sbr.rel .LBB2_26-.Ltmp19, $4  }
0x14a: {  	s10 =	simm.s32 $0xF188;
	s4 =	smov.u32 @p2 s2;
	s7 =	spop (v2sf)  }
0x14b: {  	s11 =	simm.s32 $0x0;
	p1 =	sne.s32 s4, $0xFFFFFFFF;
	s8 =	smov.u32 s7  }
0x14c: {  	s3 =	smov.u32 @p2 s0;
	p2 =	seq.s32 s7, $0xFFFFFFFF;
	s8 =	smov.u32 @p1 s4  }
0x14d: {  	[sflag:s9] =	ssyncpa.u1 $0x0;
	s7 =	smov.u32 @p2 s3;
	s8 =	smov.u32 @p2 s4  }
.LBB2_32:
0x14e: {  	p1 =	sgt.u32 s12, $0xC34F0  }
0x14f: {  	p2 =	seq.s32 @!p1 s12, s8  }
0x150: {  	p1 =	por p1, p2  }
0x151: {  	p2 =	sne.s32 @!p1 s12, s7  }
0x152: {  	p1 =	por p1, !p2  }
0x153: {  	s0 =	sshll.u32 @p1 s11, $0x9  }
0x154: {  	s0 =	sand.u32 @!p1 $0xFFFF8, s12  }
0x155: {  	s2 =	sand.u32 @!p1 $0x7, s12;
	s0 =	sadd.s32 @!p1 s1, s0  }
0x156: {  	[tilespmem:s10], [sflag:$0x6] =	stream.linear.gather @!p1 [hbm4b:s0+s2], $0x80, $0x38;
	[tilespmem:$0x1F6F8] =	vst v63  }
0x157: {  	_ =	swait.ge @!p1 [sflag:s9], $0x80  }
0x158: {  	[sflag:s9] =	ssyncset.done @!p1 $0x0  }
0x159: {  	[sflag:s9] =	ssyncadd.s32 @!p1 $0xFFFFFF80  }
0x15a: {  	v1 =	vld @!p1 [tilespmem:$0xF188];
	_ =	sdelay $0x2  }
0x15b: {  	s0 =	sshll.u32 @!p1 s11, $0x9  }
0x15c: {  	s2 =	sshrl.u32 @!p1 s0, $0x2  }
0x15d: {  	[tilespmem:s2+$0xF238] =	vst.add.f32.msk @!p1 $0xffff, v1  }
0x15e: {  	v1 =	vld @!p1 [tilespmem:$0xF198];
	_ =	sdelay $0x4  }
0x15f: {  	[tilespmem:s2+$0xF248] =	vst.add.f32.msk @!p1 $0xffff, v1  }
0x160: {  	v1 =	vld @!p1 [tilespmem:$0xF1A8];
	_ =	sdelay $0x4  }
0x161: {  	[tilespmem:s2+$0xF258] =	vst.add.f32.msk @!p1 $0xffff, v1  }
0x162: {  	v1 =	vld @!p1 [tilespmem:$0xF1B8];
	_ =	sdelay $0x4  }
0x163: {  	[tilespmem:s2+$0xF268] =	vst.add.f32.msk @!p1 $0xffff, v1  }
0x164: {  	v1 =	vld @!p1 [tilespmem:$0xF1C8];
	_ =	sdelay $0x4  }
0x165: {  	[tilespmem:s2+$0xF278] =	vst.add.f32.msk @!p1 $0xffff, v1  }
0x166: {  	v1 =	vld @!p1 [tilespmem:$0xF1D8];
	_ =	sdelay $0x4  }
0x167: {  	[tilespmem:s2+$0xF288] =	vst.add.f32.msk @!p1 $0xffff, v1  }
0x168: {  	v1 =	vld @!p1 [tilespmem:$0xF1E8];
	_ =	sdelay $0x4  }
0x169: {  	[tilespmem:s2+$0xF298] =	vst.add.f32.msk @!p1 $0xffff, v1  }
0x16a: {  	v1 =	vld @!p1 [tilespmem:$0xF1F8];
	_ =	sdelay $0x4  }
0x16b: {  	[tilespmem:s2+$0xF2A8] =	vst.add.f32.msk @!p1 $0xffff, v1  }
0x16c: {  	s0 =	sshrl.u32 s0, $0x2;
	[tilespmem:s6+$0xF218] =	vst.msk $0x1, v0  }
0x16d: {  	v0 =	vld [tilespmem:s0+$0xF238];
	_ =	sdelay $0x2  }
0x16e: {  	s31 =	sshll.u32 s6, $0x9  }
0x16f: {  	s2 =	sshra.s32 s31, $0x2  }
0x170: {  	[tilespmem:s2+$0xF238] =	vst v0  }
0x171: {  	v0 =	vld [tilespmem:s0+$0xF248];
	_ =	sdelay $0x4  }
0x172: {  	[tilespmem:s2+$0xF248] =	vst v0  }
0x173: {  	v0 =	vld [tilespmem:s0+$0xF258];
	_ =	sdelay $0x4  }
0x174: {  	[tilespmem:s2+$0xF258] =	vst v0  }
0x175: {  	v0 =	vld [tilespmem:s0+$0xF268];
	_ =	sdelay $0x4  }
0x176: {  	[tilespmem:s2+$0xF268] =	vst v0  }
0x177: {  	v0 =	vld [tilespmem:s0+$0xF278];
	_ =	sdelay $0x4  }
0x178: {  	[tilespmem:s2+$0xF278] =	vst v0  }
0x179: {  	v0 =	vld [tilespmem:s0+$0xF288];
	_ =	sdelay $0x4  }
0x17a: {  	[tilespmem:s2+$0xF288] =	vst v0  }
0x17b: {  	v0 =	vld [tilespmem:s0+$0xF298];
	_ =	sdelay $0x4  }
0x17c: {  	[tilespmem:s2+$0xF298] =	vst v0  }
0x17d: {  	v0 =	vld [tilespmem:s0+$0xF2A8];
	_ =	sdelay $0x4  }
0x17e: {  	s6 =	sadd.s32 $0x1, s6;
	[tilespmem:s2+$0xF2A8] =	vst v0  }
.LBB2_33:
0x17f: {  	s11 =	sadd.s32 $0x1, s11  }
0x180: {  	p1 =	sne.s32 s11, $0x20  }
.Ltmp20:
0x181: {  	_ = 	snop;
	(pc) =	sbr.rel @!p1 .LBB2_34-.Ltmp20, $1  }
0x182: {  	_ =	sdelay $0x3  }
.LBB2_26:
0x183: {  	v0 =	vld.msk [tilespmem:s11+$0xF218], $0x1;
	_ =	sdelay $0x4  }
0x184: {  	(v2sf) =	vpush v0, $0x0;
	_ =	sdelay $0xe  }
0x185: {  	s12 =	spop (v2sf)  }
0x186: {  	p1 =	seq.s32 s12, $0xFFFFFFFF  }
.Ltmp21:
0x187: {  	_ = 	snop;
	(pc) =	sbr.rel @p1 .LBB2_33-.Ltmp21, $1  }
0x188: {  	_ =	sdelay $0x3  }
0x189: {  	p1 =	slt.s32 s6, $0x1  }
.Ltmp22:
0x18a: {  	_ = 	snop;
	(pc) =	sbr.rel @p1 .LBB2_32-.Ltmp22, $1  }
0x18b: {  	_ =	sdelay $0x3  }
0x18c: {  	s13 =	simm.s32 $0xF218;
	p1 =	por $0x0, $0x0  }
0x18d: {  	v1 =	vld.msk @!p1 [tilespmem:s13+$0x0], $0x1;
	_ =	sdelay $0x4  }
0x18e: {  	(v2sf) =	vpush @!p1 v1, $0x0;
	_ =	sdelay $0xd  }
0x18f: {  	p3 =	sne.s32 s6, $0x1  }
.Ltmp23:
0x190: {  	s0 =	spop @!p1 (v2sf);
	(pc) =	sbr.rel @!p3 .LBB2_30-.Ltmp23, $4  }
0x191: {  	p2 =	seq.s32 @!p1 s12, s0  }
0x192: {  	s14 =	simm.s32 $0x0;
	p2 =	por !p2, p1  }
0x193: {  	s2 =	simm.s32 $0xFFFFFFFF;
	s14 =	simm.s32 @p2 $0xFFFFFFFF  }
0x194: {  	s0 =	simm.s32 $0x1;
	s14 =	smov.u32 @p1 s2  }
.LBB2_29:
0x195: {  	s2 =	smov.u32 s14;
	p1 =	sne.s32 s14, $0xFFFFFFFF  }
0x196: {  	s13 =	sadd.s32 $0x1, s13;
	s14 =	smov.u32 s0;
	s0 =	sadd.s32 $0x1, s0  }
0x197: {  	p2 =	sne.s32 s6, s0;
	v1 =	vld.msk @!p1 [tilespmem:s13+$0x0], $0x1;
	_ =	sdelay $0x4  }
0x198: {  	(v2sf) =	vpush @!p1 v1, $0x0;
	_ =	sdelay $0xe  }
.Ltmp24:
0x199: {  	s3 =	spop @!p1 (v2sf);
	(pc) =	sbr.rel @p2 .LBB2_29-.Ltmp24, $4  }
0x19a: {  	p3 =	seq.s32 @!p1 s12, s3  }
0x19b: {  	p3 =	por !p3, p1  }
0x19c: {  	s14 =	simm.s32 @p3 $0xFFFFFFFF  }
0x19d: {  	s14 =	smov.u32 @p1 s2  }
.LBB2_30:
0x19e: {  	p1 =	seq.s32 s14, $0xFFFFFFFF  }
.Ltmp25:
0x19f: {  	_ = 	snop;
	(pc) =	sbr.rel @p1 .LBB2_32-.Ltmp25, $1  }
0x1a0: {  	_ =	sdelay $0x3  }
0x1a1: {  	s0 =	sshll.u32 s11, $0x7  }
0x1a2: {  	s0 =	sand.u32 $0x3FFFFF80, s0  }
0x1a3: {  	v0 =	vld [tilespmem:s0+$0xF238];
	_ =	sdelay $0x2  }
0x1a4: {  	s2 =	sshll.u32 s14, $0x9  }
0x1a5: {  	s2 =	sshra.s32 s2, $0x2  }
0x1a6: {  	[tilespmem:s2+$0xF238] =	vst.add.f32.msk $0xffff, v0  }
0x1a7: {  	v0 =	vld [tilespmem:s0+$0xF248];
	_ =	sdelay $0x4  }
0x1a8: {  	[tilespmem:s2+$0xF248] =	vst.add.f32.msk $0xffff, v0  }
0x1a9: {  	v0 =	vld [tilespmem:s0+$0xF258];
	_ =	sdelay $0x4  }
0x1aa: {  	[tilespmem:s2+$0xF258] =	vst.add.f32.msk $0xffff, v0  }
0x1ab: {  	v0 =	vld [tilespmem:s0+$0xF268];
	_ =	sdelay $0x4  }
0x1ac: {  	[tilespmem:s2+$0xF268] =	vst.add.f32.msk $0xffff, v0  }
0x1ad: {  	v0 =	vld [tilespmem:s0+$0xF278];
	_ =	sdelay $0x4  }
0x1ae: {  	[tilespmem:s2+$0xF278] =	vst.add.f32.msk $0xffff, v0  }
0x1af: {  	v0 =	vld [tilespmem:s0+$0xF288];
	_ =	sdelay $0x4  }
0x1b0: {  	[tilespmem:s2+$0xF288] =	vst.add.f32.msk $0xffff, v0  }
0x1b1: {  	v0 =	vld [tilespmem:s0+$0xF298];
	_ =	sdelay $0x4  }
0x1b2: {  	[tilespmem:s2+$0xF298] =	vst.add.f32.msk $0xffff, v0  }
0x1b3: {  	v0 =	vld [tilespmem:s0+$0xF2A8]  }
.Ltmp26:
0x1b4: {  	_ = 	snop;
	(pc) =	sbr.rel .LBB2_33-.Ltmp26, $2  }
0x1b5: {  	_ =	sdelay $0x2  }
0x1b6: {  	[tilespmem:s2+$0xF2A8] =	vst.add.f32.msk $0xffff, v0  }
.LBB2_34:
0x1b7: {  	s0 =	simm.s32 $0x6;
	p1 =	seq.s32 s6, $0x0  }
0x1b8: {  	[sflag:s0] =	ssyncpa.u1 $0x1;
	v0 =	vimm.s32 @p1 $0xFFFFFFFF  }
0x1b9: {  	s9 =	sadd.s32 $0xFFFFFFFF, s6;
	[tilespmem:$0x10238] =	vst @p1 v0  }
0x1ba: {  	v0 =	vld.msk @!p1 [tilespmem:s9+$0xF218], $0x1;
	_ =	sdelay $0x1  }
0x1bb: {  	v1 =	vld.msk @!p1 [tilespmem:$0xF218], $0x1;
	_ =	sdelay $0x2  }
0x1bc: {  	p2 =	seq.s32 @!p1 s9, $0x0;
	v0 =	vbroadcast @!p1 v0, $0x0  }
0x1bd: {  	vm0 =	vmmov @!p1 $0x1;
	p2 =	por !p2, p1  }
0x1be: {  	v1 =	vnsel @!p1 vm0, $0xFFFFFFFF, v1;
	vm0 =	vcmask @!p1 $0x308;
	v0 =	vpsel !p2, $0xFFFFFFFF, v0  }
0x1bf: {  	p2 =	sne.s32 @!p1 s8, s7;
	v0 =	vsel @!p1 vm0, v1, v0  }
0x1c0: {  	s0 =	simm.s32 @!p1 $0xF238;
	s2 =	simm.s32 @!p1 $0x0;
	p3 =	por !p2, p1;
	[tilespmem:$0x10238] =	vst @!p1 v0  }
0x1c1: {  	[spmem:s2] =	stream.linear.scatter @!p1 [tilespmem:s0], [sflag:$0x1], $0x80, $0x38;
	[tilespmem:$0x1F6F8] =	vst v63  }
0x1c2: {  	s0 =	sshll.u32 @!p3 s9, $0x9  }
0x1c3: {  	s0 =	sshra.s32 @!p3 s0, $0x2  }
0x1c4: {  	s2 =	simm.s32 @!p3 $0x80;
	s0 =	sadd.s32 @!p3 $0xF238, s0  }
0x1c5: {  	[spmem:s2] =	stream.linear.scatter @!p3 [tilespmem:s0], [sflag:$0x1], $0x80, $0x38;
	[tilespmem:$0x1F6F8] =	vst v63  }
0x1c6: {  	s0 =	simm.s32 @!p3 $0x1  }
0x1c7: {  	_ =	swait.ge @!p3 [sflag:s0], $0x100  }
0x1c8: {  	p1 =	por p2, p1;
	[sflag:s0] =	ssyncset.done @!p3 $0x0  }
0x1c9: {  	[sflag:s0] =	ssyncadd.s32 @!p3 $0xFFFFFF00;
	s0 =	simm.s32 @!p1 $0x1  }
0x1ca: {  	_ =	swait.ge @!p1 [sflag:s0], $0x80  }
0x1cb: {  	s29 =	simm.s32 $0x10238;
	[sflag:s0] =	ssyncset.done @!p1 $0x0  }
0x1cc: {  	s30 =	simm.s32 $0x1000;
	s31 =	simm.s32 $0x1;
	[sflag:s0] =	ssyncadd.s32 @!p1 $0xFFFFFF80  }
0x1cd: {  	[spmem:s30] =	stream.linear.scatter [tilespmem:s29], [sflag:$0x1], $0x10, $0x38;
	[tilespmem:$0x1F6F8] =	vst v63  }
0x1ce: {  	_ =	swait.ge [sflag:s31], $0x10  }
0x1cf: {  	[sflag:s31] =	ssyncset.done $0x0  }
0x1d0: {  	p1 =	seq.s32 s15, $0x0;
	s8 =	rddreg [dreg:$0x3];
	[sflag:s31] =	ssyncadd.s32 $0xFFFFFFF0  }
0x1d1: {  	s2 =	sshll.u32 @p1 s8, $0xE;
	s7 =	rddreg [dreg:$0x4]  }
0x1d2: {  	s0 =	sadd.s32 @p1 $0x15C3C, s2;
	s2 =	sshll.u32 @p1 s7, $0x11  }
0x1d3: {  	_ =	sfence.stream.spmem;
	s0 =	sor.u32 @p1 s2, s0  }
0x1d4: {  	[sflag:s0] =	ssyncadd.remote.s32 @p1 $0x1;
	s0 =	simm.s32 @p1 $0x4  }
0x1d5: {  	s3 =	simm.s32 @!p1 $0x3C;
	s2 =	sand.u32 $0xFFFFFFFE, s8;
	_ =	swait.ge @p1 [sflag:s0], $0x22  }
0x1d6: {  	s4 =	simm.s32 @!p1 $0x0;
	s2 =	sadd.s32 @!p1 $0x4, s2;
	[sflag:s0] =	ssyncset.done @p1 $0x0  }
0x1d7: {  	s5 =	simm.s32 @!p1 $0x100;
	[sflag:s0] =	ssyncadd.s32 @p1 $0xFFFFFFDE;
	s0 =	sshll.u32 @!p1 s2, $0x1A  }
0x1d8: {  	s2 =	sshll.u32 @!p1 s2, $0xD;
	s0 =	sor.u32 @!p1 s0, s7;
	_ =	swait.eq @!p1 [sflag:s3], $0x1  }
0x1d9: {  	s2 =	sor.u32 @!p1 $0x1C04, s2;
	s3 =	simm.s32 @!p1 $0x1C03;
	s0 =	sor.u32 @!p1 $0x80004000, s0  }
0x1da: {  	[spmem:s5], [sflag:s2] =	dma.general @!p1 [spmem:s4], [sflag:s3], length:$0x20, [dreg:$0x0], stride_count:$0x0, ici_dest:s0, dma_misc:DstOpCode:WRITE  }
0x1db: {  	p2 =	slt.s32 s9, $0x2;
	s4 =	simm.s32 @!p1 $0x200;
	s5 =	simm.s32 @!p1 $0x202  }
0x1dc: {  	[spmem:s5], [sflag:s2] =	dma.general @!p1 [spmem:s4], [sflag:s3], length:$0x2, [dreg:$0x0], stride_count:$0x0, ici_dest:s0, dma_misc:DstOpCode:WRITE  }
.Ltmp27:
0x1dd: {  	s0 =	simm.s32 @!p1 $0x3;
	(pc) =	sbr.rel @p2 .LBB2_38-.Ltmp27, $4  }
0x1de: {  	s2 =	sshll.u32 @!p1 s8, $0xE;
	_ =	swait.ge @!p1 [sflag:s0], $0x22  }
0x1df: {  	s3 =	sshll.u32 @!p1 s7, $0x11;
	s2 =	sadd.s32 @!p1 $0x11C3C, s2;
	[sflag:s0] =	ssyncset.done @!p1 $0x0  }
0x1e0: {  	[sflag:s0] =	ssyncadd.s32 @!p1 $0xFFFFFFDE;
	s0 =	sor.u32 @!p1 s3, s2  }
0x1e1: {  	[sflag:s0] =	ssyncadd.remote.s32 @!p1 $0xFFFFFFFF;
	s0 =	simm.s32 $0x0  }
0x1e2: {  	s0 =	simm.s32 $0xF219  }
0x1e3: {  	v0 =	vld.msk [tilespmem:s0+$0x0], $0x1;
	_ =	sdelay $0x4  }
0x1e4: {  	(v2sf) =	vpush v0, $0x0;
	_ =	sdelay $0xb  }
0x1e5: {  	s31 =	sadd.s32 $0xFFFFFFFE, s6  }
0x1e6: {  	s0 =	sadd.s32 $0xFFFFFFFF, s31  }
0x1e7: {  	p2 =	sne.s32 s0, $0x0  }
.Ltmp28:
0x1e8: {  	s2 =	spop (v2sf);
	(pc) =	sbr.rel @!p2 .LBB2_37-.Ltmp28, $4  }
0x1e9: {  	s4 =	simm.s32 $0xF2B8;
	s7 =	simm.s32 $0x0;
	p1 =	sgt.u32 s2, $0xC34F0  }
0x1ea: {  	s5 =	simm.s32 $0x0;
	s6 =	simm.s32 $0xF21A;
	s3 =	sand.u32 @!p1 $0xFFFF8, s2  }
0x1eb: {  	s2 =	sand.u32 @!p1 $0x7, s2;
	s7 =	simm.s32 @!p1 $0x200;
	s3 =	sadd.s32 @!p1 s1, s3  }
0x1ec: {  	[hbm4b:s3+s2] =	stream.linear.scatter @!p1 [tilespmem:s4], [sflag:$0x5], $0x80, $0x38;
	[tilespmem:$0x1F6F8] =	vst v63  }
.LBB2_36:
0x1ed: {  	v0 =	vld.msk [tilespmem:s6+$0x0], $0x1;
	s0 =	sadd.s32 $0xFFFFFFFF, s0;
	s5 =	sadd.s32 s5, s7  }
0x1ee: {  	p1 =	sne.s32 s0, $0x0;
	_ =	sdelay $0x3  }
0x1ef: {  	(v2sf) =	vpush v0, $0x0;
	_ =	sdelay $0xe  }
.Ltmp29:
0x1f0: {  	s2 =	spop (v2sf);
	(pc) =	sbr.rel @p1 .LBB2_36-.Ltmp29, $4  }
0x1f1: {  	s7 =	simm.s32 $0x0;
	p2 =	sgt.u32 s2, $0xC34F0  }
0x1f2: {  	s4 =	sadd.s32 $0x80, s4;
	s7 =	simm.s32 @!p2 $0x200;
	s3 =	sand.u32 @!p2 $0xFFFF8, s2  }
0x1f3: {  	s6 =	sadd.s32 $0x1, s6;
	s2 =	sand.u32 @!p2 $0x7, s2;
	s3 =	sadd.s32 @!p2 s1, s3  }
0x1f4: {  	[hbm4b:s3+s2] =	stream.linear.scatter @!p2 [tilespmem:s4], [sflag:$0x5], $0x80, $0x38;
	[tilespmem:$0x1F6F8] =	vst v63  }
.LBB2_37:
0x1f5: {  	s0 =	sadd.s32 s5, s7  }
0x1f6: {  	s0 =	sshrl.u32 s0, $0x2  }
.LBB2_38:
0x1f7: {  	s2 =	simm.s32 $0x5  }
0x1f8: {  	_ =	swait.ge [sflag:s2], s0  }
0x1f9: {  	s31 =	ssub.s32 $0x0, s0;
	[sflag:s2] =	ssyncset.done $0x0  }
0x1fa: {  	[sflag:s2] =	ssyncadd.s32 s31  }
0x1fb: {  	[sflag:s2] =	ssyncpa.u1 $0x1  }
.LBB2_39:
0x1fc: {  	s0 =	sor.u32 s15, s16  }
0x1fd: {  	p1 =	sne.s32 s0, $0x0  }
.Ltmp30:
0x1fe: {  	_ = 	snop;
	(pc) =	sbr.rel @p1 .LBB2_54-.Ltmp30, $3  }
0x1ff: {  	_ =	sdelay $0x1  }
0x200: {  	[bflag:$0x0] =	sbarrier.arrive $0xFFFF  }
0x201: {  	_ =	sfence  }
0x202: {  	s0 =	simm.s32 $0x7  }
0x203: {  	s2 =	simm.s32 $0x1000;
	s3 =	simm.s32 $0xF218;
	[sflag:s0] =	ssyncpa.u1 $0x0  }
0x204: {  	[tilespmem:s3], [sflag:$0x7] =	stream.linear.gather [spmem:s2], $0x20, $0x38;
	[tilespmem:$0x1F6F8] =	vst v63  }
0x205: {  	s30 =	simm.s32 $0xF238;
	s2 =	simm.s32 $0x0  }
0x206: {  	[tilespmem:s30], [sflag:$0x7] =	stream.linear.gather [spmem:s2], $0x1000, $0x38;
	[tilespmem:$0x1F6F8] =	vst v63  }
.Ltmp31:
0x207: {  	_ = 	snop;
	(pc) =	sbr.rel .LBB2_41-.Ltmp31, $4  }
0x208: {  	_ =	swait.ge [sflag:s0], $0x1020  }
0x209: {  	[sflag:s0] =	ssyncset.done $0x0  }
0x20a: {  	s31 =	simm.s32 $0x8;
	[sflag:s0] =	ssyncadd.s32 $0xFFFFEFE0  }
0x20b: {  	s3 =	simm.s32 $0x0;
	[sflag:s31] =	ssyncpa.u1 $0x0  }
.LBB2_47:
0x20c: {  	p1 =	slt.u32 s4, $0xC34F1  }
0x20d: {  	s0 =	sand.u32 @p1 $0xFFFF8, s4  }
0x20e: {  	s4 =	sand.u32 @p1 $0x7, s4;
	s5 =	simm.s32 @p1 $0xF188;
	s0 =	sadd.s32 @p1 s1, s0  }
0x20f: {  	[tilespmem:s5], [sflag:$0x8] =	stream.linear.gather @p1 [hbm4b:s0+s4], $0x80, $0x38;
	[tilespmem:$0x1F6F8] =	vst v63  }
0x210: {  	s0 =	simm.s32 @p1 $0x8  }
0x211: {  	_ =	swait.ge @p1 [sflag:s0], $0x80  }
0x212: {  	[sflag:s0] =	ssyncset.done @p1 $0x0  }
0x213: {  	[sflag:s0] =	ssyncadd.s32 @p1 $0xFFFFFF80  }
0x214: {  	v1 =	vld @p1 [tilespmem:$0xF188];
	_ =	sdelay $0x2  }
0x215: {  	s0 =	sshll.u32 @p1 s3, $0x9  }
0x216: {  	s4 =	sshrl.u32 @p1 s0, $0x2  }
0x217: {  	[tilespmem:s4+$0xF238] =	vst.add.f32.msk @p1 $0xffff, v1  }
0x218: {  	v1 =	vld @p1 [tilespmem:$0xF198];
	_ =	sdelay $0x4  }
0x219: {  	[tilespmem:s4+$0xF248] =	vst.add.f32.msk @p1 $0xffff, v1  }
0x21a: {  	v1 =	vld @p1 [tilespmem:$0xF1A8];
	_ =	sdelay $0x4  }
0x21b: {  	[tilespmem:s4+$0xF258] =	vst.add.f32.msk @p1 $0xffff, v1  }
0x21c: {  	v1 =	vld @p1 [tilespmem:$0xF1B8];
	_ =	sdelay $0x4  }
0x21d: {  	[tilespmem:s4+$0xF268] =	vst.add.f32.msk @p1 $0xffff, v1  }
0x21e: {  	v1 =	vld @p1 [tilespmem:$0xF1C8];
	_ =	sdelay $0x4  }
0x21f: {  	[tilespmem:s4+$0xF278] =	vst.add.f32.msk @p1 $0xffff, v1  }
0x220: {  	v1 =	vld @p1 [tilespmem:$0xF1D8];
	_ =	sdelay $0x4  }
0x221: {  	[tilespmem:s4+$0xF288] =	vst.add.f32.msk @p1 $0xffff, v1  }
0x222: {  	v1 =	vld @p1 [tilespmem:$0xF1E8];
	_ =	sdelay $0x4  }
0x223: {  	[tilespmem:s4+$0xF298] =	vst.add.f32.msk @p1 $0xffff, v1  }
0x224: {  	v1 =	vld @p1 [tilespmem:$0xF1F8];
	_ =	sdelay $0x3  }
0x225: {  	s5 =	sshll.u32 @!p1 s3, $0x9  }
0x226: {  	s5 =	smov.u32 @p1 s0;
	[tilespmem:s4+$0xF2A8] =	vst.add.f32.msk @p1 $0xffff, v1  }
0x227: {  	s0 =	sshrl.u32 s5, $0x2;
	[tilespmem:s2+$0xF218] =	vst.msk $0x1, v0  }
0x228: {  	v0 =	vld [tilespmem:s0+$0xF238];
	_ =	sdelay $0x2  }
0x229: {  	s31 =	sshll.u32 s2, $0x9  }
0x22a: {  	s4 =	sshra.s32 s31, $0x2  }
0x22b: {  	[tilespmem:s4+$0xF238] =	vst v0  }
0x22c: {  	v0 =	vld [tilespmem:s0+$0xF248];
	_ =	sdelay $0x4  }
0x22d: {  	[tilespmem:s4+$0xF248] =	vst v0  }
0x22e: {  	v0 =	vld [tilespmem:s0+$0xF258];
	_ =	sdelay $0x4  }
0x22f: {  	[tilespmem:s4+$0xF258] =	vst v0  }
0x230: {  	v0 =	vld [tilespmem:s0+$0xF268];
	_ =	sdelay $0x4  }
0x231: {  	[tilespmem:s4+$0xF268] =	vst v0  }
0x232: {  	v0 =	vld [tilespmem:s0+$0xF278];
	_ =	sdelay $0x4  }
0x233: {  	[tilespmem:s4+$0xF278] =	vst v0  }
0x234: {  	v0 =	vld [tilespmem:s0+$0xF288];
	_ =	sdelay $0x4  }
0x235: {  	[tilespmem:s4+$0xF288] =	vst v0  }
0x236: {  	v0 =	vld [tilespmem:s0+$0xF298];
	_ =	sdelay $0x4  }
0x237: {  	[tilespmem:s4+$0xF298] =	vst v0  }
0x238: {  	v0 =	vld [tilespmem:s0+$0xF2A8];
	_ =	sdelay $0x4  }
0x239: {  	s2 =	sadd.s32 $0x1, s2;
	[tilespmem:s4+$0xF2A8] =	vst v0  }
.LBB2_48:
0x23a: {  	s3 =	sadd.s32 $0x1, s3  }
0x23b: {  	p1 =	sne.s32 s3, $0x20  }
.Ltmp32:
0x23c: {  	_ = 	snop;
	(pc) =	sbr.rel @!p1 .LBB2_49-.Ltmp32, $1  }
0x23d: {  	_ =	sdelay $0x3  }
.LBB2_41:
0x23e: {  	v0 =	vld.msk [tilespmem:s3+$0xF218], $0x1;
	_ =	sdelay $0x4  }
0x23f: {  	(v2sf) =	vpush v0, $0x0;
	_ =	sdelay $0xe  }
0x240: {  	s4 =	spop (v2sf)  }
0x241: {  	p1 =	seq.s32 s4, $0xFFFFFFFF  }
.Ltmp33:
0x242: {  	_ = 	snop;
	(pc) =	sbr.rel @p1 .LBB2_48-.Ltmp33, $1  }
0x243: {  	_ =	sdelay $0x3  }
0x244: {  	p1 =	slt.s32 s2, $0x1  }
.Ltmp34:
0x245: {  	_ = 	snop;
	(pc) =	sbr.rel @p1 .LBB2_47-.Ltmp34, $1  }
0x246: {  	_ =	sdelay $0x3  }
0x247: {  	s5 =	simm.s32 $0xF218;
	p1 =	por $0x0, $0x0  }
0x248: {  	v1 =	vld.msk @!p1 [tilespmem:s5+$0x0], $0x1;
	_ =	sdelay $0x4  }
0x249: {  	(v2sf) =	vpush @!p1 v1, $0x0;
	_ =	sdelay $0xd  }
0x24a: {  	p3 =	sne.s32 s2, $0x1  }
.Ltmp35:
0x24b: {  	s0 =	spop @!p1 (v2sf);
	(pc) =	sbr.rel @!p3 .LBB2_45-.Ltmp35, $4  }
0x24c: {  	p2 =	seq.s32 @!p1 s4, s0  }
0x24d: {  	s6 =	simm.s32 $0x0;
	p2 =	por !p2, p1  }
0x24e: {  	s7 =	simm.s32 $0xFFFFFFFF;
	s6 =	simm.s32 @p2 $0xFFFFFFFF  }
0x24f: {  	s0 =	simm.s32 $0x1;
	s6 =	smov.u32 @p1 s7  }
.LBB2_44:
0x250: {  	s7 =	smov.u32 s6;
	p1 =	sne.s32 s6, $0xFFFFFFFF  }
0x251: {  	s5 =	sadd.s32 $0x1, s5;
	s6 =	smov.u32 s0;
	s0 =	sadd.s32 $0x1, s0  }
0x252: {  	p2 =	sne.s32 s2, s0;
	v1 =	vld.msk @!p1 [tilespmem:s5+$0x0], $0x1;
	_ =	sdelay $0x4  }
0x253: {  	(v2sf) =	vpush @!p1 v1, $0x0;
	_ =	sdelay $0xe  }
.Ltmp36:
0x254: {  	s8 =	spop @!p1 (v2sf);
	(pc) =	sbr.rel @p2 .LBB2_44-.Ltmp36, $4  }
0x255: {  	p3 =	seq.s32 @!p1 s4, s8  }
0x256: {  	p3 =	por !p3, p1  }
0x257: {  	s6 =	simm.s32 @p3 $0xFFFFFFFF  }
0x258: {  	s6 =	smov.u32 @p1 s7  }
.LBB2_45:
0x259: {  	p1 =	seq.s32 s6, $0xFFFFFFFF  }
.Ltmp37:
0x25a: {  	_ = 	snop;
	(pc) =	sbr.rel @p1 .LBB2_47-.Ltmp37, $1  }
0x25b: {  	_ =	sdelay $0x3  }
0x25c: {  	s0 =	sshll.u32 s3, $0x7  }
0x25d: {  	s0 =	sand.u32 $0x3FFFFF80, s0  }
0x25e: {  	v0 =	vld [tilespmem:s0+$0xF238];
	_ =	sdelay $0x2  }
0x25f: {  	s4 =	sshll.u32 s6, $0x9  }
0x260: {  	s4 =	sshra.s32 s4, $0x2  }
0x261: {  	[tilespmem:s4+$0xF238] =	vst.add.f32.msk $0xffff, v0  }
0x262: {  	v0 =	vld [tilespmem:s0+$0xF248];
	_ =	sdelay $0x4  }
0x263: {  	[tilespmem:s4+$0xF248] =	vst.add.f32.msk $0xffff, v0  }
0x264: {  	v0 =	vld [tilespmem:s0+$0xF258];
	_ =	sdelay $0x4  }
0x265: {  	[tilespmem:s4+$0xF258] =	vst.add.f32.msk $0xffff, v0  }
0x266: {  	v0 =	vld [tilespmem:s0+$0xF268];
	_ =	sdelay $0x4  }
0x267: {  	[tilespmem:s4+$0xF268] =	vst.add.f32.msk $0xffff, v0  }
0x268: {  	v0 =	vld [tilespmem:s0+$0xF278];
	_ =	sdelay $0x4  }
0x269: {  	[tilespmem:s4+$0xF278] =	vst.add.f32.msk $0xffff, v0  }
0x26a: {  	v0 =	vld [tilespmem:s0+$0xF288];
	_ =	sdelay $0x4  }
0x26b: {  	[tilespmem:s4+$0xF288] =	vst.add.f32.msk $0xffff, v0  }
0x26c: {  	v0 =	vld [tilespmem:s0+$0xF298];
	_ =	sdelay $0x4  }
0x26d: {  	[tilespmem:s4+$0xF298] =	vst.add.f32.msk $0xffff, v0  }
0x26e: {  	v0 =	vld [tilespmem:s0+$0xF2A8]  }
.Ltmp38:
0x26f: {  	_ = 	snop;
	(pc) =	sbr.rel .LBB2_48-.Ltmp38, $2  }
0x270: {  	_ =	sdelay $0x2  }
0x271: {  	[tilespmem:s4+$0xF2A8] =	vst.add.f32.msk $0xffff, v0  }
.LBB2_49:
0x272: {  	p1 =	slt.s32 s2, $0x1  }
.Ltmp39:
0x273: {  	_ = 	snop;
	(pc) =	sbr.rel @p1 .LBB2_53-.Ltmp39, $3  }
0x274: {  	_ =	sdelay $0x1  }
0x275: {  	s0 =	simm.s32 $0x8  }
0x276: {  	s3 =	simm.s32 $0x0;
	[sflag:s0] =	ssyncpa.u1 $0x1  }
0x277: {  	s0 =	simm.s32 $0xF218  }
0x278: {  	v0 =	vld.msk [tilespmem:s0+$0x0], $0x1;
	_ =	sdelay $0x4  }
0x279: {  	(v2sf) =	vpush v0, $0x0;
	_ =	sdelay $0xe  }
0x27a: {  	s0 =	sadd.s32 $0xFFFFFFFF, s2;
	s5 =	spop (v2sf)  }
0x27b: {  	p2 =	sne.s32 s0, $0x0;
	p1 =	sgt.u32 s5, $0xC34F0  }
.Ltmp40:
0x27c: {  	s6 =	sand.u32 @!p1 $0xFFFF8, s5;
	(pc) =	sbr.rel @!p2 .LBB2_52-.Ltmp40, $4  }
0x27d: {  	s4 =	simm.s32 $0xF238;
	s5 =	sand.u32 @!p1 $0x7, s5;
	s2 =	sadd.s32 @!p1 s1, s6  }
0x27e: {  	[hbm4b:s2+s5] =	stream.linear.scatter @!p1 [tilespmem:s4], [sflag:$0x7], $0x80, $0x38;
	[tilespmem:$0x1F6F8] =	vst v63  }
0x27f: {  	s5 =	simm.s32 $0x0  }
0x280: {  	s2 =	simm.s32 $0xF219;
	s5 =	simm.s32 @!p1 $0x200  }
.LBB2_51:
0x281: {  	v0 =	vld.msk [tilespmem:s2+$0x0], $0x1;
	s0 =	sadd.s32 $0xFFFFFFFF, s0;
	s3 =	sadd.s32 s3, s5  }
0x282: {  	p1 =	sne.s32 s0, $0x0;
	_ =	sdelay $0x3  }
0x283: {  	(v2sf) =	vpush v0, $0x0;
	_ =	sdelay $0xe  }
.Ltmp41:
0x284: {  	s6 =	spop (v2sf);
	(pc) =	sbr.rel @p1 .LBB2_51-.Ltmp41, $4  }
0x285: {  	s5 =	simm.s32 $0x0;
	p2 =	sgt.u32 s6, $0xC34F0  }
0x286: {  	s4 =	sadd.s32 $0x80, s4;
	s5 =	simm.s32 @!p2 $0x200;
	s7 =	sand.u32 @!p2 $0xFFFF8, s6  }
0x287: {  	s2 =	sadd.s32 $0x1, s2;
	s6 =	sand.u32 @!p2 $0x7, s6;
	s7 =	sadd.s32 @!p2 s1, s7  }
0x288: {  	[hbm4b:s7+s6] =	stream.linear.scatter @!p2 [tilespmem:s4], [sflag:$0x7], $0x80, $0x38;
	[tilespmem:$0x1F6F8] =	vst v63  }
.LBB2_52:
0x289: {  	s0 =	sadd.s32 s3, s5  }
0x28a: {  	s3 =	sshrl.u32 s0, $0x2  }
.LBB2_53:
0x28b: {  	s0 =	simm.s32 $0x7  }
0x28c: {  	_ =	swait.ge [sflag:s0], s3  }
0x28d: {  	s1 =	ssub.s32 $0x0, s3;
	[sflag:s0] =	ssyncset.done $0x0  }
0x28e: {  	[sflag:s0] =	ssyncadd.s32 s1  }
0x28f: {  	[sflag:s0] =	ssyncpa.u1 $0x1  }
.LBB2_54:
0x290: {  	_ =	sfence;
	s0 =	simm.s32 $0x1  }
0x291: {  	[sflag:s0] =	ssyncpa.u1 $0x1  }
0x292: {  	_ =	strace $0x9000004A  }
0x293: {  	[bflag:$0x2] =	sbarrier.arrive $0xFFFF  }
0x294: {  	s0 =	rddreg [dreg:$0x5]  }
0x295: {  	s0 =	sadd.s32 @!p0 $0x100000, s0  }
0x296: {  	[sflag:s0] =	ssyncadd.tile.s32 @!p0 $0x1;
	_ =	shalt  }
.Lfunc_end2:
_tile_overlayer_lowered:
.L_overlay_start_2:
0x297: {  	(tag) =	ssettag $0x2  }
0x298: {  	s0 =	rddreg [dreg:$0x0];
	s2 =	stileid.u32  }
0x299: {  	s1 =	rddreg [dreg:$0x1];
	p0 =	sne.s32 s2, $0x0  }
0x29a: {  	s3 =	rddreg [dreg:$0x2];
	[bflag:$0x3] =	sbarrier.arrive $0xFFFF;
	s2 =	simm.s32 @!p0 $0x1C01  }
0x29b: {  	[timem:s3], [sflag:s2] =	dma.local @!p0 [hbm:s0], s1  }
0x29c: {  	s0 =	simm.s32 @!p0 $0x1  }
0x29d: {  	_ =	swait.ge @!p0 [sflag:s0], s1  }
0x29e: {  	s1 =	ssub.s32 @!p0 $0x0, s1;
	[sflag:s0] =	ssyncset.done @!p0 $0x0  }
0x29f: {  	[sflag:s0] =	ssyncadd.s32 @!p0 s1  }
0x2a0: {  	[bflag:$0x3] =	sbarrier.arrive $0xFFFF  }
0x2a1: {  	_ =	shalt  }

// kernel: scatter_offload_async_start
scs
__scs_entry_jumppad:
0x0: {  	(pc) =	sbr.rel $0x88, $3  }
0x1: {  	(tag) =	ssettag $0x0;
	lr =	simm.s32 $0x1  }
0x2: {  	[smem:$0x3F91] =	sst lr;
	_ =	strace $0xD0000000  }
0x3: {  	_ = 	snop  }
0x4: {  	_ = 	snop  }
0x5: {  	_ = 	snop  }
0x6: {  	_ = 	snop  }
0x7: {  	_ = 	snop  }
__scs_overlays_trampoline_lowered:
0x8: {  	[smem:$0x3FA0] =	sst s0  }
0x9: {  	[smem:$0x3FA1] =	sst s1  }
0xa: {  	[smem:$0x3FA2] =	sst s2  }
0xb: {  	[smem:$0x3FA3] =	sst s3  }
0xc: {  	[smem:$0x3FA4] =	sst s4  }
0xd: {  	[smem:$0x3FA5] =	sst s5  }
0xe: {  	[smem:$0x3FA6] =	sst s6  }
0xf: {  	[smem:$0x3FA7] =	sst s7  }
0x10: {  	[smem:$0x3FA8] =	sst s8  }
0x11: {  	[smem:$0x3FA9] =	sst s9;
	s0 =	simm.s32 @!p0 $0x0  }
0x12: {  	s1 =	sld [smem:$0x3F8F];
	s0 =	simm.s32 @p0 $0x1  }
0x13: {  	[smem:$0x3FAA] =	sst s0;
	s0 =	simm.s32 @!p1 $0x0  }
0x14: {  	s2 =	sld [smem:$0x3F8E];
	s0 =	simm.s32 @p1 $0x1  }
0x15: {  	[smem:$0x3FAB] =	sst s0;
	s0 =	simm.s32 @!p2 $0x0  }
0x16: {  	s3 =	sld [smem:$0x3FDB];
	s0 =	simm.s32 @p2 $0x1  }
0x17: {  	s4 =	simm.s32 $0x1BF5;
	[smem:$0x3FAD] =	sst s0  }
0x18: {  	s0 =	sld [smem:$0x3F90];
	_ =	swait.ge [sflag:s4], $0x0  }
0x19: {  	s7 =	sld [smem:$0x3F91]  }
0x1a: {  	s8 =	sadd.s32 $0xFFFFE003, lr  }
0x1b: {  	s9 =	sadd.s32 $0xFFFFFEF7, lr;
	s5 =	simm.s32 $0xFFFFFFFF;
	p2 =	slt.u32 s8, $0xFFFFF086  }
0x1c: {  	p1 =	slt.u32 s9, $0xF7A;
	s5 =	simm.s32 @!p2 $0x0  }
0x1d: {  	s5 =	simm.s32 @p1 $0x1;
	p0 =	seq.s32 s7, s2  }
0x1e: {  	s7 =	smul.u32 @!p0 $0xF7A, s2;
	p2 =	seq.s32 @!p0 s5, $0x0  }
0x1f: {  	s9 =	smul.u32 $0xF7A, s1;
	s8 =	simm.s32 @!p0 $0x1BF5;
	p2 =	por !p2, p0  }
0x20: {  	[sflag:s8] =	ssyncset.s32 @!p0 $0xFFFFF086;
	s6 =	sadd.s32 @!p0 s3, s7;
	s7 =	simm.s32 @!p0 $0x108  }
0x21: {  	s3 =	sadd.s32 s3, s9;
	s6 =	sadd.s32 @!p0 $0x88, s6;
	s7 =	simm.s32 @p2 $0x1082  }
0x22: {  	[simem:s7], [sflag:s8] =	dma.local @!p0 [hbm:s6], $0xF7A  }
0x23: {  	s9 =	sor.u32 $0xD0000000, s2;
	s6 =	simm.s32 $0x108;
	_ =	swait.ge @!p0 [sflag:s8], $0x0  }
0x24: {  	s3 =	sadd.s32 $0x88, s3;
	s6 =	simm.s32 @!p1 $0x1082;
	[sflag:s4] =	ssyncset.s32 $0xFFFFF086  }
0x25: {  	[simem:s6], [sflag:s4] =	dma.local [hbm:s3], $0xF7A  }
0x26: {  	[smem:$0x3F91] =	sst s1;
	(tag) =	ssettag s2;
	_ =	strace s9  }
0x27: {  	s1 =	sld [smem:$0x3FA1]  }
0x28: {  	s2 =	sld [smem:$0x3FA2]  }
0x29: {  	s4 =	sld [smem:$0x3FA4]  }
0x2a: {  	p0 =	seq.s32 s5, $0x0;
	s5 =	sld [smem:$0x3FA5]  }
0x2b: {  	s6 =	sld [smem:$0x3FA6]  }
0x2c: {  	s7 =	sld [smem:$0x3FA7]  }
0x2d: {  	s3 =	simm.s32 $0x108;
	s8 =	sld [smem:$0x3FA8]  }
0x2e: {  	s3 =	simm.s32 @!p0 $0x1082;
	s9 =	sld [smem:$0x3FA9]  }
0x2f: {  	lr =	sadd.s32 s0, s3;
	s0 =	sld [smem:$0x3FA0]  }
0x30: {  	s3 =	sld [smem:$0x3FA3]  }
0x31: {  	[smem:$0x3FAC] =	sst s10  }
0x32: {  	s10 =	sld [smem:$0x3FAA];
	_ =	sdelay $0x3  }
0x33: {  	p0 =	seq.s32 s10, $0x1;
	s10 =	sld [smem:$0x3FAC];
	_ =	sdelay $0x3  }
0x34: {  	[smem:$0x3FAC] =	sst s10  }
0x35: {  	s10 =	sld [smem:$0x3FAB];
	_ =	sdelay $0x3  }
0x36: {  	p1 =	seq.s32 s10, $0x1;
	s10 =	sld [smem:$0x3FAC];
	_ =	sdelay $0x3  }
0x37: {  	[smem:$0x3FAC] =	sst s10  }
0x38: {  	s10 =	sld [smem:$0x3FAD]  }
0x39: {  	_ = 	snop;
	(pc) =	sbr.ind lr, $3  }
0x3a: {  	_ = 	snop  }
0x3b: {  	_ = 	snop  }
0x3c: {  	p2 =	seq.s32 s10, $0x1;
	s10 =	sld [smem:$0x3FAC]  }
0x3d: {  	_ =	shalt  }
0x3e: {  	_ =	shalt  }
0x3f: {  	_ =	shalt  }
0x40: {  	_ =	shalt  }
0x41: {  	_ =	shalt  }
0x42: {  	_ =	shalt  }
0x43: {  	_ =	shalt  }
0x44: {  	_ =	shalt  }
0x45: {  	_ =	shalt  }
0x46: {  	_ =	shalt  }
0x47: {  	_ =	shalt  }
0x48: {  	_ =	shalt  }
0x49: {  	_ =	shalt  }
0x4a: {  	_ =	shalt  }
0x4b: {  	_ =	shalt  }
0x4c: {  	_ =	shalt  }
0x4d: {  	_ =	shalt  }
0x4e: {  	_ =	shalt  }
0x4f: {  	_ =	shalt  }
0x50: {  	_ =	shalt  }
0x51: {  	_ =	shalt  }
0x52: {  	_ =	shalt  }
0x53: {  	_ =	shalt  }
0x54: {  	_ =	shalt  }
0x55: {  	_ =	shalt  }
0x56: {  	_ =	shalt  }
0x57: {  	_ =	shalt  }
0x58: {  	_ =	shalt  }
0x59: {  	_ =	shalt  }
0x5a: {  	_ =	shalt  }
0x5b: {  	_ =	shalt  }
0x5c: {  	_ =	shalt  }
0x5d: {  	_ =	shalt  }
0x5e: {  	_ =	shalt  }
0x5f: {  	_ =	shalt  }
0x60: {  	_ =	shalt  }
0x61: {  	_ =	shalt  }
0x62: {  	_ =	shalt  }
0x63: {  	_ =	shalt  }
0x64: {  	_ =	shalt  }
0x65: {  	_ =	shalt  }
0x66: {  	_ =	shalt  }
0x67: {  	_ =	shalt  }
0x68: {  	_ =	shalt  }
0x69: {  	_ =	shalt  }
0x6a: {  	_ =	shalt  }
0x6b: {  	_ =	shalt  }
0x6c: {  	_ =	shalt  }
0x6d: {  	_ =	shalt  }
0x6e: {  	_ =	shalt  }
0x6f: {  	_ =	shalt  }
0x70: {  	_ =	shalt  }
0x71: {  	_ =	shalt  }
0x72: {  	_ =	shalt  }
0x73: {  	_ =	shalt  }
0x74: {  	_ =	shalt  }
0x75: {  	_ =	shalt  }
0x76: {  	_ =	shalt  }
0x77: {  	_ =	shalt  }
0x78: {  	_ =	shalt  }
0x79: {  	_ =	shalt  }
0x7a: {  	_ =	shalt  }
0x7b: {  	_ =	shalt  }
0x7c: {  	_ =	shalt  }
0x7d: {  	_ =	shalt  }
0x7e: {  	_ =	shalt  }
0x7f: {  	_ =	shalt  }
0x80: {  	_ =	shalt  }
0x81: {  	_ =	shalt  }
0x82: {  	_ =	shalt  }
0x83: {  	_ =	shalt  }
0x84: {  	_ =	shalt  }
0x85: {  	_ =	shalt  }
0x86: {  	_ =	shalt  }
0x87: {  	_ =	shalt  }
.Lfunc_end0:
.L_simem_size_0:
called_computation_lowered:
.L_overlay_start_0:
0x88: {  	s2 =	sld [smem:$0x3FD9]  }
0x89: {  	s3 =	sld [smem:$0x3FFE];
	_ =	sdelay $0x1  }
0x8a: {  	s1 =	srdreg.scid  }
0x8b: {  	s0 =	sand.u32 $0x1, s1  }
0x8c: {  	s13 =	sshll.u32 s0, $0xA;
	s2 =	sadd.s32 s3, s2  }
0x8d: {  	s2 =	sadd.s32 s2, s13  }
0x8e: {  	[smem:$0x3FB8] =	sst s2  }
0x8f: {  	_ = 	snop  }
0x90: {  	s2 =	sld [smem:$0x3FD0];
	_ =	sdelay $0x2  }
0x91: {  	s14 =	simm.s32 $0xF;
	s4 =	simm.s32 $0x10  }
0x92: {  	[smem:s4], [sflag:s14] =	dma.local [hbm:s2], $0x1  }
0x93: {  	_ =	swait.eq [sflag:s14], $0x1  }
0x94: {  	[sflag:s14] =	ssyncset.done $0x0  }
0x95: {  	s5 =	sld [smem:$0x10];
	[sflag:s14] =	ssyncadd.s32 $0xFFFFFFFF  }
0x96: {  	s2 =	sadd.s32 $0x1, s2;
	s6 =	sld [smem:$0x11]  }
0x97: {  	[smem:s4], [sflag:s14] =	dma.local [hbm:s2], $0x1  }
0x98: {  	_ =	swait.eq [sflag:s14], $0x1  }
0x99: {  	[sflag:s14] =	ssyncset.done $0x0  }
0x9a: {  	[sflag:s14] =	ssyncadd.s32 $0xFFFFFFFF  }
0x9b: {  	s15 =	sld [smem:$0x12];
	(tm) =	ssettm $0x1  }
0x9c: {  	s16 =	sld [smem:$0x3FFB];
	_ =	sdelay $0x3  }
0x9d: {  	_ =	strace s16  }
0x9e: {  	s3 =	sld [smem:$0x3FFC];
	_ =	sdelay $0x3  }
0x9f: {  	_ =	strace s3  }
0xa0: {  	s3 =	sld [smem:$0x3FFD];
	_ =	sdelay $0x3  }
0xa1: {  	_ =	strace s3  }
0xa2: {  	_ =	strace $0x8FFFFFFF  }
0xa3: {  	s17 =	sld [smem:$0x3FDB];
	_ =	sdelay $0x1  }
0xa4: {  	s18 =	simm.s32 $_scs_section_size  }
0xa5: {  	s7 =	simm.s32 $_size__tile_overlayer_lowered;
	s8 =	simm.s32 $_tile_overlayer_lowered  }
0xa6: {  	s21 =	simm.s32 $0x1BFF;
	s20 =	sshll.u32 s8, $0x1;
	s3 =	sadd.s32 s18, s17  }
0xa7: {  	s9 =	simm.s32 $0x0;
	s19 =	sshll.u32 s7, $0x1;
	s7 =	sadd.s32 s20, s3  }
0xa8: {  	[timem:s9], [sflag:s21] =	dma.local [hbm:s7], s19  }
0xa9: {  	_ =	swait.ge [sflag:s21], s19  }
0xaa: {  	s4 =	ssub.s32 $0x0, s19;
	[sflag:s21] =	ssyncset.done $0x0  }
0xab: {  	[sflag:s21] =	ssyncadd.s32 s4;
	_ =	sdelay $0x1  }
0xac: {  	s22 =	simm.s32 $0x1B8B  }
0xad: {  	_ =	swait.ge [sflag:s22], $0x1  }
0xae: {  	[sflag:s22] =	ssyncset.done $0x0  }
0xaf: {  	s23 =	sld [smem:$0x3FFE];
	[sflag:s22] =	ssyncadd.s32 $0xFFFFFFFF  }
0xb0: {  	s25 =	simm.s32 $0x1B8E;
	s24 =	sld [smem:$0x0]  }
0xb1: {  	s26 =	simm.s32 $execute0_lowered;
	[smem:$0x3FD2] =	sst s25  }
0xb2: {  	s8 =	sshll.u32 s26, $0x1;
	_ =	strace $0x80000046;
	[dreg:$0x1] =	wrdreg $0xFFFFFFFF  }
0xb3: {  	s28 =	simm.s32 $_size_execute0_lowered;
	s3 =	sadd.s32 s3, s8;
	[dreg:$0x0] =	wrdreg $0x0  }
0xb4: {  	s8 =	sshll.u32 s28, $0x1;
	[dreg:$0x2] =	wrdreg s3  }
0xb5: {  	[dreg:$0x3] =	wrdreg s8  }
0xb6: {  	[dreg:$0x4] =	wrdreg $0xC0  }
0xb7: {  	_ =	task [dreg:s9], $0x5FFFF  }
0xb8: {  	[dreg:$0x1] =	wrdreg $0xFFFFFFFF  }
0xb9: {  	[dreg:$0x0] =	wrdreg $0x60  }
0xba: {  	[dreg:$0x2] =	wrdreg s5  }
0xbb: {  	[dreg:$0x3] =	wrdreg s15  }
0xbc: {  	[dreg:$0x4] =	wrdreg s23  }
0xbd: {  	[dreg:$0x5] =	wrdreg s6  }
0xbe: {  	[dreg:$0x6] =	wrdreg s1  }
0xbf: {  	[dreg:$0x7] =	wrdreg s24  }
0xc0: {  	[dreg:$0x8] =	wrdreg $0x9  }
0xc1: {  	_ =	task.clear_ibuf [dreg:s9], $0x9FFFF;
	_ =	strace $0x90000046  }
0xc2: {  	s29 =	simm.s32 $0x9;
	_ =	strace $0x80000048  }
0xc3: {  	_ =	swait.ge [sflag:s29], $0x1  }
0xc4: {  	[sflag:s29] =	ssyncadd.s32 $0xFFFFFFFF  }
0xc5: {  	_ =	strace $0x90000048  }
0xc6: {  	_ =	sfence  }
0xc7: {  	s30 =	sld [smem:$0x0];
	_ =	sdelay $0x2  }
0xc8: {  	s31 =	sshll.u32 s1, $0xD;
	s1 =	sshrl.u32 s1, $0x2  }
0xc9: {  	s3 =	sand.u32 $0x4000, s31;
	s1 =	sadd.s32 s1, s30  }
0xca: {  	s0 =	sor.u32 s3, s0;
	s1 =	sshll.u32 s1, $0x11  }
0xcb: {  	s0 =	sor.u32 s1, s0  }
0xcc: {  	s0 =	sadd.s32 $0x8F2B, s0  }
0xcd: {  	[sflag:s0] =	ssyncadd.remote.s32 $0x1  }
0xce: {  	_ =	sfence.sel $0xFFFF  }
0xcf: {  	[dreg:$0x0] =	wrdreg $0xFFFFFFFF;
	(pc) =	sbr.abs _section_cstart, $3  }
0xd0: {  	[dreg:$0x1] =	wrdreg $0xFFFFFFFF  }
0xd1: {  	_ =	task.clear_ibuf [dreg:s9], $0x2FFFF;
	_ =	strace $0x9FFFFFFF  }
0xd2: {  	(tm) =	ssettm $0x7FFFFFFF  }
0xd3: {  	_ =	shalt  }
tec
execute0_lowered:
.L_overlay_start_1:
0x0: {  	(tag) =	ssettag $0x1  }
0x1: {  	s1 =	rddreg [dreg:$0x0]  }
0x2: {  	s15 =	rddreg [dreg:$0x1]  }
0x3: {  	s2 =	rddreg [dreg:$0x2]  }
0x4: {  	s14 =	rddreg [dreg:$0x3]  }
0x5: {  	s3 =	rddreg [dreg:$0x4];
	_ =	strace $0x80000047;
	s0 =	simm.s32 $0x1  }
0x6: {  	v0 =	vimm.s32 $0x0;
	[sflag:s0] =	ssyncpa.u1 $0x0;
	s0 =	simm.s32 $0x108  }
0x7: {  	[tilespmem:s0+$0x70] =	vst v0  }
0x8: {  	[tilespmem:s0+$0x60] =	vst v0  }
0x9: {  	[tilespmem:s0+$0x50] =	vst v0  }
0xa: {  	[tilespmem:s0+$0x40] =	vst v0  }
0xb: {  	[tilespmem:s0+$0x30] =	vst v0  }
0xc: {  	[tilespmem:s0+$0x20] =	vst v0  }
0xd: {  	s6 =	sadd.s32 $0xF4600, s2;
	s5 =	sand.u32 $0x1, s3;
	s3 =	simm.s32 $0x40;
	[tilespmem:s0+$0x10] =	vst v0  }
.LBB2_1:
0xe: {  	s3 =	sadd.s32 $0x40, s3;
	[tilespmem:s0+$0x0] =	vst v0;
	s0 =	sadd.s32 $0x80, s0  }
0xf: {  	p0 =	slt.u32 s3, $0x3C40;
	[tilespmem:s0+$0x70] =	vst v0  }
0x10: {  	[tilespmem:s0+$0x60] =	vst v0  }
.Ltmp0:
0x11: {  	[tilespmem:s0+$0x50] =	vst v0;
	(pc) =	sbr.rel @p0 .LBB2_1-.Ltmp0, $4  }
0x12: {  	[tilespmem:s0+$0x40] =	vst v0  }
0x13: {  	[tilespmem:s0+$0x30] =	vst v0  }
0x14: {  	[tilespmem:s0+$0x20] =	vst v0  }
0x15: {  	[tilespmem:s0+$0x10] =	vst v0  }
0x16: {  	s9 =	stileid.u32  }
0x17: {  	s2 =	smul.u32 $0x68, s9  }
0x18: {  	s3 =	smin.u32 s9, $0x3  }
0x19: {  	s2 =	sor.u32 s3, s2  }
0x1a: {  	p0 =	slt.u32 s9, $0x3;
	s7 =	smul.u32 $0xF0, s2;
	s2 =	simm.s32 $0x6270  }
0x1b: {  	s2 =	simm.s32 @!p0 $0x6180  }
0x1c: {  	s2 =	sadd.s32 s2, s7  }
0x1d: {  	s8 =	smin.u32 s2, $0x61A80  }
0x1e: {  	s2 =	ssub.s32 s8, s7  }
0x1f: {  	p0 =	sgt.s32 s2, $0x0  }
0x20: {  	s29 =	simm.s32 $0x2;
	s10 =	simm.s32 $0x9;
	s2 =	simm.s32 @!p0 $0x0  }
0x21: {  	s4 =	simm.s32 $0xA;
	s11 =	simm.s32 $0xB;
	s28 =	smulhi.u32 $0x88888889, s2  }
0x22: {  	[dreg:$0x7] =	wrdreg s5;
	s31 =	smul.u32 $0xC350, s5;
	s12 =	simm.s32 $0x1  }
0x23: {  	s22 =	simm.s32 $0x0;
	s18 =	simm.s32 $0xC;
	s30 =	sshrl.u32 s28, $0x7  }
0x24: {  	s20 =	simm.s32 $0x0;
	s21 =	simm.s32 $0x0;
	s3 =	smul.u32 $0xF0, s30  }
.Ltmp1:
0x25: {  	[tilespmem:s0+$0x0] =	vst v0;
	v0 =	vimm.s32 $0xFFFFFFFF;
	[sflag:s29] =	ssyncpa.u1 $0x0;
	s16 =	sshll.u32 s9, $0x8;
	(pc) =	sbr.rel .LBB2_3-.Ltmp1, $4  }
0x26: {  	[tilespmem:$0xF208] =	vst v0;
	[sflag:s10] =	ssyncpa.u1 $0x0;
	p0 =	sne.s32 s2, s3;
	s2 =	simm.s32 $0x1  }
0x27: {  	s14 =	sadd.s32 s31, s14;
	[sflag:s4] =	ssyncpa.u1 $0x0;
	s2 =	simm.s32 @!p0 $0x0  }
0x28: {  	s15 =	sadd.s32 s31, s15;
	[sflag:s11] =	ssyncpa.u1 $0x0;
	s13 =	sadd.s32 s2, s30  }
0x29: {  	v0 =	vlaneseq.u32;
	s19 =	smov.u32 s7;
	p0 =	por $0x0, $0x0;
	s17 =	sadd.s32 $0x1, s13  }
.LBB2_18:
0x2a: {  	s0 =	sshrl.u32 s31, $0x2  }
.LBB2_20:
0x2b: {  	_ =	swait.ge [sflag:s18], s0  }
0x2c: {  	s31 =	ssub.s32 $0x0, s0;
	v1 =	vmov s24;
	vm0 =	veq.s32 v0, $0x0;
	[sflag:s18] =	ssyncset.done $0x0  }
0x2d: {  	vm15 =	veq.s32 v0, $0x2;
	v1 =	vsel vm0, s30, v1;
	[sflag:s18] =	ssyncadd.s32 s31  }
0x2e: {  	v1 =	vsel vm15, s22, v1;
	[sflag:s18] =	ssyncpa.u1 $0x1  }
0x2f: {  	[tilespmem:$0xF208] =	vst v1  }
.LBB2_21:
0x30: {  	s0 =	sadd.s32 $0xF0, s19  }
0x31: {  	s2 =	smov.u32 s7;
	p1 =	slt.s32 s0, s8  }
0x32: {  	s2 =	smov.u32 @p1 s0;
	p1 =	sne.s32 s21, s17  }
.Ltmp2:
0x33: {  	_ = 	snop;
	(pc) =	sbr.rel @!p1 .LBB2_22-.Ltmp2, $3  }
0x34: {  	_ =	sdelay $0x1  }
0x35: {  	s22 =	smov.u32 s20;
	s31 =	sadd.s32 $0x1, s21;
	s20 =	smov.u32 s19  }
0x36: {  	p0 =	por !p0, !p0;
	s21 =	smov.u32 s31;
	s19 =	smov.u32 s2  }
.LBB2_3:
0x37: {  	p1 =	sge.u32 s21, s13  }
0x38: {  	s0 =	smulhi.u32 @!p1 $0xAAAAAAAB, s21  }
0x39: {  	s2 =	smov.u32 s19;
	p2 =	sgt.s32 @!p1 s19, $0x61990  }
0x3a: {  	s3 =	sshra.s32 @!p1 s19, $0x1F;
	p2 =	por !p2, p1;
	s0 =	sshrl.u32 @!p1 s0, $0x1  }
0x3b: {  	s3 =	sand.u32 @!p1 s3, s19;
	s2 =	simm.s32 @p2 $0x61990;
	s0 =	smul.u32 @!p1 $0x3, s0  }
0x3c: {  	s2 =	ssub.s32 @!p1 s2, s3  }
0x3d: {  	s2 =	sadd.s32 @!p1 $0xFFF9E670, s2;
	s0 =	ssub.s32 @!p1 s21, s0  }
0x3e: {  	s3 =	sshll.u32 @!p1 s2, $0x2;
	p2 =	sgt.s32 @!p1 s2, $0xEF;
	s0 =	smul.u32 @!p1 $0x3C0, s0  }
0x3f: {  	s4 =	sand.u32 @!p1 $0x7, s19;
	s2 =	ssub.s32 @!p1 $0x3C0, s3;
	p2 =	por !p2, p1  }
0x40: {  	s3 =	sshrl.u32 @!p1 s19, $0x3;
	s2 =	sshrl.u32 @!p1 s2, $0x2;
	s0 =	sshrl.u32 @!p1 s0, $0x2  }
0x41: {  	s3 =	sadd.s32 @!p1 s3, s14;
	s2 =	simm.s32 @!p2 $0x0;
	s0 =	sadd.s32 @!p1 $0x10248, s0  }
0x42: {  	[tilespmem:s0], [sflag:$0xA] =	stream.linear.gather @!p1 [hbm4b:s3+s4], s2, $0x38;
	[tilespmem:$0x1F6F8] =	vst v63  }
0x43: {  	s0 =	sadd.s32 $0xFFFFFFFF, s21  }
0x44: {  	p1 =	sge.u32 s0, s13  }
0x45: {  	p2 =	sgt.s32 @!p1 s20, $0x61990  }
0x46: {  	s2 =	smov.u32 s20;
	s3 =	sshra.s32 @!p1 s20, $0x1F;
	p2 =	por !p2, p1  }
0x47: {  	s3 =	sand.u32 @!p1 s3, s20;
	s2 =	simm.s32 @p2 $0x61990  }
0x48: {  	s2 =	ssub.s32 @!p1 s2, s3  }
0x49: {  	s2 =	sadd.s32 @!p1 $0xFFF9E670, s2  }
0x4a: {  	s4 =	sand.u32 @!p1 $0x1, s0;
	s3 =	sshll.u32 @!p1 s2, $0x2  }
0x4b: {  	p2 =	sgt.s32 @!p1 s2, $0xEF;
	s2 =	ssub.s32 @!p1 $0x3C0, s3;
	s3 =	smulhi.u32 @!p1 $0xAAAAAAAB, s0  }
0x4c: {  	s23 =	smul.u32 @!p1 $0x3C0, s4;
	p2 =	por !p2, p1;
	s2 =	sshrl.u32 @!p1 s2, $0x2  }
0x4d: {  	s5 =	simm.s32 @!p1 $0xA;
	s2 =	simm.s32 @!p2 $0x0;
	s3 =	sshrl.u32 @!p1 s3, $0x1  }
0x4e: {  	s23 =	sshrl.u32 @!p1 s23, $0x2;
	_ =	swait.ge @!p1 [sflag:s5], s2;
	s3 =	smul.u32 @!p1 $0x3, s3  }
0x4f: {  	s23 =	sadd.s32 @!p1 $0x10518, s23;
	s24 =	ssub.s32 @!p1 $0x0, s2;
	[sflag:s5] =	ssyncset.done @!p1 $0x0  }
0x50: {  	[sflag:s5] =	ssyncadd.s32 @!p1 s24;
	s5 =	sshrl.u32 @!p1 s20, $0x3;
	s0 =	ssub.s32 @!p1 s0, s3  }
0x51: {  	s24 =	sand.u32 @!p1 $0x7, s20;
	s5 =	sadd.s32 @!p1 s5, s15;
	s0 =	smul.u32 @!p1 $0x3C0, s0  }
0x52: {  	[tilespmem:s23], [sflag:$0xB] =	stream.linear.gather @!p1 [hbm4b:s5+s24], s2, $0x38;
	[tilespmem:$0x1F6F8] =	vst v63  }
0x53: {  	s3 =	ssub.s32 @!p1 $0x61A80, s20;
	s2 =	smul.u32 @!p1 $0x1E000, s4  }
0x54: {  	p2 =	slt.s32 @!p1 s3, $0xF0  }
0x55: {  	p2 =	por !p2, p1;
	s0 =	sshrl.u32 @!p1 s0, $0x2;
	s2 =	sshrl.u32 @!p1 s2, $0x2  }
0x56: {  	s3 =	simm.s32 @p2 $0xF0;
	s0 =	sadd.s32 @!p1 $0x10248, s0;
	s2 =	sor.u32 @!p1 $0x106F8, s2  }
0x57: {  	[tilespmem:s2], [sflag:$0x9] =	stream.indirect.gather @!p1 [hbm4b:s6+s3], $0x80, s0, s3, $0xb8;
	[tilespmem:$0x1F6F8] =	vst v63  }
0x58: {  	p1 =	slt.u32 s21, $0x2  }
.Ltmp3:
0x59: {  	_ = 	snop;
	(pc) =	sbr.rel @p1 .LBB2_21-.Ltmp3, $1  }
0x5a: {  	_ =	sdelay $0x3  }
0x5b: {  	p1 =	sgt.s32 s22, $0x61990  }
0x5c: {  	s0 =	smov.u32 s22;
	s2 =	sshra.s32 s22, $0x1F;
	s3 =	ssub.s32 $0x61A80, s22  }
0x5d: {  	s0 =	simm.s32 @!p1 $0x61990;
	s2 =	sand.u32 s2, s22;
	p1 =	slt.s32 s3, $0xF0  }
0x5e: {  	s0 =	ssub.s32 s0, s2;
	s3 =	simm.s32 @!p1 $0xF0  }
0x5f: {  	s0 =	sadd.s32 $0xFFF9E670, s0;
	s25 =	sshll.u32 s3, $0x7  }
0x60: {  	s26 =	sshll.u32 s0, $0x2;
	s2 =	sand.u32 $0x3FFFFF80, s25  }
0x61: {  	p1 =	sgt.s32 s0, $0xEF;
	s29 =	ssub.s32 $0x3C0, s26;
	_ =	swait.ge [sflag:s10], s2  }
0x62: {  	s2 =	ssub.s32 $0x0, s2;
	[sflag:s10] =	ssyncset.done $0x0;
	s0 =	sshrl.u32 s29, $0x2  }
0x63: {  	[sflag:s10] =	ssyncadd.s32 s2;
	s0 =	simm.s32 @p1 $0x0  }
0x64: {  	_ =	swait.ge [sflag:s11], s0  }
0x65: {  	s0 =	ssub.s32 $0x0, s0;
	[sflag:s11] =	ssyncset.done $0x0  }
0x66: {  	[sflag:s11] =	ssyncadd.s32 s0  }
0x67: {  	v1 =	vld [tilespmem:$0xF208];
	_ =	sdelay $0x4  }
0x68: {  	(v2sf) =	vpush v1, $0x0  }
0x69: {  	(v2sf) =	vpush v1, $0x1  }
0x6a: {  	(v2sf) =	vpush v1, $0x2;
	_ =	sdelay $0x3  }
0x6b: {  	s0 =	sadd.s32 $0xF0, s22  }
0x6c: {  	s2 =	ssub.s32 $0xC3500, s22;
	p1 =	slt.s32 s8, s0  }
0x6d: {  	s0 =	smov.u32 @p1 s8;
	p1 =	sgt.s32 s2, $0x0  }
0x6e: {  	s26 =	ssub.s32 s0, s22;
	s2 =	simm.s32 @!p1 $0x0  }
0x6f: {  	p1 =	slt.s32 s2, s26  }
0x70: {  	s26 =	smov.u32 @p1 s2  }
0x71: {  	s25 =	simm.s32 $0x1;
	p1 =	slt.s32 s26, $0x1  }
.Ltmp4:
0x72: {  	s25 =	simm.s32 @!p0 $0x0;
	(pc) =	sbr.rel @p1 .LBB2_8-.Ltmp4, $4  }
0x73: {  	s31 =	smul.u32 $0x3C0, s25  }
0x74: {  	s28 =	spop (v2sf)  }
0x75: {  	s0 =	sshrl.u32 s31, $0x2;
	s30 =	spop (v2sf)  }
0x76: {  	s23 =	sadd.s32 $0x10518, s0;
	s22 =	spop (v2sf)  }
0x77: {  	s0 =	smin.u32 s26, $0x10  }
0x78: {  	v1 =	vmov s0  }
0x79: {  	p2 =	sgt.s32 s26, $0x10;
	vm1 =	vgt.u32 v1, v0  }
.Ltmp5:
0x7a: {  	_ = 	snop;
	(pc) =	sbr.rel @!p2 .LBB2_7-.Ltmp5, $2  }
0x7b: {  	_ =	sdelay $0x2  }
0x7c: {  	s4 =	simm.s32 $0x10;
	s24 =	sadd.s32 $0xFFFFFFF0, s26;
	s0 =	smov.u32 s23;
	vm0 =	vmmov vm1  }
.LBB2_6:
0x7d: {  	s2 =	smin.u32 s24, $0x10;
	s4 =	sadd.s32 $0x10, s4;
	v1 =	vld.msk [tilespmem:s0+$0x0 ss:$0x1], vm1  }
0x7e: {  	v2 =	vmov s2;
	p2 =	slt.s32 s4, s26  }
0x7f: {  	vm1 =	vgt.u32 v2, v0  }
.Ltmp6:
0x80: {  	(pc) =	sbr.rel @p2 .LBB2_6-.Ltmp6, $3  }
0x81: {  	_ =	sdelay $0x1  }
0x82: {  	v1 =	vshll.u32 v1, $0x4  }
0x83: {  	s24 =	sadd.s32 $0xFFFFFFF0, s24;
	[tilespmem:s0+$0x0] =	vst.msk vm0, v1;
	s0 =	sadd.s32 $0x10, s0;
	vm0 =	vmmov vm1  }
.LBB2_7:
0x84: {  	_ =	sdelay $0x4  }
0x85: {  	v1 =	vld.msk [tilespmem:s0+$0x0 ss:$0x1], vm1;
	_ =	sdelay $0x4  }
0x86: {  	v1 =	vshll.u32 v1, $0x4  }
0x87: {  	[tilespmem:s0+$0x0] =	vst.msk vm0, v1  }
.LBB2_8:
0x88: {  	s0 =	sand.u32 $0x1, s21  }
0x89: {  	s0 =	smul.u32 $0xF0, s0  }
0x8a: {  	p2 =	sne.s32 s30, $0xFFFFFFFF  }
0x8b: {  	v1 =	vld.msk @!p2 [tilespmem:s0+$0x10518], $0x1;
	_ =	sdelay $0x4  }
0x8c: {  	(v2sf) =	vpush @!p2 v1, $0x0;
	_ =	sdelay $0xc  }
.Ltmp7:
0x8d: {  	_ = 	snop;
	(pc) =	sbr.rel @p1 .LBB2_19-.Ltmp7, $4  }
0x8e: {  	_ = 	snop  }
0x8f: {  	s29 =	spop @!p2 (v2sf)  }
0x90: {  	s22 =	simm.s32 @!p2 $0x0;
	s24 =	smov.u32 s29  }
0x91: {  	[sflag:s18] =	ssyncpa.u1 $0x0;
	s29 =	smov.u32 @p2 s28;
	s24 =	smov.u32 @p2 s30  }
0x92: {  	v1 =	vld.msk [tilespmem:s23+$0x0], $0x1;
	_ =	sdelay $0x4  }
0x93: {  	(v2sf) =	vpush v1, $0x0;
	_ =	sdelay $0xe  }
0x94: {  	s2 =	smul.u32 $0x1E000, s25;
	s0 =	spop (v2sf)  }
0x95: {  	s26 =	ssub.s32 $0x0, s26;
	p1 =	seq.s32 s29, s0  }
0x96: {  	s30 =	sadd.s32 $0x1, s26;
	s2 =	sshrl.u32 s2, $0x2;
	p2 =	sgt.s32 @!p1 s29, $0x0  }
0x97: {  	s25 =	sor.u32 $0x10738, s2;
	s2 =	smov.u32 s29;
	p2 =	por !p2, p1  }
0x98: {  	s2 =	simm.s32 @p2 $0x0;
	p2 =	seq.s32 s30, $0x0  }
.Ltmp8:
0x99: {  	_ = 	snop;
	(pc) =	sbr.rel @p2 .LBB2_11-.Ltmp8, $4  }
0x9a: {  	_ = 	snop  }
0x9b: {  	s28 =	simm.s32 $0x0;
	s31 =	sadd.s32 $0x1, s23;
	s2 =	smin.u32 @!p1 s2, $0xC34F0  }
0x9c: {  	s4 =	simm.s32 @!p1 $0x1;
	s5 =	simm.s32 @!p1 $0x7988;
	s3 =	sand.u32 @!p1 $0xFFFF8, s2  }
0x9d: {  	s4 =	smov.u32 @p1 s28;
	s2 =	sand.u32 @!p1 $0x7, s2;
	s3 =	sadd.s32 @!p1 s1, s3  }
.LBB2_10:
0x9e: {  	s9 =	smov.u32 s4  }
0x9f: {  	[tilespmem:s5], [sflag:$0x2] =	stream.linear.gather @!p1 [hbm4b:s3+s2], $0x80, $0x38;
	[tilespmem:$0x1F6F8] =	vst v63  }
0xa0: {  	s30 =	sadd.s32 $0x1, s30;
	s2 =	smov.u32 s0;
	v1 =	vld.msk [tilespmem:s31+$0x0], $0x1  }
0xa1: {  	p2 =	seq.s32 s30, $0x0;
	_ =	sdelay $0x3  }
0xa2: {  	(v2sf) =	vpush v1, $0x0;
	_ =	sdelay $0xe  }
0xa3: {  	s0 =	spop (v2sf)  }
0xa4: {  	p1 =	seq.s32 s2, s0  }
0xa5: {  	p3 =	sgt.s32 @!p1 s2, $0x0;
	s3 =	sshll.u32 @!p1 s4, $0x9;
	s4 =	sadd.s32 @!p1 $0x1, s4  }
.Ltmp9:
0xa6: {  	p3 =	por !p3, p1;
	s3 =	sshra.s32 @!p1 s3, $0x2;
	(pc) =	sbr.rel @!p2 .LBB2_10-.Ltmp9, $4  }
0xa7: {  	s4 =	smov.u32 @p1 s9;
	s2 =	simm.s32 @p3 $0x0;
	s5 =	sadd.s32 @!p1 $0x7988, s3  }
0xa8: {  	s2 =	smin.u32 @!p1 s2, $0xC34F0  }
0xa9: {  	s3 =	sand.u32 @!p1 $0xFFFF8, s2;
	s2 =	sand.u32 @!p1 $0x7, s2  }
0xaa: {  	s31 =	sadd.s32 $0x1, s31;
	s3 =	sadd.s32 @!p1 s1, s3  }
.LBB2_11:
0xab: {  	[tilespmem:s5], [sflag:$0x2] =	stream.linear.gather @!p1 [hbm4b:s3+s2], $0x80, $0x38;
	[tilespmem:$0x1F6F8] =	vst v63  }
.Ltmp10:
0xac: {  	s0 =	sshll.u32 s4, $0x7;
	(pc) =	sbr.rel .LBB2_12-.Ltmp10, $4  }
0xad: {  	s30 =	simm.s32 $0x2;
	s0 =	sand.u32 $0x3FFFFF80, s0  }
0xae: {  	_ =	swait.ge [sflag:s30], s0  }
0xaf: {  	s0 =	ssub.s32 $0x0, s0;
	[sflag:s30] =	ssyncset.done $0x0  }
0xb0: {  	s31 =	simm.s32 $0x0;
	[sflag:s30] =	ssyncadd.s32 s0  }
.LBB2_13:
0xb1: {  	v1 =	vld [tilespmem:s25+$0xFFFFFFC0];
	_ =	sdelay $0x3  }
0xb2: {  	s0 =	sshra.s32 s0, $0x2  }
0xb3: {  	[tilespmem:s0+$0x108] =	vst.add.f32.msk $0xffff, v1  }
0xb4: {  	v1 =	vld [tilespmem:s25+$0xFFFFFFD0];
	_ =	sdelay $0x4  }
0xb5: {  	[tilespmem:s0+$0x118] =	vst.add.f32.msk $0xffff, v1  }
0xb6: {  	v1 =	vld [tilespmem:s25+$0xFFFFFFE0];
	_ =	sdelay $0x4  }
0xb7: {  	[tilespmem:s0+$0x128] =	vst.add.f32.msk $0xffff, v1  }
0xb8: {  	v1 =	vld [tilespmem:s25+$0xFFFFFFF0];
	_ =	sdelay $0x4  }
0xb9: {  	[tilespmem:s0+$0x138] =	vst.add.f32.msk $0xffff, v1  }
0xba: {  	v1 =	vld [tilespmem:s25+$0x0];
	_ =	sdelay $0x4  }
0xbb: {  	[tilespmem:s0+$0x148] =	vst.add.f32.msk $0xffff, v1  }
0xbc: {  	v1 =	vld [tilespmem:s25+$0x10];
	_ =	sdelay $0x4  }
0xbd: {  	[tilespmem:s0+$0x158] =	vst.add.f32.msk $0xffff, v1  }
0xbe: {  	v1 =	vld [tilespmem:s25+$0x20];
	_ =	sdelay $0x4  }
0xbf: {  	[tilespmem:s0+$0x168] =	vst.add.f32.msk $0xffff, v1  }
0xc0: {  	v1 =	vld [tilespmem:s25+$0x30];
	_ =	sdelay $0x4  }
0xc1: {  	[tilespmem:s0+$0x178] =	vst.add.f32.msk $0xffff, v1  }
.LBB2_17:
0xc2: {  	s26 =	sadd.s32 $0x1, s26  }
0xc3: {  	p1 =	seq.s32 s26, $0x0  }
.Ltmp11:
0xc4: {  	_ = 	snop;
	(pc) =	sbr.rel @p1 .LBB2_18-.Ltmp11, $2  }
0xc5: {  	_ =	sdelay $0x2  }
0xc6: {  	s23 =	sadd.s32 $0x1, s23;
	s25 =	sadd.s32 $0x80, s25;
	s29 =	smov.u32 s30  }
.LBB2_12:
0xc7: {  	v1 =	vld.msk [tilespmem:s23+$0x0], $0x1;
	_ =	sdelay $0x4  }
0xc8: {  	(v2sf) =	vpush v1, $0x0;
	_ =	sdelay $0xe  }
0xc9: {  	s30 =	spop (v2sf)  }
0xca: {  	p1 =	sne.s32 s29, s30  }
.Ltmp12:
0xcb: {  	_ = 	snop;
	(pc) =	sbr.rel @!p1 .LBB2_13-.Ltmp12, $2  }
0xcc: {  	_ =	sdelay $0x2  }
0xcd: {  	s0 =	sshll.u32 s22, $0x9  }
0xce: {  	p1 =	seq.s32 s29, s24  }
.Ltmp13:
0xcf: {  	_ = 	snop;
	(pc) =	sbr.rel @!p1 .LBB2_15-.Ltmp13, $1  }
0xd0: {  	_ =	sdelay $0x3  }
0xd1: {  	s0 =	sshra.s32 s0, $0x2  }
.Ltmp14:
0xd2: {  	s0 =	sadd.s32 $0x108, s0;
	(pc) =	sbr.rel .LBB2_16-.Ltmp14, $4  }
0xd3: {  	[spmem:s16] =	stream.linear.scatter [tilespmem:s0], [sflag:$0x1], $0x80, $0x38;
	[tilespmem:$0x1F6F8] =	vst v63  }
0xd4: {  	_ =	swait.ge [sflag:s12], $0x80  }
0xd5: {  	[sflag:s12] =	ssyncset.done $0x0  }
0xd6: {  	[sflag:s12] =	ssyncadd.s32 $0xFFFFFF80  }
.LBB2_15:
0xd7: {  	s2 =	sshll.u32 s28, $0x9  }
0xd8: {  	s2 =	sshra.s32 s2, $0x2  }
0xd9: {  	v1 =	vld [tilespmem:s2+$0x7988];
	_ =	sdelay $0x3  }
0xda: {  	s0 =	sshra.s32 s0, $0x2  }
0xdb: {  	[tilespmem:s0+$0x108] =	vst.add.f32.msk $0xffff, v1  }
0xdc: {  	v1 =	vld [tilespmem:s2+$0x7998];
	_ =	sdelay $0x4  }
0xdd: {  	[tilespmem:s0+$0x118] =	vst.add.f32.msk $0xffff, v1  }
0xde: {  	v1 =	vld [tilespmem:s2+$0x79A8];
	_ =	sdelay $0x4  }
0xdf: {  	[tilespmem:s0+$0x128] =	vst.add.f32.msk $0xffff, v1  }
0xe0: {  	v1 =	vld [tilespmem:s2+$0x79B8];
	_ =	sdelay $0x4  }
0xe1: {  	[tilespmem:s0+$0x138] =	vst.add.f32.msk $0xffff, v1  }
0xe2: {  	v1 =	vld [tilespmem:s2+$0x79C8];
	_ =	sdelay $0x4  }
0xe3: {  	[tilespmem:s0+$0x148] =	vst.add.f32.msk $0xffff, v1  }
0xe4: {  	v1 =	vld [tilespmem:s2+$0x79D8];
	_ =	sdelay $0x4  }
0xe5: {  	[tilespmem:s0+$0x158] =	vst.add.f32.msk $0xffff, v1  }
0xe6: {  	v1 =	vld [tilespmem:s2+$0x79E8];
	_ =	sdelay $0x4  }
0xe7: {  	[tilespmem:s0+$0x168] =	vst.add.f32.msk $0xffff, v1  }
0xe8: {  	v1 =	vld [tilespmem:s2+$0x79F8];
	_ =	sdelay $0x2  }
0xe9: {  	p1 =	sgt.u32 s29, $0xC34F0  }
0xea: {  	s2 =	sand.u32 @!p1 $0xFFFF8, s29  }
0xeb: {  	s3 =	sadd.s32 $0x108, s0;
	[tilespmem:s0+$0x178] =	vst.add.f32.msk $0xffff, v1;
	s0 =	sadd.s32 @!p1 s1, s2;
	s2 =	sand.u32 @!p1 $0x7, s29  }
0xec: {  	[hbm4b:s0+s2] =	stream.linear.scatter @!p1 [tilespmem:s3], [sflag:$0xC], $0x80, $0x38;
	[tilespmem:$0x1F6F8] =	vst v63  }
0xed: {  	s0 =	simm.s32 $0x0  }
0xee: {  	s0 =	simm.s32 @!p1 $0x200  }
0xef: {  	s31 =	sadd.s32 s0, s31  }
.LBB2_16:
0xf0: {  	s0 =	sadd.s32 $0x1, s22  }
0xf1: {  	s2 =	smulhi.u32 $0x88888889, s0;
	_ =	sdelay $0x1  }
0xf2: {  	v1 =	vld [tilespmem:s25+$0xFFFFFFC0];
	s2 =	sshrl.u32 s2, $0x7  }
0xf3: {  	s2 =	smul.u32 $0xF0, s2;
	_ =	sdelay $0x1  }
0xf4: {  	s22 =	ssub.s32 s0, s2  }
0xf5: {  	s0 =	sshll.u32 s22, $0x7  }
0xf6: {  	[tilespmem:s0+$0x108] =	vst v1  }
0xf7: {  	v1 =	vld [tilespmem:s25+$0xFFFFFFD0];
	_ =	sdelay $0x4  }
0xf8: {  	[tilespmem:s0+$0x118] =	vst v1  }
0xf9: {  	v1 =	vld [tilespmem:s25+$0xFFFFFFE0];
	_ =	sdelay $0x4  }
0xfa: {  	[tilespmem:s0+$0x128] =	vst v1  }
0xfb: {  	v1 =	vld [tilespmem:s25+$0xFFFFFFF0];
	_ =	sdelay $0x4  }
0xfc: {  	[tilespmem:s0+$0x138] =	vst v1  }
0xfd: {  	v1 =	vld [tilespmem:s25+$0x0];
	_ =	sdelay $0x4  }
0xfe: {  	[tilespmem:s0+$0x148] =	vst v1  }
0xff: {  	v1 =	vld [tilespmem:s25+$0x10];
	_ =	sdelay $0x4  }
0x100: {  	[tilespmem:s0+$0x158] =	vst v1  }
0x101: {  	v1 =	vld [tilespmem:s25+$0x20];
	_ =	sdelay $0x4  }
0x102: {  	[tilespmem:s0+$0x168] =	vst v1  }
0x103: {  	v1 =	vld [tilespmem:s25+$0x30]  }
.Ltmp15:
0x104: {  	_ = 	snop;
	(pc) =	sbr.rel .LBB2_17-.Ltmp15, $2  }
0x105: {  	_ =	sdelay $0x2  }
0x106: {  	s28 =	sadd.s32 $0x1, s28;
	[tilespmem:s0+$0x178] =	vst v1  }
.LBB2_19:
.Ltmp16:
0x107: {  	(pc) =	sbr.rel .LBB2_20-.Ltmp16, $4  }
0x108: {  	_ = 	snop  }
0x109: {  	s0 =	simm.s32 $0x2  }
0x10a: {  	_ =	swait.ge [sflag:s0], $0x0  }
0x10b: {  	s30 =	smov.u32 s29;
	[sflag:s0] =	ssyncset.done $0x0;
	s0 =	simm.s32 $0x0  }
.LBB2_22:
0x10c: {  	_ =	sfence.sel $0x180000  }
0x10d: {  	s0 =	simm.s32 $0x9;
	[bflag:$0x0] =	sbarrier.arrive $0xFFFF  }
0x10e: {  	s24 =	simm.s32 $0xA;
	[sflag:s0] =	ssyncpa.u1 $0x1  }
0x10f: {  	s25 =	simm.s32 $0xB;
	[sflag:s24] =	ssyncpa.u1 $0x1  }
0x110: {  	s26 =	simm.s32 $0x2;
	[sflag:s25] =	ssyncpa.u1 $0x1  }
0x111: {  	[sflag:s26] =	ssyncpa.u1 $0x1  }
0x112: {  	v0 =	vld [tilespmem:$0xF208];
	_ =	sdelay $0x4  }
0x113: {  	(v2sf) =	vpush v0, $0x0  }
0x114: {  	(v2sf) =	vpush v0, $0x1;
	_ =	sdelay $0x1  }
0x115: {  	(v2sf) =	vpush v0, $0x2;
	_ =	sdelay $0xb  }
0x116: {  	s0 =	spop (v2sf)  }
0x117: {  	s2 =	spop (v2sf)  }
0x118: {  	s3 =	smov.u32 s0;
	p0 =	sne.s32 s0, s2  }
0x119: {  	s4 =	spop (v2sf);
	s3 =	simm.s32 @!p0 $0xFFFFFFFF  }
0x11a: {  	v2 =	vimm.s32 $0x1;
	v3 =	vlaneseq.u32;
	p0 =	seq.s32 s4, $0xFFFFFFFF;
	v1 =	vmov s3  }
0x11b: {  	s16 =	stileid.u32;
	v0 =	vperm.xlane v0, v2;
	p1 =	sne.s32 @!p0 s0, s2;
	v1 =	vperm.xlane v1, v3  }
0x11c: {  	vm0 =	vcmask $0x3F04;
	s6 =	simm.s32 $0xF208;
	s0 =	simm.s32 @!p0 $0x1;
	p1 =	por !p1, p0  }
0x11d: {  	s3 =	sshll.u32 s16, $0x1;
	s2 =	sshll.u32 @!p0 s4, $0x9;
	s0 =	simm.s32 @p1 $0x0;
	v0 =	vsel vm0, v1, v0  }
0x11e: {  	s5 =	sor.u32 $0x1000, s3;
	s2 =	sshra.s32 @!p0 s2, $0x2;
	s0 =	sor.u32 @!p0 s0, s3;
	[tilespmem:$0xF208] =	vst v0  }
0x11f: {  	[spmem:s5] =	stream.linear.scatter [tilespmem:s6], [sflag:$0x1], $0x2, $0x38;
	[tilespmem:$0x1F6F8] =	vst v63  }
0x120: {  	s2 =	sadd.s32 @!p0 $0x108, s2;
	s0 =	sshll.u32 @!p0 s0, $0x7  }
0x121: {  	[spmem:s0] =	stream.linear.scatter @!p0 [tilespmem:s2], [sflag:$0x1], $0x80, $0x38;
	[tilespmem:$0x1F6F8] =	vst v63  }
0x122: {  	s0 =	simm.s32 @!p0 $0x82  }
0x123: {  	s28 =	simm.s32 $0x1;
	s0 =	simm.s32 @p0 $0x2  }
0x124: {  	_ =	swait.ge [sflag:s28], s0  }
0x125: {  	s0 =	ssub.s32 $0x0, s0;
	[sflag:s28] =	ssyncset.done $0x0  }
0x126: {  	p0 =	sne.s32 s16, $0x0;
	[sflag:s28] =	ssyncadd.s32 s0  }
.Ltmp17:
0x127: {  	_ =	sfence.stream.spmem;
	(pc) =	sbr.rel @p0 .LBB2_39-.Ltmp17, $4  }
0x128: {  	s29 =	simm.s32 $0x3;
	[bflag:$0x0] =	sbarrier.arrive $0xFFFF  }
0x129: {  	s30 =	simm.s32 $0x4;
	[sflag:s29] =	ssyncpa.u1 $0x1  }
0x12a: {  	s31 =	simm.s32 $0x3C;
	[sflag:s30] =	ssyncpa.u1 $0x1  }
0x12b: {  	s15 =	rddreg [dreg:$0x7];
	[sflag:s31] =	ssyncpa.u1 $0x1  }
0x12c: {  	_ =	sfence.stream.spmem;
	s0 =	simm.s32 $0x5  }
0x12d: {  	s2 =	simm.s32 $0x1000;
	s3 =	simm.s32 $0xF218;
	[sflag:s0] =	ssyncpa.u1 $0x0  }
0x12e: {  	[tilespmem:s3], [sflag:$0x5] =	stream.linear.gather [spmem:s2], $0x20, $0x38;
	[tilespmem:$0x1F6F8] =	vst v63  }
0x12f: {  	s26 =	simm.s32 $0x0;
	s28 =	simm.s32 $0xF238  }
0x130: {  	[tilespmem:s28], [sflag:$0x5] =	stream.linear.gather [spmem:s26], $0x1000, $0x38;
	[tilespmem:$0x1F6F8] =	vst v63  }
0x131: {  	_ =	swait.ge [sflag:s0], $0x1020  }
0x132: {  	[sflag:s0] =	ssyncset.done $0x0  }
0x133: {  	s29 =	simm.s32 $0x0;
	[sflag:s0] =	ssyncadd.s32 $0xFFFFEFE0  }
0x134: {  	v0 =	vld.msk [tilespmem:s29+$0xF218], $0x1;
	_ =	sdelay $0x1  }
0x135: {  	s30 =	simm.s32 $0x1  }
0x136: {  	v1 =	vld.msk [tilespmem:s30+$0xF218], $0x1;
	_ =	sdelay $0x1  }
0x137: {  	(v2sf) =	vpush v0, $0x0;
	_ =	sdelay $0x2  }
0x138: {  	(v2sf) =	vpush v1, $0x0;
	_ =	sdelay $0x2  }
0x139: {  	s31 =	simm.s32 $0x2  }
0x13a: {  	v0 =	vld.msk [tilespmem:s31+$0xF218], $0x1;
	_ =	sdelay $0x2  }
0x13b: {  	s4 =	simm.s32 $0xFFFFFFFF;
	s5 =	simm.s32 $0xFFFFFFFF;
	s0 =	simm.s32 $0xC  }
.LBB2_24:
0x13c: {  	s2 =	smov.u32 s5;
	s3 =	smov.u32 s4  }
0x13d: {  	s4 =	sshra.s32 s0, $0x2;
	p1 =	sne.s32 s0, $0x7C;
	s0 =	sadd.s32 $0x4, s0;
	(v2sf) =	vpush v0, $0x0  }
0x13e: {  	v0 =	vld.msk [tilespmem:s4+$0xF218], $0x1  }
.Ltmp18:
0x13f: {  	(pc) =	sbr.rel @p1 .LBB2_24-.Ltmp18, $4  }
0x140: {  	s5 =	spop (v2sf)  }
0x141: {  	p2 =	sne.s32 s3, $0xFFFFFFFF;
	s4 =	smov.u32 s5  }
0x142: {  	p3 =	seq.s32 s5, $0xFFFFFFFF;
	s4 =	smov.u32 @p2 s3  }
0x143: {  	s5 =	smov.u32 @p3 s2;
	s4 =	smov.u32 @p3 s3  }
0x144: {  	(v2sf) =	vpush v0, $0x0;
	_ =	sdelay $0x8  }
0x145: {  	s0 =	spop (v2sf)  }
0x146: {  	p1 =	sne.s32 s4, $0xFFFFFFFF;
	s2 =	smov.u32 s0  }
0x147: {  	s9 =	simm.s32 $0x6;
	p2 =	seq.s32 s0, $0xFFFFFFFF;
	s2 =	smov.u32 @p1 s4  }
0x148: {  	s6 =	simm.s32 $0x0;
	s2 =	smov.u32 @p2 s4;
	s3 =	spop (v2sf)  }
0x149: {  	s0 =	smov.u32 @p2 s5;
	p1 =	sne.s32 s2, $0xFFFFFFFF;
	s4 =	smov.u32 s3  }
.Ltmp19:
0x14a: {  	p2 =	seq.s32 s3, $0xFFFFFFFF;
	s4 =	smov.u32 @p1 s2;
	(pc) =	sbr.rel .LBB2_26-.Ltmp19, $4  }
0x14b: {  	s10 =	simm.s32 $0xF188;
	s4 =	smov.u32 @p2 s2;
	s7 =	spop (v2sf)  }
0x14c: {  	s11 =	simm.s32 $0x0;
	p1 =	sne.s32 s4, $0xFFFFFFFF;
	s8 =	smov.u32 s7  }
0x14d: {  	s3 =	smov.u32 @p2 s0;
	p2 =	seq.s32 s7, $0xFFFFFFFF;
	s8 =	smov.u32 @p1 s4  }
0x14e: {  	[sflag:s9] =	ssyncpa.u1 $0x0;
	s7 =	smov.u32 @p2 s3;
	s8 =	smov.u32 @p2 s4  }
.LBB2_32:
0x14f: {  	p1 =	sgt.u32 s12, $0xC34F0  }
0x150: {  	p2 =	seq.s32 @!p1 s12, s8  }
0x151: {  	p1 =	por p1, p2  }
0x152: {  	p2 =	sne.s32 @!p1 s12, s7  }
0x153: {  	p1 =	por p1, !p2  }
0x154: {  	s0 =	sshll.u32 @p1 s11, $0x9  }
0x155: {  	s0 =	sand.u32 @!p1 $0xFFFF8, s12  }
0x156: {  	s2 =	sand.u32 @!p1 $0x7, s12;
	s0 =	sadd.s32 @!p1 s1, s0  }
0x157: {  	[tilespmem:s10], [sflag:$0x6] =	stream.linear.gather @!p1 [hbm4b:s0+s2], $0x80, $0x38;
	[tilespmem:$0x1F6F8] =	vst v63  }
0x158: {  	_ =	swait.ge @!p1 [sflag:s9], $0x80  }
0x159: {  	[sflag:s9] =	ssyncset.done @!p1 $0x0  }
0x15a: {  	[sflag:s9] =	ssyncadd.s32 @!p1 $0xFFFFFF80  }
0x15b: {  	v1 =	vld @!p1 [tilespmem:$0xF188];
	_ =	sdelay $0x2  }
0x15c: {  	s0 =	sshll.u32 @!p1 s11, $0x9  }
0x15d: {  	s2 =	sshrl.u32 @!p1 s0, $0x2  }
0x15e: {  	[tilespmem:s2+$0xF238] =	vst.add.f32.msk @!p1 $0xffff, v1  }
0x15f: {  	v1 =	vld @!p1 [tilespmem:$0xF198];
	_ =	sdelay $0x4  }
0x160: {  	[tilespmem:s2+$0xF248] =	vst.add.f32.msk @!p1 $0xffff, v1  }
0x161: {  	v1 =	vld @!p1 [tilespmem:$0xF1A8];
	_ =	sdelay $0x4  }
0x162: {  	[tilespmem:s2+$0xF258] =	vst.add.f32.msk @!p1 $0xffff, v1  }
0x163: {  	v1 =	vld @!p1 [tilespmem:$0xF1B8];
	_ =	sdelay $0x4  }
0x164: {  	[tilespmem:s2+$0xF268] =	vst.add.f32.msk @!p1 $0xffff, v1  }
0x165: {  	v1 =	vld @!p1 [tilespmem:$0xF1C8];
	_ =	sdelay $0x4  }
0x166: {  	[tilespmem:s2+$0xF278] =	vst.add.f32.msk @!p1 $0xffff, v1  }
0x167: {  	v1 =	vld @!p1 [tilespmem:$0xF1D8];
	_ =	sdelay $0x4  }
0x168: {  	[tilespmem:s2+$0xF288] =	vst.add.f32.msk @!p1 $0xffff, v1  }
0x169: {  	v1 =	vld @!p1 [tilespmem:$0xF1E8];
	_ =	sdelay $0x4  }
0x16a: {  	[tilespmem:s2+$0xF298] =	vst.add.f32.msk @!p1 $0xffff, v1  }
0x16b: {  	v1 =	vld @!p1 [tilespmem:$0xF1F8];
	_ =	sdelay $0x4  }
0x16c: {  	[tilespmem:s2+$0xF2A8] =	vst.add.f32.msk @!p1 $0xffff, v1  }
0x16d: {  	s0 =	sshrl.u32 s0, $0x2;
	[tilespmem:s6+$0xF218] =	vst.msk $0x1, v0  }
0x16e: {  	v0 =	vld [tilespmem:s0+$0xF238];
	_ =	sdelay $0x2  }
0x16f: {  	s31 =	sshll.u32 s6, $0x9  }
0x170: {  	s2 =	sshra.s32 s31, $0x2  }
0x171: {  	[tilespmem:s2+$0xF238] =	vst v0  }
0x172: {  	v0 =	vld [tilespmem:s0+$0xF248];
	_ =	sdelay $0x4  }
0x173: {  	[tilespmem:s2+$0xF248] =	vst v0  }
0x174: {  	v0 =	vld [tilespmem:s0+$0xF258];
	_ =	sdelay $0x4  }
0x175: {  	[tilespmem:s2+$0xF258] =	vst v0  }
0x176: {  	v0 =	vld [tilespmem:s0+$0xF268];
	_ =	sdelay $0x4  }
0x177: {  	[tilespmem:s2+$0xF268] =	vst v0  }
0x178: {  	v0 =	vld [tilespmem:s0+$0xF278];
	_ =	sdelay $0x4  }
0x179: {  	[tilespmem:s2+$0xF278] =	vst v0  }
0x17a: {  	v0 =	vld [tilespmem:s0+$0xF288];
	_ =	sdelay $0x4  }
0x17b: {  	[tilespmem:s2+$0xF288] =	vst v0  }
0x17c: {  	v0 =	vld [tilespmem:s0+$0xF298];
	_ =	sdelay $0x4  }
0x17d: {  	[tilespmem:s2+$0xF298] =	vst v0  }
0x17e: {  	v0 =	vld [tilespmem:s0+$0xF2A8];
	_ =	sdelay $0x4  }
0x17f: {  	s6 =	sadd.s32 $0x1, s6;
	[tilespmem:s2+$0xF2A8] =	vst v0  }
.LBB2_33:
0x180: {  	s11 =	sadd.s32 $0x1, s11  }
0x181: {  	p1 =	sne.s32 s11, $0x20  }
.Ltmp20:
0x182: {  	_ = 	snop;
	(pc) =	sbr.rel @!p1 .LBB2_34-.Ltmp20, $1  }
0x183: {  	_ =	sdelay $0x3  }
.LBB2_26:
0x184: {  	v0 =	vld.msk [tilespmem:s11+$0xF218], $0x1;
	_ =	sdelay $0x4  }
0x185: {  	(v2sf) =	vpush v0, $0x0;
	_ =	sdelay $0xe  }
0x186: {  	s12 =	spop (v2sf)  }
0x187: {  	p1 =	seq.s32 s12, $0xFFFFFFFF  }
.Ltmp21:
0x188: {  	_ = 	snop;
	(pc) =	sbr.rel @p1 .LBB2_33-.Ltmp21, $1  }
0x189: {  	_ =	sdelay $0x3  }
0x18a: {  	p1 =	slt.s32 s6, $0x1  }
.Ltmp22:
0x18b: {  	_ = 	snop;
	(pc) =	sbr.rel @p1 .LBB2_32-.Ltmp22, $1  }
0x18c: {  	_ =	sdelay $0x3  }
0x18d: {  	s13 =	simm.s32 $0xF218;
	p1 =	por $0x0, $0x0  }
0x18e: {  	v1 =	vld.msk @!p1 [tilespmem:s13+$0x0], $0x1;
	_ =	sdelay $0x4  }
0x18f: {  	(v2sf) =	vpush @!p1 v1, $0x0;
	_ =	sdelay $0xd  }
0x190: {  	p3 =	sne.s32 s6, $0x1  }
.Ltmp23:
0x191: {  	s0 =	spop @!p1 (v2sf);
	(pc) =	sbr.rel @!p3 .LBB2_30-.Ltmp23, $4  }
0x192: {  	p2 =	seq.s32 @!p1 s12, s0  }
0x193: {  	s14 =	simm.s32 $0x0;
	p2 =	por !p2, p1  }
0x194: {  	s2 =	simm.s32 $0xFFFFFFFF;
	s14 =	simm.s32 @p2 $0xFFFFFFFF  }
0x195: {  	s0 =	simm.s32 $0x1;
	s14 =	smov.u32 @p1 s2  }
.LBB2_29:
0x196: {  	s2 =	smov.u32 s14;
	p1 =	sne.s32 s14, $0xFFFFFFFF  }
0x197: {  	s13 =	sadd.s32 $0x1, s13;
	s14 =	smov.u32 s0;
	s0 =	sadd.s32 $0x1, s0  }
0x198: {  	p2 =	sne.s32 s6, s0;
	v1 =	vld.msk @!p1 [tilespmem:s13+$0x0], $0x1;
	_ =	sdelay $0x4  }
0x199: {  	(v2sf) =	vpush @!p1 v1, $0x0;
	_ =	sdelay $0xe  }
.Ltmp24:
0x19a: {  	s3 =	spop @!p1 (v2sf);
	(pc) =	sbr.rel @p2 .LBB2_29-.Ltmp24, $4  }
0x19b: {  	p3 =	seq.s32 @!p1 s12, s3  }
0x19c: {  	p3 =	por !p3, p1  }
0x19d: {  	s14 =	simm.s32 @p3 $0xFFFFFFFF  }
0x19e: {  	s14 =	smov.u32 @p1 s2  }
.LBB2_30:
0x19f: {  	p1 =	seq.s32 s14, $0xFFFFFFFF  }
.Ltmp25:
0x1a0: {  	_ = 	snop;
	(pc) =	sbr.rel @p1 .LBB2_32-.Ltmp25, $1  }
0x1a1: {  	_ =	sdelay $0x3  }
0x1a2: {  	s0 =	sshll.u32 s11, $0x7  }
0x1a3: {  	s0 =	sand.u32 $0x3FFFFF80, s0  }
0x1a4: {  	v0 =	vld [tilespmem:s0+$0xF238];
	_ =	sdelay $0x2  }
0x1a5: {  	s2 =	sshll.u32 s14, $0x9  }
0x1a6: {  	s2 =	sshra.s32 s2, $0x2  }
0x1a7: {  	[tilespmem:s2+$0xF238] =	vst.add.f32.msk $0xffff, v0  }
0x1a8: {  	v0 =	vld [tilespmem:s0+$0xF248];
	_ =	sdelay $0x4  }
0x1a9: {  	[tilespmem:s2+$0xF248] =	vst.add.f32.msk $0xffff, v0  }
0x1aa: {  	v0 =	vld [tilespmem:s0+$0xF258];
	_ =	sdelay $0x4  }
0x1ab: {  	[tilespmem:s2+$0xF258] =	vst.add.f32.msk $0xffff, v0  }
0x1ac: {  	v0 =	vld [tilespmem:s0+$0xF268];
	_ =	sdelay $0x4  }
0x1ad: {  	[tilespmem:s2+$0xF268] =	vst.add.f32.msk $0xffff, v0  }
0x1ae: {  	v0 =	vld [tilespmem:s0+$0xF278];
	_ =	sdelay $0x4  }
0x1af: {  	[tilespmem:s2+$0xF278] =	vst.add.f32.msk $0xffff, v0  }
0x1b0: {  	v0 =	vld [tilespmem:s0+$0xF288];
	_ =	sdelay $0x4  }
0x1b1: {  	[tilespmem:s2+$0xF288] =	vst.add.f32.msk $0xffff, v0  }
0x1b2: {  	v0 =	vld [tilespmem:s0+$0xF298];
	_ =	sdelay $0x4  }
0x1b3: {  	[tilespmem:s2+$0xF298] =	vst.add.f32.msk $0xffff, v0  }
0x1b4: {  	v0 =	vld [tilespmem:s0+$0xF2A8]  }
.Ltmp26:
0x1b5: {  	_ = 	snop;
	(pc) =	sbr.rel .LBB2_33-.Ltmp26, $2  }
0x1b6: {  	_ =	sdelay $0x2  }
0x1b7: {  	[tilespmem:s2+$0xF2A8] =	vst.add.f32.msk $0xffff, v0  }
.LBB2_34:
0x1b8: {  	s0 =	simm.s32 $0x6;
	p1 =	seq.s32 s6, $0x0  }
0x1b9: {  	[sflag:s0] =	ssyncpa.u1 $0x1;
	v0 =	vimm.s32 @p1 $0xFFFFFFFF  }
0x1ba: {  	s9 =	sadd.s32 $0xFFFFFFFF, s6;
	[tilespmem:$0x10238] =	vst @p1 v0  }
0x1bb: {  	v0 =	vld.msk @!p1 [tilespmem:s9+$0xF218], $0x1;
	_ =	sdelay $0x1  }
0x1bc: {  	v1 =	vld.msk @!p1 [tilespmem:$0xF218], $0x1;
	_ =	sdelay $0x2  }
0x1bd: {  	p2 =	seq.s32 @!p1 s9, $0x0;
	v0 =	vbroadcast @!p1 v0, $0x0  }
0x1be: {  	vm0 =	vmmov @!p1 $0x1;
	p2 =	por !p2, p1  }
0x1bf: {  	v1 =	vnsel @!p1 vm0, $0xFFFFFFFF, v1;
	vm0 =	vcmask @!p1 $0x308;
	v0 =	vpsel !p2, $0xFFFFFFFF, v0  }
0x1c0: {  	p2 =	sne.s32 @!p1 s8, s7;
	v0 =	vsel @!p1 vm0, v1, v0  }
0x1c1: {  	s0 =	simm.s32 @!p1 $0xF238;
	s2 =	simm.s32 @!p1 $0x0;
	p3 =	por !p2, p1;
	[tilespmem:$0x10238] =	vst @!p1 v0  }
0x1c2: {  	[spmem:s2] =	stream.linear.scatter @!p1 [tilespmem:s0], [sflag:$0x1], $0x80, $0x38;
	[tilespmem:$0x1F6F8] =	vst v63  }
0x1c3: {  	s0 =	sshll.u32 @!p3 s9, $0x9  }
0x1c4: {  	s0 =	sshra.s32 @!p3 s0, $0x2  }
0x1c5: {  	s2 =	simm.s32 @!p3 $0x80;
	s0 =	sadd.s32 @!p3 $0xF238, s0  }
0x1c6: {  	[spmem:s2] =	stream.linear.scatter @!p3 [tilespmem:s0], [sflag:$0x1], $0x80, $0x38;
	[tilespmem:$0x1F6F8] =	vst v63  }
0x1c7: {  	s0 =	simm.s32 @!p3 $0x1  }
0x1c8: {  	_ =	swait.ge @!p3 [sflag:s0], $0x100  }
0x1c9: {  	p1 =	por p2, p1;
	[sflag:s0] =	ssyncset.done @!p3 $0x0  }
0x1ca: {  	[sflag:s0] =	ssyncadd.s32 @!p3 $0xFFFFFF00;
	s0 =	simm.s32 @!p1 $0x1  }
0x1cb: {  	_ =	swait.ge @!p1 [sflag:s0], $0x80  }
0x1cc: {  	s29 =	simm.s32 $0x10238;
	[sflag:s0] =	ssyncset.done @!p1 $0x0  }
0x1cd: {  	s30 =	simm.s32 $0x1000;
	s31 =	simm.s32 $0x1;
	[sflag:s0] =	ssyncadd.s32 @!p1 $0xFFFFFF80  }
0x1ce: {  	[spmem:s30] =	stream.linear.scatter [tilespmem:s29], [sflag:$0x1], $0x10, $0x38;
	[tilespmem:$0x1F6F8] =	vst v63  }
0x1cf: {  	_ =	swait.ge [sflag:s31], $0x10  }
0x1d0: {  	[sflag:s31] =	ssyncset.done $0x0  }
0x1d1: {  	p1 =	seq.s32 s15, $0x0;
	s8 =	rddreg [dreg:$0x4];
	[sflag:s31] =	ssyncadd.s32 $0xFFFFFFF0  }
0x1d2: {  	s2 =	sshll.u32 @p1 s8, $0xE;
	s7 =	rddreg [dreg:$0x5]  }
0x1d3: {  	s0 =	sadd.s32 @p1 $0x15C3C, s2;
	s2 =	sshll.u32 @p1 s7, $0x11  }
0x1d4: {  	_ =	sfence.stream.spmem;
	s0 =	sor.u32 @p1 s2, s0  }
0x1d5: {  	[sflag:s0] =	ssyncadd.remote.s32 @p1 $0x1;
	s0 =	simm.s32 @p1 $0x4  }
0x1d6: {  	s3 =	simm.s32 @!p1 $0x3C;
	s2 =	sand.u32 $0xFFFFFFFE, s8;
	_ =	swait.ge @p1 [sflag:s0], $0x22  }
0x1d7: {  	s4 =	simm.s32 @!p1 $0x0;
	s2 =	sadd.s32 @!p1 $0x4, s2;
	[sflag:s0] =	ssyncset.done @p1 $0x0  }
0x1d8: {  	s5 =	simm.s32 @!p1 $0x100;
	[sflag:s0] =	ssyncadd.s32 @p1 $0xFFFFFFDE;
	s0 =	sshll.u32 @!p1 s2, $0x1A  }
0x1d9: {  	s2 =	sshll.u32 @!p1 s2, $0xD;
	s0 =	sor.u32 @!p1 s0, s7;
	_ =	swait.eq @!p1 [sflag:s3], $0x1  }
0x1da: {  	s2 =	sor.u32 @!p1 $0x1C04, s2;
	s3 =	simm.s32 @!p1 $0x1C03;
	s0 =	sor.u32 @!p1 $0x80004000, s0  }
0x1db: {  	[spmem:s5], [sflag:s2] =	dma.general @!p1 [spmem:s4], [sflag:s3], length:$0x20, [dreg:$0x0], stride_count:$0x0, ici_dest:s0, dma_misc:DstOpCode:WRITE  }
0x1dc: {  	p2 =	slt.s32 s9, $0x2;
	s4 =	simm.s32 @!p1 $0x200;
	s5 =	simm.s32 @!p1 $0x202  }
0x1dd: {  	[spmem:s5], [sflag:s2] =	dma.general @!p1 [spmem:s4], [sflag:s3], length:$0x2, [dreg:$0x0], stride_count:$0x0, ici_dest:s0, dma_misc:DstOpCode:WRITE  }
.Ltmp27:
0x1de: {  	s0 =	simm.s32 @!p1 $0x3;
	(pc) =	sbr.rel @p2 .LBB2_38-.Ltmp27, $4  }
0x1df: {  	s2 =	sshll.u32 @!p1 s8, $0xE;
	_ =	swait.ge @!p1 [sflag:s0], $0x22  }
0x1e0: {  	s3 =	sshll.u32 @!p1 s7, $0x11;
	s2 =	sadd.s32 @!p1 $0x11C3C, s2;
	[sflag:s0] =	ssyncset.done @!p1 $0x0  }
0x1e1: {  	[sflag:s0] =	ssyncadd.s32 @!p1 $0xFFFFFFDE;
	s0 =	sor.u32 @!p1 s3, s2  }
0x1e2: {  	[sflag:s0] =	ssyncadd.remote.s32 @!p1 $0xFFFFFFFF;
	s0 =	simm.s32 $0x0  }
0x1e3: {  	s0 =	simm.s32 $0xF219  }
0x1e4: {  	v0 =	vld.msk [tilespmem:s0+$0x0], $0x1;
	_ =	sdelay $0x4  }
0x1e5: {  	(v2sf) =	vpush v0, $0x0;
	_ =	sdelay $0xb  }
0x1e6: {  	s31 =	sadd.s32 $0xFFFFFFFE, s6  }
0x1e7: {  	s0 =	sadd.s32 $0xFFFFFFFF, s31  }
0x1e8: {  	p2 =	sne.s32 s0, $0x0  }
.Ltmp28:
0x1e9: {  	s2 =	spop (v2sf);
	(pc) =	sbr.rel @!p2 .LBB2_37-.Ltmp28, $4  }
0x1ea: {  	s4 =	simm.s32 $0xF2B8;
	s7 =	simm.s32 $0x0;
	p1 =	sgt.u32 s2, $0xC34F0  }
0x1eb: {  	s5 =	simm.s32 $0x0;
	s6 =	simm.s32 $0xF21A;
	s3 =	sand.u32 @!p1 $0xFFFF8, s2  }
0x1ec: {  	s2 =	sand.u32 @!p1 $0x7, s2;
	s7 =	simm.s32 @!p1 $0x200;
	s3 =	sadd.s32 @!p1 s1, s3  }
0x1ed: {  	[hbm4b:s3+s2] =	stream.linear.scatter @!p1 [tilespmem:s4], [sflag:$0x5], $0x80, $0x38;
	[tilespmem:$0x1F6F8] =	vst v63  }
.LBB2_36:
0x1ee: {  	v0 =	vld.msk [tilespmem:s6+$0x0], $0x1;
	s0 =	sadd.s32 $0xFFFFFFFF, s0;
	s5 =	sadd.s32 s5, s7  }
0x1ef: {  	p1 =	sne.s32 s0, $0x0;
	_ =	sdelay $0x3  }
0x1f0: {  	(v2sf) =	vpush v0, $0x0;
	_ =	sdelay $0xe  }
.Ltmp29:
0x1f1: {  	s2 =	spop (v2sf);
	(pc) =	sbr.rel @p1 .LBB2_36-.Ltmp29, $4  }
0x1f2: {  	s7 =	simm.s32 $0x0;
	p2 =	sgt.u32 s2, $0xC34F0  }
0x1f3: {  	s4 =	sadd.s32 $0x80, s4;
	s7 =	simm.s32 @!p2 $0x200;
	s3 =	sand.u32 @!p2 $0xFFFF8, s2  }
0x1f4: {  	s6 =	sadd.s32 $0x1, s6;
	s2 =	sand.u32 @!p2 $0x7, s2;
	s3 =	sadd.s32 @!p2 s1, s3  }
0x1f5: {  	[hbm4b:s3+s2] =	stream.linear.scatter @!p2 [tilespmem:s4], [sflag:$0x5], $0x80, $0x38;
	[tilespmem:$0x1F6F8] =	vst v63  }
.LBB2_37:
0x1f6: {  	s0 =	sadd.s32 s5, s7  }
0x1f7: {  	s0 =	sshrl.u32 s0, $0x2  }
.LBB2_38:
0x1f8: {  	s2 =	simm.s32 $0x5  }
0x1f9: {  	_ =	swait.ge [sflag:s2], s0  }
0x1fa: {  	s31 =	ssub.s32 $0x0, s0;
	[sflag:s2] =	ssyncset.done $0x0  }
0x1fb: {  	[sflag:s2] =	ssyncadd.s32 s31  }
0x1fc: {  	[sflag:s2] =	ssyncpa.u1 $0x1  }
.LBB2_39:
0x1fd: {  	s0 =	sor.u32 s15, s16  }
0x1fe: {  	p1 =	sne.s32 s0, $0x0  }
.Ltmp30:
0x1ff: {  	_ = 	snop;
	(pc) =	sbr.rel @p1 .LBB2_54-.Ltmp30, $3  }
0x200: {  	_ =	sdelay $0x1  }
0x201: {  	[bflag:$0x0] =	sbarrier.arrive $0xFFFF  }
0x202: {  	_ =	sfence  }
0x203: {  	s0 =	simm.s32 $0x7  }
0x204: {  	s2 =	simm.s32 $0x1000;
	s3 =	simm.s32 $0xF218;
	[sflag:s0] =	ssyncpa.u1 $0x0  }
0x205: {  	[tilespmem:s3], [sflag:$0x7] =	stream.linear.gather [spmem:s2], $0x20, $0x38;
	[tilespmem:$0x1F6F8] =	vst v63  }
0x206: {  	s30 =	simm.s32 $0xF238;
	s2 =	simm.s32 $0x0  }
0x207: {  	[tilespmem:s30], [sflag:$0x7] =	stream.linear.gather [spmem:s2], $0x1000, $0x38;
	[tilespmem:$0x1F6F8] =	vst v63  }
.Ltmp31:
0x208: {  	_ = 	snop;
	(pc) =	sbr.rel .LBB2_41-.Ltmp31, $4  }
0x209: {  	_ =	swait.ge [sflag:s0], $0x1020  }
0x20a: {  	[sflag:s0] =	ssyncset.done $0x0  }
0x20b: {  	s31 =	simm.s32 $0x8;
	[sflag:s0] =	ssyncadd.s32 $0xFFFFEFE0  }
0x20c: {  	s3 =	simm.s32 $0x0;
	[sflag:s31] =	ssyncpa.u1 $0x0  }
.LBB2_47:
0x20d: {  	p1 =	slt.u32 s4, $0xC34F1  }
0x20e: {  	s0 =	sand.u32 @p1 $0xFFFF8, s4  }
0x20f: {  	s4 =	sand.u32 @p1 $0x7, s4;
	s5 =	simm.s32 @p1 $0xF188;
	s0 =	sadd.s32 @p1 s1, s0  }
0x210: {  	[tilespmem:s5], [sflag:$0x8] =	stream.linear.gather @p1 [hbm4b:s0+s4], $0x80, $0x38;
	[tilespmem:$0x1F6F8] =	vst v63  }
0x211: {  	s0 =	simm.s32 @p1 $0x8  }
0x212: {  	_ =	swait.ge @p1 [sflag:s0], $0x80  }
0x213: {  	[sflag:s0] =	ssyncset.done @p1 $0x0  }
0x214: {  	[sflag:s0] =	ssyncadd.s32 @p1 $0xFFFFFF80  }
0x215: {  	v1 =	vld @p1 [tilespmem:$0xF188];
	_ =	sdelay $0x2  }
0x216: {  	s0 =	sshll.u32 @p1 s3, $0x9  }
0x217: {  	s4 =	sshrl.u32 @p1 s0, $0x2  }
0x218: {  	[tilespmem:s4+$0xF238] =	vst.add.f32.msk @p1 $0xffff, v1  }
0x219: {  	v1 =	vld @p1 [tilespmem:$0xF198];
	_ =	sdelay $0x4  }
0x21a: {  	[tilespmem:s4+$0xF248] =	vst.add.f32.msk @p1 $0xffff, v1  }
0x21b: {  	v1 =	vld @p1 [tilespmem:$0xF1A8];
	_ =	sdelay $0x4  }
0x21c: {  	[tilespmem:s4+$0xF258] =	vst.add.f32.msk @p1 $0xffff, v1  }
0x21d: {  	v1 =	vld @p1 [tilespmem:$0xF1B8];
	_ =	sdelay $0x4  }
0x21e: {  	[tilespmem:s4+$0xF268] =	vst.add.f32.msk @p1 $0xffff, v1  }
0x21f: {  	v1 =	vld @p1 [tilespmem:$0xF1C8];
	_ =	sdelay $0x4  }
0x220: {  	[tilespmem:s4+$0xF278] =	vst.add.f32.msk @p1 $0xffff, v1  }
0x221: {  	v1 =	vld @p1 [tilespmem:$0xF1D8];
	_ =	sdelay $0x4  }
0x222: {  	[tilespmem:s4+$0xF288] =	vst.add.f32.msk @p1 $0xffff, v1  }
0x223: {  	v1 =	vld @p1 [tilespmem:$0xF1E8];
	_ =	sdelay $0x4  }
0x224: {  	[tilespmem:s4+$0xF298] =	vst.add.f32.msk @p1 $0xffff, v1  }
0x225: {  	v1 =	vld @p1 [tilespmem:$0xF1F8];
	_ =	sdelay $0x3  }
0x226: {  	s5 =	sshll.u32 @!p1 s3, $0x9  }
0x227: {  	s5 =	smov.u32 @p1 s0;
	[tilespmem:s4+$0xF2A8] =	vst.add.f32.msk @p1 $0xffff, v1  }
0x228: {  	s0 =	sshrl.u32 s5, $0x2;
	[tilespmem:s2+$0xF218] =	vst.msk $0x1, v0  }
0x229: {  	v0 =	vld [tilespmem:s0+$0xF238];
	_ =	sdelay $0x2  }
0x22a: {  	s31 =	sshll.u32 s2, $0x9  }
0x22b: {  	s4 =	sshra.s32 s31, $0x2  }
0x22c: {  	[tilespmem:s4+$0xF238] =	vst v0  }
0x22d: {  	v0 =	vld [tilespmem:s0+$0xF248];
	_ =	sdelay $0x4  }
0x22e: {  	[tilespmem:s4+$0xF248] =	vst v0  }
0x22f: {  	v0 =	vld [tilespmem:s0+$0xF258];
	_ =	sdelay $0x4  }
0x230: {  	[tilespmem:s4+$0xF258] =	vst v0  }
0x231: {  	v0 =	vld [tilespmem:s0+$0xF268];
	_ =	sdelay $0x4  }
0x232: {  	[tilespmem:s4+$0xF268] =	vst v0  }
0x233: {  	v0 =	vld [tilespmem:s0+$0xF278];
	_ =	sdelay $0x4  }
0x234: {  	[tilespmem:s4+$0xF278] =	vst v0  }
0x235: {  	v0 =	vld [tilespmem:s0+$0xF288];
	_ =	sdelay $0x4  }
0x236: {  	[tilespmem:s4+$0xF288] =	vst v0  }
0x237: {  	v0 =	vld [tilespmem:s0+$0xF298];
	_ =	sdelay $0x4  }
0x238: {  	[tilespmem:s4+$0xF298] =	vst v0  }
0x239: {  	v0 =	vld [tilespmem:s0+$0xF2A8];
	_ =	sdelay $0x4  }
0x23a: {  	s2 =	sadd.s32 $0x1, s2;
	[tilespmem:s4+$0xF2A8] =	vst v0  }
.LBB2_48:
0x23b: {  	s3 =	sadd.s32 $0x1, s3  }
0x23c: {  	p1 =	sne.s32 s3, $0x20  }
.Ltmp32:
0x23d: {  	_ = 	snop;
	(pc) =	sbr.rel @!p1 .LBB2_49-.Ltmp32, $1  }
0x23e: {  	_ =	sdelay $0x3  }
.LBB2_41:
0x23f: {  	v0 =	vld.msk [tilespmem:s3+$0xF218], $0x1;
	_ =	sdelay $0x4  }
0x240: {  	(v2sf) =	vpush v0, $0x0;
	_ =	sdelay $0xe  }
0x241: {  	s4 =	spop (v2sf)  }
0x242: {  	p1 =	seq.s32 s4, $0xFFFFFFFF  }
.Ltmp33:
0x243: {  	_ = 	snop;
	(pc) =	sbr.rel @p1 .LBB2_48-.Ltmp33, $1  }
0x244: {  	_ =	sdelay $0x3  }
0x245: {  	p1 =	slt.s32 s2, $0x1  }
.Ltmp34:
0x246: {  	_ = 	snop;
	(pc) =	sbr.rel @p1 .LBB2_47-.Ltmp34, $1  }
0x247: {  	_ =	sdelay $0x3  }
0x248: {  	s5 =	simm.s32 $0xF218;
	p1 =	por $0x0, $0x0  }
0x249: {  	v1 =	vld.msk @!p1 [tilespmem:s5+$0x0], $0x1;
	_ =	sdelay $0x4  }
0x24a: {  	(v2sf) =	vpush @!p1 v1, $0x0;
	_ =	sdelay $0xd  }
0x24b: {  	p3 =	sne.s32 s2, $0x1  }
.Ltmp35:
0x24c: {  	s0 =	spop @!p1 (v2sf);
	(pc) =	sbr.rel @!p3 .LBB2_45-.Ltmp35, $4  }
0x24d: {  	p2 =	seq.s32 @!p1 s4, s0  }
0x24e: {  	s6 =	simm.s32 $0x0;
	p2 =	por !p2, p1  }
0x24f: {  	s7 =	simm.s32 $0xFFFFFFFF;
	s6 =	simm.s32 @p2 $0xFFFFFFFF  }
0x250: {  	s0 =	simm.s32 $0x1;
	s6 =	smov.u32 @p1 s7  }
.LBB2_44:
0x251: {  	s7 =	smov.u32 s6;
	p1 =	sne.s32 s6, $0xFFFFFFFF  }
0x252: {  	s5 =	sadd.s32 $0x1, s5;
	s6 =	smov.u32 s0;
	s0 =	sadd.s32 $0x1, s0  }
0x253: {  	p2 =	sne.s32 s2, s0;
	v1 =	vld.msk @!p1 [tilespmem:s5+$0x0], $0x1;
	_ =	sdelay $0x4  }
0x254: {  	(v2sf) =	vpush @!p1 v1, $0x0;
	_ =	sdelay $0xe  }
.Ltmp36:
0x255: {  	s8 =	spop @!p1 (v2sf);
	(pc) =	sbr.rel @p2 .LBB2_44-.Ltmp36, $4  }
0x256: {  	p3 =	seq.s32 @!p1 s4, s8  }
0x257: {  	p3 =	por !p3, p1  }
0x258: {  	s6 =	simm.s32 @p3 $0xFFFFFFFF  }
0x259: {  	s6 =	smov.u32 @p1 s7  }
.LBB2_45:
0x25a: {  	p1 =	seq.s32 s6, $0xFFFFFFFF  }
.Ltmp37:
0x25b: {  	_ = 	snop;
	(pc) =	sbr.rel @p1 .LBB2_47-.Ltmp37, $1  }
0x25c: {  	_ =	sdelay $0x3  }
0x25d: {  	s0 =	sshll.u32 s3, $0x7  }
0x25e: {  	s0 =	sand.u32 $0x3FFFFF80, s0  }
0x25f: {  	v0 =	vld [tilespmem:s0+$0xF238];
	_ =	sdelay $0x2  }
0x260: {  	s4 =	sshll.u32 s6, $0x9  }
0x261: {  	s4 =	sshra.s32 s4, $0x2  }
0x262: {  	[tilespmem:s4+$0xF238] =	vst.add.f32.msk $0xffff, v0  }
0x263: {  	v0 =	vld [tilespmem:s0+$0xF248];
	_ =	sdelay $0x4  }
0x264: {  	[tilespmem:s4+$0xF248] =	vst.add.f32.msk $0xffff, v0  }
0x265: {  	v0 =	vld [tilespmem:s0+$0xF258];
	_ =	sdelay $0x4  }
0x266: {  	[tilespmem:s4+$0xF258] =	vst.add.f32.msk $0xffff, v0  }
0x267: {  	v0 =	vld [tilespmem:s0+$0xF268];
	_ =	sdelay $0x4  }
0x268: {  	[tilespmem:s4+$0xF268] =	vst.add.f32.msk $0xffff, v0  }
0x269: {  	v0 =	vld [tilespmem:s0+$0xF278];
	_ =	sdelay $0x4  }
0x26a: {  	[tilespmem:s4+$0xF278] =	vst.add.f32.msk $0xffff, v0  }
0x26b: {  	v0 =	vld [tilespmem:s0+$0xF288];
	_ =	sdelay $0x4  }
0x26c: {  	[tilespmem:s4+$0xF288] =	vst.add.f32.msk $0xffff, v0  }
0x26d: {  	v0 =	vld [tilespmem:s0+$0xF298];
	_ =	sdelay $0x4  }
0x26e: {  	[tilespmem:s4+$0xF298] =	vst.add.f32.msk $0xffff, v0  }
0x26f: {  	v0 =	vld [tilespmem:s0+$0xF2A8]  }
.Ltmp38:
0x270: {  	_ = 	snop;
	(pc) =	sbr.rel .LBB2_48-.Ltmp38, $2  }
0x271: {  	_ =	sdelay $0x2  }
0x272: {  	[tilespmem:s4+$0xF2A8] =	vst.add.f32.msk $0xffff, v0  }
.LBB2_49:
0x273: {  	p1 =	slt.s32 s2, $0x1  }
.Ltmp39:
0x274: {  	_ = 	snop;
	(pc) =	sbr.rel @p1 .LBB2_53-.Ltmp39, $3  }
0x275: {  	_ =	sdelay $0x1  }
0x276: {  	s0 =	simm.s32 $0x8  }
0x277: {  	s3 =	simm.s32 $0x0;
	[sflag:s0] =	ssyncpa.u1 $0x1  }
0x278: {  	s0 =	simm.s32 $0xF218  }
0x279: {  	v0 =	vld.msk [tilespmem:s0+$0x0], $0x1;
	_ =	sdelay $0x4  }
0x27a: {  	(v2sf) =	vpush v0, $0x0;
	_ =	sdelay $0xe  }
0x27b: {  	s0 =	sadd.s32 $0xFFFFFFFF, s2;
	s5 =	spop (v2sf)  }
0x27c: {  	p2 =	sne.s32 s0, $0x0;
	p1 =	sgt.u32 s5, $0xC34F0  }
.Ltmp40:
0x27d: {  	s6 =	sand.u32 @!p1 $0xFFFF8, s5;
	(pc) =	sbr.rel @!p2 .LBB2_52-.Ltmp40, $4  }
0x27e: {  	s4 =	simm.s32 $0xF238;
	s5 =	sand.u32 @!p1 $0x7, s5;
	s2 =	sadd.s32 @!p1 s1, s6  }
0x27f: {  	[hbm4b:s2+s5] =	stream.linear.scatter @!p1 [tilespmem:s4], [sflag:$0x7], $0x80, $0x38;
	[tilespmem:$0x1F6F8] =	vst v63  }
0x280: {  	s5 =	simm.s32 $0x0  }
0x281: {  	s2 =	simm.s32 $0xF219;
	s5 =	simm.s32 @!p1 $0x200  }
.LBB2_51:
0x282: {  	v0 =	vld.msk [tilespmem:s2+$0x0], $0x1;
	s0 =	sadd.s32 $0xFFFFFFFF, s0;
	s3 =	sadd.s32 s3, s5  }
0x283: {  	p1 =	sne.s32 s0, $0x0;
	_ =	sdelay $0x3  }
0x284: {  	(v2sf) =	vpush v0, $0x0;
	_ =	sdelay $0xe  }
.Ltmp41:
0x285: {  	s6 =	spop (v2sf);
	(pc) =	sbr.rel @p1 .LBB2_51-.Ltmp41, $4  }
0x286: {  	s5 =	simm.s32 $0x0;
	p2 =	sgt.u32 s6, $0xC34F0  }
0x287: {  	s4 =	sadd.s32 $0x80, s4;
	s5 =	simm.s32 @!p2 $0x200;
	s7 =	sand.u32 @!p2 $0xFFFF8, s6  }
0x288: {  	s2 =	sadd.s32 $0x1, s2;
	s6 =	sand.u32 @!p2 $0x7, s6;
	s7 =	sadd.s32 @!p2 s1, s7  }
0x289: {  	[hbm4b:s7+s6] =	stream.linear.scatter @!p2 [tilespmem:s4], [sflag:$0x7], $0x80, $0x38;
	[tilespmem:$0x1F6F8] =	vst v63  }
.LBB2_52:
0x28a: {  	s0 =	sadd.s32 s3, s5  }
0x28b: {  	s3 =	sshrl.u32 s0, $0x2  }
.LBB2_53:
0x28c: {  	s0 =	simm.s32 $0x7  }
0x28d: {  	_ =	swait.ge [sflag:s0], s3  }
0x28e: {  	s1 =	ssub.s32 $0x0, s3;
	[sflag:s0] =	ssyncset.done $0x0  }
0x28f: {  	[sflag:s0] =	ssyncadd.s32 s1  }
0x290: {  	[sflag:s0] =	ssyncpa.u1 $0x1  }
.LBB2_54:
0x291: {  	_ =	sfence;
	s0 =	simm.s32 $0x1  }
0x292: {  	[sflag:s0] =	ssyncpa.u1 $0x1  }
0x293: {  	_ =	strace $0x90000047  }
0x294: {  	[bflag:$0x2] =	sbarrier.arrive $0xFFFF  }
0x295: {  	s0 =	rddreg [dreg:$0x6]  }
0x296: {  	s0 =	sadd.s32 @!p0 $0x100000, s0  }
0x297: {  	[sflag:s0] =	ssyncadd.tile.s32 @!p0 $0x1;
	_ =	shalt  }
.Lfunc_end2:
_tile_overlayer_lowered:
.L_overlay_start_2:
0x298: {  	(tag) =	ssettag $0x2  }
0x299: {  	s0 =	rddreg [dreg:$0x0];
	s2 =	stileid.u32  }
0x29a: {  	s1 =	rddreg [dreg:$0x1];
	p0 =	sne.s32 s2, $0x0  }
0x29b: {  	s3 =	rddreg [dreg:$0x2];
	[bflag:$0x3] =	sbarrier.arrive $0xFFFF;
	s2 =	simm.s32 @!p0 $0x1C01  }
0x29c: {  	[timem:s3], [sflag:s2] =	dma.local @!p0 [hbm:s0], s1  }
0x29d: {  	s0 =	simm.s32 @!p0 $0x1  }
0x29e: {  	_ =	swait.ge @!p0 [sflag:s0], s1  }
0x29f: {  	s1 =	ssub.s32 @!p0 $0x0, s1;
	[sflag:s0] =	ssyncset.done @!p0 $0x0  }
0x2a0: {  	[sflag:s0] =	ssyncadd.s32 @!p0 s1  }
0x2a1: {  	[bflag:$0x3] =	sbarrier.arrive $0xFFFF  }
0x2a2: {  	_ =	shalt  }

</sc_bundles>
